<compile_context>
chip_gen: v7x
topology: tpu7x:2x2x1
jax: 0.10.2.dev20260603
libtpu: 0.0.44.dev20260713+nightly
codegen_flags: <defaults>
</compile_context>

<pallas_src>
import jax
import jax.numpy as jnp
from jax import lax
from jax.experimental import pallas as pl
from jax.experimental.pallas import tpu as pltpu
from jax.experimental.pallas import tpu_sc as plsc

B = 128
N = 32768
K = 8
L = 16
NC = 2
NS = 16
NW = NC * NS
ROWS_PER = B // NW
U = 16
GL = U * L
NG = N // GL
NEG = -1e30
FMAX = 3.4e38
LN2 = 0.6931471805599453


def _tec_body(logits, prev, masked, tvk, tik,
              row_a, row_b, fill_row, prevv, stage_v, stage_i, smax,
              in_sems, row_sem, out_sem):
    wid = lax.axis_index("s") * NC + lax.axis_index("c")
    r0 = wid * ROWS_PER
    iota = lax.iota(jnp.int32, L)
    neg_vec = jnp.full((L,), NEG, jnp.float32)
    msk8 = iota < K

    bufs = [row_a, row_b]
    lds = [None] * ROWS_PER
    for i in range(2):
        lds[i] = pltpu.async_copy(logits.at[r0 + i], bufs[i],
                                  in_sems.at[i])
    pltpu.sync_copy(prev.at[pl.ds((wid // 4) * L, L)], prevv)
    pw = prevv[...]

    def ms(j, _):
        for u in range(4):
            fill_row[pl.ds(j * 4 * L + u * L, L)] = neg_vec
        return 0
    lax.fori_loop(0, N // (4 * L), ms, 0)

    prev_desc = None
    prev_tidx = None
    for i in range(ROWS_PER):
        r = r0 + i
        lds[i].wait()
        lane = (wid % 4) * 4 + i
        pv = jnp.max(jnp.where(iota == lane, pw, jnp.float32(-FMAX)))
        buf = bufs[i % 2]

        def bmerge(a, b):
            av, ai = a
            bv, bi = b
            rb = lax.rev(bv, (0,))
            rbi = lax.rev(bi, (0,))
            take = av >= rb
            mv = jnp.where(take, av, rb)
            mi = jnp.where(take, ai, rbi)
            return plsc.sort_key_val(mv, mi, descending=True)

        def examine(args):
            base, tvals, tidx, thr = args
            lvl = []
            for u in range(U):
                c = buf[pl.ds(base + u * L, L)]
                lvl.append(plsc.sort_key_val(c, base + u * L + iota,
                                             descending=True))
            while len(lvl) > 1:
                lvl = [bmerge(lvl[2 * j], lvl[2 * j + 1])
                       for j in range(len(lvl) // 2)]
            tvals, tidx = bmerge((tvals, tidx), lvl[0])
            thr = jnp.maximum(thr, jnp.min(jnp.where(msk8, tvals,
                                                     jnp.float32(FMAX))))
            return tvals, tidx, thr

        def group(g, carry):
            acc, rmax = carry
            base = g * GL
            cs = [buf[pl.ds(base + u * L, L)] for u in range(U)]
            es = [jnp.exp(c) for c in cs]
            while len(es) > 1:
                es = [es[2 * j] + es[2 * j + 1] for j in range(len(es) // 2)]
            acc = acc + es[0]
            ms_ = cs
            while len(ms_) > 1:
                ms_ = [jnp.maximum(ms_[2 * j], ms_[2 * j + 1])
                       for j in range(len(ms_) // 2)]
            gmax = ms_[0]
            rmax = jnp.maximum(rmax, gmax)
            smax[g] = jnp.max(gmax)
            return acc, rmax

        init = (jnp.zeros((L,), jnp.float32),
                jnp.full((L,), -FMAX, jnp.float32))
        acc, rmax = plsc.parallel_loop(0, NG, 1, unroll=1,
                                       carry=init)(group)

        rs, _ = plsc.sort_key_val(rmax, iota, descending=True)
        thr0 = jnp.min(jnp.where(msk8, rs, jnp.float32(FMAX)))

        def scan_g(g, carry):
            tvals, tidx, thr = carry
            return lax.cond(
                smax[g] >= thr,
                examine,
                lambda a: (a[1], a[2], a[3]),
                (g * GL, tvals, tidx, thr))

        tvals, tidx, _ = lax.fori_loop(
            0, NG, scan_g,
            (jnp.full((L,), -FMAX, jnp.float32),
             jnp.zeros((L,), jnp.int32),
             thr0))

        if i + 2 < ROWS_PER:
            lds[i + 2] = pltpu.async_copy(logits.at[r0 + i + 2],
                                          bufs[i % 2],
                                          in_sems.at[i % 2])

        s = jnp.sum(acc)
        sv = jnp.zeros((L,), jnp.float32) + s
        ib = lax.bitcast_convert_type(sv, jnp.int32).astype(jnp.float32)
        y = (ib * jnp.float32(1.1920929e-7) - jnp.float32(126.94269504)) \
            * jnp.float32(LN2)
        for _ in range(3):
            y = y + sv * jnp.exp(-y) - jnp.float32(1.0)
        outv = pv + tvals - y

        plsc.store_compressed(stage_v.at[pl.ds(i * K, L)], outv, mask=msk8)
        plsc.store_compressed(stage_i.at[pl.ds(i * K, L)], tidx, mask=msk8)

        if prev_desc is not None:
            prev_desc.wait()
            plsc.store_scatter(fill_row, [prev_tidx], neg_vec, mask=msk8)
        plsc.store_scatter(fill_row, [tidx], outv, mask=msk8)
        prev_desc = pltpu.async_copy(fill_row, masked.at[r], row_sem)
        prev_tidx = tidx

    od1 = pltpu.async_copy(stage_v.at[pl.ds(0, ROWS_PER * K)],
                           tvk.at[pl.ds(r0 * K, ROWS_PER * K)], out_sem)
    od2 = pltpu.async_copy(stage_i.at[pl.ds(0, ROWS_PER * K)],
                           tik.at[pl.ds(r0 * K, ROWS_PER * K)], out_sem)
    od1.wait()
    od2.wait()
    prev_desc.wait()


@jax.jit
def _sc_call(logits, prev_scores):
    mesh = plsc.VectorSubcoreMesh(core_axis_name="c", subcore_axis_name="s")
    return pl.kernel(
        _tec_body,
        out_type=(
            jax.ShapeDtypeStruct((B, N), jnp.float32),
            jax.ShapeDtypeStruct((B * K,), jnp.float32),
            jax.ShapeDtypeStruct((B * K,), jnp.int32),
        ),
        mesh=mesh,
        compiler_params=pltpu.CompilerParams(needs_layout_passes=False),
        scratch_types=[
            pltpu.VMEM((N,), jnp.float32),
            pltpu.VMEM((N,), jnp.float32),
            pltpu.VMEM((N,), jnp.float32),
            pltpu.VMEM((L,), jnp.float32),
            pltpu.VMEM((ROWS_PER * K + L,), jnp.float32),
            pltpu.VMEM((ROWS_PER * K + L,), jnp.int32),
            pltpu.SMEM((NG,), jnp.float32),
            pltpu.SemaphoreType.DMA((2,)),
            pltpu.SemaphoreType.DMA,
            pltpu.SemaphoreType.DMA,
        ],
    )(logits, prev_scores)


def kernel(logits, prev_scores):
    masked, tvk, tik = _sc_call(logits, prev_scores)
    return masked, tvk.reshape(B, K), tik.reshape(B, K)

# --- scband reference (transcript-rebuilt; emitter-appended) ---
"""Pipeline reference for scband-simplified-transducer-searcher-59416577573506 (READ-ONLY COPY).

The authoritative reference and input builder live on the scoring server;
editing this copy changes nothing except your own understanding.
"""

import jax, jax.numpy as jnp
import numpy as np

BEAM_SIZE = 8
BATCH = 128
N = 32768


def setup_inputs(seed: int = 0) -> dict:
    key = jax.random.key(seed)
    k1, k2 = jax.random.split(key)
    logits = jax.random.normal(k1, (BATCH, N), dtype=jnp.float32)
    prev_scores = jax.random.normal(k2, (BATCH,), dtype=jnp.float32)
    return {"logits": logits, "prev_scores": prev_scores}


def reference(logits, prev_scores):
    # Core step of the transducer beam search:
    # 1) normalize logits into log-probs
    # 2) add accumulated hypothesis scores
    # 3) take top-k (beam_size) candidates per batch element
    # 4) mask all non-selected entries to -inf-like sentinel so only the
    #    beam survives into the next search step.
    log_probs = jax.nn.log_softmax(logits, axis=-1)
    combined = prev_scores[:, None] + log_probs
    top_vals, top_idx = jax.lax.top_k(combined, BEAM_SIZE)
    row_idx = jnp.arange(combined.shape[0])[:, None]
    mask = jnp.zeros(combined.shape, dtype=bool).at[row_idx, top_idx].set(True)
    masked_scores = jnp.where(mask, combined, jnp.full_like(combined, -1e30))
    return masked_scores, top_vals, top_idx

if __name__ == "__main__":
    import jax
    _d = setup_inputs()
    print(jax.jit(kernel)(*tuple(_d.values())))

</pallas_src>

<mosaic_0001>
#map = affine_map<(d0, d1) -> (0, 0)>
#map1 = affine_map<(d0, d1) -> (0)>
module attributes {stable_mosaic.version = 14 : i64} {
  func.func @_tec_body(%arg0: i32, %arg1: i32, %arg2: memref<128x32768xf32, #tpu.memory_space<hbm>>, %arg3: memref<128xf32, #tpu.memory_space<hbm>>, %arg4: memref<128x32768xf32, #tpu.memory_space<hbm>>, %arg5: memref<1024xf32, #tpu.memory_space<hbm>>, %arg6: memref<1024xi32, #tpu.memory_space<hbm>>, %arg7: memref<32768xf32, #tpu.memory_space<vmem>>, %arg8: memref<32768xf32, #tpu.memory_space<vmem>>, %arg9: memref<32768xf32, #tpu.memory_space<vmem>>, %arg10: memref<16xf32, #tpu.memory_space<vmem>>, %arg11: memref<48xf32, #tpu.memory_space<vmem>>, %arg12: memref<48xi32, #tpu.memory_space<vmem>>, %arg13: memref<128xf32, #tpu.memory_space<smem>>, %arg14: memref<2x!tpu.dma_semaphore, #tpu.memory_space<semaphore_mem>>, %arg15: memref<!tpu.dma_semaphore, #tpu.memory_space<semaphore_mem>>, %arg16: memref<!tpu.dma_semaphore, #tpu.memory_space<semaphore_mem>>) attributes {dimension_semantics = [#tpu.dimension_semantics<core_parallel>, #tpu.dimension_semantics<subcore_parallel>], iteration_bounds = array<i64: 2, 16>, scalar_prefetch = 0 : i64, scratch_operands = 10 : i64, tpu.core_type = #tpu.core_type<sc_vector_subcore>, window_params = [{transform_indices = #map}, {transform_indices = #map1}, {transform_indices = #map}, {transform_indices = #map1}, {transform_indices = #map1}]} {
    %mul3A = arith.constant 2 : i32
    %mul3A_0 = arith.muli %arg1, %mul3A : i32
    %add3A = arith.addi %mul3A_0, %arg0 : i32
    %mul3A_1 = arith.constant 4 : i32
    %mul3A_2 = arith.muli %add3A, %mul3A_1 : i32
    %iota3A = tpu.iota {dimensions = array<i32: 0>} : vector<16xi32>
    %broadcast_in_dim3A = arith.constant -1.000000e+30 : f32
    %broadcast_in_dim3A_3 = vector.broadcast %broadcast_in_dim3A : f32 to vector<16xf32>
    %lt3A = arith.constant 8 : i32
    %lt3A_4 = vector.broadcast %lt3A : i32 to vector<16xi32>
    %lt3A_5 = arith.cmpi slt, %iota3A, %lt3A_4 : vector<16xi32>
    %add3A_6 = arith.constant 0 : i32
    %add3A_7 = arith.addi %mul3A_2, %add3A_6 : i32
    %dma_start3A = arith.constant 0 : i32
    %dma_start3A_8 = arith.constant 0 : i32
    %dma_start3A_9 = tpu.memref_slice %arg2[%add3A_7, %dma_start3A_8] : memref<128x32768xf32, #tpu.memory_space<hbm>> -> memref<1x32768xf32, #tpu.memory_space<hbm>>
    %dma_start3A_10 = tpu.memref_squeeze %dma_start3A_9 : memref<1x32768xf32, #tpu.memory_space<hbm>> -> memref<32768xf32, #tpu.memory_space<hbm>>
    %dma_start3A_11 = tpu.memref_slice %arg14[%dma_start3A] : memref<2x!tpu.dma_semaphore, #tpu.memory_space<semaphore_mem>> -> memref<1x!tpu.dma_semaphore, #tpu.memory_space<semaphore_mem>>
    %dma_start3A_12 = tpu.memref_squeeze %dma_start3A_11 : memref<1x!tpu.dma_semaphore, #tpu.memory_space<semaphore_mem>> -> memref<!tpu.dma_semaphore, #tpu.memory_space<semaphore_mem>>
    %dma_start3A_13 = arith.constant 0 : i32
    %dma_start3A_14 = tpu.memref_slice %arg2[%add3A_7, %dma_start3A_13] : memref<128x32768xf32, #tpu.memory_space<hbm>> -> memref<1x32768xf32, #tpu.memory_space<hbm>>
    %dma_start3A_15 = tpu.memref_squeeze %dma_start3A_14 : memref<1x32768xf32, #tpu.memory_space<hbm>> -> memref<32768xf32, #tpu.memory_space<hbm>>
    tpu.enqueue_dma source(%dma_start3A_15 : memref<32768xf32, #tpu.memory_space<hbm>>) target(%arg7 : memref<32768xf32, #tpu.memory_space<vmem>>) target_semaphore(%dma_start3A_12 : memref<!tpu.dma_semaphore, #tpu.memory_space<semaphore_mem>>)
    %add3A_16 = arith.constant 1 : i32
    %add3A_17 = arith.addi %mul3A_2, %add3A_16 : i32
    %dma_start3A_18 = arith.constant 1 : i32
    %dma_start3A_19 = arith.constant 0 : i32
    %dma_start3A_20 = tpu.memref_slice %arg2[%add3A_17, %dma_start3A_19] : memref<128x32768xf32, #tpu.memory_space<hbm>> -> memref<1x32768xf32, #tpu.memory_space<hbm>>
    %dma_start3A_21 = tpu.memref_squeeze %dma_start3A_20 : memref<1x32768xf32, #tpu.memory_space<hbm>> -> memref<32768xf32, #tpu.memory_space<hbm>>
    %dma_start3A_22 = tpu.memref_slice %arg14[%dma_start3A_18] : memref<2x!tpu.dma_semaphore, #tpu.memory_space<semaphore_mem>> -> memref<1x!tpu.dma_semaphore, #tpu.memory_space<semaphore_mem>>
    %dma_start3A_23 = tpu.memref_squeeze %dma_start3A_22 : memref<1x!tpu.dma_semaphore, #tpu.memory_space<semaphore_mem>> -> memref<!tpu.dma_semaphore, #tpu.memory_space<semaphore_mem>>
    %dma_start3A_24 = arith.constant 0 : i32
    %dma_start3A_25 = tpu.memref_slice %arg2[%add3A_17, %dma_start3A_24] : memref<128x32768xf32, #tpu.memory_space<hbm>> -> memref<1x32768xf32, #tpu.memory_space<hbm>>
    %dma_start3A_26 = tpu.memref_squeeze %dma_start3A_25 : memref<1x32768xf32, #tpu.memory_space<hbm>> -> memref<32768xf32, #tpu.memory_space<hbm>>
    tpu.enqueue_dma source(%dma_start3A_26 : memref<32768xf32, #tpu.memory_space<hbm>>) target(%arg8 : memref<32768xf32, #tpu.memory_space<vmem>>) target_semaphore(%dma_start3A_23 : memref<!tpu.dma_semaphore, #tpu.memory_space<semaphore_mem>>)
    %jit3A = arith.constant 4 : i32
    %div3A = arith.divsi %add3A, %jit3A : i32
    %sign3A = arith.constant 0 : i32
    %sign3A_27 = arith.cmpi sgt, %add3A, %sign3A : i32
    %sign3A_28 = arith.extui %sign3A_27 : i1 to i32
    %sign3A_29 = arith.constant 0 : i32
    %sign3A_30 = arith.cmpi slt, %add3A, %sign3A_29 : i32
    %sign3A_31 = arith.extui %sign3A_30 : i1 to i32
    %sign3A_32 = arith.subi %sign3A_28, %sign3A_31 : i32
    %sign3A_33 = arith.constant 0 : i32
    %sign3A_34 = arith.cmpi sgt, %jit3A, %sign3A_33 : i32
    %sign3A_35 = arith.extui %sign3A_34 : i1 to i32
    %sign3A_36 = arith.constant 0 : i32
    %sign3A_37 = arith.cmpi slt, %jit3A, %sign3A_36 : i32
    %sign3A_38 = arith.extui %sign3A_37 : i1 to i32
    %sign3A_39 = arith.subi %sign3A_35, %sign3A_38 : i32
    %ne3A = arith.cmpi ne, %sign3A_32, %sign3A_39 : i32
    %rem3A = arith.remsi %add3A, %jit3A : i32
    %ne3A_40 = arith.constant 0 : i32
    %ne3A_41 = arith.cmpi ne, %rem3A, %ne3A_40 : i32
    %and3A = arith.andi %ne3A, %ne3A_41 : i1
    %sub3A = arith.constant 1 : i32
    %sub3A_42 = arith.subi %div3A, %sub3A : i32
    %select_n3A = arith.select %and3A, %sub3A_42, %div3A : i32
    %mul3A_43 = arith.constant 16 : i32
    %mul3A_44 = arith.muli %select_n3A, %mul3A_43 : i32
    "tpu.region"() ({
      %run_scoped3A = tpu.sem_alloc : memref<!tpu.dma_semaphore, #tpu.memory_space<semaphore_mem>>
      %dma_start3A_630 = tpu.memref_slice %arg3[%mul3A_44] : memref<128xf32, #tpu.memory_space<hbm>> -> memref<16xf32, #tpu.memory_space<hbm>>
      %dma_start3A_631 = tpu.memref_slice %arg3[%mul3A_44] : memref<128xf32, #tpu.memory_space<hbm>> -> memref<16xf32, #tpu.memory_space<hbm>>
      tpu.enqueue_dma source(%dma_start3A_631 : memref<16xf32, #tpu.memory_space<hbm>>) target(%arg10 : memref<16xf32, #tpu.memory_space<vmem>>) target_semaphore(%run_scoped3A : memref<!tpu.dma_semaphore, #tpu.memory_space<semaphore_mem>>)
      %dma_wait3A_632 = tpu.memref_slice %arg3[%mul3A_44] : memref<128xf32, #tpu.memory_space<hbm>> -> memref<16xf32, #tpu.memory_space<hbm>>
      %dma_wait3A_633 = tpu.memref_slice %arg3[%mul3A_44] : memref<128xf32, #tpu.memory_space<hbm>> -> memref<16xf32, #tpu.memory_space<hbm>>
      tpu.wait_dma2 semaphore(%run_scoped3A : memref<!tpu.dma_semaphore, #tpu.memory_space<semaphore_mem>>) src(%dma_wait3A_633 : memref<16xf32, #tpu.memory_space<hbm>>) dst(%arg10 : memref<16xf32, #tpu.memory_space<vmem>>)
      tpu.yield
    }) : () -> ()
    %get3A = arith.constant 0 : index
    %get3A_45 = tpu.vector_load %arg10[%get3A] {strides = array<i32>} : memref<16xf32, #tpu.memory_space<vmem>>, vector<16xf32>,
    %scan3A = arith.constant 0 : i32
    %scan3A_46 = arith.constant 0 : i32
    %scan3A_47 = arith.constant 512 : i32
    %scan3A_48 = arith.addi %scan3A_46, %scan3A_47 : i32
    %scan3A_49 = arith.constant 1 : i32
    %scan3A_50 = scf.for %scan3A_630 = %scan3A_46 to %scan3A_48 step %scan3A_49 iter_args(%scan3A_631 = %scan3A) -> (i32)  : i32 {
      %mul3A_632 = arith.constant 4 : i32
      %mul3A_633 = arith.muli %scan3A_630, %mul3A_632 : i32
      %mul3A_634 = arith.constant 16 : i32
      %mul3A_635 = arith.muli %mul3A_633, %mul3A_634 : i32
      %add3A_636 = arith.constant 0 : i32
      %add3A_637 = arith.addi %mul3A_635, %add3A_636 : i32
      %swap3A_638 = arith.index_cast %add3A_637 : i32 to index
      %swap3A_639 = tpu.vector_load %arg9[%swap3A_638] {strides = array<i32>} : memref<32768xf32, #tpu.memory_space<vmem>>, vector<16xf32>,
      tpu.vector_store %arg9[%swap3A_638], %broadcast_in_dim3A_3 {strides = array<i32>} : memref<32768xf32, #tpu.memory_space<vmem>>, vector<16xf32>,
      %mul3A_640 = arith.constant 4 : i32
      %mul3A_641 = arith.muli %scan3A_630, %mul3A_640 : i32
      %mul3A_642 = arith.constant 16 : i32
      %mul3A_643 = arith.muli %mul3A_641, %mul3A_642 : i32
      %add3A_644 = arith.constant 16 : i32
      %add3A_645 = arith.addi %mul3A_643, %add3A_644 : i32
      %swap3A_646 = arith.index_cast %add3A_645 : i32 to index
      %swap3A_647 = tpu.vector_load %arg9[%swap3A_646] {strides = array<i32>} : memref<32768xf32, #tpu.memory_space<vmem>>, vector<16xf32>,
      tpu.vector_store %arg9[%swap3A_646], %broadcast_in_dim3A_3 {strides = array<i32>} : memref<32768xf32, #tpu.memory_space<vmem>>, vector<16xf32>,
      %mul3A_648 = arith.constant 4 : i32
      %mul3A_649 = arith.muli %scan3A_630, %mul3A_648 : i32
      %mul3A_650 = arith.constant 16 : i32
      %mul3A_651 = arith.muli %mul3A_649, %mul3A_650 : i32
      %add3A_652 = arith.constant 32 : i32
      %add3A_653 = arith.addi %mul3A_651, %add3A_652 : i32
      %swap3A_654 = arith.index_cast %add3A_653 : i32 to index
      %swap3A_655 = tpu.vector_load %arg9[%swap3A_654] {strides = array<i32>} : memref<32768xf32, #tpu.memory_space<vmem>>, vector<16xf32>,
      tpu.vector_store %arg9[%swap3A_654], %broadcast_in_dim3A_3 {strides = array<i32>} : memref<32768xf32, #tpu.memory_space<vmem>>, vector<16xf32>,
      %mul3A_656 = arith.constant 4 : i32
      %mul3A_657 = arith.muli %scan3A_630, %mul3A_656 : i32
      %mul3A_658 = arith.constant 16 : i32
      %mul3A_659 = arith.muli %mul3A_657, %mul3A_658 : i32
      %add3A_660 = arith.constant 48 : i32
      %add3A_661 = arith.addi %mul3A_659, %add3A_660 : i32
      %swap3A_662 = arith.index_cast %add3A_661 : i32 to index
      %swap3A_663 = tpu.vector_load %arg9[%swap3A_662] {strides = array<i32>} : memref<32768xf32, #tpu.memory_space<vmem>>, vector<16xf32>,
      tpu.vector_store %arg9[%swap3A_662], %broadcast_in_dim3A_3 {strides = array<i32>} : memref<32768xf32, #tpu.memory_space<vmem>>, vector<16xf32>,
      %scan3A_664 = arith.constant 0 : i32
      scf.yield %scan3A_664 : i32
    }
    %scan3A_51 = arith.constant 512 : i32
    %add3A_52 = arith.constant 0 : i32
    %add3A_53 = arith.addi %mul3A_2, %add3A_52 : i32
    %dma_wait3A = arith.constant 0 : i32
    %dma_wait3A_54 = arith.constant 0 : i32
    %dma_wait3A_55 = tpu.memref_slice %arg2[%add3A_7, %dma_wait3A_54] : memref<128x32768xf32, #tpu.memory_space<hbm>> -> memref<1x32768xf32, #tpu.memory_space<hbm>>
    %dma_wait3A_56 = tpu.memref_squeeze %dma_wait3A_55 : memref<1x32768xf32, #tpu.memory_space<hbm>> -> memref<32768xf32, #tpu.memory_space<hbm>>
    %dma_wait3A_57 = tpu.memref_slice %arg14[%dma_wait3A] : memref<2x!tpu.dma_semaphore, #tpu.memory_space<semaphore_mem>> -> memref<1x!tpu.dma_semaphore, #tpu.memory_space<semaphore_mem>>
    %dma_wait3A_58 = tpu.memref_squeeze %dma_wait3A_57 : memref<1x!tpu.dma_semaphore, #tpu.memory_space<semaphore_mem>> -> memref<!tpu.dma_semaphore, #tpu.memory_space<semaphore_mem>>
    %dma_wait3A_59 = arith.constant 0 : i32
    %dma_wait3A_60 = tpu.memref_slice %arg2[%add3A_7, %dma_wait3A_59] : memref<128x32768xf32, #tpu.memory_space<hbm>> -> memref<1x32768xf32, #tpu.memory_space<hbm>>
    %dma_wait3A_61 = tpu.memref_squeeze %dma_wait3A_60 : memref<1x32768xf32, #tpu.memory_space<hbm>> -> memref<32768xf32, #tpu.memory_space<hbm>>
    tpu.wait_dma2 semaphore(%dma_wait3A_58 : memref<!tpu.dma_semaphore, #tpu.memory_space<semaphore_mem>>) src(%dma_wait3A_61 : memref<32768xf32, #tpu.memory_space<hbm>>) dst(%arg7 : memref<32768xf32, #tpu.memory_space<vmem>>)
    %jit3A_62 = arith.constant 4 : i32
    %eq3A = arith.constant 0 : i32
    %eq3A_63 = arith.cmpi eq, %jit3A_62, %eq3A : i32
    %jit3A_64 = arith.constant 1 : i32
    %select_n3A_65 = arith.select %eq3A_63, %jit3A_64, %jit3A_62 : i32
    %rem3A_66 = arith.remsi %add3A, %select_n3A_65 : i32
    %ne3A_67 = arith.constant 0 : i32
    %ne3A_68 = arith.cmpi ne, %rem3A_66, %ne3A_67 : i32
    %lt3A_69 = arith.constant 0 : i32
    %lt3A_70 = arith.cmpi slt, %rem3A_66, %lt3A_69 : i32
    %lt3A_71 = arith.constant 0 : i32
    %lt3A_72 = arith.cmpi slt, %select_n3A_65, %lt3A_71 : i32
    %ne3A_73 = arith.xori %lt3A_70, %lt3A_72 : i1
    %and3A_74 = arith.andi %ne3A_73, %ne3A_68 : i1
    %add3A_75 = arith.addi %rem3A_66, %select_n3A_65 : i32
    %select_n3A_76 = arith.select %and3A_74, %add3A_75, %rem3A_66 : i32
    %mul3A_77 = arith.constant 4 : i32
    %mul3A_78 = arith.muli %select_n3A_76, %mul3A_77 : i32
    %add3A_79 = arith.constant 0 : i32
    %add3A_80 = arith.addi %mul3A_78, %add3A_79 : i32
    %eq3A_81 = vector.broadcast %add3A_80 : i32 to vector<16xi32>
    %eq3A_82 = arith.cmpi eq, %iota3A, %eq3A_81 : vector<16xi32>
    %jit3A_83 = arith.constant -3.400000e+38 : f32
    %broadcast_in_dim3A_84 = vector.broadcast %jit3A_83 : f32 to vector<16xf32>
    %select_n3A_85 = arith.select %eq3A_82, %get3A_45, %broadcast_in_dim3A_84 : vector<16xi1>, vector<16xf32>
    %reduce_max3A = arith.constant true
    %reduce_max3A_86 = vector.broadcast %reduce_max3A : i1 to vector<16xi1>
    %reduce_max3A_87 = tpu.scan <max>, %select_n3A_85 masked %reduce_max3A_86 : vector<16xf32>, vector<16xi1> -> vector<16xf32>
    %reduce_max3A_88 = vector.extract %reduce_max3A_87[15] : f32 from vector<16xf32>
    %broadcast_in_dim3A_89 = arith.constant 0.000000e+00 : f32
    %broadcast_in_dim3A_90 = vector.broadcast %broadcast_in_dim3A_89 : f32 to vector<16xf32>
    %broadcast_in_dim3A_91 = arith.constant -3.400000e+38 : f32
    %broadcast_in_dim3A_92 = vector.broadcast %broadcast_in_dim3A_91 : f32 to vector<16xf32>
    %parallel_loop3A = arith.constant 0 : i32
    %parallel_loop3A_93 = arith.constant 128 : i32
    %parallel_loop3A_94 = arith.constant 1 : i32
    %parallel_loop3A_95:2 = scf.for %parallel_loop3A_630 = %parallel_loop3A to %parallel_loop3A_93 step %parallel_loop3A_94 iter_args(%parallel_loop3A_631 = %broadcast_in_dim3A_90, %parallel_loop3A_632 = %broadcast_in_dim3A_92) -> (vector<16xf32>, vector<16xf32>)  : i32 {
      %parallel_loop3A_633 = arith.constant 256 : i32
      %parallel_loop3A_634 = arith.muli %parallel_loop3A_630, %parallel_loop3A_633 : i32
      %parallel_loop3A_635 = arith.constant 0 : i32
      %parallel_loop3A_636 = arith.addi %parallel_loop3A_634, %parallel_loop3A_635 : i32
      %parallel_loop3A_637 = arith.index_cast %parallel_loop3A_636 : i32 to index
      %parallel_loop3A_638 = tpu.vector_load %arg7[%parallel_loop3A_637] {strides = array<i32>} : memref<32768xf32, #tpu.memory_space<vmem>>, vector<16xf32>,
      %parallel_loop3A_639 = arith.constant 16 : i32
      %parallel_loop3A_640 = arith.addi %parallel_loop3A_634, %parallel_loop3A_639 : i32
      %parallel_loop3A_641 = arith.index_cast %parallel_loop3A_640 : i32 to index
      %parallel_loop3A_642 = tpu.vector_load %arg7[%parallel_loop3A_641] {strides = array<i32>} : memref<32768xf32, #tpu.memory_space<vmem>>, vector<16xf32>,
      %parallel_loop3A_643 = arith.constant 32 : i32
      %parallel_loop3A_644 = arith.addi %parallel_loop3A_634, %parallel_loop3A_643 : i32
      %parallel_loop3A_645 = arith.index_cast %parallel_loop3A_644 : i32 to index
      %parallel_loop3A_646 = tpu.vector_load %arg7[%parallel_loop3A_645] {strides = array<i32>} : memref<32768xf32, #tpu.memory_space<vmem>>, vector<16xf32>,
      %parallel_loop3A_647 = arith.constant 48 : i32
      %parallel_loop3A_648 = arith.addi %parallel_loop3A_634, %parallel_loop3A_647 : i32
      %parallel_loop3A_649 = arith.index_cast %parallel_loop3A_648 : i32 to index
      %parallel_loop3A_650 = tpu.vector_load %arg7[%parallel_loop3A_649] {strides = array<i32>} : memref<32768xf32, #tpu.memory_space<vmem>>, vector<16xf32>,
      %parallel_loop3A_651 = arith.constant 64 : i32
      %parallel_loop3A_652 = arith.addi %parallel_loop3A_634, %parallel_loop3A_651 : i32
      %parallel_loop3A_653 = arith.index_cast %parallel_loop3A_652 : i32 to index
      %parallel_loop3A_654 = tpu.vector_load %arg7[%parallel_loop3A_653] {strides = array<i32>} : memref<32768xf32, #tpu.memory_space<vmem>>, vector<16xf32>,
      %parallel_loop3A_655 = arith.constant 80 : i32
      %parallel_loop3A_656 = arith.addi %parallel_loop3A_634, %parallel_loop3A_655 : i32
      %parallel_loop3A_657 = arith.index_cast %parallel_loop3A_656 : i32 to index
      %parallel_loop3A_658 = tpu.vector_load %arg7[%parallel_loop3A_657] {strides = array<i32>} : memref<32768xf32, #tpu.memory_space<vmem>>, vector<16xf32>,
      %parallel_loop3A_659 = arith.constant 96 : i32
      %parallel_loop3A_660 = arith.addi %parallel_loop3A_634, %parallel_loop3A_659 : i32
      %parallel_loop3A_661 = arith.index_cast %parallel_loop3A_660 : i32 to index
      %parallel_loop3A_662 = tpu.vector_load %arg7[%parallel_loop3A_661] {strides = array<i32>} : memref<32768xf32, #tpu.memory_space<vmem>>, vector<16xf32>,
      %parallel_loop3A_663 = arith.constant 112 : i32
      %parallel_loop3A_664 = arith.addi %parallel_loop3A_634, %parallel_loop3A_663 : i32
      %parallel_loop3A_665 = arith.index_cast %parallel_loop3A_664 : i32 to index
      %parallel_loop3A_666 = tpu.vector_load %arg7[%parallel_loop3A_665] {strides = array<i32>} : memref<32768xf32, #tpu.memory_space<vmem>>, vector<16xf32>,
      %parallel_loop3A_667 = arith.constant 128 : i32
      %parallel_loop3A_668 = arith.addi %parallel_loop3A_634, %parallel_loop3A_667 : i32
      %parallel_loop3A_669 = arith.index_cast %parallel_loop3A_668 : i32 to index
      %parallel_loop3A_670 = tpu.vector_load %arg7[%parallel_loop3A_669] {strides = array<i32>} : memref<32768xf32, #tpu.memory_space<vmem>>, vector<16xf32>,
      %parallel_loop3A_671 = arith.constant 144 : i32
      %parallel_loop3A_672 = arith.addi %parallel_loop3A_634, %parallel_loop3A_671 : i32
      %parallel_loop3A_673 = arith.index_cast %parallel_loop3A_672 : i32 to index
      %parallel_loop3A_674 = tpu.vector_load %arg7[%parallel_loop3A_673] {strides = array<i32>} : memref<32768xf32, #tpu.memory_space<vmem>>, vector<16xf32>,
      %parallel_loop3A_675 = arith.constant 160 : i32
      %parallel_loop3A_676 = arith.addi %parallel_loop3A_634, %parallel_loop3A_675 : i32
      %parallel_loop3A_677 = arith.index_cast %parallel_loop3A_676 : i32 to index
      %parallel_loop3A_678 = tpu.vector_load %arg7[%parallel_loop3A_677] {strides = array<i32>} : memref<32768xf32, #tpu.memory_space<vmem>>, vector<16xf32>,
      %parallel_loop3A_679 = arith.constant 176 : i32
      %parallel_loop3A_680 = arith.addi %parallel_loop3A_634, %parallel_loop3A_679 : i32
      %parallel_loop3A_681 = arith.index_cast %parallel_loop3A_680 : i32 to index
      %parallel_loop3A_682 = tpu.vector_load %arg7[%parallel_loop3A_681] {strides = array<i32>} : memref<32768xf32, #tpu.memory_space<vmem>>, vector<16xf32>,
      %parallel_loop3A_683 = arith.constant 192 : i32
      %parallel_loop3A_684 = arith.addi %parallel_loop3A_634, %parallel_loop3A_683 : i32
      %parallel_loop3A_685 = arith.index_cast %parallel_loop3A_684 : i32 to index
      %parallel_loop3A_686 = tpu.vector_load %arg7[%parallel_loop3A_685] {strides = array<i32>} : memref<32768xf32, #tpu.memory_space<vmem>>, vector<16xf32>,
      %parallel_loop3A_687 = arith.constant 208 : i32
      %parallel_loop3A_688 = arith.addi %parallel_loop3A_634, %parallel_loop3A_687 : i32
      %parallel_loop3A_689 = arith.index_cast %parallel_loop3A_688 : i32 to index
      %parallel_loop3A_690 = tpu.vector_load %arg7[%parallel_loop3A_689] {strides = array<i32>} : memref<32768xf32, #tpu.memory_space<vmem>>, vector<16xf32>,
      %parallel_loop3A_691 = arith.constant 224 : i32
      %parallel_loop3A_692 = arith.addi %parallel_loop3A_634, %parallel_loop3A_691 : i32
      %parallel_loop3A_693 = arith.index_cast %parallel_loop3A_692 : i32 to index
      %parallel_loop3A_694 = tpu.vector_load %arg7[%parallel_loop3A_693] {strides = array<i32>} : memref<32768xf32, #tpu.memory_space<vmem>>, vector<16xf32>,
      %parallel_loop3A_695 = arith.constant 240 : i32
      %parallel_loop3A_696 = arith.addi %parallel_loop3A_634, %parallel_loop3A_695 : i32
      %parallel_loop3A_697 = arith.index_cast %parallel_loop3A_696 : i32 to index
      %parallel_loop3A_698 = tpu.vector_load %arg7[%parallel_loop3A_697] {strides = array<i32>} : memref<32768xf32, #tpu.memory_space<vmem>>, vector<16xf32>,
      %parallel_loop3A_699 = math.exp %parallel_loop3A_638 : vector<16xf32>
      %parallel_loop3A_700 = math.exp %parallel_loop3A_642 : vector<16xf32>
      %parallel_loop3A_701 = math.exp %parallel_loop3A_646 : vector<16xf32>
      %parallel_loop3A_702 = math.exp %parallel_loop3A_650 : vector<16xf32>
      %parallel_loop3A_703 = math.exp %parallel_loop3A_654 : vector<16xf32>
      %parallel_loop3A_704 = math.exp %parallel_loop3A_658 : vector<16xf32>
      %parallel_loop3A_705 = math.exp %parallel_loop3A_662 : vector<16xf32>
      %parallel_loop3A_706 = math.exp %parallel_loop3A_666 : vector<16xf32>
      %parallel_loop3A_707 = math.exp %parallel_loop3A_670 : vector<16xf32>
      %parallel_loop3A_708 = math.exp %parallel_loop3A_674 : vector<16xf32>
      %parallel_loop3A_709 = math.exp %parallel_loop3A_678 : vector<16xf32>
      %parallel_loop3A_710 = math.exp %parallel_loop3A_682 : vector<16xf32>
      %parallel_loop3A_711 = math.exp %parallel_loop3A_686 : vector<16xf32>
      %parallel_loop3A_712 = math.exp %parallel_loop3A_690 : vector<16xf32>
      %parallel_loop3A_713 = math.exp %parallel_loop3A_694 : vector<16xf32>
      %parallel_loop3A_714 = math.exp %parallel_loop3A_698 : vector<16xf32>
      %parallel_loop3A_715 = arith.addf %parallel_loop3A_699, %parallel_loop3A_700 : vector<16xf32>
      %parallel_loop3A_716 = arith.addf %parallel_loop3A_701, %parallel_loop3A_702 : vector<16xf32>
      %parallel_loop3A_717 = arith.addf %parallel_loop3A_703, %parallel_loop3A_704 : vector<16xf32>
      %parallel_loop3A_718 = arith.addf %parallel_loop3A_705, %parallel_loop3A_706 : vector<16xf32>
      %parallel_loop3A_719 = arith.addf %parallel_loop3A_707, %parallel_loop3A_708 : vector<16xf32>
      %parallel_loop3A_720 = arith.addf %parallel_loop3A_709, %parallel_loop3A_710 : vector<16xf32>
      %parallel_loop3A_721 = arith.addf %parallel_loop3A_711, %parallel_loop3A_712 : vector<16xf32>
      %parallel_loop3A_722 = arith.addf %parallel_loop3A_713, %parallel_loop3A_714 : vector<16xf32>
      %parallel_loop3A_723 = arith.addf %parallel_loop3A_715, %parallel_loop3A_716 : vector<16xf32>
      %parallel_loop3A_724 = arith.addf %parallel_loop3A_717, %parallel_loop3A_718 : vector<16xf32>
      %parallel_loop3A_725 = arith.addf %parallel_loop3A_719, %parallel_loop3A_720 : vector<16xf32>
      %parallel_loop3A_726 = arith.addf %parallel_loop3A_721, %parallel_loop3A_722 : vector<16xf32>
      %parallel_loop3A_727 = arith.addf %parallel_loop3A_723, %parallel_loop3A_724 : vector<16xf32>
      %parallel_loop3A_728 = arith.addf %parallel_loop3A_725, %parallel_loop3A_726 : vector<16xf32>
      %parallel_loop3A_729 = arith.addf %parallel_loop3A_727, %parallel_loop3A_728 : vector<16xf32>
      %parallel_loop3A_730 = arith.addf %parallel_loop3A_631, %parallel_loop3A_729 : vector<16xf32>
      %parallel_loop3A_731 = arith.maximumf %parallel_loop3A_638, %parallel_loop3A_642 : vector<16xf32>
      %parallel_loop3A_732 = arith.maximumf %parallel_loop3A_646, %parallel_loop3A_650 : vector<16xf32>
      %parallel_loop3A_733 = arith.maximumf %parallel_loop3A_654, %parallel_loop3A_658 : vector<16xf32>
      %parallel_loop3A_734 = arith.maximumf %parallel_loop3A_662, %parallel_loop3A_666 : vector<16xf32>
      %parallel_loop3A_735 = arith.maximumf %parallel_loop3A_670, %parallel_loop3A_674 : vector<16xf32>
      %parallel_loop3A_736 = arith.maximumf %parallel_loop3A_678, %parallel_loop3A_682 : vector<16xf32>
      %parallel_loop3A_737 = arith.maximumf %parallel_loop3A_686, %parallel_loop3A_690 : vector<16xf32>
      %parallel_loop3A_738 = arith.maximumf %parallel_loop3A_694, %parallel_loop3A_698 : vector<16xf32>
      %parallel_loop3A_739 = arith.maximumf %parallel_loop3A_731, %parallel_loop3A_732 : vector<16xf32>
      %parallel_loop3A_740 = arith.maximumf %parallel_loop3A_733, %parallel_loop3A_734 : vector<16xf32>
      %parallel_loop3A_741 = arith.maximumf %parallel_loop3A_735, %parallel_loop3A_736 : vector<16xf32>
      %parallel_loop3A_742 = arith.maximumf %parallel_loop3A_737, %parallel_loop3A_738 : vector<16xf32>
      %parallel_loop3A_743 = arith.maximumf %parallel_loop3A_739, %parallel_loop3A_740 : vector<16xf32>
      %parallel_loop3A_744 = arith.maximumf %parallel_loop3A_741, %parallel_loop3A_742 : vector<16xf32>
      %parallel_loop3A_745 = arith.maximumf %parallel_loop3A_743, %parallel_loop3A_744 : vector<16xf32>
      %parallel_loop3A_746 = arith.maximumf %parallel_loop3A_632, %parallel_loop3A_745 : vector<16xf32>
      %parallel_loop3A_747 = arith.constant true
      %parallel_loop3A_748 = vector.broadcast %parallel_loop3A_747 : i1 to vector<16xi1>
      %parallel_loop3A_749 = tpu.scan <max>, %parallel_loop3A_745 masked %parallel_loop3A_748 : vector<16xf32>, vector<16xi1> -> vector<16xf32>
      %parallel_loop3A_750 = vector.extract %parallel_loop3A_749[15] : f32 from vector<16xf32>
      %parallel_loop3A_751 = arith.index_cast %parallel_loop3A_630 : i32 to index
      %parallel_loop3A_752 = memref.load %arg13[%parallel_loop3A_751] : memref<128xf32, #tpu.memory_space<smem>>
      memref.store %parallel_loop3A_750, %arg13[%parallel_loop3A_751] : memref<128xf32, #tpu.memory_space<smem>>
      scf.yield %parallel_loop3A_730, %parallel_loop3A_746 : vector<16xf32>, vector<16xf32>
    } {sc.loop_unroll_factor = 1 : i64, sc.parallel_access}
    %masked_sort3A = arith.constant dense<true> : vector<16xi1>
    %masked_sort3A_96, %masked_sort3A_97, %masked_sort3A_98 = tpu.sort %parallel_loop3A_95#1, %iota3A masked %masked_sort3A {descending = true} : (vector<16xf32>, vector<16xi32>, vector<16xi1>) -> (vector<16xi1>, vector<16xf32>, vector<16xi32>)
    %jit3A_99 = arith.constant 3.400000e+38 : f32
    %broadcast_in_dim3A_100 = vector.broadcast %jit3A_99 : f32 to vector<16xf32>
    %select_n3A_101 = arith.select %lt3A_5, %masked_sort3A_97, %broadcast_in_dim3A_100 : vector<16xi1>, vector<16xf32>
    %reduce_min3A = arith.constant true
    %reduce_min3A_102 = vector.broadcast %reduce_min3A : i1 to vector<16xi1>
    %reduce_min3A_103 = tpu.scan <min>, %select_n3A_101 masked %reduce_min3A_102 : vector<16xf32>, vector<16xi1> -> vector<16xf32>
    %reduce_min3A_104 = vector.extract %reduce_min3A_103[15] : f32 from vector<16xf32>
    %broadcast_in_dim3A_105 = arith.constant -3.400000e+38 : f32
    %broadcast_in_dim3A_106 = vector.broadcast %broadcast_in_dim3A_105 : f32 to vector<16xf32>
    %broadcast_in_dim3A_107 = arith.constant 0 : i32
    %broadcast_in_dim3A_108 = vector.broadcast %broadcast_in_dim3A_107 : i32 to vector<16xi32>
    %scan3A_109 = arith.constant 0 : i32
    %scan3A_110 = arith.constant 128 : i32
    %scan3A_111 = arith.addi %scan3A_109, %scan3A_110 : i32
    %scan3A_112 = arith.constant 1 : i32
    %scan3A_113:3 = scf.for %scan3A_630 = %scan3A_109 to %scan3A_111 step %scan3A_112 iter_args(%scan3A_631 = %broadcast_in_dim3A_106, %scan3A_632 = %broadcast_in_dim3A_108, %scan3A_633 = %reduce_min3A_104) -> (vector<16xf32>, vector<16xi32>, f32)  : i32 {
      %get3A_634 = arith.index_cast %scan3A_630 : i32 to index
      %get3A_635 = memref.load %arg13[%get3A_634] : memref<128xf32, #tpu.memory_space<smem>>
      %ge3A = arith.cmpf oge, %get3A_635, %scan3A_633 : f32
      %mul3A_636 = arith.constant 256 : i32
      %mul3A_637 = arith.muli %scan3A_630, %mul3A_636 : i32
      %convert_element_type3A_638 = arith.extui %ge3A : i1 to i32
      %cond3A = arith.constant 0 : i32
      %cond3A_639 = arith.cmpi ne, %convert_element_type3A_638, %cond3A : i32
      %cond3A_640:3 = scf.if %cond3A_639 -> (vector<16xf32>, vector<16xi32>, f32) {
        %add3A_641 = arith.constant 0 : i32
        %add3A_642 = arith.addi %mul3A_637, %add3A_641 : i32
        %get3A_643 = arith.index_cast %add3A_642 : i32 to index
        %get3A_644 = tpu.vector_load %arg7[%get3A_643] {strides = array<i32>} : memref<32768xf32, #tpu.memory_space<vmem>>, vector<16xf32>,
        %add3A_645 = arith.constant 0 : i32
        %add3A_646 = arith.addi %mul3A_637, %add3A_645 : i32
        %add3A_647 = vector.broadcast %add3A_646 : i32 to vector<16xi32>
        %add3A_648 = arith.addi %add3A_647, %iota3A : vector<16xi32>
        %masked_sort3A_649 = arith.constant dense<true> : vector<16xi1>
        %masked_sort3A_650, %masked_sort3A_651, %masked_sort3A_652 = tpu.sort %get3A_644, %add3A_648 masked %masked_sort3A_649 {descending = true} : (vector<16xf32>, vector<16xi32>, vector<16xi1>) -> (vector<16xi1>, vector<16xf32>, vector<16xi32>)
        %add3A_653 = arith.constant 16 : i32
        %add3A_654 = arith.addi %mul3A_637, %add3A_653 : i32
        %get3A_655 = arith.index_cast %add3A_654 : i32 to index
        %get3A_656 = tpu.vector_load %arg7[%get3A_655] {strides = array<i32>} : memref<32768xf32, #tpu.memory_space<vmem>>, vector<16xf32>,
        %add3A_657 = arith.constant 16 : i32
        %add3A_658 = arith.addi %mul3A_637, %add3A_657 : i32
        %add3A_659 = vector.broadcast %add3A_658 : i32 to vector<16xi32>
        %add3A_660 = arith.addi %add3A_659, %iota3A : vector<16xi32>
        %masked_sort3A_661 = arith.constant dense<true> : vector<16xi1>
        %masked_sort3A_662, %masked_sort3A_663, %masked_sort3A_664 = tpu.sort %get3A_656, %add3A_660 masked %masked_sort3A_661 {descending = true} : (vector<16xf32>, vector<16xi32>, vector<16xi1>) -> (vector<16xi1>, vector<16xf32>, vector<16xi32>)
        %add3A_665 = arith.constant 32 : i32
        %add3A_666 = arith.addi %mul3A_637, %add3A_665 : i32
        %get3A_667 = arith.index_cast %add3A_666 : i32 to index
        %get3A_668 = tpu.vector_load %arg7[%get3A_667] {strides = array<i32>} : memref<32768xf32, #tpu.memory_space<vmem>>, vector<16xf32>,
        %add3A_669 = arith.constant 32 : i32
        %add3A_670 = arith.addi %mul3A_637, %add3A_669 : i32
        %add3A_671 = vector.broadcast %add3A_670 : i32 to vector<16xi32>
        %add3A_672 = arith.addi %add3A_671, %iota3A : vector<16xi32>
        %masked_sort3A_673 = arith.constant dense<true> : vector<16xi1>
        %masked_sort3A_674, %masked_sort3A_675, %masked_sort3A_676 = tpu.sort %get3A_668, %add3A_672 masked %masked_sort3A_673 {descending = true} : (vector<16xf32>, vector<16xi32>, vector<16xi1>) -> (vector<16xi1>, vector<16xf32>, vector<16xi32>)
        %add3A_677 = arith.constant 48 : i32
        %add3A_678 = arith.addi %mul3A_637, %add3A_677 : i32
        %get3A_679 = arith.index_cast %add3A_678 : i32 to index
        %get3A_680 = tpu.vector_load %arg7[%get3A_679] {strides = array<i32>} : memref<32768xf32, #tpu.memory_space<vmem>>, vector<16xf32>,
        %add3A_681 = arith.constant 48 : i32
        %add3A_682 = arith.addi %mul3A_637, %add3A_681 : i32
        %add3A_683 = vector.broadcast %add3A_682 : i32 to vector<16xi32>
        %add3A_684 = arith.addi %add3A_683, %iota3A : vector<16xi32>
        %masked_sort3A_685 = arith.constant dense<true> : vector<16xi1>
        %masked_sort3A_686, %masked_sort3A_687, %masked_sort3A_688 = tpu.sort %get3A_680, %add3A_684 masked %masked_sort3A_685 {descending = true} : (vector<16xf32>, vector<16xi32>, vector<16xi1>) -> (vector<16xi1>, vector<16xf32>, vector<16xi32>)
        %add3A_689 = arith.constant 64 : i32
        %add3A_690 = arith.addi %mul3A_637, %add3A_689 : i32
        %get3A_691 = arith.index_cast %add3A_690 : i32 to index
        %get3A_692 = tpu.vector_load %arg7[%get3A_691] {strides = array<i32>} : memref<32768xf32, #tpu.memory_space<vmem>>, vector<16xf32>,
        %add3A_693 = arith.constant 64 : i32
        %add3A_694 = arith.addi %mul3A_637, %add3A_693 : i32
        %add3A_695 = vector.broadcast %add3A_694 : i32 to vector<16xi32>
        %add3A_696 = arith.addi %add3A_695, %iota3A : vector<16xi32>
        %masked_sort3A_697 = arith.constant dense<true> : vector<16xi1>
        %masked_sort3A_698, %masked_sort3A_699, %masked_sort3A_700 = tpu.sort %get3A_692, %add3A_696 masked %masked_sort3A_697 {descending = true} : (vector<16xf32>, vector<16xi32>, vector<16xi1>) -> (vector<16xi1>, vector<16xf32>, vector<16xi32>)
        %add3A_701 = arith.constant 80 : i32
        %add3A_702 = arith.addi %mul3A_637, %add3A_701 : i32
        %get3A_703 = arith.index_cast %add3A_702 : i32 to index
        %get3A_704 = tpu.vector_load %arg7[%get3A_703] {strides = array<i32>} : memref<32768xf32, #tpu.memory_space<vmem>>, vector<16xf32>,
        %add3A_705 = arith.constant 80 : i32
        %add3A_706 = arith.addi %mul3A_637, %add3A_705 : i32
        %add3A_707 = vector.broadcast %add3A_706 : i32 to vector<16xi32>
        %add3A_708 = arith.addi %add3A_707, %iota3A : vector<16xi32>
        %masked_sort3A_709 = arith.constant dense<true> : vector<16xi1>
        %masked_sort3A_710, %masked_sort3A_711, %masked_sort3A_712 = tpu.sort %get3A_704, %add3A_708 masked %masked_sort3A_709 {descending = true} : (vector<16xf32>, vector<16xi32>, vector<16xi1>) -> (vector<16xi1>, vector<16xf32>, vector<16xi32>)
        %add3A_713 = arith.constant 96 : i32
        %add3A_714 = arith.addi %mul3A_637, %add3A_713 : i32
        %get3A_715 = arith.index_cast %add3A_714 : i32 to index
        %get3A_716 = tpu.vector_load %arg7[%get3A_715] {strides = array<i32>} : memref<32768xf32, #tpu.memory_space<vmem>>, vector<16xf32>,
        %add3A_717 = arith.constant 96 : i32
        %add3A_718 = arith.addi %mul3A_637, %add3A_717 : i32
        %add3A_719 = vector.broadcast %add3A_718 : i32 to vector<16xi32>
        %add3A_720 = arith.addi %add3A_719, %iota3A : vector<16xi32>
        %masked_sort3A_721 = arith.constant dense<true> : vector<16xi1>
        %masked_sort3A_722, %masked_sort3A_723, %masked_sort3A_724 = tpu.sort %get3A_716, %add3A_720 masked %masked_sort3A_721 {descending = true} : (vector<16xf32>, vector<16xi32>, vector<16xi1>) -> (vector<16xi1>, vector<16xf32>, vector<16xi32>)
        %add3A_725 = arith.constant 112 : i32
        %add3A_726 = arith.addi %mul3A_637, %add3A_725 : i32
        %get3A_727 = arith.index_cast %add3A_726 : i32 to index
        %get3A_728 = tpu.vector_load %arg7[%get3A_727] {strides = array<i32>} : memref<32768xf32, #tpu.memory_space<vmem>>, vector<16xf32>,
        %add3A_729 = arith.constant 112 : i32
        %add3A_730 = arith.addi %mul3A_637, %add3A_729 : i32
        %add3A_731 = vector.broadcast %add3A_730 : i32 to vector<16xi32>
        %add3A_732 = arith.addi %add3A_731, %iota3A : vector<16xi32>
        %masked_sort3A_733 = arith.constant dense<true> : vector<16xi1>
        %masked_sort3A_734, %masked_sort3A_735, %masked_sort3A_736 = tpu.sort %get3A_728, %add3A_732 masked %masked_sort3A_733 {descending = true} : (vector<16xf32>, vector<16xi32>, vector<16xi1>) -> (vector<16xi1>, vector<16xf32>, vector<16xi32>)
        %add3A_737 = arith.constant 128 : i32
        %add3A_738 = arith.addi %mul3A_637, %add3A_737 : i32
        %get3A_739 = arith.index_cast %add3A_738 : i32 to index
        %get3A_740 = tpu.vector_load %arg7[%get3A_739] {strides = array<i32>} : memref<32768xf32, #tpu.memory_space<vmem>>, vector<16xf32>,
        %add3A_741 = arith.constant 128 : i32
        %add3A_742 = arith.addi %mul3A_637, %add3A_741 : i32
        %add3A_743 = vector.broadcast %add3A_742 : i32 to vector<16xi32>
        %add3A_744 = arith.addi %add3A_743, %iota3A : vector<16xi32>
        %masked_sort3A_745 = arith.constant dense<true> : vector<16xi1>
        %masked_sort3A_746, %masked_sort3A_747, %masked_sort3A_748 = tpu.sort %get3A_740, %add3A_744 masked %masked_sort3A_745 {descending = true} : (vector<16xf32>, vector<16xi32>, vector<16xi1>) -> (vector<16xi1>, vector<16xf32>, vector<16xi32>)
        %add3A_749 = arith.constant 144 : i32
        %add3A_750 = arith.addi %mul3A_637, %add3A_749 : i32
        %get3A_751 = arith.index_cast %add3A_750 : i32 to index
        %get3A_752 = tpu.vector_load %arg7[%get3A_751] {strides = array<i32>} : memref<32768xf32, #tpu.memory_space<vmem>>, vector<16xf32>,
        %add3A_753 = arith.constant 144 : i32
        %add3A_754 = arith.addi %mul3A_637, %add3A_753 : i32
        %add3A_755 = vector.broadcast %add3A_754 : i32 to vector<16xi32>
        %add3A_756 = arith.addi %add3A_755, %iota3A : vector<16xi32>
        %masked_sort3A_757 = arith.constant dense<true> : vector<16xi1>
        %masked_sort3A_758, %masked_sort3A_759, %masked_sort3A_760 = tpu.sort %get3A_752, %add3A_756 masked %masked_sort3A_757 {descending = true} : (vector<16xf32>, vector<16xi32>, vector<16xi1>) -> (vector<16xi1>, vector<16xf32>, vector<16xi32>)
        %add3A_761 = arith.constant 160 : i32
        %add3A_762 = arith.addi %mul3A_637, %add3A_761 : i32
        %get3A_763 = arith.index_cast %add3A_762 : i32 to index
        %get3A_764 = tpu.vector_load %arg7[%get3A_763] {strides = array<i32>} : memref<32768xf32, #tpu.memory_space<vmem>>, vector<16xf32>,
        %add3A_765 = arith.constant 160 : i32
        %add3A_766 = arith.addi %mul3A_637, %add3A_765 : i32
        %add3A_767 = vector.broadcast %add3A_766 : i32 to vector<16xi32>
        %add3A_768 = arith.addi %add3A_767, %iota3A : vector<16xi32>
        %masked_sort3A_769 = arith.constant dense<true> : vector<16xi1>
        %masked_sort3A_770, %masked_sort3A_771, %masked_sort3A_772 = tpu.sort %get3A_764, %add3A_768 masked %masked_sort3A_769 {descending = true} : (vector<16xf32>, vector<16xi32>, vector<16xi1>) -> (vector<16xi1>, vector<16xf32>, vector<16xi32>)
        %add3A_773 = arith.constant 176 : i32
        %add3A_774 = arith.addi %mul3A_637, %add3A_773 : i32
        %get3A_775 = arith.index_cast %add3A_774 : i32 to index
        %get3A_776 = tpu.vector_load %arg7[%get3A_775] {strides = array<i32>} : memref<32768xf32, #tpu.memory_space<vmem>>, vector<16xf32>,
        %add3A_777 = arith.constant 176 : i32
        %add3A_778 = arith.addi %mul3A_637, %add3A_777 : i32
        %add3A_779 = vector.broadcast %add3A_778 : i32 to vector<16xi32>
        %add3A_780 = arith.addi %add3A_779, %iota3A : vector<16xi32>
        %masked_sort3A_781 = arith.constant dense<true> : vector<16xi1>
        %masked_sort3A_782, %masked_sort3A_783, %masked_sort3A_784 = tpu.sort %get3A_776, %add3A_780 masked %masked_sort3A_781 {descending = true} : (vector<16xf32>, vector<16xi32>, vector<16xi1>) -> (vector<16xi1>, vector<16xf32>, vector<16xi32>)
        %add3A_785 = arith.constant 192 : i32
        %add3A_786 = arith.addi %mul3A_637, %add3A_785 : i32
        %get3A_787 = arith.index_cast %add3A_786 : i32 to index
        %get3A_788 = tpu.vector_load %arg7[%get3A_787] {strides = array<i32>} : memref<32768xf32, #tpu.memory_space<vmem>>, vector<16xf32>,
        %add3A_789 = arith.constant 192 : i32
        %add3A_790 = arith.addi %mul3A_637, %add3A_789 : i32
        %add3A_791 = vector.broadcast %add3A_790 : i32 to vector<16xi32>
        %add3A_792 = arith.addi %add3A_791, %iota3A : vector<16xi32>
        %masked_sort3A_793 = arith.constant dense<true> : vector<16xi1>
        %masked_sort3A_794, %masked_sort3A_795, %masked_sort3A_796 = tpu.sort %get3A_788, %add3A_792 masked %masked_sort3A_793 {descending = true} : (vector<16xf32>, vector<16xi32>, vector<16xi1>) -> (vector<16xi1>, vector<16xf32>, vector<16xi32>)
        %add3A_797 = arith.constant 208 : i32
        %add3A_798 = arith.addi %mul3A_637, %add3A_797 : i32
        %get3A_799 = arith.index_cast %add3A_798 : i32 to index
        %get3A_800 = tpu.vector_load %arg7[%get3A_799] {strides = array<i32>} : memref<32768xf32, #tpu.memory_space<vmem>>, vector<16xf32>,
        %add3A_801 = arith.constant 208 : i32
        %add3A_802 = arith.addi %mul3A_637, %add3A_801 : i32
        %add3A_803 = vector.broadcast %add3A_802 : i32 to vector<16xi32>
        %add3A_804 = arith.addi %add3A_803, %iota3A : vector<16xi32>
        %masked_sort3A_805 = arith.constant dense<true> : vector<16xi1>
        %masked_sort3A_806, %masked_sort3A_807, %masked_sort3A_808 = tpu.sort %get3A_800, %add3A_804 masked %masked_sort3A_805 {descending = true} : (vector<16xf32>, vector<16xi32>, vector<16xi1>) -> (vector<16xi1>, vector<16xf32>, vector<16xi32>)
        %add3A_809 = arith.constant 224 : i32
        %add3A_810 = arith.addi %mul3A_637, %add3A_809 : i32
        %get3A_811 = arith.index_cast %add3A_810 : i32 to index
        %get3A_812 = tpu.vector_load %arg7[%get3A_811] {strides = array<i32>} : memref<32768xf32, #tpu.memory_space<vmem>>, vector<16xf32>,
        %add3A_813 = arith.constant 224 : i32
        %add3A_814 = arith.addi %mul3A_637, %add3A_813 : i32
        %add3A_815 = vector.broadcast %add3A_814 : i32 to vector<16xi32>
        %add3A_816 = arith.addi %add3A_815, %iota3A : vector<16xi32>
        %masked_sort3A_817 = arith.constant dense<true> : vector<16xi1>
        %masked_sort3A_818, %masked_sort3A_819, %masked_sort3A_820 = tpu.sort %get3A_812, %add3A_816 masked %masked_sort3A_817 {descending = true} : (vector<16xf32>, vector<16xi32>, vector<16xi1>) -> (vector<16xi1>, vector<16xf32>, vector<16xi32>)
        %add3A_821 = arith.constant 240 : i32
        %add3A_822 = arith.addi %mul3A_637, %add3A_821 : i32
        %get3A_823 = arith.index_cast %add3A_822 : i32 to index
        %get3A_824 = tpu.vector_load %arg7[%get3A_823] {strides = array<i32>} : memref<32768xf32, #tpu.memory_space<vmem>>, vector<16xf32>,
        %add3A_825 = arith.constant 240 : i32
        %add3A_826 = arith.addi %mul3A_637, %add3A_825 : i32
        %add3A_827 = vector.broadcast %add3A_826 : i32 to vector<16xi32>
        %add3A_828 = arith.addi %add3A_827, %iota3A : vector<16xi32>
        %masked_sort3A_829 = arith.constant dense<true> : vector<16xi1>
        %masked_sort3A_830, %masked_sort3A_831, %masked_sort3A_832 = tpu.sort %get3A_824, %add3A_828 masked %masked_sort3A_829 {descending = true} : (vector<16xf32>, vector<16xi32>, vector<16xi1>) -> (vector<16xi1>, vector<16xf32>, vector<16xi32>)
        %rev3A = arith.constant 15 : i32
        %rev3A_833 = vector.broadcast %rev3A : i32 to vector<16xi32>
        %rev3A_834 = tpu.iota {dimensions = array<i32: 0>} : vector<16xi32>
        %rev3A_835 = arith.subi %rev3A_833, %rev3A_834 : vector<16xi32>
        %rev3A_836 = tpu.dynamic_gather %masked_sort3A_663[%rev3A_835] in [0] : vector<16xf32>, vector<16xi32> -> vector<16xf32>
        %rev3A_837 = arith.constant 15 : i32
        %rev3A_838 = vector.broadcast %rev3A_837 : i32 to vector<16xi32>
        %rev3A_839 = tpu.iota {dimensions = array<i32: 0>} : vector<16xi32>
        %rev3A_840 = arith.subi %rev3A_838, %rev3A_839 : vector<16xi32>
        %rev3A_841 = tpu.dynamic_gather %masked_sort3A_664[%rev3A_840] in [0] : vector<16xi32>, vector<16xi32> -> vector<16xi32>
        %ge3A_842 = arith.cmpf oge, %masked_sort3A_651, %rev3A_836 : vector<16xf32>
        %select_n3A_843 = arith.select %ge3A_842, %masked_sort3A_651, %rev3A_836 : vector<16xi1>, vector<16xf32>
        %select_n3A_844 = arith.select %ge3A_842, %masked_sort3A_652, %rev3A_841 : vector<16xi1>, vector<16xi32>
        %masked_sort3A_845 = arith.constant dense<true> : vector<16xi1>
        %masked_sort3A_846, %masked_sort3A_847, %masked_sort3A_848 = tpu.sort %select_n3A_843, %select_n3A_844 masked %masked_sort3A_845 {descending = true} : (vector<16xf32>, vector<16xi32>, vector<16xi1>) -> (vector<16xi1>, vector<16xf32>, vector<16xi32>)
        %rev3A_849 = arith.constant 15 : i32
        %rev3A_850 = vector.broadcast %rev3A_849 : i32 to vector<16xi32>
        %rev3A_851 = tpu.iota {dimensions = array<i32: 0>} : vector<16xi32>
        %rev3A_852 = arith.subi %rev3A_850, %rev3A_851 : vector<16xi32>
        %rev3A_853 = tpu.dynamic_gather %masked_sort3A_687[%rev3A_852] in [0] : vector<16xf32>, vector<16xi32> -> vector<16xf32>
        %rev3A_854 = arith.constant 15 : i32
        %rev3A_855 = vector.broadcast %rev3A_854 : i32 to vector<16xi32>
        %rev3A_856 = tpu.iota {dimensions = array<i32: 0>} : vector<16xi32>
        %rev3A_857 = arith.subi %rev3A_855, %rev3A_856 : vector<16xi32>
        %rev3A_858 = tpu.dynamic_gather %masked_sort3A_688[%rev3A_857] in [0] : vector<16xi32>, vector<16xi32> -> vector<16xi32>
        %ge3A_859 = arith.cmpf oge, %masked_sort3A_675, %rev3A_853 : vector<16xf32>
        %select_n3A_860 = arith.select %ge3A_859, %masked_sort3A_675, %rev3A_853 : vector<16xi1>, vector<16xf32>
        %select_n3A_861 = arith.select %ge3A_859, %masked_sort3A_676, %rev3A_858 : vector<16xi1>, vector<16xi32>
        %masked_sort3A_862 = arith.constant dense<true> : vector<16xi1>
        %masked_sort3A_863, %masked_sort3A_864, %masked_sort3A_865 = tpu.sort %select_n3A_860, %select_n3A_861 masked %masked_sort3A_862 {descending = true} : (vector<16xf32>, vector<16xi32>, vector<16xi1>) -> (vector<16xi1>, vector<16xf32>, vector<16xi32>)
        %rev3A_866 = arith.constant 15 : i32
        %rev3A_867 = vector.broadcast %rev3A_866 : i32 to vector<16xi32>
        %rev3A_868 = tpu.iota {dimensions = array<i32: 0>} : vector<16xi32>
        %rev3A_869 = arith.subi %rev3A_867, %rev3A_868 : vector<16xi32>
        %rev3A_870 = tpu.dynamic_gather %masked_sort3A_711[%rev3A_869] in [0] : vector<16xf32>, vector<16xi32> -> vector<16xf32>
        %rev3A_871 = arith.constant 15 : i32
        %rev3A_872 = vector.broadcast %rev3A_871 : i32 to vector<16xi32>
        %rev3A_873 = tpu.iota {dimensions = array<i32: 0>} : vector<16xi32>
        %rev3A_874 = arith.subi %rev3A_872, %rev3A_873 : vector<16xi32>
        %rev3A_875 = tpu.dynamic_gather %masked_sort3A_712[%rev3A_874] in [0] : vector<16xi32>, vector<16xi32> -> vector<16xi32>
        %ge3A_876 = arith.cmpf oge, %masked_sort3A_699, %rev3A_870 : vector<16xf32>
        %select_n3A_877 = arith.select %ge3A_876, %masked_sort3A_699, %rev3A_870 : vector<16xi1>, vector<16xf32>
        %select_n3A_878 = arith.select %ge3A_876, %masked_sort3A_700, %rev3A_875 : vector<16xi1>, vector<16xi32>
        %masked_sort3A_879 = arith.constant dense<true> : vector<16xi1>
        %masked_sort3A_880, %masked_sort3A_881, %masked_sort3A_882 = tpu.sort %select_n3A_877, %select_n3A_878 masked %masked_sort3A_879 {descending = true} : (vector<16xf32>, vector<16xi32>, vector<16xi1>) -> (vector<16xi1>, vector<16xf32>, vector<16xi32>)
        %rev3A_883 = arith.constant 15 : i32
        %rev3A_884 = vector.broadcast %rev3A_883 : i32 to vector<16xi32>
        %rev3A_885 = tpu.iota {dimensions = array<i32: 0>} : vector<16xi32>
        %rev3A_886 = arith.subi %rev3A_884, %rev3A_885 : vector<16xi32>
        %rev3A_887 = tpu.dynamic_gather %masked_sort3A_735[%rev3A_886] in [0] : vector<16xf32>, vector<16xi32> -> vector<16xf32>
        %rev3A_888 = arith.constant 15 : i32
        %rev3A_889 = vector.broadcast %rev3A_888 : i32 to vector<16xi32>
        %rev3A_890 = tpu.iota {dimensions = array<i32: 0>} : vector<16xi32>
        %rev3A_891 = arith.subi %rev3A_889, %rev3A_890 : vector<16xi32>
        %rev3A_892 = tpu.dynamic_gather %masked_sort3A_736[%rev3A_891] in [0] : vector<16xi32>, vector<16xi32> -> vector<16xi32>
        %ge3A_893 = arith.cmpf oge, %masked_sort3A_723, %rev3A_887 : vector<16xf32>
        %select_n3A_894 = arith.select %ge3A_893, %masked_sort3A_723, %rev3A_887 : vector<16xi1>, vector<16xf32>
        %select_n3A_895 = arith.select %ge3A_893, %masked_sort3A_724, %rev3A_892 : vector<16xi1>, vector<16xi32>
        %masked_sort3A_896 = arith.constant dense<true> : vector<16xi1>
        %masked_sort3A_897, %masked_sort3A_898, %masked_sort3A_899 = tpu.sort %select_n3A_894, %select_n3A_895 masked %masked_sort3A_896 {descending = true} : (vector<16xf32>, vector<16xi32>, vector<16xi1>) -> (vector<16xi1>, vector<16xf32>, vector<16xi32>)
        %rev3A_900 = arith.constant 15 : i32
        %rev3A_901 = vector.broadcast %rev3A_900 : i32 to vector<16xi32>
        %rev3A_902 = tpu.iota {dimensions = array<i32: 0>} : vector<16xi32>
        %rev3A_903 = arith.subi %rev3A_901, %rev3A_902 : vector<16xi32>
        %rev3A_904 = tpu.dynamic_gather %masked_sort3A_759[%rev3A_903] in [0] : vector<16xf32>, vector<16xi32> -> vector<16xf32>
        %rev3A_905 = arith.constant 15 : i32
        %rev3A_906 = vector.broadcast %rev3A_905 : i32 to vector<16xi32>
        %rev3A_907 = tpu.iota {dimensions = array<i32: 0>} : vector<16xi32>
        %rev3A_908 = arith.subi %rev3A_906, %rev3A_907 : vector<16xi32>
        %rev3A_909 = tpu.dynamic_gather %masked_sort3A_760[%rev3A_908] in [0] : vector<16xi32>, vector<16xi32> -> vector<16xi32>
        %ge3A_910 = arith.cmpf oge, %masked_sort3A_747, %rev3A_904 : vector<16xf32>
        %select_n3A_911 = arith.select %ge3A_910, %masked_sort3A_747, %rev3A_904 : vector<16xi1>, vector<16xf32>
        %select_n3A_912 = arith.select %ge3A_910, %masked_sort3A_748, %rev3A_909 : vector<16xi1>, vector<16xi32>
        %masked_sort3A_913 = arith.constant dense<true> : vector<16xi1>
        %masked_sort3A_914, %masked_sort3A_915, %masked_sort3A_916 = tpu.sort %select_n3A_911, %select_n3A_912 masked %masked_sort3A_913 {descending = true} : (vector<16xf32>, vector<16xi32>, vector<16xi1>) -> (vector<16xi1>, vector<16xf32>, vector<16xi32>)
        %rev3A_917 = arith.constant 15 : i32
        %rev3A_918 = vector.broadcast %rev3A_917 : i32 to vector<16xi32>
        %rev3A_919 = tpu.iota {dimensions = array<i32: 0>} : vector<16xi32>
        %rev3A_920 = arith.subi %rev3A_918, %rev3A_919 : vector<16xi32>
        %rev3A_921 = tpu.dynamic_gather %masked_sort3A_783[%rev3A_920] in [0] : vector<16xf32>, vector<16xi32> -> vector<16xf32>
        %rev3A_922 = arith.constant 15 : i32
        %rev3A_923 = vector.broadcast %rev3A_922 : i32 to vector<16xi32>
        %rev3A_924 = tpu.iota {dimensions = array<i32: 0>} : vector<16xi32>
        %rev3A_925 = arith.subi %rev3A_923, %rev3A_924 : vector<16xi32>
        %rev3A_926 = tpu.dynamic_gather %masked_sort3A_784[%rev3A_925] in [0] : vector<16xi32>, vector<16xi32> -> vector<16xi32>
        %ge3A_927 = arith.cmpf oge, %masked_sort3A_771, %rev3A_921 : vector<16xf32>
        %select_n3A_928 = arith.select %ge3A_927, %masked_sort3A_771, %rev3A_921 : vector<16xi1>, vector<16xf32>
        %select_n3A_929 = arith.select %ge3A_927, %masked_sort3A_772, %rev3A_926 : vector<16xi1>, vector<16xi32>
        %masked_sort3A_930 = arith.constant dense<true> : vector<16xi1>
        %masked_sort3A_931, %masked_sort3A_932, %masked_sort3A_933 = tpu.sort %select_n3A_928, %select_n3A_929 masked %masked_sort3A_930 {descending = true} : (vector<16xf32>, vector<16xi32>, vector<16xi1>) -> (vector<16xi1>, vector<16xf32>, vector<16xi32>)
        %rev3A_934 = arith.constant 15 : i32
        %rev3A_935 = vector.broadcast %rev3A_934 : i32 to vector<16xi32>
        %rev3A_936 = tpu.iota {dimensions = array<i32: 0>} : vector<16xi32>
        %rev3A_937 = arith.subi %rev3A_935, %rev3A_936 : vector<16xi32>
        %rev3A_938 = tpu.dynamic_gather %masked_sort3A_807[%rev3A_937] in [0] : vector<16xf32>, vector<16xi32> -> vector<16xf32>
        %rev3A_939 = arith.constant 15 : i32
        %rev3A_940 = vector.broadcast %rev3A_939 : i32 to vector<16xi32>
        %rev3A_941 = tpu.iota {dimensions = array<i32: 0>} : vector<16xi32>
        %rev3A_942 = arith.subi %rev3A_940, %rev3A_941 : vector<16xi32>
        %rev3A_943 = tpu.dynamic_gather %masked_sort3A_808[%rev3A_942] in [0] : vector<16xi32>, vector<16xi32> -> vector<16xi32>
        %ge3A_944 = arith.cmpf oge, %masked_sort3A_795, %rev3A_938 : vector<16xf32>
        %select_n3A_945 = arith.select %ge3A_944, %masked_sort3A_795, %rev3A_938 : vector<16xi1>, vector<16xf32>
        %select_n3A_946 = arith.select %ge3A_944, %masked_sort3A_796, %rev3A_943 : vector<16xi1>, vector<16xi32>
        %masked_sort3A_947 = arith.constant dense<true> : vector<16xi1>
        %masked_sort3A_948, %masked_sort3A_949, %masked_sort3A_950 = tpu.sort %select_n3A_945, %select_n3A_946 masked %masked_sort3A_947 {descending = true} : (vector<16xf32>, vector<16xi32>, vector<16xi1>) -> (vector<16xi1>, vector<16xf32>, vector<16xi32>)
        %rev3A_951 = arith.constant 15 : i32
        %rev3A_952 = vector.broadcast %rev3A_951 : i32 to vector<16xi32>
        %rev3A_953 = tpu.iota {dimensions = array<i32: 0>} : vector<16xi32>
        %rev3A_954 = arith.subi %rev3A_952, %rev3A_953 : vector<16xi32>
        %rev3A_955 = tpu.dynamic_gather %masked_sort3A_831[%rev3A_954] in [0] : vector<16xf32>, vector<16xi32> -> vector<16xf32>
        %rev3A_956 = arith.constant 15 : i32
        %rev3A_957 = vector.broadcast %rev3A_956 : i32 to vector<16xi32>
        %rev3A_958 = tpu.iota {dimensions = array<i32: 0>} : vector<16xi32>
        %rev3A_959 = arith.subi %rev3A_957, %rev3A_958 : vector<16xi32>
        %rev3A_960 = tpu.dynamic_gather %masked_sort3A_832[%rev3A_959] in [0] : vector<16xi32>, vector<16xi32> -> vector<16xi32>
        %ge3A_961 = arith.cmpf oge, %masked_sort3A_819, %rev3A_955 : vector<16xf32>
        %select_n3A_962 = arith.select %ge3A_961, %masked_sort3A_819, %rev3A_955 : vector<16xi1>, vector<16xf32>
        %select_n3A_963 = arith.select %ge3A_961, %masked_sort3A_820, %rev3A_960 : vector<16xi1>, vector<16xi32>
        %masked_sort3A_964 = arith.constant dense<true> : vector<16xi1>
        %masked_sort3A_965, %masked_sort3A_966, %masked_sort3A_967 = tpu.sort %select_n3A_962, %select_n3A_963 masked %masked_sort3A_964 {descending = true} : (vector<16xf32>, vector<16xi32>, vector<16xi1>) -> (vector<16xi1>, vector<16xf32>, vector<16xi32>)
        %rev3A_968 = arith.constant 15 : i32
        %rev3A_969 = vector.broadcast %rev3A_968 : i32 to vector<16xi32>
        %rev3A_970 = tpu.iota {dimensions = array<i32: 0>} : vector<16xi32>
        %rev3A_971 = arith.subi %rev3A_969, %rev3A_970 : vector<16xi32>
        %rev3A_972 = tpu.dynamic_gather %masked_sort3A_864[%rev3A_971] in [0] : vector<16xf32>, vector<16xi32> -> vector<16xf32>
        %rev3A_973 = arith.constant 15 : i32
        %rev3A_974 = vector.broadcast %rev3A_973 : i32 to vector<16xi32>
        %rev3A_975 = tpu.iota {dimensions = array<i32: 0>} : vector<16xi32>
        %rev3A_976 = arith.subi %rev3A_974, %rev3A_975 : vector<16xi32>
        %rev3A_977 = tpu.dynamic_gather %masked_sort3A_865[%rev3A_976] in [0] : vector<16xi32>, vector<16xi32> -> vector<16xi32>
        %ge3A_978 = arith.cmpf oge, %masked_sort3A_847, %rev3A_972 : vector<16xf32>
        %select_n3A_979 = arith.select %ge3A_978, %masked_sort3A_847, %rev3A_972 : vector<16xi1>, vector<16xf32>
        %select_n3A_980 = arith.select %ge3A_978, %masked_sort3A_848, %rev3A_977 : vector<16xi1>, vector<16xi32>
        %masked_sort3A_981 = arith.constant dense<true> : vector<16xi1>
        %masked_sort3A_982, %masked_sort3A_983, %masked_sort3A_984 = tpu.sort %select_n3A_979, %select_n3A_980 masked %masked_sort3A_981 {descending = true} : (vector<16xf32>, vector<16xi32>, vector<16xi1>) -> (vector<16xi1>, vector<16xf32>, vector<16xi32>)
        %rev3A_985 = arith.constant 15 : i32
        %rev3A_986 = vector.broadcast %rev3A_985 : i32 to vector<16xi32>
        %rev3A_987 = tpu.iota {dimensions = array<i32: 0>} : vector<16xi32>
        %rev3A_988 = arith.subi %rev3A_986, %rev3A_987 : vector<16xi32>
        %rev3A_989 = tpu.dynamic_gather %masked_sort3A_898[%rev3A_988] in [0] : vector<16xf32>, vector<16xi32> -> vector<16xf32>
        %rev3A_990 = arith.constant 15 : i32
        %rev3A_991 = vector.broadcast %rev3A_990 : i32 to vector<16xi32>
        %rev3A_992 = tpu.iota {dimensions = array<i32: 0>} : vector<16xi32>
        %rev3A_993 = arith.subi %rev3A_991, %rev3A_992 : vector<16xi32>
        %rev3A_994 = tpu.dynamic_gather %masked_sort3A_899[%rev3A_993] in [0] : vector<16xi32>, vector<16xi32> -> vector<16xi32>
        %ge3A_995 = arith.cmpf oge, %masked_sort3A_881, %rev3A_989 : vector<16xf32>
        %select_n3A_996 = arith.select %ge3A_995, %masked_sort3A_881, %rev3A_989 : vector<16xi1>, vector<16xf32>
        %select_n3A_997 = arith.select %ge3A_995, %masked_sort3A_882, %rev3A_994 : vector<16xi1>, vector<16xi32>
        %masked_sort3A_998 = arith.constant dense<true> : vector<16xi1>
        %masked_sort3A_999, %masked_sort3A_1000, %masked_sort3A_1001 = tpu.sort %select_n3A_996, %select_n3A_997 masked %masked_sort3A_998 {descending = true} : (vector<16xf32>, vector<16xi32>, vector<16xi1>) -> (vector<16xi1>, vector<16xf32>, vector<16xi32>)
        %rev3A_1002 = arith.constant 15 : i32
        %rev3A_1003 = vector.broadcast %rev3A_1002 : i32 to vector<16xi32>
        %rev3A_1004 = tpu.iota {dimensions = array<i32: 0>} : vector<16xi32>
        %rev3A_1005 = arith.subi %rev3A_1003, %rev3A_1004 : vector<16xi32>
        %rev3A_1006 = tpu.dynamic_gather %masked_sort3A_932[%rev3A_1005] in [0] : vector<16xf32>, vector<16xi32> -> vector<16xf32>
        %rev3A_1007 = arith.constant 15 : i32
        %rev3A_1008 = vector.broadcast %rev3A_1007 : i32 to vector<16xi32>
        %rev3A_1009 = tpu.iota {dimensions = array<i32: 0>} : vector<16xi32>
        %rev3A_1010 = arith.subi %rev3A_1008, %rev3A_1009 : vector<16xi32>
        %rev3A_1011 = tpu.dynamic_gather %masked_sort3A_933[%rev3A_1010] in [0] : vector<16xi32>, vector<16xi32> -> vector<16xi32>
        %ge3A_1012 = arith.cmpf oge, %masked_sort3A_915, %rev3A_1006 : vector<16xf32>
        %select_n3A_1013 = arith.select %ge3A_1012, %masked_sort3A_915, %rev3A_1006 : vector<16xi1>, vector<16xf32>
        %select_n3A_1014 = arith.select %ge3A_1012, %masked_sort3A_916, %rev3A_1011 : vector<16xi1>, vector<16xi32>
        %masked_sort3A_1015 = arith.constant dense<true> : vector<16xi1>
        %masked_sort3A_1016, %masked_sort3A_1017, %masked_sort3A_1018 = tpu.sort %select_n3A_1013, %select_n3A_1014 masked %masked_sort3A_1015 {descending = true} : (vector<16xf32>, vector<16xi32>, vector<16xi1>) -> (vector<16xi1>, vector<16xf32>, vector<16xi32>)
        %rev3A_1019 = arith.constant 15 : i32
        %rev3A_1020 = vector.broadcast %rev3A_1019 : i32 to vector<16xi32>
        %rev3A_1021 = tpu.iota {dimensions = array<i32: 0>} : vector<16xi32>
        %rev3A_1022 = arith.subi %rev3A_1020, %rev3A_1021 : vector<16xi32>
        %rev3A_1023 = tpu.dynamic_gather %masked_sort3A_966[%rev3A_1022] in [0] : vector<16xf32>, vector<16xi32> -> vector<16xf32>
        %rev3A_1024 = arith.constant 15 : i32
        %rev3A_1025 = vector.broadcast %rev3A_1024 : i32 to vector<16xi32>
        %rev3A_1026 = tpu.iota {dimensions = array<i32: 0>} : vector<16xi32>
        %rev3A_1027 = arith.subi %rev3A_1025, %rev3A_1026 : vector<16xi32>
        %rev3A_1028 = tpu.dynamic_gather %masked_sort3A_967[%rev3A_1027] in [0] : vector<16xi32>, vector<16xi32> -> vector<16xi32>
        %ge3A_1029 = arith.cmpf oge, %masked_sort3A_949, %rev3A_1023 : vector<16xf32>
        %select_n3A_1030 = arith.select %ge3A_1029, %masked_sort3A_949, %rev3A_1023 : vector<16xi1>, vector<16xf32>
        %select_n3A_1031 = arith.select %ge3A_1029, %masked_sort3A_950, %rev3A_1028 : vector<16xi1>, vector<16xi32>
        %masked_sort3A_1032 = arith.constant dense<true> : vector<16xi1>
        %masked_sort3A_1033, %masked_sort3A_1034, %masked_sort3A_1035 = tpu.sort %select_n3A_1030, %select_n3A_1031 masked %masked_sort3A_1032 {descending = true} : (vector<16xf32>, vector<16xi32>, vector<16xi1>) -> (vector<16xi1>, vector<16xf32>, vector<16xi32>)
        %rev3A_1036 = arith.constant 15 : i32
        %rev3A_1037 = vector.broadcast %rev3A_1036 : i32 to vector<16xi32>
        %rev3A_1038 = tpu.iota {dimensions = array<i32: 0>} : vector<16xi32>
        %rev3A_1039 = arith.subi %rev3A_1037, %rev3A_1038 : vector<16xi32>
        %rev3A_1040 = tpu.dynamic_gather %masked_sort3A_1000[%rev3A_1039] in [0] : vector<16xf32>, vector<16xi32> -> vector<16xf32>
        %rev3A_1041 = arith.constant 15 : i32
        %rev3A_1042 = vector.broadcast %rev3A_1041 : i32 to vector<16xi32>
        %rev3A_1043 = tpu.iota {dimensions = array<i32: 0>} : vector<16xi32>
        %rev3A_1044 = arith.subi %rev3A_1042, %rev3A_1043 : vector<16xi32>
        %rev3A_1045 = tpu.dynamic_gather %masked_sort3A_1001[%rev3A_1044] in [0] : vector<16xi32>, vector<16xi32> -> vector<16xi32>
        %ge3A_1046 = arith.cmpf oge, %masked_sort3A_983, %rev3A_1040 : vector<16xf32>
        %select_n3A_1047 = arith.select %ge3A_1046, %masked_sort3A_983, %rev3A_1040 : vector<16xi1>, vector<16xf32>
        %select_n3A_1048 = arith.select %ge3A_1046, %masked_sort3A_984, %rev3A_1045 : vector<16xi1>, vector<16xi32>
        %masked_sort3A_1049 = arith.constant dense<true> : vector<16xi1>
        %masked_sort3A_1050, %masked_sort3A_1051, %masked_sort3A_1052 = tpu.sort %select_n3A_1047, %select_n3A_1048 masked %masked_sort3A_1049 {descending = true} : (vector<16xf32>, vector<16xi32>, vector<16xi1>) -> (vector<16xi1>, vector<16xf32>, vector<16xi32>)
        %rev3A_1053 = arith.constant 15 : i32
        %rev3A_1054 = vector.broadcast %rev3A_1053 : i32 to vector<16xi32>
        %rev3A_1055 = tpu.iota {dimensions = array<i32: 0>} : vector<16xi32>
        %rev3A_1056 = arith.subi %rev3A_1054, %rev3A_1055 : vector<16xi32>
        %rev3A_1057 = tpu.dynamic_gather %masked_sort3A_1034[%rev3A_1056] in [0] : vector<16xf32>, vector<16xi32> -> vector<16xf32>
        %rev3A_1058 = arith.constant 15 : i32
        %rev3A_1059 = vector.broadcast %rev3A_1058 : i32 to vector<16xi32>
        %rev3A_1060 = tpu.iota {dimensions = array<i32: 0>} : vector<16xi32>
        %rev3A_1061 = arith.subi %rev3A_1059, %rev3A_1060 : vector<16xi32>
        %rev3A_1062 = tpu.dynamic_gather %masked_sort3A_1035[%rev3A_1061] in [0] : vector<16xi32>, vector<16xi32> -> vector<16xi32>
        %ge3A_1063 = arith.cmpf oge, %masked_sort3A_1017, %rev3A_1057 : vector<16xf32>
        %select_n3A_1064 = arith.select %ge3A_1063, %masked_sort3A_1017, %rev3A_1057 : vector<16xi1>, vector<16xf32>
        %select_n3A_1065 = arith.select %ge3A_1063, %masked_sort3A_1018, %rev3A_1062 : vector<16xi1>, vector<16xi32>
        %masked_sort3A_1066 = arith.constant dense<true> : vector<16xi1>
        %masked_sort3A_1067, %masked_sort3A_1068, %masked_sort3A_1069 = tpu.sort %select_n3A_1064, %select_n3A_1065 masked %masked_sort3A_1066 {descending = true} : (vector<16xf32>, vector<16xi32>, vector<16xi1>) -> (vector<16xi1>, vector<16xf32>, vector<16xi32>)
        %rev3A_1070 = arith.constant 15 : i32
        %rev3A_1071 = vector.broadcast %rev3A_1070 : i32 to vector<16xi32>
        %rev3A_1072 = tpu.iota {dimensions = array<i32: 0>} : vector<16xi32>
        %rev3A_1073 = arith.subi %rev3A_1071, %rev3A_1072 : vector<16xi32>
        %rev3A_1074 = tpu.dynamic_gather %masked_sort3A_1068[%rev3A_1073] in [0] : vector<16xf32>, vector<16xi32> -> vector<16xf32>
        %rev3A_1075 = arith.constant 15 : i32
        %rev3A_1076 = vector.broadcast %rev3A_1075 : i32 to vector<16xi32>
        %rev3A_1077 = tpu.iota {dimensions = array<i32: 0>} : vector<16xi32>
        %rev3A_1078 = arith.subi %rev3A_1076, %rev3A_1077 : vector<16xi32>
        %rev3A_1079 = tpu.dynamic_gather %masked_sort3A_1069[%rev3A_1078] in [0] : vector<16xi32>, vector<16xi32> -> vector<16xi32>
        %ge3A_1080 = arith.cmpf oge, %masked_sort3A_1051, %rev3A_1074 : vector<16xf32>
        %select_n3A_1081 = arith.select %ge3A_1080, %masked_sort3A_1051, %rev3A_1074 : vector<16xi1>, vector<16xf32>
        %select_n3A_1082 = arith.select %ge3A_1080, %masked_sort3A_1052, %rev3A_1079 : vector<16xi1>, vector<16xi32>
        %masked_sort3A_1083 = arith.constant dense<true> : vector<16xi1>
        %masked_sort3A_1084, %masked_sort3A_1085, %masked_sort3A_1086 = tpu.sort %select_n3A_1081, %select_n3A_1082 masked %masked_sort3A_1083 {descending = true} : (vector<16xf32>, vector<16xi32>, vector<16xi1>) -> (vector<16xi1>, vector<16xf32>, vector<16xi32>)
        %rev3A_1087 = arith.constant 15 : i32
        %rev3A_1088 = vector.broadcast %rev3A_1087 : i32 to vector<16xi32>
        %rev3A_1089 = tpu.iota {dimensions = array<i32: 0>} : vector<16xi32>
        %rev3A_1090 = arith.subi %rev3A_1088, %rev3A_1089 : vector<16xi32>
        %rev3A_1091 = tpu.dynamic_gather %masked_sort3A_1085[%rev3A_1090] in [0] : vector<16xf32>, vector<16xi32> -> vector<16xf32>
        %rev3A_1092 = arith.constant 15 : i32
        %rev3A_1093 = vector.broadcast %rev3A_1092 : i32 to vector<16xi32>
        %rev3A_1094 = tpu.iota {dimensions = array<i32: 0>} : vector<16xi32>
        %rev3A_1095 = arith.subi %rev3A_1093, %rev3A_1094 : vector<16xi32>
        %rev3A_1096 = tpu.dynamic_gather %masked_sort3A_1086[%rev3A_1095] in [0] : vector<16xi32>, vector<16xi32> -> vector<16xi32>
        %ge3A_1097 = arith.cmpf oge, %scan3A_631, %rev3A_1091 : vector<16xf32>
        %select_n3A_1098 = arith.select %ge3A_1097, %scan3A_631, %rev3A_1091 : vector<16xi1>, vector<16xf32>
        %select_n3A_1099 = arith.select %ge3A_1097, %scan3A_632, %rev3A_1096 : vector<16xi1>, vector<16xi32>
        %masked_sort3A_1100 = arith.constant dense<true> : vector<16xi1>
        %masked_sort3A_1101, %masked_sort3A_1102, %masked_sort3A_1103 = tpu.sort %select_n3A_1098, %select_n3A_1099 masked %masked_sort3A_1100 {descending = true} : (vector<16xf32>, vector<16xi32>, vector<16xi1>) -> (vector<16xi1>, vector<16xf32>, vector<16xi32>)
        %jit3A_1104 = arith.constant 3.400000e+38 : f32
        %broadcast_in_dim3A_1105 = vector.broadcast %jit3A_1104 : f32 to vector<16xf32>
        %select_n3A_1106 = arith.select %lt3A_5, %masked_sort3A_1102, %broadcast_in_dim3A_1105 : vector<16xi1>, vector<16xf32>
        %reduce_min3A_1107 = arith.constant true
        %reduce_min3A_1108 = vector.broadcast %reduce_min3A_1107 : i1 to vector<16xi1>
        %reduce_min3A_1109 = tpu.scan <min>, %select_n3A_1106 masked %reduce_min3A_1108 : vector<16xf32>, vector<16xi1> -> vector<16xf32>
        %reduce_min3A_1110 = vector.extract %reduce_min3A_1109[15] : f32 from vector<16xf32>
        %max3A = arith.maximumf %scan3A_633, %reduce_min3A_1110 : f32
        scf.yield %masked_sort3A_1102, %masked_sort3A_1103, %max3A : vector<16xf32>, vector<16xi32>, f32
      } else {
        scf.yield %scan3A_631, %scan3A_632, %scan3A_633 : vector<16xf32>, vector<16xi32>, f32
      }
      scf.yield %cond3A_640#0, %cond3A_640#1, %cond3A_640#2 : vector<16xf32>, vector<16xi32>, f32
    }
    %scan3A_114 = arith.constant 128 : i32
    %add3A_115 = arith.constant 0 : i32
    %add3A_116 = arith.addi %mul3A_2, %add3A_115 : i32
    %add3A_117 = arith.constant 2 : i32
    %add3A_118 = arith.addi %add3A_116, %add3A_117 : i32
    %dma_start3A_119 = arith.constant 0 : i32
    %dma_start3A_120 = arith.constant 0 : i32
    %dma_start3A_121 = tpu.memref_slice %arg2[%add3A_118, %dma_start3A_120] : memref<128x32768xf32, #tpu.memory_space<hbm>> -> memref<1x32768xf32, #tpu.memory_space<hbm>>
    %dma_start3A_122 = tpu.memref_squeeze %dma_start3A_121 : memref<1x32768xf32, #tpu.memory_space<hbm>> -> memref<32768xf32, #tpu.memory_space<hbm>>
    %dma_start3A_123 = tpu.memref_slice %arg14[%dma_start3A_119] : memref<2x!tpu.dma_semaphore, #tpu.memory_space<semaphore_mem>> -> memref<1x!tpu.dma_semaphore, #tpu.memory_space<semaphore_mem>>
    %dma_start3A_124 = tpu.memref_squeeze %dma_start3A_123 : memref<1x!tpu.dma_semaphore, #tpu.memory_space<semaphore_mem>> -> memref<!tpu.dma_semaphore, #tpu.memory_space<semaphore_mem>>
    %dma_start3A_125 = arith.constant 0 : i32
    %dma_start3A_126 = tpu.memref_slice %arg2[%add3A_118, %dma_start3A_125] : memref<128x32768xf32, #tpu.memory_space<hbm>> -> memref<1x32768xf32, #tpu.memory_space<hbm>>
    %dma_start3A_127 = tpu.memref_squeeze %dma_start3A_126 : memref<1x32768xf32, #tpu.memory_space<hbm>> -> memref<32768xf32, #tpu.memory_space<hbm>>
    tpu.enqueue_dma source(%dma_start3A_127 : memref<32768xf32, #tpu.memory_space<hbm>>) target(%arg7 : memref<32768xf32, #tpu.memory_space<vmem>>) target_semaphore(%dma_start3A_124 : memref<!tpu.dma_semaphore, #tpu.memory_space<semaphore_mem>>)
    %reduce_sum3A = arith.constant true
    %reduce_sum3A_128 = vector.broadcast %reduce_sum3A : i1 to vector<16xi1>
    %reduce_sum3A_129 = tpu.scan <sum>, %parallel_loop3A_95#0 masked %reduce_sum3A_128 : vector<16xf32>, vector<16xi1> -> vector<16xf32>
    %reduce_sum3A_130 = vector.extract %reduce_sum3A_129[15] : f32 from vector<16xf32>
    %broadcast_in_dim3A_131 = arith.constant 0.000000e+00 : f32
    %broadcast_in_dim3A_132 = vector.broadcast %broadcast_in_dim3A_131 : f32 to vector<16xf32>
    %add3A_133 = vector.broadcast %reduce_sum3A_130 : f32 to vector<16xf32>
    %add3A_134 = arith.addf %broadcast_in_dim3A_132, %add3A_133 : vector<16xf32>
    %bitcast_convert_type3A = tpu.bitcast %add3A_134 : vector<16xf32> -> vector<16xi32>
    %convert_element_type3A = arith.sitofp %bitcast_convert_type3A : vector<16xi32> to vector<16xf32>
    %mul3A_135 = arith.constant 1.1920929E-7 : f32
    %mul3A_136 = vector.broadcast %mul3A_135 : f32 to vector<16xf32>
    %mul3A_137 = arith.mulf %convert_element_type3A, %mul3A_136 : vector<16xf32>
    %sub3A_138 = arith.constant 126.942696 : f32
    %sub3A_139 = vector.broadcast %sub3A_138 : f32 to vector<16xf32>
    %sub3A_140 = arith.subf %mul3A_137, %sub3A_139 : vector<16xf32>
    %mul3A_141 = arith.constant 0.693147182 : f32
    %mul3A_142 = vector.broadcast %mul3A_141 : f32 to vector<16xf32>
    %mul3A_143 = arith.mulf %sub3A_140, %mul3A_142 : vector<16xf32>
    %neg3A = arith.constant 0.000000e+00 : f32
    %neg3A_144 = vector.broadcast %neg3A : f32 to vector<16xf32>
    %neg3A_145 = arith.subf %neg3A_144, %mul3A_143 : vector<16xf32>
    %exp3A = math.exp %neg3A_145 : vector<16xf32>
    %mul3A_146 = arith.mulf %add3A_134, %exp3A : vector<16xf32>
    %add3A_147 = arith.addf %mul3A_143, %mul3A_146 : vector<16xf32>
    %sub3A_148 = arith.constant 1.000000e+00 : f32
    %sub3A_149 = vector.broadcast %sub3A_148 : f32 to vector<16xf32>
    %sub3A_150 = arith.subf %add3A_147, %sub3A_149 : vector<16xf32>
    %neg3A_151 = arith.constant 0.000000e+00 : f32
    %neg3A_152 = vector.broadcast %neg3A_151 : f32 to vector<16xf32>
    %neg3A_153 = arith.subf %neg3A_152, %sub3A_150 : vector<16xf32>
    %exp3A_154 = math.exp %neg3A_153 : vector<16xf32>
    %mul3A_155 = arith.mulf %add3A_134, %exp3A_154 : vector<16xf32>
    %add3A_156 = arith.addf %sub3A_150, %mul3A_155 : vector<16xf32>
    %sub3A_157 = arith.constant 1.000000e+00 : f32
    %sub3A_158 = vector.broadcast %sub3A_157 : f32 to vector<16xf32>
    %sub3A_159 = arith.subf %add3A_156, %sub3A_158 : vector<16xf32>
    %neg3A_160 = arith.constant 0.000000e+00 : f32
    %neg3A_161 = vector.broadcast %neg3A_160 : f32 to vector<16xf32>
    %neg3A_162 = arith.subf %neg3A_161, %sub3A_159 : vector<16xf32>
    %exp3A_163 = math.exp %neg3A_162 : vector<16xf32>
    %mul3A_164 = arith.mulf %add3A_134, %exp3A_163 : vector<16xf32>
    %add3A_165 = arith.addf %sub3A_159, %mul3A_164 : vector<16xf32>
    %sub3A_166 = arith.constant 1.000000e+00 : f32
    %sub3A_167 = vector.broadcast %sub3A_166 : f32 to vector<16xf32>
    %sub3A_168 = arith.subf %add3A_165, %sub3A_167 : vector<16xf32>
    %add3A_169 = vector.broadcast %reduce_max3A_88 : f32 to vector<16xf32>
    %add3A_170 = arith.addf %add3A_169, %scan3A_113#0 : vector<16xf32>
    %sub3A_171 = arith.subf %add3A_170, %sub3A_168 : vector<16xf32>
    %swap3A = arith.constant 0 : index
    %swap3A_172 = tpu.vector_load %arg11[%swap3A] masked %lt3A_5 {strides = array<i32>} : memref<48xf32, #tpu.memory_space<vmem>>, vector<16xf32>, vector<16xi1>
    tpu.vector_store %arg11[%swap3A], %sub3A_171 masked %lt3A_5 {strides = array<i32>} : memref<48xf32, #tpu.memory_space<vmem>>, vector<16xf32>, vector<16xi1>
    %swap3A_173 = arith.constant 0 : index
    %swap3A_174 = tpu.vector_load %arg12[%swap3A_173] masked %lt3A_5 {strides = array<i32>} : memref<48xi32, #tpu.memory_space<vmem>>, vector<16xi32>, vector<16xi1>
    tpu.vector_store %arg12[%swap3A_173], %scan3A_113#1 masked %lt3A_5 {strides = array<i32>} : memref<48xi32, #tpu.memory_space<vmem>>, vector<16xi32>, vector<16xi1>
    tpu.vector_store_idx %arg9[%scan3A_113#1], %sub3A_171 masked %lt3A_5 : memref<32768xf32, #tpu.memory_space<vmem>>[vector<16xi32>], vector<16xf32>, vector<16xi1>
    %dma_start3A_175 = arith.constant 0 : i32
    %dma_start3A_176 = tpu.memref_slice %arg4[%add3A_53, %dma_start3A_175] : memref<128x32768xf32, #tpu.memory_space<hbm>> -> memref<1x32768xf32, #tpu.memory_space<hbm>>
    %dma_start3A_177 = tpu.memref_squeeze %dma_start3A_176 : memref<1x32768xf32, #tpu.memory_space<hbm>> -> memref<32768xf32, #tpu.memory_space<hbm>>
    %dma_start3A_178 = arith.constant 0 : i32
    %dma_start3A_179 = tpu.memref_slice %arg4[%add3A_53, %dma_start3A_178] : memref<128x32768xf32, #tpu.memory_space<hbm>> -> memref<1x32768xf32, #tpu.memory_space<hbm>>
    %dma_start3A_180 = tpu.memref_squeeze %dma_start3A_179 : memref<1x32768xf32, #tpu.memory_space<hbm>> -> memref<32768xf32, #tpu.memory_space<hbm>>
    tpu.enqueue_dma source(%arg9 : memref<32768xf32, #tpu.memory_space<vmem>>) target(%dma_start3A_180 : memref<32768xf32, #tpu.memory_space<hbm>>) target_semaphore(%arg15 : memref<!tpu.dma_semaphore, #tpu.memory_space<semaphore_mem>>)
    %add3A_181 = arith.constant 1 : i32
    %add3A_182 = arith.addi %mul3A_2, %add3A_181 : i32
    %dma_wait3A_183 = arith.constant 1 : i32
    %dma_wait3A_184 = arith.constant 0 : i32
    %dma_wait3A_185 = tpu.memref_slice %arg2[%add3A_17, %dma_wait3A_184] : memref<128x32768xf32, #tpu.memory_space<hbm>> -> memref<1x32768xf32, #tpu.memory_space<hbm>>
    %dma_wait3A_186 = tpu.memref_squeeze %dma_wait3A_185 : memref<1x32768xf32, #tpu.memory_space<hbm>> -> memref<32768xf32, #tpu.memory_space<hbm>>
    %dma_wait3A_187 = tpu.memref_slice %arg14[%dma_wait3A_183] : memref<2x!tpu.dma_semaphore, #tpu.memory_space<semaphore_mem>> -> memref<1x!tpu.dma_semaphore, #tpu.memory_space<semaphore_mem>>
    %dma_wait3A_188 = tpu.memref_squeeze %dma_wait3A_187 : memref<1x!tpu.dma_semaphore, #tpu.memory_space<semaphore_mem>> -> memref<!tpu.dma_semaphore, #tpu.memory_space<semaphore_mem>>
    %dma_wait3A_189 = arith.constant 0 : i32
    %dma_wait3A_190 = tpu.memref_slice %arg2[%add3A_17, %dma_wait3A_189] : memref<128x32768xf32, #tpu.memory_space<hbm>> -> memref<1x32768xf32, #tpu.memory_space<hbm>>
    %dma_wait3A_191 = tpu.memref_squeeze %dma_wait3A_190 : memref<1x32768xf32, #tpu.memory_space<hbm>> -> memref<32768xf32, #tpu.memory_space<hbm>>
    tpu.wait_dma2 semaphore(%dma_wait3A_188 : memref<!tpu.dma_semaphore, #tpu.memory_space<semaphore_mem>>) src(%dma_wait3A_191 : memref<32768xf32, #tpu.memory_space<hbm>>) dst(%arg8 : memref<32768xf32, #tpu.memory_space<vmem>>)
    %jit3A_192 = arith.constant 4 : i32
    %eq3A_193 = arith.constant 0 : i32
    %eq3A_194 = arith.cmpi eq, %jit3A_192, %eq3A_193 : i32
    %jit3A_195 = arith.constant 1 : i32
    %select_n3A_196 = arith.select %eq3A_194, %jit3A_195, %jit3A_192 : i32
    %rem3A_197 = arith.remsi %add3A, %select_n3A_196 : i32
    %ne3A_198 = arith.constant 0 : i32
    %ne3A_199 = arith.cmpi ne, %rem3A_197, %ne3A_198 : i32
    %lt3A_200 = arith.constant 0 : i32
    %lt3A_201 = arith.cmpi slt, %rem3A_197, %lt3A_200 : i32
    %lt3A_202 = arith.constant 0 : i32
    %lt3A_203 = arith.cmpi slt, %select_n3A_196, %lt3A_202 : i32
    %ne3A_204 = arith.xori %lt3A_201, %lt3A_203 : i1
    %and3A_205 = arith.andi %ne3A_204, %ne3A_199 : i1
    %add3A_206 = arith.addi %rem3A_197, %select_n3A_196 : i32
    %select_n3A_207 = arith.select %and3A_205, %add3A_206, %rem3A_197 : i32
    %mul3A_208 = arith.constant 4 : i32
    %mul3A_209 = arith.muli %select_n3A_207, %mul3A_208 : i32
    %add3A_210 = arith.constant 1 : i32
    %add3A_211 = arith.addi %mul3A_209, %add3A_210 : i32
    %eq3A_212 = vector.broadcast %add3A_211 : i32 to vector<16xi32>
    %eq3A_213 = arith.cmpi eq, %iota3A, %eq3A_212 : vector<16xi32>
    %jit3A_214 = arith.constant -3.400000e+38 : f32
    %broadcast_in_dim3A_215 = vector.broadcast %jit3A_214 : f32 to vector<16xf32>
    %select_n3A_216 = arith.select %eq3A_213, %get3A_45, %broadcast_in_dim3A_215 : vector<16xi1>, vector<16xf32>
    %reduce_max3A_217 = arith.constant true
    %reduce_max3A_218 = vector.broadcast %reduce_max3A_217 : i1 to vector<16xi1>
    %reduce_max3A_219 = tpu.scan <max>, %select_n3A_216 masked %reduce_max3A_218 : vector<16xf32>, vector<16xi1> -> vector<16xf32>
    %reduce_max3A_220 = vector.extract %reduce_max3A_219[15] : f32 from vector<16xf32>
    %broadcast_in_dim3A_221 = arith.constant 0.000000e+00 : f32
    %broadcast_in_dim3A_222 = vector.broadcast %broadcast_in_dim3A_221 : f32 to vector<16xf32>
    %broadcast_in_dim3A_223 = arith.constant -3.400000e+38 : f32
    %broadcast_in_dim3A_224 = vector.broadcast %broadcast_in_dim3A_223 : f32 to vector<16xf32>
    %parallel_loop3A_225 = arith.constant 0 : i32
    %parallel_loop3A_226 = arith.constant 128 : i32
    %parallel_loop3A_227 = arith.constant 1 : i32
    %parallel_loop3A_228:2 = scf.for %parallel_loop3A_630 = %parallel_loop3A_225 to %parallel_loop3A_226 step %parallel_loop3A_227 iter_args(%parallel_loop3A_631 = %broadcast_in_dim3A_222, %parallel_loop3A_632 = %broadcast_in_dim3A_224) -> (vector<16xf32>, vector<16xf32>)  : i32 {
      %parallel_loop3A_633 = arith.constant 256 : i32
      %parallel_loop3A_634 = arith.muli %parallel_loop3A_630, %parallel_loop3A_633 : i32
      %parallel_loop3A_635 = arith.constant 0 : i32
      %parallel_loop3A_636 = arith.addi %parallel_loop3A_634, %parallel_loop3A_635 : i32
      %parallel_loop3A_637 = arith.index_cast %parallel_loop3A_636 : i32 to index
      %parallel_loop3A_638 = tpu.vector_load %arg8[%parallel_loop3A_637] {strides = array<i32>} : memref<32768xf32, #tpu.memory_space<vmem>>, vector<16xf32>,
      %parallel_loop3A_639 = arith.constant 16 : i32
      %parallel_loop3A_640 = arith.addi %parallel_loop3A_634, %parallel_loop3A_639 : i32
      %parallel_loop3A_641 = arith.index_cast %parallel_loop3A_640 : i32 to index
      %parallel_loop3A_642 = tpu.vector_load %arg8[%parallel_loop3A_641] {strides = array<i32>} : memref<32768xf32, #tpu.memory_space<vmem>>, vector<16xf32>,
      %parallel_loop3A_643 = arith.constant 32 : i32
      %parallel_loop3A_644 = arith.addi %parallel_loop3A_634, %parallel_loop3A_643 : i32
      %parallel_loop3A_645 = arith.index_cast %parallel_loop3A_644 : i32 to index
      %parallel_loop3A_646 = tpu.vector_load %arg8[%parallel_loop3A_645] {strides = array<i32>} : memref<32768xf32, #tpu.memory_space<vmem>>, vector<16xf32>,
      %parallel_loop3A_647 = arith.constant 48 : i32
      %parallel_loop3A_648 = arith.addi %parallel_loop3A_634, %parallel_loop3A_647 : i32
      %parallel_loop3A_649 = arith.index_cast %parallel_loop3A_648 : i32 to index
      %parallel_loop3A_650 = tpu.vector_load %arg8[%parallel_loop3A_649] {strides = array<i32>} : memref<32768xf32, #tpu.memory_space<vmem>>, vector<16xf32>,
      %parallel_loop3A_651 = arith.constant 64 : i32
      %parallel_loop3A_652 = arith.addi %parallel_loop3A_634, %parallel_loop3A_651 : i32
      %parallel_loop3A_653 = arith.index_cast %parallel_loop3A_652 : i32 to index
      %parallel_loop3A_654 = tpu.vector_load %arg8[%parallel_loop3A_653] {strides = array<i32>} : memref<32768xf32, #tpu.memory_space<vmem>>, vector<16xf32>,
      %parallel_loop3A_655 = arith.constant 80 : i32
      %parallel_loop3A_656 = arith.addi %parallel_loop3A_634, %parallel_loop3A_655 : i32
      %parallel_loop3A_657 = arith.index_cast %parallel_loop3A_656 : i32 to index
      %parallel_loop3A_658 = tpu.vector_load %arg8[%parallel_loop3A_657] {strides = array<i32>} : memref<32768xf32, #tpu.memory_space<vmem>>, vector<16xf32>,
      %parallel_loop3A_659 = arith.constant 96 : i32
      %parallel_loop3A_660 = arith.addi %parallel_loop3A_634, %parallel_loop3A_659 : i32
      %parallel_loop3A_661 = arith.index_cast %parallel_loop3A_660 : i32 to index
      %parallel_loop3A_662 = tpu.vector_load %arg8[%parallel_loop3A_661] {strides = array<i32>} : memref<32768xf32, #tpu.memory_space<vmem>>, vector<16xf32>,
      %parallel_loop3A_663 = arith.constant 112 : i32
      %parallel_loop3A_664 = arith.addi %parallel_loop3A_634, %parallel_loop3A_663 : i32
      %parallel_loop3A_665 = arith.index_cast %parallel_loop3A_664 : i32 to index
      %parallel_loop3A_666 = tpu.vector_load %arg8[%parallel_loop3A_665] {strides = array<i32>} : memref<32768xf32, #tpu.memory_space<vmem>>, vector<16xf32>,
      %parallel_loop3A_667 = arith.constant 128 : i32
      %parallel_loop3A_668 = arith.addi %parallel_loop3A_634, %parallel_loop3A_667 : i32
      %parallel_loop3A_669 = arith.index_cast %parallel_loop3A_668 : i32 to index
      %parallel_loop3A_670 = tpu.vector_load %arg8[%parallel_loop3A_669] {strides = array<i32>} : memref<32768xf32, #tpu.memory_space<vmem>>, vector<16xf32>,
      %parallel_loop3A_671 = arith.constant 144 : i32
      %parallel_loop3A_672 = arith.addi %parallel_loop3A_634, %parallel_loop3A_671 : i32
      %parallel_loop3A_673 = arith.index_cast %parallel_loop3A_672 : i32 to index
      %parallel_loop3A_674 = tpu.vector_load %arg8[%parallel_loop3A_673] {strides = array<i32>} : memref<32768xf32, #tpu.memory_space<vmem>>, vector<16xf32>,
      %parallel_loop3A_675 = arith.constant 160 : i32
      %parallel_loop3A_676 = arith.addi %parallel_loop3A_634, %parallel_loop3A_675 : i32
      %parallel_loop3A_677 = arith.index_cast %parallel_loop3A_676 : i32 to index
      %parallel_loop3A_678 = tpu.vector_load %arg8[%parallel_loop3A_677] {strides = array<i32>} : memref<32768xf32, #tpu.memory_space<vmem>>, vector<16xf32>,
      %parallel_loop3A_679 = arith.constant 176 : i32
      %parallel_loop3A_680 = arith.addi %parallel_loop3A_634, %parallel_loop3A_679 : i32
      %parallel_loop3A_681 = arith.index_cast %parallel_loop3A_680 : i32 to index
      %parallel_loop3A_682 = tpu.vector_load %arg8[%parallel_loop3A_681] {strides = array<i32>} : memref<32768xf32, #tpu.memory_space<vmem>>, vector<16xf32>,
      %parallel_loop3A_683 = arith.constant 192 : i32
      %parallel_loop3A_684 = arith.addi %parallel_loop3A_634, %parallel_loop3A_683 : i32
      %parallel_loop3A_685 = arith.index_cast %parallel_loop3A_684 : i32 to index
      %parallel_loop3A_686 = tpu.vector_load %arg8[%parallel_loop3A_685] {strides = array<i32>} : memref<32768xf32, #tpu.memory_space<vmem>>, vector<16xf32>,
      %parallel_loop3A_687 = arith.constant 208 : i32
      %parallel_loop3A_688 = arith.addi %parallel_loop3A_634, %parallel_loop3A_687 : i32
      %parallel_loop3A_689 = arith.index_cast %parallel_loop3A_688 : i32 to index
      %parallel_loop3A_690 = tpu.vector_load %arg8[%parallel_loop3A_689] {strides = array<i32>} : memref<32768xf32, #tpu.memory_space<vmem>>, vector<16xf32>,
      %parallel_loop3A_691 = arith.constant 224 : i32
      %parallel_loop3A_692 = arith.addi %parallel_loop3A_634, %parallel_loop3A_691 : i32
      %parallel_loop3A_693 = arith.index_cast %parallel_loop3A_692 : i32 to index
      %parallel_loop3A_694 = tpu.vector_load %arg8[%parallel_loop3A_693] {strides = array<i32>} : memref<32768xf32, #tpu.memory_space<vmem>>, vector<16xf32>,
      %parallel_loop3A_695 = arith.constant 240 : i32
      %parallel_loop3A_696 = arith.addi %parallel_loop3A_634, %parallel_loop3A_695 : i32
      %parallel_loop3A_697 = arith.index_cast %parallel_loop3A_696 : i32 to index
      %parallel_loop3A_698 = tpu.vector_load %arg8[%parallel_loop3A_697] {strides = array<i32>} : memref<32768xf32, #tpu.memory_space<vmem>>, vector<16xf32>,
      %parallel_loop3A_699 = math.exp %parallel_loop3A_638 : vector<16xf32>
      %parallel_loop3A_700 = math.exp %parallel_loop3A_642 : vector<16xf32>
      %parallel_loop3A_701 = math.exp %parallel_loop3A_646 : vector<16xf32>
      %parallel_loop3A_702 = math.exp %parallel_loop3A_650 : vector<16xf32>
      %parallel_loop3A_703 = math.exp %parallel_loop3A_654 : vector<16xf32>
      %parallel_loop3A_704 = math.exp %parallel_loop3A_658 : vector<16xf32>
      %parallel_loop3A_705 = math.exp %parallel_loop3A_662 : vector<16xf32>
      %parallel_loop3A_706 = math.exp %parallel_loop3A_666 : vector<16xf32>
      %parallel_loop3A_707 = math.exp %parallel_loop3A_670 : vector<16xf32>
      %parallel_loop3A_708 = math.exp %parallel_loop3A_674 : vector<16xf32>
      %parallel_loop3A_709 = math.exp %parallel_loop3A_678 : vector<16xf32>
      %parallel_loop3A_710 = math.exp %parallel_loop3A_682 : vector<16xf32>
      %parallel_loop3A_711 = math.exp %parallel_loop3A_686 : vector<16xf32>
      %parallel_loop3A_712 = math.exp %parallel_loop3A_690 : vector<16xf32>
      %parallel_loop3A_713 = math.exp %parallel_loop3A_694 : vector<16xf32>
      %parallel_loop3A_714 = math.exp %parallel_loop3A_698 : vector<16xf32>
      %parallel_loop3A_715 = arith.addf %parallel_loop3A_699, %parallel_loop3A_700 : vector<16xf32>
      %parallel_loop3A_716 = arith.addf %parallel_loop3A_701, %parallel_loop3A_702 : vector<16xf32>
      %parallel_loop3A_717 = arith.addf %parallel_loop3A_703, %parallel_loop3A_704 : vector<16xf32>
      %parallel_loop3A_718 = arith.addf %parallel_loop3A_705, %parallel_loop3A_706 : vector<16xf32>
      %parallel_loop3A_719 = arith.addf %parallel_loop3A_707, %parallel_loop3A_708 : vector<16xf32>
      %parallel_loop3A_720 = arith.addf %parallel_loop3A_709, %parallel_loop3A_710 : vector<16xf32>
      %parallel_loop3A_721 = arith.addf %parallel_loop3A_711, %parallel_loop3A_712 : vector<16xf32>
      %parallel_loop3A_722 = arith.addf %parallel_loop3A_713, %parallel_loop3A_714 : vector<16xf32>
      %parallel_loop3A_723 = arith.addf %parallel_loop3A_715, %parallel_loop3A_716 : vector<16xf32>
      %parallel_loop3A_724 = arith.addf %parallel_loop3A_717, %parallel_loop3A_718 : vector<16xf32>
      %parallel_loop3A_725 = arith.addf %parallel_loop3A_719, %parallel_loop3A_720 : vector<16xf32>
      %parallel_loop3A_726 = arith.addf %parallel_loop3A_721, %parallel_loop3A_722 : vector<16xf32>
      %parallel_loop3A_727 = arith.addf %parallel_loop3A_723, %parallel_loop3A_724 : vector<16xf32>
      %parallel_loop3A_728 = arith.addf %parallel_loop3A_725, %parallel_loop3A_726 : vector<16xf32>
      %parallel_loop3A_729 = arith.addf %parallel_loop3A_727, %parallel_loop3A_728 : vector<16xf32>
      %parallel_loop3A_730 = arith.addf %parallel_loop3A_631, %parallel_loop3A_729 : vector<16xf32>
      %parallel_loop3A_731 = arith.maximumf %parallel_loop3A_638, %parallel_loop3A_642 : vector<16xf32>
      %parallel_loop3A_732 = arith.maximumf %parallel_loop3A_646, %parallel_loop3A_650 : vector<16xf32>
      %parallel_loop3A_733 = arith.maximumf %parallel_loop3A_654, %parallel_loop3A_658 : vector<16xf32>
      %parallel_loop3A_734 = arith.maximumf %parallel_loop3A_662, %parallel_loop3A_666 : vector<16xf32>
      %parallel_loop3A_735 = arith.maximumf %parallel_loop3A_670, %parallel_loop3A_674 : vector<16xf32>
      %parallel_loop3A_736 = arith.maximumf %parallel_loop3A_678, %parallel_loop3A_682 : vector<16xf32>
      %parallel_loop3A_737 = arith.maximumf %parallel_loop3A_686, %parallel_loop3A_690 : vector<16xf32>
      %parallel_loop3A_738 = arith.maximumf %parallel_loop3A_694, %parallel_loop3A_698 : vector<16xf32>
      %parallel_loop3A_739 = arith.maximumf %parallel_loop3A_731, %parallel_loop3A_732 : vector<16xf32>
      %parallel_loop3A_740 = arith.maximumf %parallel_loop3A_733, %parallel_loop3A_734 : vector<16xf32>
      %parallel_loop3A_741 = arith.maximumf %parallel_loop3A_735, %parallel_loop3A_736 : vector<16xf32>
      %parallel_loop3A_742 = arith.maximumf %parallel_loop3A_737, %parallel_loop3A_738 : vector<16xf32>
      %parallel_loop3A_743 = arith.maximumf %parallel_loop3A_739, %parallel_loop3A_740 : vector<16xf32>
      %parallel_loop3A_744 = arith.maximumf %parallel_loop3A_741, %parallel_loop3A_742 : vector<16xf32>
      %parallel_loop3A_745 = arith.maximumf %parallel_loop3A_743, %parallel_loop3A_744 : vector<16xf32>
      %parallel_loop3A_746 = arith.maximumf %parallel_loop3A_632, %parallel_loop3A_745 : vector<16xf32>
      %parallel_loop3A_747 = arith.constant true
      %parallel_loop3A_748 = vector.broadcast %parallel_loop3A_747 : i1 to vector<16xi1>
      %parallel_loop3A_749 = tpu.scan <max>, %parallel_loop3A_745 masked %parallel_loop3A_748 : vector<16xf32>, vector<16xi1> -> vector<16xf32>
      %parallel_loop3A_750 = vector.extract %parallel_loop3A_749[15] : f32 from vector<16xf32>
      %parallel_loop3A_751 = arith.index_cast %parallel_loop3A_630 : i32 to index
      %parallel_loop3A_752 = memref.load %arg13[%parallel_loop3A_751] : memref<128xf32, #tpu.memory_space<smem>>
      memref.store %parallel_loop3A_750, %arg13[%parallel_loop3A_751] : memref<128xf32, #tpu.memory_space<smem>>
      scf.yield %parallel_loop3A_730, %parallel_loop3A_746 : vector<16xf32>, vector<16xf32>
    } {sc.loop_unroll_factor = 1 : i64, sc.parallel_access}
    %masked_sort3A_229 = arith.constant dense<true> : vector<16xi1>
    %masked_sort3A_230, %masked_sort3A_231, %masked_sort3A_232 = tpu.sort %parallel_loop3A_228#1, %iota3A masked %masked_sort3A_229 {descending = true} : (vector<16xf32>, vector<16xi32>, vector<16xi1>) -> (vector<16xi1>, vector<16xf32>, vector<16xi32>)
    %jit3A_233 = arith.constant 3.400000e+38 : f32
    %broadcast_in_dim3A_234 = vector.broadcast %jit3A_233 : f32 to vector<16xf32>
    %select_n3A_235 = arith.select %lt3A_5, %masked_sort3A_231, %broadcast_in_dim3A_234 : vector<16xi1>, vector<16xf32>
    %reduce_min3A_236 = arith.constant true
    %reduce_min3A_237 = vector.broadcast %reduce_min3A_236 : i1 to vector<16xi1>
    %reduce_min3A_238 = tpu.scan <min>, %select_n3A_235 masked %reduce_min3A_237 : vector<16xf32>, vector<16xi1> -> vector<16xf32>
    %reduce_min3A_239 = vector.extract %reduce_min3A_238[15] : f32 from vector<16xf32>
    %broadcast_in_dim3A_240 = arith.constant -3.400000e+38 : f32
    %broadcast_in_dim3A_241 = vector.broadcast %broadcast_in_dim3A_240 : f32 to vector<16xf32>
    %broadcast_in_dim3A_242 = arith.constant 0 : i32
    %broadcast_in_dim3A_243 = vector.broadcast %broadcast_in_dim3A_242 : i32 to vector<16xi32>
    %scan3A_244 = arith.constant 0 : i32
    %scan3A_245 = arith.constant 128 : i32
    %scan3A_246 = arith.addi %scan3A_244, %scan3A_245 : i32
    %scan3A_247 = arith.constant 1 : i32
    %scan3A_248:3 = scf.for %scan3A_630 = %scan3A_244 to %scan3A_246 step %scan3A_247 iter_args(%scan3A_631 = %broadcast_in_dim3A_241, %scan3A_632 = %broadcast_in_dim3A_243, %scan3A_633 = %reduce_min3A_239) -> (vector<16xf32>, vector<16xi32>, f32)  : i32 {
      %get3A_634 = arith.index_cast %scan3A_630 : i32 to index
      %get3A_635 = memref.load %arg13[%get3A_634] : memref<128xf32, #tpu.memory_space<smem>>
      %ge3A = arith.cmpf oge, %get3A_635, %scan3A_633 : f32
      %mul3A_636 = arith.constant 256 : i32
      %mul3A_637 = arith.muli %scan3A_630, %mul3A_636 : i32
      %convert_element_type3A_638 = arith.extui %ge3A : i1 to i32
      %cond3A = arith.constant 0 : i32
      %cond3A_639 = arith.cmpi ne, %convert_element_type3A_638, %cond3A : i32
      %cond3A_640:3 = scf.if %cond3A_639 -> (vector<16xf32>, vector<16xi32>, f32) {
        %add3A_641 = arith.constant 0 : i32
        %add3A_642 = arith.addi %mul3A_637, %add3A_641 : i32
        %get3A_643 = arith.index_cast %add3A_642 : i32 to index
        %get3A_644 = tpu.vector_load %arg8[%get3A_643] {strides = array<i32>} : memref<32768xf32, #tpu.memory_space<vmem>>, vector<16xf32>,
        %add3A_645 = arith.constant 0 : i32
        %add3A_646 = arith.addi %mul3A_637, %add3A_645 : i32
        %add3A_647 = vector.broadcast %add3A_646 : i32 to vector<16xi32>
        %add3A_648 = arith.addi %add3A_647, %iota3A : vector<16xi32>
        %masked_sort3A_649 = arith.constant dense<true> : vector<16xi1>
        %masked_sort3A_650, %masked_sort3A_651, %masked_sort3A_652 = tpu.sort %get3A_644, %add3A_648 masked %masked_sort3A_649 {descending = true} : (vector<16xf32>, vector<16xi32>, vector<16xi1>) -> (vector<16xi1>, vector<16xf32>, vector<16xi32>)
        %add3A_653 = arith.constant 16 : i32
        %add3A_654 = arith.addi %mul3A_637, %add3A_653 : i32
        %get3A_655 = arith.index_cast %add3A_654 : i32 to index
        %get3A_656 = tpu.vector_load %arg8[%get3A_655] {strides = array<i32>} : memref<32768xf32, #tpu.memory_space<vmem>>, vector<16xf32>,
        %add3A_657 = arith.constant 16 : i32
        %add3A_658 = arith.addi %mul3A_637, %add3A_657 : i32
        %add3A_659 = vector.broadcast %add3A_658 : i32 to vector<16xi32>
        %add3A_660 = arith.addi %add3A_659, %iota3A : vector<16xi32>
        %masked_sort3A_661 = arith.constant dense<true> : vector<16xi1>
        %masked_sort3A_662, %masked_sort3A_663, %masked_sort3A_664 = tpu.sort %get3A_656, %add3A_660 masked %masked_sort3A_661 {descending = true} : (vector<16xf32>, vector<16xi32>, vector<16xi1>) -> (vector<16xi1>, vector<16xf32>, vector<16xi32>)
        %add3A_665 = arith.constant 32 : i32
        %add3A_666 = arith.addi %mul3A_637, %add3A_665 : i32
        %get3A_667 = arith.index_cast %add3A_666 : i32 to index
        %get3A_668 = tpu.vector_load %arg8[%get3A_667] {strides = array<i32>} : memref<32768xf32, #tpu.memory_space<vmem>>, vector<16xf32>,
        %add3A_669 = arith.constant 32 : i32
        %add3A_670 = arith.addi %mul3A_637, %add3A_669 : i32
        %add3A_671 = vector.broadcast %add3A_670 : i32 to vector<16xi32>
        %add3A_672 = arith.addi %add3A_671, %iota3A : vector<16xi32>
        %masked_sort3A_673 = arith.constant dense<true> : vector<16xi1>
        %masked_sort3A_674, %masked_sort3A_675, %masked_sort3A_676 = tpu.sort %get3A_668, %add3A_672 masked %masked_sort3A_673 {descending = true} : (vector<16xf32>, vector<16xi32>, vector<16xi1>) -> (vector<16xi1>, vector<16xf32>, vector<16xi32>)
        %add3A_677 = arith.constant 48 : i32
        %add3A_678 = arith.addi %mul3A_637, %add3A_677 : i32
        %get3A_679 = arith.index_cast %add3A_678 : i32 to index
        %get3A_680 = tpu.vector_load %arg8[%get3A_679] {strides = array<i32>} : memref<32768xf32, #tpu.memory_space<vmem>>, vector<16xf32>,
        %add3A_681 = arith.constant 48 : i32
        %add3A_682 = arith.addi %mul3A_637, %add3A_681 : i32
        %add3A_683 = vector.broadcast %add3A_682 : i32 to vector<16xi32>
        %add3A_684 = arith.addi %add3A_683, %iota3A : vector<16xi32>
        %masked_sort3A_685 = arith.constant dense<true> : vector<16xi1>
        %masked_sort3A_686, %masked_sort3A_687, %masked_sort3A_688 = tpu.sort %get3A_680, %add3A_684 masked %masked_sort3A_685 {descending = true} : (vector<16xf32>, vector<16xi32>, vector<16xi1>) -> (vector<16xi1>, vector<16xf32>, vector<16xi32>)
        %add3A_689 = arith.constant 64 : i32
        %add3A_690 = arith.addi %mul3A_637, %add3A_689 : i32
        %get3A_691 = arith.index_cast %add3A_690 : i32 to index
        %get3A_692 = tpu.vector_load %arg8[%get3A_691] {strides = array<i32>} : memref<32768xf32, #tpu.memory_space<vmem>>, vector<16xf32>,
        %add3A_693 = arith.constant 64 : i32
        %add3A_694 = arith.addi %mul3A_637, %add3A_693 : i32
        %add3A_695 = vector.broadcast %add3A_694 : i32 to vector<16xi32>
        %add3A_696 = arith.addi %add3A_695, %iota3A : vector<16xi32>
        %masked_sort3A_697 = arith.constant dense<true> : vector<16xi1>
        %masked_sort3A_698, %masked_sort3A_699, %masked_sort3A_700 = tpu.sort %get3A_692, %add3A_696 masked %masked_sort3A_697 {descending = true} : (vector<16xf32>, vector<16xi32>, vector<16xi1>) -> (vector<16xi1>, vector<16xf32>, vector<16xi32>)
        %add3A_701 = arith.constant 80 : i32
        %add3A_702 = arith.addi %mul3A_637, %add3A_701 : i32
        %get3A_703 = arith.index_cast %add3A_702 : i32 to index
        %get3A_704 = tpu.vector_load %arg8[%get3A_703] {strides = array<i32>} : memref<32768xf32, #tpu.memory_space<vmem>>, vector<16xf32>,
        %add3A_705 = arith.constant 80 : i32
        %add3A_706 = arith.addi %mul3A_637, %add3A_705 : i32
        %add3A_707 = vector.broadcast %add3A_706 : i32 to vector<16xi32>
        %add3A_708 = arith.addi %add3A_707, %iota3A : vector<16xi32>
        %masked_sort3A_709 = arith.constant dense<true> : vector<16xi1>
        %masked_sort3A_710, %masked_sort3A_711, %masked_sort3A_712 = tpu.sort %get3A_704, %add3A_708 masked %masked_sort3A_709 {descending = true} : (vector<16xf32>, vector<16xi32>, vector<16xi1>) -> (vector<16xi1>, vector<16xf32>, vector<16xi32>)
        %add3A_713 = arith.constant 96 : i32
        %add3A_714 = arith.addi %mul3A_637, %add3A_713 : i32
        %get3A_715 = arith.index_cast %add3A_714 : i32 to index
        %get3A_716 = tpu.vector_load %arg8[%get3A_715] {strides = array<i32>} : memref<32768xf32, #tpu.memory_space<vmem>>, vector<16xf32>,
        %add3A_717 = arith.constant 96 : i32
        %add3A_718 = arith.addi %mul3A_637, %add3A_717 : i32
        %add3A_719 = vector.broadcast %add3A_718 : i32 to vector<16xi32>
        %add3A_720 = arith.addi %add3A_719, %iota3A : vector<16xi32>
        %masked_sort3A_721 = arith.constant dense<true> : vector<16xi1>
        %masked_sort3A_722, %masked_sort3A_723, %masked_sort3A_724 = tpu.sort %get3A_716, %add3A_720 masked %masked_sort3A_721 {descending = true} : (vector<16xf32>, vector<16xi32>, vector<16xi1>) -> (vector<16xi1>, vector<16xf32>, vector<16xi32>)
        %add3A_725 = arith.constant 112 : i32
        %add3A_726 = arith.addi %mul3A_637, %add3A_725 : i32
        %get3A_727 = arith.index_cast %add3A_726 : i32 to index
        %get3A_728 = tpu.vector_load %arg8[%get3A_727] {strides = array<i32>} : memref<32768xf32, #tpu.memory_space<vmem>>, vector<16xf32>,
        %add3A_729 = arith.constant 112 : i32
        %add3A_730 = arith.addi %mul3A_637, %add3A_729 : i32
        %add3A_731 = vector.broadcast %add3A_730 : i32 to vector<16xi32>
        %add3A_732 = arith.addi %add3A_731, %iota3A : vector<16xi32>
        %masked_sort3A_733 = arith.constant dense<true> : vector<16xi1>
        %masked_sort3A_734, %masked_sort3A_735, %masked_sort3A_736 = tpu.sort %get3A_728, %add3A_732 masked %masked_sort3A_733 {descending = true} : (vector<16xf32>, vector<16xi32>, vector<16xi1>) -> (vector<16xi1>, vector<16xf32>, vector<16xi32>)
        %add3A_737 = arith.constant 128 : i32
        %add3A_738 = arith.addi %mul3A_637, %add3A_737 : i32
        %get3A_739 = arith.index_cast %add3A_738 : i32 to index
        %get3A_740 = tpu.vector_load %arg8[%get3A_739] {strides = array<i32>} : memref<32768xf32, #tpu.memory_space<vmem>>, vector<16xf32>,
        %add3A_741 = arith.constant 128 : i32
        %add3A_742 = arith.addi %mul3A_637, %add3A_741 : i32
        %add3A_743 = vector.broadcast %add3A_742 : i32 to vector<16xi32>
        %add3A_744 = arith.addi %add3A_743, %iota3A : vector<16xi32>
        %masked_sort3A_745 = arith.constant dense<true> : vector<16xi1>
        %masked_sort3A_746, %masked_sort3A_747, %masked_sort3A_748 = tpu.sort %get3A_740, %add3A_744 masked %masked_sort3A_745 {descending = true} : (vector<16xf32>, vector<16xi32>, vector<16xi1>) -> (vector<16xi1>, vector<16xf32>, vector<16xi32>)
        %add3A_749 = arith.constant 144 : i32
        %add3A_750 = arith.addi %mul3A_637, %add3A_749 : i32
        %get3A_751 = arith.index_cast %add3A_750 : i32 to index
        %get3A_752 = tpu.vector_load %arg8[%get3A_751] {strides = array<i32>} : memref<32768xf32, #tpu.memory_space<vmem>>, vector<16xf32>,
        %add3A_753 = arith.constant 144 : i32
        %add3A_754 = arith.addi %mul3A_637, %add3A_753 : i32
        %add3A_755 = vector.broadcast %add3A_754 : i32 to vector<16xi32>
        %add3A_756 = arith.addi %add3A_755, %iota3A : vector<16xi32>
        %masked_sort3A_757 = arith.constant dense<true> : vector<16xi1>
        %masked_sort3A_758, %masked_sort3A_759, %masked_sort3A_760 = tpu.sort %get3A_752, %add3A_756 masked %masked_sort3A_757 {descending = true} : (vector<16xf32>, vector<16xi32>, vector<16xi1>) -> (vector<16xi1>, vector<16xf32>, vector<16xi32>)
        %add3A_761 = arith.constant 160 : i32
        %add3A_762 = arith.addi %mul3A_637, %add3A_761 : i32
        %get3A_763 = arith.index_cast %add3A_762 : i32 to index
        %get3A_764 = tpu.vector_load %arg8[%get3A_763] {strides = array<i32>} : memref<32768xf32, #tpu.memory_space<vmem>>, vector<16xf32>,
        %add3A_765 = arith.constant 160 : i32
        %add3A_766 = arith.addi %mul3A_637, %add3A_765 : i32
        %add3A_767 = vector.broadcast %add3A_766 : i32 to vector<16xi32>
        %add3A_768 = arith.addi %add3A_767, %iota3A : vector<16xi32>
        %masked_sort3A_769 = arith.constant dense<true> : vector<16xi1>
        %masked_sort3A_770, %masked_sort3A_771, %masked_sort3A_772 = tpu.sort %get3A_764, %add3A_768 masked %masked_sort3A_769 {descending = true} : (vector<16xf32>, vector<16xi32>, vector<16xi1>) -> (vector<16xi1>, vector<16xf32>, vector<16xi32>)
        %add3A_773 = arith.constant 176 : i32
        %add3A_774 = arith.addi %mul3A_637, %add3A_773 : i32
        %get3A_775 = arith.index_cast %add3A_774 : i32 to index
        %get3A_776 = tpu.vector_load %arg8[%get3A_775] {strides = array<i32>} : memref<32768xf32, #tpu.memory_space<vmem>>, vector<16xf32>,
        %add3A_777 = arith.constant 176 : i32
        %add3A_778 = arith.addi %mul3A_637, %add3A_777 : i32
        %add3A_779 = vector.broadcast %add3A_778 : i32 to vector<16xi32>
        %add3A_780 = arith.addi %add3A_779, %iota3A : vector<16xi32>
        %masked_sort3A_781 = arith.constant dense<true> : vector<16xi1>
        %masked_sort3A_782, %masked_sort3A_783, %masked_sort3A_784 = tpu.sort %get3A_776, %add3A_780 masked %masked_sort3A_781 {descending = true} : (vector<16xf32>, vector<16xi32>, vector<16xi1>) -> (vector<16xi1>, vector<16xf32>, vector<16xi32>)
        %add3A_785 = arith.constant 192 : i32
        %add3A_786 = arith.addi %mul3A_637, %add3A_785 : i32
        %get3A_787 = arith.index_cast %add3A_786 : i32 to index
        %get3A_788 = tpu.vector_load %arg8[%get3A_787] {strides = array<i32>} : memref<32768xf32, #tpu.memory_space<vmem>>, vector<16xf32>,
        %add3A_789 = arith.constant 192 : i32
        %add3A_790 = arith.addi %mul3A_637, %add3A_789 : i32
        %add3A_791 = vector.broadcast %add3A_790 : i32 to vector<16xi32>
        %add3A_792 = arith.addi %add3A_791, %iota3A : vector<16xi32>
        %masked_sort3A_793 = arith.constant dense<true> : vector<16xi1>
        %masked_sort3A_794, %masked_sort3A_795, %masked_sort3A_796 = tpu.sort %get3A_788, %add3A_792 masked %masked_sort3A_793 {descending = true} : (vector<16xf32>, vector<16xi32>, vector<16xi1>) -> (vector<16xi1>, vector<16xf32>, vector<16xi32>)
        %add3A_797 = arith.constant 208 : i32
        %add3A_798 = arith.addi %mul3A_637, %add3A_797 : i32
        %get3A_799 = arith.index_cast %add3A_798 : i32 to index
        %get3A_800 = tpu.vector_load %arg8[%get3A_799] {strides = array<i32>} : memref<32768xf32, #tpu.memory_space<vmem>>, vector<16xf32>,
        %add3A_801 = arith.constant 208 : i32
        %add3A_802 = arith.addi %mul3A_637, %add3A_801 : i32
        %add3A_803 = vector.broadcast %add3A_802 : i32 to vector<16xi32>
        %add3A_804 = arith.addi %add3A_803, %iota3A : vector<16xi32>
        %masked_sort3A_805 = arith.constant dense<true> : vector<16xi1>
        %masked_sort3A_806, %masked_sort3A_807, %masked_sort3A_808 = tpu.sort %get3A_800, %add3A_804 masked %masked_sort3A_805 {descending = true} : (vector<16xf32>, vector<16xi32>, vector<16xi1>) -> (vector<16xi1>, vector<16xf32>, vector<16xi32>)
        %add3A_809 = arith.constant 224 : i32
        %add3A_810 = arith.addi %mul3A_637, %add3A_809 : i32
        %get3A_811 = arith.index_cast %add3A_810 : i32 to index
        %get3A_812 = tpu.vector_load %arg8[%get3A_811] {strides = array<i32>} : memref<32768xf32, #tpu.memory_space<vmem>>, vector<16xf32>,
        %add3A_813 = arith.constant 224 : i32
        %add3A_814 = arith.addi %mul3A_637, %add3A_813 : i32
        %add3A_815 = vector.broadcast %add3A_814 : i32 to vector<16xi32>
        %add3A_816 = arith.addi %add3A_815, %iota3A : vector<16xi32>
        %masked_sort3A_817 = arith.constant dense<true> : vector<16xi1>
        %masked_sort3A_818, %masked_sort3A_819, %masked_sort3A_820 = tpu.sort %get3A_812, %add3A_816 masked %masked_sort3A_817 {descending = true} : (vector<16xf32>, vector<16xi32>, vector<16xi1>) -> (vector<16xi1>, vector<16xf32>, vector<16xi32>)
        %add3A_821 = arith.constant 240 : i32
        %add3A_822 = arith.addi %mul3A_637, %add3A_821 : i32
        %get3A_823 = arith.index_cast %add3A_822 : i32 to index
        %get3A_824 = tpu.vector_load %arg8[%get3A_823] {strides = array<i32>} : memref<32768xf32, #tpu.memory_space<vmem>>, vector<16xf32>,
        %add3A_825 = arith.constant 240 : i32
        %add3A_826 = arith.addi %mul3A_637, %add3A_825 : i32
        %add3A_827 = vector.broadcast %add3A_826 : i32 to vector<16xi32>
        %add3A_828 = arith.addi %add3A_827, %iota3A : vector<16xi32>
        %masked_sort3A_829 = arith.constant dense<true> : vector<16xi1>
        %masked_sort3A_830, %masked_sort3A_831, %masked_sort3A_832 = tpu.sort %get3A_824, %add3A_828 masked %masked_sort3A_829 {descending = true} : (vector<16xf32>, vector<16xi32>, vector<16xi1>) -> (vector<16xi1>, vector<16xf32>, vector<16xi32>)
        %rev3A = arith.constant 15 : i32
        %rev3A_833 = vector.broadcast %rev3A : i32 to vector<16xi32>
        %rev3A_834 = tpu.iota {dimensions = array<i32: 0>} : vector<16xi32>
        %rev3A_835 = arith.subi %rev3A_833, %rev3A_834 : vector<16xi32>
        %rev3A_836 = tpu.dynamic_gather %masked_sort3A_663[%rev3A_835] in [0] : vector<16xf32>, vector<16xi32> -> vector<16xf32>
        %rev3A_837 = arith.constant 15 : i32
        %rev3A_838 = vector.broadcast %rev3A_837 : i32 to vector<16xi32>
        %rev3A_839 = tpu.iota {dimensions = array<i32: 0>} : vector<16xi32>
        %rev3A_840 = arith.subi %rev3A_838, %rev3A_839 : vector<16xi32>
        %rev3A_841 = tpu.dynamic_gather %masked_sort3A_664[%rev3A_840] in [0] : vector<16xi32>, vector<16xi32> -> vector<16xi32>
        %ge3A_842 = arith.cmpf oge, %masked_sort3A_651, %rev3A_836 : vector<16xf32>
        %select_n3A_843 = arith.select %ge3A_842, %masked_sort3A_651, %rev3A_836 : vector<16xi1>, vector<16xf32>
        %select_n3A_844 = arith.select %ge3A_842, %masked_sort3A_652, %rev3A_841 : vector<16xi1>, vector<16xi32>
        %masked_sort3A_845 = arith.constant dense<true> : vector<16xi1>
        %masked_sort3A_846, %masked_sort3A_847, %masked_sort3A_848 = tpu.sort %select_n3A_843, %select_n3A_844 masked %masked_sort3A_845 {descending = true} : (vector<16xf32>, vector<16xi32>, vector<16xi1>) -> (vector<16xi1>, vector<16xf32>, vector<16xi32>)
        %rev3A_849 = arith.constant 15 : i32
        %rev3A_850 = vector.broadcast %rev3A_849 : i32 to vector<16xi32>
        %rev3A_851 = tpu.iota {dimensions = array<i32: 0>} : vector<16xi32>
        %rev3A_852 = arith.subi %rev3A_850, %rev3A_851 : vector<16xi32>
        %rev3A_853 = tpu.dynamic_gather %masked_sort3A_687[%rev3A_852] in [0] : vector<16xf32>, vector<16xi32> -> vector<16xf32>
        %rev3A_854 = arith.constant 15 : i32
        %rev3A_855 = vector.broadcast %rev3A_854 : i32 to vector<16xi32>
        %rev3A_856 = tpu.iota {dimensions = array<i32: 0>} : vector<16xi32>
        %rev3A_857 = arith.subi %rev3A_855, %rev3A_856 : vector<16xi32>
        %rev3A_858 = tpu.dynamic_gather %masked_sort3A_688[%rev3A_857] in [0] : vector<16xi32>, vector<16xi32> -> vector<16xi32>
        %ge3A_859 = arith.cmpf oge, %masked_sort3A_675, %rev3A_853 : vector<16xf32>
        %select_n3A_860 = arith.select %ge3A_859, %masked_sort3A_675, %rev3A_853 : vector<16xi1>, vector<16xf32>
        %select_n3A_861 = arith.select %ge3A_859, %masked_sort3A_676, %rev3A_858 : vector<16xi1>, vector<16xi32>
        %masked_sort3A_862 = arith.constant dense<true> : vector<16xi1>
        %masked_sort3A_863, %masked_sort3A_864, %masked_sort3A_865 = tpu.sort %select_n3A_860, %select_n3A_861 masked %masked_sort3A_862 {descending = true} : (vector<16xf32>, vector<16xi32>, vector<16xi1>) -> (vector<16xi1>, vector<16xf32>, vector<16xi32>)
        %rev3A_866 = arith.constant 15 : i32
        %rev3A_867 = vector.broadcast %rev3A_866 : i32 to vector<16xi32>
        %rev3A_868 = tpu.iota {dimensions = array<i32: 0>} : vector<16xi32>
        %rev3A_869 = arith.subi %rev3A_867, %rev3A_868 : vector<16xi32>
        %rev3A_870 = tpu.dynamic_gather %masked_sort3A_711[%rev3A_869] in [0] : vector<16xf32>, vector<16xi32> -> vector<16xf32>
        %rev3A_871 = arith.constant 15 : i32
        %rev3A_872 = vector.broadcast %rev3A_871 : i32 to vector<16xi32>
        %rev3A_873 = tpu.iota {dimensions = array<i32: 0>} : vector<16xi32>
        %rev3A_874 = arith.subi %rev3A_872, %rev3A_873 : vector<16xi32>
        %rev3A_875 = tpu.dynamic_gather %masked_sort3A_712[%rev3A_874] in [0] : vector<16xi32>, vector<16xi32> -> vector<16xi32>
        %ge3A_876 = arith.cmpf oge, %masked_sort3A_699, %rev3A_870 : vector<16xf32>
        %select_n3A_877 = arith.select %ge3A_876, %masked_sort3A_699, %rev3A_870 : vector<16xi1>, vector<16xf32>
        %select_n3A_878 = arith.select %ge3A_876, %masked_sort3A_700, %rev3A_875 : vector<16xi1>, vector<16xi32>
        %masked_sort3A_879 = arith.constant dense<true> : vector<16xi1>
        %masked_sort3A_880, %masked_sort3A_881, %masked_sort3A_882 = tpu.sort %select_n3A_877, %select_n3A_878 masked %masked_sort3A_879 {descending = true} : (vector<16xf32>, vector<16xi32>, vector<16xi1>) -> (vector<16xi1>, vector<16xf32>, vector<16xi32>)
        %rev3A_883 = arith.constant 15 : i32
        %rev3A_884 = vector.broadcast %rev3A_883 : i32 to vector<16xi32>
        %rev3A_885 = tpu.iota {dimensions = array<i32: 0>} : vector<16xi32>
        %rev3A_886 = arith.subi %rev3A_884, %rev3A_885 : vector<16xi32>
        %rev3A_887 = tpu.dynamic_gather %masked_sort3A_735[%rev3A_886] in [0] : vector<16xf32>, vector<16xi32> -> vector<16xf32>
        %rev3A_888 = arith.constant 15 : i32
        %rev3A_889 = vector.broadcast %rev3A_888 : i32 to vector<16xi32>
        %rev3A_890 = tpu.iota {dimensions = array<i32: 0>} : vector<16xi32>
        %rev3A_891 = arith.subi %rev3A_889, %rev3A_890 : vector<16xi32>
        %rev3A_892 = tpu.dynamic_gather %masked_sort3A_736[%rev3A_891] in [0] : vector<16xi32>, vector<16xi32> -> vector<16xi32>
        %ge3A_893 = arith.cmpf oge, %masked_sort3A_723, %rev3A_887 : vector<16xf32>
        %select_n3A_894 = arith.select %ge3A_893, %masked_sort3A_723, %rev3A_887 : vector<16xi1>, vector<16xf32>
        %select_n3A_895 = arith.select %ge3A_893, %masked_sort3A_724, %rev3A_892 : vector<16xi1>, vector<16xi32>
        %masked_sort3A_896 = arith.constant dense<true> : vector<16xi1>
        %masked_sort3A_897, %masked_sort3A_898, %masked_sort3A_899 = tpu.sort %select_n3A_894, %select_n3A_895 masked %masked_sort3A_896 {descending = true} : (vector<16xf32>, vector<16xi32>, vector<16xi1>) -> (vector<16xi1>, vector<16xf32>, vector<16xi32>)
        %rev3A_900 = arith.constant 15 : i32
        %rev3A_901 = vector.broadcast %rev3A_900 : i32 to vector<16xi32>
        %rev3A_902 = tpu.iota {dimensions = array<i32: 0>} : vector<16xi32>
        %rev3A_903 = arith.subi %rev3A_901, %rev3A_902 : vector<16xi32>
        %rev3A_904 = tpu.dynamic_gather %masked_sort3A_759[%rev3A_903] in [0] : vector<16xf32>, vector<16xi32> -> vector<16xf32>
        %rev3A_905 = arith.constant 15 : i32
        %rev3A_906 = vector.broadcast %rev3A_905 : i32 to vector<16xi32>
        %rev3A_907 = tpu.iota {dimensions = array<i32: 0>} : vector<16xi32>
        %rev3A_908 = arith.subi %rev3A_906, %rev3A_907 : vector<16xi32>
        %rev3A_909 = tpu.dynamic_gather %masked_sort3A_760[%rev3A_908] in [0] : vector<16xi32>, vector<16xi32> -> vector<16xi32>
        %ge3A_910 = arith.cmpf oge, %masked_sort3A_747, %rev3A_904 : vector<16xf32>
        %select_n3A_911 = arith.select %ge3A_910, %masked_sort3A_747, %rev3A_904 : vector<16xi1>, vector<16xf32>
        %select_n3A_912 = arith.select %ge3A_910, %masked_sort3A_748, %rev3A_909 : vector<16xi1>, vector<16xi32>
        %masked_sort3A_913 = arith.constant dense<true> : vector<16xi1>
        %masked_sort3A_914, %masked_sort3A_915, %masked_sort3A_916 = tpu.sort %select_n3A_911, %select_n3A_912 masked %masked_sort3A_913 {descending = true} : (vector<16xf32>, vector<16xi32>, vector<16xi1>) -> (vector<16xi1>, vector<16xf32>, vector<16xi32>)
        %rev3A_917 = arith.constant 15 : i32
        %rev3A_918 = vector.broadcast %rev3A_917 : i32 to vector<16xi32>
        %rev3A_919 = tpu.iota {dimensions = array<i32: 0>} : vector<16xi32>
        %rev3A_920 = arith.subi %rev3A_918, %rev3A_919 : vector<16xi32>
        %rev3A_921 = tpu.dynamic_gather %masked_sort3A_783[%rev3A_920] in [0] : vector<16xf32>, vector<16xi32> -> vector<16xf32>
        %rev3A_922 = arith.constant 15 : i32
        %rev3A_923 = vector.broadcast %rev3A_922 : i32 to vector<16xi32>
        %rev3A_924 = tpu.iota {dimensions = array<i32: 0>} : vector<16xi32>
        %rev3A_925 = arith.subi %rev3A_923, %rev3A_924 : vector<16xi32>
        %rev3A_926 = tpu.dynamic_gather %masked_sort3A_784[%rev3A_925] in [0] : vector<16xi32>, vector<16xi32> -> vector<16xi32>
        %ge3A_927 = arith.cmpf oge, %masked_sort3A_771, %rev3A_921 : vector<16xf32>
        %select_n3A_928 = arith.select %ge3A_927, %masked_sort3A_771, %rev3A_921 : vector<16xi1>, vector<16xf32>
        %select_n3A_929 = arith.select %ge3A_927, %masked_sort3A_772, %rev3A_926 : vector<16xi1>, vector<16xi32>
        %masked_sort3A_930 = arith.constant dense<true> : vector<16xi1>
        %masked_sort3A_931, %masked_sort3A_932, %masked_sort3A_933 = tpu.sort %select_n3A_928, %select_n3A_929 masked %masked_sort3A_930 {descending = true} : (vector<16xf32>, vector<16xi32>, vector<16xi1>) -> (vector<16xi1>, vector<16xf32>, vector<16xi32>)
        %rev3A_934 = arith.constant 15 : i32
        %rev3A_935 = vector.broadcast %rev3A_934 : i32 to vector<16xi32>
        %rev3A_936 = tpu.iota {dimensions = array<i32: 0>} : vector<16xi32>
        %rev3A_937 = arith.subi %rev3A_935, %rev3A_936 : vector<16xi32>
        %rev3A_938 = tpu.dynamic_gather %masked_sort3A_807[%rev3A_937] in [0] : vector<16xf32>, vector<16xi32> -> vector<16xf32>
        %rev3A_939 = arith.constant 15 : i32
        %rev3A_940 = vector.broadcast %rev3A_939 : i32 to vector<16xi32>
        %rev3A_941 = tpu.iota {dimensions = array<i32: 0>} : vector<16xi32>
        %rev3A_942 = arith.subi %rev3A_940, %rev3A_941 : vector<16xi32>
        %rev3A_943 = tpu.dynamic_gather %masked_sort3A_808[%rev3A_942] in [0] : vector<16xi32>, vector<16xi32> -> vector<16xi32>
        %ge3A_944 = arith.cmpf oge, %masked_sort3A_795, %rev3A_938 : vector<16xf32>
        %select_n3A_945 = arith.select %ge3A_944, %masked_sort3A_795, %rev3A_938 : vector<16xi1>, vector<16xf32>
        %select_n3A_946 = arith.select %ge3A_944, %masked_sort3A_796, %rev3A_943 : vector<16xi1>, vector<16xi32>
        %masked_sort3A_947 = arith.constant dense<true> : vector<16xi1>
        %masked_sort3A_948, %masked_sort3A_949, %masked_sort3A_950 = tpu.sort %select_n3A_945, %select_n3A_946 masked %masked_sort3A_947 {descending = true} : (vector<16xf32>, vector<16xi32>, vector<16xi1>) -> (vector<16xi1>, vector<16xf32>, vector<16xi32>)
        %rev3A_951 = arith.constant 15 : i32
        %rev3A_952 = vector.broadcast %rev3A_951 : i32 to vector<16xi32>
        %rev3A_953 = tpu.iota {dimensions = array<i32: 0>} : vector<16xi32>
        %rev3A_954 = arith.subi %rev3A_952, %rev3A_953 : vector<16xi32>
        %rev3A_955 = tpu.dynamic_gather %masked_sort3A_831[%rev3A_954] in [0] : vector<16xf32>, vector<16xi32> -> vector<16xf32>
        %rev3A_956 = arith.constant 15 : i32
        %rev3A_957 = vector.broadcast %rev3A_956 : i32 to vector<16xi32>
        %rev3A_958 = tpu.iota {dimensions = array<i32: 0>} : vector<16xi32>
        %rev3A_959 = arith.subi %rev3A_957, %rev3A_958 : vector<16xi32>
        %rev3A_960 = tpu.dynamic_gather %masked_sort3A_832[%rev3A_959] in [0] : vector<16xi32>, vector<16xi32> -> vector<16xi32>
        %ge3A_961 = arith.cmpf oge, %masked_sort3A_819, %rev3A_955 : vector<16xf32>
        %select_n3A_962 = arith.select %ge3A_961, %masked_sort3A_819, %rev3A_955 : vector<16xi1>, vector<16xf32>
        %select_n3A_963 = arith.select %ge3A_961, %masked_sort3A_820, %rev3A_960 : vector<16xi1>, vector<16xi32>
        %masked_sort3A_964 = arith.constant dense<true> : vector<16xi1>
        %masked_sort3A_965, %masked_sort3A_966, %masked_sort3A_967 = tpu.sort %select_n3A_962, %select_n3A_963 masked %masked_sort3A_964 {descending = true} : (vector<16xf32>, vector<16xi32>, vector<16xi1>) -> (vector<16xi1>, vector<16xf32>, vector<16xi32>)
        %rev3A_968 = arith.constant 15 : i32
        %rev3A_969 = vector.broadcast %rev3A_968 : i32 to vector<16xi32>
        %rev3A_970 = tpu.iota {dimensions = array<i32: 0>} : vector<16xi32>
        %rev3A_971 = arith.subi %rev3A_969, %rev3A_970 : vector<16xi32>
        %rev3A_972 = tpu.dynamic_gather %masked_sort3A_864[%rev3A_971] in [0] : vector<16xf32>, vector<16xi32> -> vector<16xf32>
        %rev3A_973 = arith.constant 15 : i32
        %rev3A_974 = vector.broadcast %rev3A_973 : i32 to vector<16xi32>
        %rev3A_975 = tpu.iota {dimensions = array<i32: 0>} : vector<16xi32>
        %rev3A_976 = arith.subi %rev3A_974, %rev3A_975 : vector<16xi32>
        %rev3A_977 = tpu.dynamic_gather %masked_sort3A_865[%rev3A_976] in [0] : vector<16xi32>, vector<16xi32> -> vector<16xi32>
        %ge3A_978 = arith.cmpf oge, %masked_sort3A_847, %rev3A_972 : vector<16xf32>
        %select_n3A_979 = arith.select %ge3A_978, %masked_sort3A_847, %rev3A_972 : vector<16xi1>, vector<16xf32>
        %select_n3A_980 = arith.select %ge3A_978, %masked_sort3A_848, %rev3A_977 : vector<16xi1>, vector<16xi32>
        %masked_sort3A_981 = arith.constant dense<true> : vector<16xi1>
        %masked_sort3A_982, %masked_sort3A_983, %masked_sort3A_984 = tpu.sort %select_n3A_979, %select_n3A_980 masked %masked_sort3A_981 {descending = true} : (vector<16xf32>, vector<16xi32>, vector<16xi1>) -> (vector<16xi1>, vector<16xf32>, vector<16xi32>)
        %rev3A_985 = arith.constant 15 : i32
        %rev3A_986 = vector.broadcast %rev3A_985 : i32 to vector<16xi32>
        %rev3A_987 = tpu.iota {dimensions = array<i32: 0>} : vector<16xi32>
        %rev3A_988 = arith.subi %rev3A_986, %rev3A_987 : vector<16xi32>
        %rev3A_989 = tpu.dynamic_gather %masked_sort3A_898[%rev3A_988] in [0] : vector<16xf32>, vector<16xi32> -> vector<16xf32>
        %rev3A_990 = arith.constant 15 : i32
        %rev3A_991 = vector.broadcast %rev3A_990 : i32 to vector<16xi32>
        %rev3A_992 = tpu.iota {dimensions = array<i32: 0>} : vector<16xi32>
        %rev3A_993 = arith.subi %rev3A_991, %rev3A_992 : vector<16xi32>
        %rev3A_994 = tpu.dynamic_gather %masked_sort3A_899[%rev3A_993] in [0] : vector<16xi32>, vector<16xi32> -> vector<16xi32>
        %ge3A_995 = arith.cmpf oge, %masked_sort3A_881, %rev3A_989 : vector<16xf32>
        %select_n3A_996 = arith.select %ge3A_995, %masked_sort3A_881, %rev3A_989 : vector<16xi1>, vector<16xf32>
        %select_n3A_997 = arith.select %ge3A_995, %masked_sort3A_882, %rev3A_994 : vector<16xi1>, vector<16xi32>
        %masked_sort3A_998 = arith.constant dense<true> : vector<16xi1>
        %masked_sort3A_999, %masked_sort3A_1000, %masked_sort3A_1001 = tpu.sort %select_n3A_996, %select_n3A_997 masked %masked_sort3A_998 {descending = true} : (vector<16xf32>, vector<16xi32>, vector<16xi1>) -> (vector<16xi1>, vector<16xf32>, vector<16xi32>)
        %rev3A_1002 = arith.constant 15 : i32
        %rev3A_1003 = vector.broadcast %rev3A_1002 : i32 to vector<16xi32>
        %rev3A_1004 = tpu.iota {dimensions = array<i32: 0>} : vector<16xi32>
        %rev3A_1005 = arith.subi %rev3A_1003, %rev3A_1004 : vector<16xi32>
        %rev3A_1006 = tpu.dynamic_gather %masked_sort3A_932[%rev3A_1005] in [0] : vector<16xf32>, vector<16xi32> -> vector<16xf32>
        %rev3A_1007 = arith.constant 15 : i32
        %rev3A_1008 = vector.broadcast %rev3A_1007 : i32 to vector<16xi32>
        %rev3A_1009 = tpu.iota {dimensions = array<i32: 0>} : vector<16xi32>
        %rev3A_1010 = arith.subi %rev3A_1008, %rev3A_1009 : vector<16xi32>
        %rev3A_1011 = tpu.dynamic_gather %masked_sort3A_933[%rev3A_1010] in [0] : vector<16xi32>, vector<16xi32> -> vector<16xi32>
        %ge3A_1012 = arith.cmpf oge, %masked_sort3A_915, %rev3A_1006 : vector<16xf32>
        %select_n3A_1013 = arith.select %ge3A_1012, %masked_sort3A_915, %rev3A_1006 : vector<16xi1>, vector<16xf32>
        %select_n3A_1014 = arith.select %ge3A_1012, %masked_sort3A_916, %rev3A_1011 : vector<16xi1>, vector<16xi32>
        %masked_sort3A_1015 = arith.constant dense<true> : vector<16xi1>
        %masked_sort3A_1016, %masked_sort3A_1017, %masked_sort3A_1018 = tpu.sort %select_n3A_1013, %select_n3A_1014 masked %masked_sort3A_1015 {descending = true} : (vector<16xf32>, vector<16xi32>, vector<16xi1>) -> (vector<16xi1>, vector<16xf32>, vector<16xi32>)
        %rev3A_1019 = arith.constant 15 : i32
        %rev3A_1020 = vector.broadcast %rev3A_1019 : i32 to vector<16xi32>
        %rev3A_1021 = tpu.iota {dimensions = array<i32: 0>} : vector<16xi32>
        %rev3A_1022 = arith.subi %rev3A_1020, %rev3A_1021 : vector<16xi32>
        %rev3A_1023 = tpu.dynamic_gather %masked_sort3A_966[%rev3A_1022] in [0] : vector<16xf32>, vector<16xi32> -> vector<16xf32>
        %rev3A_1024 = arith.constant 15 : i32
        %rev3A_1025 = vector.broadcast %rev3A_1024 : i32 to vector<16xi32>
        %rev3A_1026 = tpu.iota {dimensions = array<i32: 0>} : vector<16xi32>
        %rev3A_1027 = arith.subi %rev3A_1025, %rev3A_1026 : vector<16xi32>
        %rev3A_1028 = tpu.dynamic_gather %masked_sort3A_967[%rev3A_1027] in [0] : vector<16xi32>, vector<16xi32> -> vector<16xi32>
        %ge3A_1029 = arith.cmpf oge, %masked_sort3A_949, %rev3A_1023 : vector<16xf32>
        %select_n3A_1030 = arith.select %ge3A_1029, %masked_sort3A_949, %rev3A_1023 : vector<16xi1>, vector<16xf32>
        %select_n3A_1031 = arith.select %ge3A_1029, %masked_sort3A_950, %rev3A_1028 : vector<16xi1>, vector<16xi32>
        %masked_sort3A_1032 = arith.constant dense<true> : vector<16xi1>
        %masked_sort3A_1033, %masked_sort3A_1034, %masked_sort3A_1035 = tpu.sort %select_n3A_1030, %select_n3A_1031 masked %masked_sort3A_1032 {descending = true} : (vector<16xf32>, vector<16xi32>, vector<16xi1>) -> (vector<16xi1>, vector<16xf32>, vector<16xi32>)
        %rev3A_1036 = arith.constant 15 : i32
        %rev3A_1037 = vector.broadcast %rev3A_1036 : i32 to vector<16xi32>
        %rev3A_1038 = tpu.iota {dimensions = array<i32: 0>} : vector<16xi32>
        %rev3A_1039 = arith.subi %rev3A_1037, %rev3A_1038 : vector<16xi32>
        %rev3A_1040 = tpu.dynamic_gather %masked_sort3A_1000[%rev3A_1039] in [0] : vector<16xf32>, vector<16xi32> -> vector<16xf32>
        %rev3A_1041 = arith.constant 15 : i32
        %rev3A_1042 = vector.broadcast %rev3A_1041 : i32 to vector<16xi32>
        %rev3A_1043 = tpu.iota {dimensions = array<i32: 0>} : vector<16xi32>
        %rev3A_1044 = arith.subi %rev3A_1042, %rev3A_1043 : vector<16xi32>
        %rev3A_1045 = tpu.dynamic_gather %masked_sort3A_1001[%rev3A_1044] in [0] : vector<16xi32>, vector<16xi32> -> vector<16xi32>
        %ge3A_1046 = arith.cmpf oge, %masked_sort3A_983, %rev3A_1040 : vector<16xf32>
        %select_n3A_1047 = arith.select %ge3A_1046, %masked_sort3A_983, %rev3A_1040 : vector<16xi1>, vector<16xf32>
        %select_n3A_1048 = arith.select %ge3A_1046, %masked_sort3A_984, %rev3A_1045 : vector<16xi1>, vector<16xi32>
        %masked_sort3A_1049 = arith.constant dense<true> : vector<16xi1>
        %masked_sort3A_1050, %masked_sort3A_1051, %masked_sort3A_1052 = tpu.sort %select_n3A_1047, %select_n3A_1048 masked %masked_sort3A_1049 {descending = true} : (vector<16xf32>, vector<16xi32>, vector<16xi1>) -> (vector<16xi1>, vector<16xf32>, vector<16xi32>)
        %rev3A_1053 = arith.constant 15 : i32
        %rev3A_1054 = vector.broadcast %rev3A_1053 : i32 to vector<16xi32>
        %rev3A_1055 = tpu.iota {dimensions = array<i32: 0>} : vector<16xi32>
        %rev3A_1056 = arith.subi %rev3A_1054, %rev3A_1055 : vector<16xi32>
        %rev3A_1057 = tpu.dynamic_gather %masked_sort3A_1034[%rev3A_1056] in [0] : vector<16xf32>, vector<16xi32> -> vector<16xf32>
        %rev3A_1058 = arith.constant 15 : i32
        %rev3A_1059 = vector.broadcast %rev3A_1058 : i32 to vector<16xi32>
        %rev3A_1060 = tpu.iota {dimensions = array<i32: 0>} : vector<16xi32>
        %rev3A_1061 = arith.subi %rev3A_1059, %rev3A_1060 : vector<16xi32>
        %rev3A_1062 = tpu.dynamic_gather %masked_sort3A_1035[%rev3A_1061] in [0] : vector<16xi32>, vector<16xi32> -> vector<16xi32>
        %ge3A_1063 = arith.cmpf oge, %masked_sort3A_1017, %rev3A_1057 : vector<16xf32>
        %select_n3A_1064 = arith.select %ge3A_1063, %masked_sort3A_1017, %rev3A_1057 : vector<16xi1>, vector<16xf32>
        %select_n3A_1065 = arith.select %ge3A_1063, %masked_sort3A_1018, %rev3A_1062 : vector<16xi1>, vector<16xi32>
        %masked_sort3A_1066 = arith.constant dense<true> : vector<16xi1>
        %masked_sort3A_1067, %masked_sort3A_1068, %masked_sort3A_1069 = tpu.sort %select_n3A_1064, %select_n3A_1065 masked %masked_sort3A_1066 {descending = true} : (vector<16xf32>, vector<16xi32>, vector<16xi1>) -> (vector<16xi1>, vector<16xf32>, vector<16xi32>)
        %rev3A_1070 = arith.constant 15 : i32
        %rev3A_1071 = vector.broadcast %rev3A_1070 : i32 to vector<16xi32>
        %rev3A_1072 = tpu.iota {dimensions = array<i32: 0>} : vector<16xi32>
        %rev3A_1073 = arith.subi %rev3A_1071, %rev3A_1072 : vector<16xi32>
        %rev3A_1074 = tpu.dynamic_gather %masked_sort3A_1068[%rev3A_1073] in [0] : vector<16xf32>, vector<16xi32> -> vector<16xf32>
        %rev3A_1075 = arith.constant 15 : i32
        %rev3A_1076 = vector.broadcast %rev3A_1075 : i32 to vector<16xi32>
        %rev3A_1077 = tpu.iota {dimensions = array<i32: 0>} : vector<16xi32>
        %rev3A_1078 = arith.subi %rev3A_1076, %rev3A_1077 : vector<16xi32>
        %rev3A_1079 = tpu.dynamic_gather %masked_sort3A_1069[%rev3A_1078] in [0] : vector<16xi32>, vector<16xi32> -> vector<16xi32>
        %ge3A_1080 = arith.cmpf oge, %masked_sort3A_1051, %rev3A_1074 : vector<16xf32>
        %select_n3A_1081 = arith.select %ge3A_1080, %masked_sort3A_1051, %rev3A_1074 : vector<16xi1>, vector<16xf32>
        %select_n3A_1082 = arith.select %ge3A_1080, %masked_sort3A_1052, %rev3A_1079 : vector<16xi1>, vector<16xi32>
        %masked_sort3A_1083 = arith.constant dense<true> : vector<16xi1>
        %masked_sort3A_1084, %masked_sort3A_1085, %masked_sort3A_1086 = tpu.sort %select_n3A_1081, %select_n3A_1082 masked %masked_sort3A_1083 {descending = true} : (vector<16xf32>, vector<16xi32>, vector<16xi1>) -> (vector<16xi1>, vector<16xf32>, vector<16xi32>)
        %rev3A_1087 = arith.constant 15 : i32
        %rev3A_1088 = vector.broadcast %rev3A_1087 : i32 to vector<16xi32>
        %rev3A_1089 = tpu.iota {dimensions = array<i32: 0>} : vector<16xi32>
        %rev3A_1090 = arith.subi %rev3A_1088, %rev3A_1089 : vector<16xi32>
        %rev3A_1091 = tpu.dynamic_gather %masked_sort3A_1085[%rev3A_1090] in [0] : vector<16xf32>, vector<16xi32> -> vector<16xf32>
        %rev3A_1092 = arith.constant 15 : i32
        %rev3A_1093 = vector.broadcast %rev3A_1092 : i32 to vector<16xi32>
        %rev3A_1094 = tpu.iota {dimensions = array<i32: 0>} : vector<16xi32>
        %rev3A_1095 = arith.subi %rev3A_1093, %rev3A_1094 : vector<16xi32>
        %rev3A_1096 = tpu.dynamic_gather %masked_sort3A_1086[%rev3A_1095] in [0] : vector<16xi32>, vector<16xi32> -> vector<16xi32>
        %ge3A_1097 = arith.cmpf oge, %scan3A_631, %rev3A_1091 : vector<16xf32>
        %select_n3A_1098 = arith.select %ge3A_1097, %scan3A_631, %rev3A_1091 : vector<16xi1>, vector<16xf32>
        %select_n3A_1099 = arith.select %ge3A_1097, %scan3A_632, %rev3A_1096 : vector<16xi1>, vector<16xi32>
        %masked_sort3A_1100 = arith.constant dense<true> : vector<16xi1>
        %masked_sort3A_1101, %masked_sort3A_1102, %masked_sort3A_1103 = tpu.sort %select_n3A_1098, %select_n3A_1099 masked %masked_sort3A_1100 {descending = true} : (vector<16xf32>, vector<16xi32>, vector<16xi1>) -> (vector<16xi1>, vector<16xf32>, vector<16xi32>)
        %jit3A_1104 = arith.constant 3.400000e+38 : f32
        %broadcast_in_dim3A_1105 = vector.broadcast %jit3A_1104 : f32 to vector<16xf32>
        %select_n3A_1106 = arith.select %lt3A_5, %masked_sort3A_1102, %broadcast_in_dim3A_1105 : vector<16xi1>, vector<16xf32>
        %reduce_min3A_1107 = arith.constant true
        %reduce_min3A_1108 = vector.broadcast %reduce_min3A_1107 : i1 to vector<16xi1>
        %reduce_min3A_1109 = tpu.scan <min>, %select_n3A_1106 masked %reduce_min3A_1108 : vector<16xf32>, vector<16xi1> -> vector<16xf32>
        %reduce_min3A_1110 = vector.extract %reduce_min3A_1109[15] : f32 from vector<16xf32>
        %max3A = arith.maximumf %scan3A_633, %reduce_min3A_1110 : f32
        scf.yield %masked_sort3A_1102, %masked_sort3A_1103, %max3A : vector<16xf32>, vector<16xi32>, f32
      } else {
        scf.yield %scan3A_631, %scan3A_632, %scan3A_633 : vector<16xf32>, vector<16xi32>, f32
      }
      scf.yield %cond3A_640#0, %cond3A_640#1, %cond3A_640#2 : vector<16xf32>, vector<16xi32>, f32
    }
    %scan3A_249 = arith.constant 128 : i32
    %add3A_250 = arith.constant 1 : i32
    %add3A_251 = arith.addi %mul3A_2, %add3A_250 : i32
    %add3A_252 = arith.constant 2 : i32
    %add3A_253 = arith.addi %add3A_251, %add3A_252 : i32
    %dma_start3A_254 = arith.constant 1 : i32
    %dma_start3A_255 = arith.constant 0 : i32
    %dma_start3A_256 = tpu.memref_slice %arg2[%add3A_253, %dma_start3A_255] : memref<128x32768xf32, #tpu.memory_space<hbm>> -> memref<1x32768xf32, #tpu.memory_space<hbm>>
    %dma_start3A_257 = tpu.memref_squeeze %dma_start3A_256 : memref<1x32768xf32, #tpu.memory_space<hbm>> -> memref<32768xf32, #tpu.memory_space<hbm>>
    %dma_start3A_258 = tpu.memref_slice %arg14[%dma_start3A_254] : memref<2x!tpu.dma_semaphore, #tpu.memory_space<semaphore_mem>> -> memref<1x!tpu.dma_semaphore, #tpu.memory_space<semaphore_mem>>
    %dma_start3A_259 = tpu.memref_squeeze %dma_start3A_258 : memref<1x!tpu.dma_semaphore, #tpu.memory_space<semaphore_mem>> -> memref<!tpu.dma_semaphore, #tpu.memory_space<semaphore_mem>>
    %dma_start3A_260 = arith.constant 0 : i32
    %dma_start3A_261 = tpu.memref_slice %arg2[%add3A_253, %dma_start3A_260] : memref<128x32768xf32, #tpu.memory_space<hbm>> -> memref<1x32768xf32, #tpu.memory_space<hbm>>
    %dma_start3A_262 = tpu.memref_squeeze %dma_start3A_261 : memref<1x32768xf32, #tpu.memory_space<hbm>> -> memref<32768xf32, #tpu.memory_space<hbm>>
    tpu.enqueue_dma source(%dma_start3A_262 : memref<32768xf32, #tpu.memory_space<hbm>>) target(%arg8 : memref<32768xf32, #tpu.memory_space<vmem>>) target_semaphore(%dma_start3A_259 : memref<!tpu.dma_semaphore, #tpu.memory_space<semaphore_mem>>)
    %reduce_sum3A_263 = arith.constant true
    %reduce_sum3A_264 = vector.broadcast %reduce_sum3A_263 : i1 to vector<16xi1>
    %reduce_sum3A_265 = tpu.scan <sum>, %parallel_loop3A_228#0 masked %reduce_sum3A_264 : vector<16xf32>, vector<16xi1> -> vector<16xf32>
    %reduce_sum3A_266 = vector.extract %reduce_sum3A_265[15] : f32 from vector<16xf32>
    %broadcast_in_dim3A_267 = arith.constant 0.000000e+00 : f32
    %broadcast_in_dim3A_268 = vector.broadcast %broadcast_in_dim3A_267 : f32 to vector<16xf32>
    %add3A_269 = vector.broadcast %reduce_sum3A_266 : f32 to vector<16xf32>
    %add3A_270 = arith.addf %broadcast_in_dim3A_268, %add3A_269 : vector<16xf32>
    %bitcast_convert_type3A_271 = tpu.bitcast %add3A_270 : vector<16xf32> -> vector<16xi32>
    %convert_element_type3A_272 = arith.sitofp %bitcast_convert_type3A_271 : vector<16xi32> to vector<16xf32>
    %mul3A_273 = arith.constant 1.1920929E-7 : f32
    %mul3A_274 = vector.broadcast %mul3A_273 : f32 to vector<16xf32>
    %mul3A_275 = arith.mulf %convert_element_type3A_272, %mul3A_274 : vector<16xf32>
    %sub3A_276 = arith.constant 126.942696 : f32
    %sub3A_277 = vector.broadcast %sub3A_276 : f32 to vector<16xf32>
    %sub3A_278 = arith.subf %mul3A_275, %sub3A_277 : vector<16xf32>
    %mul3A_279 = arith.constant 0.693147182 : f32
    %mul3A_280 = vector.broadcast %mul3A_279 : f32 to vector<16xf32>
    %mul3A_281 = arith.mulf %sub3A_278, %mul3A_280 : vector<16xf32>
    %neg3A_282 = arith.constant 0.000000e+00 : f32
    %neg3A_283 = vector.broadcast %neg3A_282 : f32 to vector<16xf32>
    %neg3A_284 = arith.subf %neg3A_283, %mul3A_281 : vector<16xf32>
    %exp3A_285 = math.exp %neg3A_284 : vector<16xf32>
    %mul3A_286 = arith.mulf %add3A_270, %exp3A_285 : vector<16xf32>
    %add3A_287 = arith.addf %mul3A_281, %mul3A_286 : vector<16xf32>
    %sub3A_288 = arith.constant 1.000000e+00 : f32
    %sub3A_289 = vector.broadcast %sub3A_288 : f32 to vector<16xf32>
    %sub3A_290 = arith.subf %add3A_287, %sub3A_289 : vector<16xf32>
    %neg3A_291 = arith.constant 0.000000e+00 : f32
    %neg3A_292 = vector.broadcast %neg3A_291 : f32 to vector<16xf32>
    %neg3A_293 = arith.subf %neg3A_292, %sub3A_290 : vector<16xf32>
    %exp3A_294 = math.exp %neg3A_293 : vector<16xf32>
    %mul3A_295 = arith.mulf %add3A_270, %exp3A_294 : vector<16xf32>
    %add3A_296 = arith.addf %sub3A_290, %mul3A_295 : vector<16xf32>
    %sub3A_297 = arith.constant 1.000000e+00 : f32
    %sub3A_298 = vector.broadcast %sub3A_297 : f32 to vector<16xf32>
    %sub3A_299 = arith.subf %add3A_296, %sub3A_298 : vector<16xf32>
    %neg3A_300 = arith.constant 0.000000e+00 : f32
    %neg3A_301 = vector.broadcast %neg3A_300 : f32 to vector<16xf32>
    %neg3A_302 = arith.subf %neg3A_301, %sub3A_299 : vector<16xf32>
    %exp3A_303 = math.exp %neg3A_302 : vector<16xf32>
    %mul3A_304 = arith.mulf %add3A_270, %exp3A_303 : vector<16xf32>
    %add3A_305 = arith.addf %sub3A_299, %mul3A_304 : vector<16xf32>
    %sub3A_306 = arith.constant 1.000000e+00 : f32
    %sub3A_307 = vector.broadcast %sub3A_306 : f32 to vector<16xf32>
    %sub3A_308 = arith.subf %add3A_305, %sub3A_307 : vector<16xf32>
    %add3A_309 = vector.broadcast %reduce_max3A_220 : f32 to vector<16xf32>
    %add3A_310 = arith.addf %add3A_309, %scan3A_248#0 : vector<16xf32>
    %sub3A_311 = arith.subf %add3A_310, %sub3A_308 : vector<16xf32>
    %swap3A_312 = arith.constant 8 : index
    %swap3A_313 = tpu.vector_load %arg11[%swap3A_312] masked %lt3A_5 {strides = array<i32>} : memref<48xf32, #tpu.memory_space<vmem>>, vector<16xf32>, vector<16xi1>
    tpu.vector_store %arg11[%swap3A_312], %sub3A_311 masked %lt3A_5 {strides = array<i32>} : memref<48xf32, #tpu.memory_space<vmem>>, vector<16xf32>, vector<16xi1>
    %swap3A_314 = arith.constant 8 : index
    %swap3A_315 = tpu.vector_load %arg12[%swap3A_314] masked %lt3A_5 {strides = array<i32>} : memref<48xi32, #tpu.memory_space<vmem>>, vector<16xi32>, vector<16xi1>
    tpu.vector_store %arg12[%swap3A_314], %scan3A_248#1 masked %lt3A_5 {strides = array<i32>} : memref<48xi32, #tpu.memory_space<vmem>>, vector<16xi32>, vector<16xi1>
    %dma_wait3A_316 = arith.constant 0 : i32
    %dma_wait3A_317 = tpu.memref_slice %arg4[%add3A_53, %dma_wait3A_316] : memref<128x32768xf32, #tpu.memory_space<hbm>> -> memref<1x32768xf32, #tpu.memory_space<hbm>>
    %dma_wait3A_318 = tpu.memref_squeeze %dma_wait3A_317 : memref<1x32768xf32, #tpu.memory_space<hbm>> -> memref<32768xf32, #tpu.memory_space<hbm>>
    %dma_wait3A_319 = arith.constant 0 : i32
    %dma_wait3A_320 = tpu.memref_slice %arg4[%add3A_53, %dma_wait3A_319] : memref<128x32768xf32, #tpu.memory_space<hbm>> -> memref<1x32768xf32, #tpu.memory_space<hbm>>
    %dma_wait3A_321 = tpu.memref_squeeze %dma_wait3A_320 : memref<1x32768xf32, #tpu.memory_space<hbm>> -> memref<32768xf32, #tpu.memory_space<hbm>>
    tpu.wait_dma2 semaphore(%arg15 : memref<!tpu.dma_semaphore, #tpu.memory_space<semaphore_mem>>) src(%arg9 : memref<32768xf32, #tpu.memory_space<vmem>>) dst(%dma_wait3A_321 : memref<32768xf32, #tpu.memory_space<hbm>>)
    tpu.vector_store_idx %arg9[%scan3A_113#1], %broadcast_in_dim3A_3 masked %lt3A_5 : memref<32768xf32, #tpu.memory_space<vmem>>[vector<16xi32>], vector<16xf32>, vector<16xi1>
    tpu.vector_store_idx %arg9[%scan3A_248#1], %sub3A_311 masked %lt3A_5 : memref<32768xf32, #tpu.memory_space<vmem>>[vector<16xi32>], vector<16xf32>, vector<16xi1>
    %dma_start3A_322 = arith.constant 0 : i32
    %dma_start3A_323 = tpu.memref_slice %arg4[%add3A_182, %dma_start3A_322] : memref<128x32768xf32, #tpu.memory_space<hbm>> -> memref<1x32768xf32, #tpu.memory_space<hbm>>
    %dma_start3A_324 = tpu.memref_squeeze %dma_start3A_323 : memref<1x32768xf32, #tpu.memory_space<hbm>> -> memref<32768xf32, #tpu.memory_space<hbm>>
    %dma_start3A_325 = arith.constant 0 : i32
    %dma_start3A_326 = tpu.memref_slice %arg4[%add3A_182, %dma_start3A_325] : memref<128x32768xf32, #tpu.memory_space<hbm>> -> memref<1x32768xf32, #tpu.memory_space<hbm>>
    %dma_start3A_327 = tpu.memref_squeeze %dma_start3A_326 : memref<1x32768xf32, #tpu.memory_space<hbm>> -> memref<32768xf32, #tpu.memory_space<hbm>>
    tpu.enqueue_dma source(%arg9 : memref<32768xf32, #tpu.memory_space<vmem>>) target(%dma_start3A_327 : memref<32768xf32, #tpu.memory_space<hbm>>) target_semaphore(%arg15 : memref<!tpu.dma_semaphore, #tpu.memory_space<semaphore_mem>>)
    %add3A_328 = arith.constant 2 : i32
    %add3A_329 = arith.addi %mul3A_2, %add3A_328 : i32
    %dma_wait3A_330 = arith.constant 0 : i32
    %dma_wait3A_331 = arith.constant 0 : i32
    %dma_wait3A_332 = tpu.memref_slice %arg2[%add3A_118, %dma_wait3A_331] : memref<128x32768xf32, #tpu.memory_space<hbm>> -> memref<1x32768xf32, #tpu.memory_space<hbm>>
    %dma_wait3A_333 = tpu.memref_squeeze %dma_wait3A_332 : memref<1x32768xf32, #tpu.memory_space<hbm>> -> memref<32768xf32, #tpu.memory_space<hbm>>
    %dma_wait3A_334 = tpu.memref_slice %arg14[%dma_wait3A_330] : memref<2x!tpu.dma_semaphore, #tpu.memory_space<semaphore_mem>> -> memref<1x!tpu.dma_semaphore, #tpu.memory_space<semaphore_mem>>
    %dma_wait3A_335 = tpu.memref_squeeze %dma_wait3A_334 : memref<1x!tpu.dma_semaphore, #tpu.memory_space<semaphore_mem>> -> memref<!tpu.dma_semaphore, #tpu.memory_space<semaphore_mem>>
    %dma_wait3A_336 = arith.constant 0 : i32
    %dma_wait3A_337 = tpu.memref_slice %arg2[%add3A_118, %dma_wait3A_336] : memref<128x32768xf32, #tpu.memory_space<hbm>> -> memref<1x32768xf32, #tpu.memory_space<hbm>>
    %dma_wait3A_338 = tpu.memref_squeeze %dma_wait3A_337 : memref<1x32768xf32, #tpu.memory_space<hbm>> -> memref<32768xf32, #tpu.memory_space<hbm>>
    tpu.wait_dma2 semaphore(%dma_wait3A_335 : memref<!tpu.dma_semaphore, #tpu.memory_space<semaphore_mem>>) src(%dma_wait3A_338 : memref<32768xf32, #tpu.memory_space<hbm>>) dst(%arg7 : memref<32768xf32, #tpu.memory_space<vmem>>)
    %jit3A_339 = arith.constant 4 : i32
    %eq3A_340 = arith.constant 0 : i32
    %eq3A_341 = arith.cmpi eq, %jit3A_339, %eq3A_340 : i32
    %jit3A_342 = arith.constant 1 : i32
    %select_n3A_343 = arith.select %eq3A_341, %jit3A_342, %jit3A_339 : i32
    %rem3A_344 = arith.remsi %add3A, %select_n3A_343 : i32
    %ne3A_345 = arith.constant 0 : i32
    %ne3A_346 = arith.cmpi ne, %rem3A_344, %ne3A_345 : i32
    %lt3A_347 = arith.constant 0 : i32
    %lt3A_348 = arith.cmpi slt, %rem3A_344, %lt3A_347 : i32
    %lt3A_349 = arith.constant 0 : i32
    %lt3A_350 = arith.cmpi slt, %select_n3A_343, %lt3A_349 : i32
    %ne3A_351 = arith.xori %lt3A_348, %lt3A_350 : i1
    %and3A_352 = arith.andi %ne3A_351, %ne3A_346 : i1
    %add3A_353 = arith.addi %rem3A_344, %select_n3A_343 : i32
    %select_n3A_354 = arith.select %and3A_352, %add3A_353, %rem3A_344 : i32
    %mul3A_355 = arith.constant 4 : i32
    %mul3A_356 = arith.muli %select_n3A_354, %mul3A_355 : i32
    %add3A_357 = arith.constant 2 : i32
    %add3A_358 = arith.addi %mul3A_356, %add3A_357 : i32
    %eq3A_359 = vector.broadcast %add3A_358 : i32 to vector<16xi32>
    %eq3A_360 = arith.cmpi eq, %iota3A, %eq3A_359 : vector<16xi32>
    %jit3A_361 = arith.constant -3.400000e+38 : f32
    %broadcast_in_dim3A_362 = vector.broadcast %jit3A_361 : f32 to vector<16xf32>
    %select_n3A_363 = arith.select %eq3A_360, %get3A_45, %broadcast_in_dim3A_362 : vector<16xi1>, vector<16xf32>
    %reduce_max3A_364 = arith.constant true
    %reduce_max3A_365 = vector.broadcast %reduce_max3A_364 : i1 to vector<16xi1>
    %reduce_max3A_366 = tpu.scan <max>, %select_n3A_363 masked %reduce_max3A_365 : vector<16xf32>, vector<16xi1> -> vector<16xf32>
    %reduce_max3A_367 = vector.extract %reduce_max3A_366[15] : f32 from vector<16xf32>
    %broadcast_in_dim3A_368 = arith.constant 0.000000e+00 : f32
    %broadcast_in_dim3A_369 = vector.broadcast %broadcast_in_dim3A_368 : f32 to vector<16xf32>
    %broadcast_in_dim3A_370 = arith.constant -3.400000e+38 : f32
    %broadcast_in_dim3A_371 = vector.broadcast %broadcast_in_dim3A_370 : f32 to vector<16xf32>
    %parallel_loop3A_372 = arith.constant 0 : i32
    %parallel_loop3A_373 = arith.constant 128 : i32
    %parallel_loop3A_374 = arith.constant 1 : i32
    %parallel_loop3A_375:2 = scf.for %parallel_loop3A_630 = %parallel_loop3A_372 to %parallel_loop3A_373 step %parallel_loop3A_374 iter_args(%parallel_loop3A_631 = %broadcast_in_dim3A_369, %parallel_loop3A_632 = %broadcast_in_dim3A_371) -> (vector<16xf32>, vector<16xf32>)  : i32 {
      %parallel_loop3A_633 = arith.constant 256 : i32
      %parallel_loop3A_634 = arith.muli %parallel_loop3A_630, %parallel_loop3A_633 : i32
      %parallel_loop3A_635 = arith.constant 0 : i32
      %parallel_loop3A_636 = arith.addi %parallel_loop3A_634, %parallel_loop3A_635 : i32
      %parallel_loop3A_637 = arith.index_cast %parallel_loop3A_636 : i32 to index
      %parallel_loop3A_638 = tpu.vector_load %arg7[%parallel_loop3A_637] {strides = array<i32>} : memref<32768xf32, #tpu.memory_space<vmem>>, vector<16xf32>,
      %parallel_loop3A_639 = arith.constant 16 : i32
      %parallel_loop3A_640 = arith.addi %parallel_loop3A_634, %parallel_loop3A_639 : i32
      %parallel_loop3A_641 = arith.index_cast %parallel_loop3A_640 : i32 to index
      %parallel_loop3A_642 = tpu.vector_load %arg7[%parallel_loop3A_641] {strides = array<i32>} : memref<32768xf32, #tpu.memory_space<vmem>>, vector<16xf32>,
      %parallel_loop3A_643 = arith.constant 32 : i32
      %parallel_loop3A_644 = arith.addi %parallel_loop3A_634, %parallel_loop3A_643 : i32
      %parallel_loop3A_645 = arith.index_cast %parallel_loop3A_644 : i32 to index
      %parallel_loop3A_646 = tpu.vector_load %arg7[%parallel_loop3A_645] {strides = array<i32>} : memref<32768xf32, #tpu.memory_space<vmem>>, vector<16xf32>,
      %parallel_loop3A_647 = arith.constant 48 : i32
      %parallel_loop3A_648 = arith.addi %parallel_loop3A_634, %parallel_loop3A_647 : i32
      %parallel_loop3A_649 = arith.index_cast %parallel_loop3A_648 : i32 to index
      %parallel_loop3A_650 = tpu.vector_load %arg7[%parallel_loop3A_649] {strides = array<i32>} : memref<32768xf32, #tpu.memory_space<vmem>>, vector<16xf32>,
      %parallel_loop3A_651 = arith.constant 64 : i32
      %parallel_loop3A_652 = arith.addi %parallel_loop3A_634, %parallel_loop3A_651 : i32
      %parallel_loop3A_653 = arith.index_cast %parallel_loop3A_652 : i32 to index
      %parallel_loop3A_654 = tpu.vector_load %arg7[%parallel_loop3A_653] {strides = array<i32>} : memref<32768xf32, #tpu.memory_space<vmem>>, vector<16xf32>,
      %parallel_loop3A_655 = arith.constant 80 : i32
      %parallel_loop3A_656 = arith.addi %parallel_loop3A_634, %parallel_loop3A_655 : i32
      %parallel_loop3A_657 = arith.index_cast %parallel_loop3A_656 : i32 to index
      %parallel_loop3A_658 = tpu.vector_load %arg7[%parallel_loop3A_657] {strides = array<i32>} : memref<32768xf32, #tpu.memory_space<vmem>>, vector<16xf32>,
      %parallel_loop3A_659 = arith.constant 96 : i32
      %parallel_loop3A_660 = arith.addi %parallel_loop3A_634, %parallel_loop3A_659 : i32
      %parallel_loop3A_661 = arith.index_cast %parallel_loop3A_660 : i32 to index
      %parallel_loop3A_662 = tpu.vector_load %arg7[%parallel_loop3A_661] {strides = array<i32>} : memref<32768xf32, #tpu.memory_space<vmem>>, vector<16xf32>,
      %parallel_loop3A_663 = arith.constant 112 : i32
      %parallel_loop3A_664 = arith.addi %parallel_loop3A_634, %parallel_loop3A_663 : i32
      %parallel_loop3A_665 = arith.index_cast %parallel_loop3A_664 : i32 to index
      %parallel_loop3A_666 = tpu.vector_load %arg7[%parallel_loop3A_665] {strides = array<i32>} : memref<32768xf32, #tpu.memory_space<vmem>>, vector<16xf32>,
      %parallel_loop3A_667 = arith.constant 128 : i32
      %parallel_loop3A_668 = arith.addi %parallel_loop3A_634, %parallel_loop3A_667 : i32
      %parallel_loop3A_669 = arith.index_cast %parallel_loop3A_668 : i32 to index
      %parallel_loop3A_670 = tpu.vector_load %arg7[%parallel_loop3A_669] {strides = array<i32>} : memref<32768xf32, #tpu.memory_space<vmem>>, vector<16xf32>,
      %parallel_loop3A_671 = arith.constant 144 : i32
      %parallel_loop3A_672 = arith.addi %parallel_loop3A_634, %parallel_loop3A_671 : i32
      %parallel_loop3A_673 = arith.index_cast %parallel_loop3A_672 : i32 to index
      %parallel_loop3A_674 = tpu.vector_load %arg7[%parallel_loop3A_673] {strides = array<i32>} : memref<32768xf32, #tpu.memory_space<vmem>>, vector<16xf32>,
      %parallel_loop3A_675 = arith.constant 160 : i32
      %parallel_loop3A_676 = arith.addi %parallel_loop3A_634, %parallel_loop3A_675 : i32
      %parallel_loop3A_677 = arith.index_cast %parallel_loop3A_676 : i32 to index
      %parallel_loop3A_678 = tpu.vector_load %arg7[%parallel_loop3A_677] {strides = array<i32>} : memref<32768xf32, #tpu.memory_space<vmem>>, vector<16xf32>,
      %parallel_loop3A_679 = arith.constant 176 : i32
      %parallel_loop3A_680 = arith.addi %parallel_loop3A_634, %parallel_loop3A_679 : i32
      %parallel_loop3A_681 = arith.index_cast %parallel_loop3A_680 : i32 to index
      %parallel_loop3A_682 = tpu.vector_load %arg7[%parallel_loop3A_681] {strides = array<i32>} : memref<32768xf32, #tpu.memory_space<vmem>>, vector<16xf32>,
      %parallel_loop3A_683 = arith.constant 192 : i32
      %parallel_loop3A_684 = arith.addi %parallel_loop3A_634, %parallel_loop3A_683 : i32
      %parallel_loop3A_685 = arith.index_cast %parallel_loop3A_684 : i32 to index
      %parallel_loop3A_686 = tpu.vector_load %arg7[%parallel_loop3A_685] {strides = array<i32>} : memref<32768xf32, #tpu.memory_space<vmem>>, vector<16xf32>,
      %parallel_loop3A_687 = arith.constant 208 : i32
      %parallel_loop3A_688 = arith.addi %parallel_loop3A_634, %parallel_loop3A_687 : i32
      %parallel_loop3A_689 = arith.index_cast %parallel_loop3A_688 : i32 to index
      %parallel_loop3A_690 = tpu.vector_load %arg7[%parallel_loop3A_689] {strides = array<i32>} : memref<32768xf32, #tpu.memory_space<vmem>>, vector<16xf32>,
      %parallel_loop3A_691 = arith.constant 224 : i32
      %parallel_loop3A_692 = arith.addi %parallel_loop3A_634, %parallel_loop3A_691 : i32
      %parallel_loop3A_693 = arith.index_cast %parallel_loop3A_692 : i32 to index
      %parallel_loop3A_694 = tpu.vector_load %arg7[%parallel_loop3A_693] {strides = array<i32>} : memref<32768xf32, #tpu.memory_space<vmem>>, vector<16xf32>,
      %parallel_loop3A_695 = arith.constant 240 : i32
      %parallel_loop3A_696 = arith.addi %parallel_loop3A_634, %parallel_loop3A_695 : i32
      %parallel_loop3A_697 = arith.index_cast %parallel_loop3A_696 : i32 to index
      %parallel_loop3A_698 = tpu.vector_load %arg7[%parallel_loop3A_697] {strides = array<i32>} : memref<32768xf32, #tpu.memory_space<vmem>>, vector<16xf32>,
      %parallel_loop3A_699 = math.exp %parallel_loop3A_638 : vector<16xf32>
      %parallel_loop3A_700 = math.exp %parallel_loop3A_642 : vector<16xf32>
      %parallel_loop3A_701 = math.exp %parallel_loop3A_646 : vector<16xf32>
      %parallel_loop3A_702 = math.exp %parallel_loop3A_650 : vector<16xf32>
      %parallel_loop3A_703 = math.exp %parallel_loop3A_654 : vector<16xf32>
      %parallel_loop3A_704 = math.exp %parallel_loop3A_658 : vector<16xf32>
      %parallel_loop3A_705 = math.exp %parallel_loop3A_662 : vector<16xf32>
      %parallel_loop3A_706 = math.exp %parallel_loop3A_666 : vector<16xf32>
      %parallel_loop3A_707 = math.exp %parallel_loop3A_670 : vector<16xf32>
      %parallel_loop3A_708 = math.exp %parallel_loop3A_674 : vector<16xf32>
      %parallel_loop3A_709 = math.exp %parallel_loop3A_678 : vector<16xf32>
      %parallel_loop3A_710 = math.exp %parallel_loop3A_682 : vector<16xf32>
      %parallel_loop3A_711 = math.exp %parallel_loop3A_686 : vector<16xf32>
      %parallel_loop3A_712 = math.exp %parallel_loop3A_690 : vector<16xf32>
      %parallel_loop3A_713 = math.exp %parallel_loop3A_694 : vector<16xf32>
      %parallel_loop3A_714 = math.exp %parallel_loop3A_698 : vector<16xf32>
      %parallel_loop3A_715 = arith.addf %parallel_loop3A_699, %parallel_loop3A_700 : vector<16xf32>
      %parallel_loop3A_716 = arith.addf %parallel_loop3A_701, %parallel_loop3A_702 : vector<16xf32>
      %parallel_loop3A_717 = arith.addf %parallel_loop3A_703, %parallel_loop3A_704 : vector<16xf32>
      %parallel_loop3A_718 = arith.addf %parallel_loop3A_705, %parallel_loop3A_706 : vector<16xf32>
      %parallel_loop3A_719 = arith.addf %parallel_loop3A_707, %parallel_loop3A_708 : vector<16xf32>
      %parallel_loop3A_720 = arith.addf %parallel_loop3A_709, %parallel_loop3A_710 : vector<16xf32>
      %parallel_loop3A_721 = arith.addf %parallel_loop3A_711, %parallel_loop3A_712 : vector<16xf32>
      %parallel_loop3A_722 = arith.addf %parallel_loop3A_713, %parallel_loop3A_714 : vector<16xf32>
      %parallel_loop3A_723 = arith.addf %parallel_loop3A_715, %parallel_loop3A_716 : vector<16xf32>
      %parallel_loop3A_724 = arith.addf %parallel_loop3A_717, %parallel_loop3A_718 : vector<16xf32>
      %parallel_loop3A_725 = arith.addf %parallel_loop3A_719, %parallel_loop3A_720 : vector<16xf32>
      %parallel_loop3A_726 = arith.addf %parallel_loop3A_721, %parallel_loop3A_722 : vector<16xf32>
      %parallel_loop3A_727 = arith.addf %parallel_loop3A_723, %parallel_loop3A_724 : vector<16xf32>
      %parallel_loop3A_728 = arith.addf %parallel_loop3A_725, %parallel_loop3A_726 : vector<16xf32>
      %parallel_loop3A_729 = arith.addf %parallel_loop3A_727, %parallel_loop3A_728 : vector<16xf32>
      %parallel_loop3A_730 = arith.addf %parallel_loop3A_631, %parallel_loop3A_729 : vector<16xf32>
      %parallel_loop3A_731 = arith.maximumf %parallel_loop3A_638, %parallel_loop3A_642 : vector<16xf32>
      %parallel_loop3A_732 = arith.maximumf %parallel_loop3A_646, %parallel_loop3A_650 : vector<16xf32>
      %parallel_loop3A_733 = arith.maximumf %parallel_loop3A_654, %parallel_loop3A_658 : vector<16xf32>
      %parallel_loop3A_734 = arith.maximumf %parallel_loop3A_662, %parallel_loop3A_666 : vector<16xf32>
      %parallel_loop3A_735 = arith.maximumf %parallel_loop3A_670, %parallel_loop3A_674 : vector<16xf32>
      %parallel_loop3A_736 = arith.maximumf %parallel_loop3A_678, %parallel_loop3A_682 : vector<16xf32>
      %parallel_loop3A_737 = arith.maximumf %parallel_loop3A_686, %parallel_loop3A_690 : vector<16xf32>
      %parallel_loop3A_738 = arith.maximumf %parallel_loop3A_694, %parallel_loop3A_698 : vector<16xf32>
      %parallel_loop3A_739 = arith.maximumf %parallel_loop3A_731, %parallel_loop3A_732 : vector<16xf32>
      %parallel_loop3A_740 = arith.maximumf %parallel_loop3A_733, %parallel_loop3A_734 : vector<16xf32>
      %parallel_loop3A_741 = arith.maximumf %parallel_loop3A_735, %parallel_loop3A_736 : vector<16xf32>
      %parallel_loop3A_742 = arith.maximumf %parallel_loop3A_737, %parallel_loop3A_738 : vector<16xf32>
      %parallel_loop3A_743 = arith.maximumf %parallel_loop3A_739, %parallel_loop3A_740 : vector<16xf32>
      %parallel_loop3A_744 = arith.maximumf %parallel_loop3A_741, %parallel_loop3A_742 : vector<16xf32>
      %parallel_loop3A_745 = arith.maximumf %parallel_loop3A_743, %parallel_loop3A_744 : vector<16xf32>
      %parallel_loop3A_746 = arith.maximumf %parallel_loop3A_632, %parallel_loop3A_745 : vector<16xf32>
      %parallel_loop3A_747 = arith.constant true
      %parallel_loop3A_748 = vector.broadcast %parallel_loop3A_747 : i1 to vector<16xi1>
      %parallel_loop3A_749 = tpu.scan <max>, %parallel_loop3A_745 masked %parallel_loop3A_748 : vector<16xf32>, vector<16xi1> -> vector<16xf32>
      %parallel_loop3A_750 = vector.extract %parallel_loop3A_749[15] : f32 from vector<16xf32>
      %parallel_loop3A_751 = arith.index_cast %parallel_loop3A_630 : i32 to index
      %parallel_loop3A_752 = memref.load %arg13[%parallel_loop3A_751] : memref<128xf32, #tpu.memory_space<smem>>
      memref.store %parallel_loop3A_750, %arg13[%parallel_loop3A_751] : memref<128xf32, #tpu.memory_space<smem>>
      scf.yield %parallel_loop3A_730, %parallel_loop3A_746 : vector<16xf32>, vector<16xf32>
    } {sc.loop_unroll_factor = 1 : i64, sc.parallel_access}
    %masked_sort3A_376 = arith.constant dense<true> : vector<16xi1>
    %masked_sort3A_377, %masked_sort3A_378, %masked_sort3A_379 = tpu.sort %parallel_loop3A_375#1, %iota3A masked %masked_sort3A_376 {descending = true} : (vector<16xf32>, vector<16xi32>, vector<16xi1>) -> (vector<16xi1>, vector<16xf32>, vector<16xi32>)
    %jit3A_380 = arith.constant 3.400000e+38 : f32
    %broadcast_in_dim3A_381 = vector.broadcast %jit3A_380 : f32 to vector<16xf32>
    %select_n3A_382 = arith.select %lt3A_5, %masked_sort3A_378, %broadcast_in_dim3A_381 : vector<16xi1>, vector<16xf32>
    %reduce_min3A_383 = arith.constant true
    %reduce_min3A_384 = vector.broadcast %reduce_min3A_383 : i1 to vector<16xi1>
    %reduce_min3A_385 = tpu.scan <min>, %select_n3A_382 masked %reduce_min3A_384 : vector<16xf32>, vector<16xi1> -> vector<16xf32>
    %reduce_min3A_386 = vector.extract %reduce_min3A_385[15] : f32 from vector<16xf32>
    %broadcast_in_dim3A_387 = arith.constant -3.400000e+38 : f32
    %broadcast_in_dim3A_388 = vector.broadcast %broadcast_in_dim3A_387 : f32 to vector<16xf32>
    %broadcast_in_dim3A_389 = arith.constant 0 : i32
    %broadcast_in_dim3A_390 = vector.broadcast %broadcast_in_dim3A_389 : i32 to vector<16xi32>
    %scan3A_391 = arith.constant 0 : i32
    %scan3A_392 = arith.constant 128 : i32
    %scan3A_393 = arith.addi %scan3A_391, %scan3A_392 : i32
    %scan3A_394 = arith.constant 1 : i32
    %scan3A_395:3 = scf.for %scan3A_630 = %scan3A_391 to %scan3A_393 step %scan3A_394 iter_args(%scan3A_631 = %broadcast_in_dim3A_388, %scan3A_632 = %broadcast_in_dim3A_390, %scan3A_633 = %reduce_min3A_386) -> (vector<16xf32>, vector<16xi32>, f32)  : i32 {
      %get3A_634 = arith.index_cast %scan3A_630 : i32 to index
      %get3A_635 = memref.load %arg13[%get3A_634] : memref<128xf32, #tpu.memory_space<smem>>
      %ge3A = arith.cmpf oge, %get3A_635, %scan3A_633 : f32
      %mul3A_636 = arith.constant 256 : i32
      %mul3A_637 = arith.muli %scan3A_630, %mul3A_636 : i32
      %convert_element_type3A_638 = arith.extui %ge3A : i1 to i32
      %cond3A = arith.constant 0 : i32
      %cond3A_639 = arith.cmpi ne, %convert_element_type3A_638, %cond3A : i32
      %cond3A_640:3 = scf.if %cond3A_639 -> (vector<16xf32>, vector<16xi32>, f32) {
        %add3A_641 = arith.constant 0 : i32
        %add3A_642 = arith.addi %mul3A_637, %add3A_641 : i32
        %get3A_643 = arith.index_cast %add3A_642 : i32 to index
        %get3A_644 = tpu.vector_load %arg7[%get3A_643] {strides = array<i32>} : memref<32768xf32, #tpu.memory_space<vmem>>, vector<16xf32>,
        %add3A_645 = arith.constant 0 : i32
        %add3A_646 = arith.addi %mul3A_637, %add3A_645 : i32
        %add3A_647 = vector.broadcast %add3A_646 : i32 to vector<16xi32>
        %add3A_648 = arith.addi %add3A_647, %iota3A : vector<16xi32>
        %masked_sort3A_649 = arith.constant dense<true> : vector<16xi1>
        %masked_sort3A_650, %masked_sort3A_651, %masked_sort3A_652 = tpu.sort %get3A_644, %add3A_648 masked %masked_sort3A_649 {descending = true} : (vector<16xf32>, vector<16xi32>, vector<16xi1>) -> (vector<16xi1>, vector<16xf32>, vector<16xi32>)
        %add3A_653 = arith.constant 16 : i32
        %add3A_654 = arith.addi %mul3A_637, %add3A_653 : i32
        %get3A_655 = arith.index_cast %add3A_654 : i32 to index
        %get3A_656 = tpu.vector_load %arg7[%get3A_655] {strides = array<i32>} : memref<32768xf32, #tpu.memory_space<vmem>>, vector<16xf32>,
        %add3A_657 = arith.constant 16 : i32
        %add3A_658 = arith.addi %mul3A_637, %add3A_657 : i32
        %add3A_659 = vector.broadcast %add3A_658 : i32 to vector<16xi32>
        %add3A_660 = arith.addi %add3A_659, %iota3A : vector<16xi32>
        %masked_sort3A_661 = arith.constant dense<true> : vector<16xi1>
        %masked_sort3A_662, %masked_sort3A_663, %masked_sort3A_664 = tpu.sort %get3A_656, %add3A_660 masked %masked_sort3A_661 {descending = true} : (vector<16xf32>, vector<16xi32>, vector<16xi1>) -> (vector<16xi1>, vector<16xf32>, vector<16xi32>)
        %add3A_665 = arith.constant 32 : i32
        %add3A_666 = arith.addi %mul3A_637, %add3A_665 : i32
        %get3A_667 = arith.index_cast %add3A_666 : i32 to index
        %get3A_668 = tpu.vector_load %arg7[%get3A_667] {strides = array<i32>} : memref<32768xf32, #tpu.memory_space<vmem>>, vector<16xf32>,
        %add3A_669 = arith.constant 32 : i32
        %add3A_670 = arith.addi %mul3A_637, %add3A_669 : i32
        %add3A_671 = vector.broadcast %add3A_670 : i32 to vector<16xi32>
        %add3A_672 = arith.addi %add3A_671, %iota3A : vector<16xi32>
        %masked_sort3A_673 = arith.constant dense<true> : vector<16xi1>
        %masked_sort3A_674, %masked_sort3A_675, %masked_sort3A_676 = tpu.sort %get3A_668, %add3A_672 masked %masked_sort3A_673 {descending = true} : (vector<16xf32>, vector<16xi32>, vector<16xi1>) -> (vector<16xi1>, vector<16xf32>, vector<16xi32>)
        %add3A_677 = arith.constant 48 : i32
        %add3A_678 = arith.addi %mul3A_637, %add3A_677 : i32
        %get3A_679 = arith.index_cast %add3A_678 : i32 to index
        %get3A_680 = tpu.vector_load %arg7[%get3A_679] {strides = array<i32>} : memref<32768xf32, #tpu.memory_space<vmem>>, vector<16xf32>,
        %add3A_681 = arith.constant 48 : i32
        %add3A_682 = arith.addi %mul3A_637, %add3A_681 : i32
        %add3A_683 = vector.broadcast %add3A_682 : i32 to vector<16xi32>
        %add3A_684 = arith.addi %add3A_683, %iota3A : vector<16xi32>
        %masked_sort3A_685 = arith.constant dense<true> : vector<16xi1>
        %masked_sort3A_686, %masked_sort3A_687, %masked_sort3A_688 = tpu.sort %get3A_680, %add3A_684 masked %masked_sort3A_685 {descending = true} : (vector<16xf32>, vector<16xi32>, vector<16xi1>) -> (vector<16xi1>, vector<16xf32>, vector<16xi32>)
        %add3A_689 = arith.constant 64 : i32
        %add3A_690 = arith.addi %mul3A_637, %add3A_689 : i32
        %get3A_691 = arith.index_cast %add3A_690 : i32 to index
        %get3A_692 = tpu.vector_load %arg7[%get3A_691] {strides = array<i32>} : memref<32768xf32, #tpu.memory_space<vmem>>, vector<16xf32>,
        %add3A_693 = arith.constant 64 : i32
        %add3A_694 = arith.addi %mul3A_637, %add3A_693 : i32
        %add3A_695 = vector.broadcast %add3A_694 : i32 to vector<16xi32>
        %add3A_696 = arith.addi %add3A_695, %iota3A : vector<16xi32>
        %masked_sort3A_697 = arith.constant dense<true> : vector<16xi1>
        %masked_sort3A_698, %masked_sort3A_699, %masked_sort3A_700 = tpu.sort %get3A_692, %add3A_696 masked %masked_sort3A_697 {descending = true} : (vector<16xf32>, vector<16xi32>, vector<16xi1>) -> (vector<16xi1>, vector<16xf32>, vector<16xi32>)
        %add3A_701 = arith.constant 80 : i32
        %add3A_702 = arith.addi %mul3A_637, %add3A_701 : i32
        %get3A_703 = arith.index_cast %add3A_702 : i32 to index
        %get3A_704 = tpu.vector_load %arg7[%get3A_703] {strides = array<i32>} : memref<32768xf32, #tpu.memory_space<vmem>>, vector<16xf32>,
        %add3A_705 = arith.constant 80 : i32
        %add3A_706 = arith.addi %mul3A_637, %add3A_705 : i32
        %add3A_707 = vector.broadcast %add3A_706 : i32 to vector<16xi32>
        %add3A_708 = arith.addi %add3A_707, %iota3A : vector<16xi32>
        %masked_sort3A_709 = arith.constant dense<true> : vector<16xi1>
        %masked_sort3A_710, %masked_sort3A_711, %masked_sort3A_712 = tpu.sort %get3A_704, %add3A_708 masked %masked_sort3A_709 {descending = true} : (vector<16xf32>, vector<16xi32>, vector<16xi1>) -> (vector<16xi1>, vector<16xf32>, vector<16xi32>)
        %add3A_713 = arith.constant 96 : i32
        %add3A_714 = arith.addi %mul3A_637, %add3A_713 : i32
        %get3A_715 = arith.index_cast %add3A_714 : i32 to index
        %get3A_716 = tpu.vector_load %arg7[%get3A_715] {strides = array<i32>} : memref<32768xf32, #tpu.memory_space<vmem>>, vector<16xf32>,
        %add3A_717 = arith.constant 96 : i32
        %add3A_718 = arith.addi %mul3A_637, %add3A_717 : i32
        %add3A_719 = vector.broadcast %add3A_718 : i32 to vector<16xi32>
        %add3A_720 = arith.addi %add3A_719, %iota3A : vector<16xi32>
        %masked_sort3A_721 = arith.constant dense<true> : vector<16xi1>
        %masked_sort3A_722, %masked_sort3A_723, %masked_sort3A_724 = tpu.sort %get3A_716, %add3A_720 masked %masked_sort3A_721 {descending = true} : (vector<16xf32>, vector<16xi32>, vector<16xi1>) -> (vector<16xi1>, vector<16xf32>, vector<16xi32>)
        %add3A_725 = arith.constant 112 : i32
        %add3A_726 = arith.addi %mul3A_637, %add3A_725 : i32
        %get3A_727 = arith.index_cast %add3A_726 : i32 to index
        %get3A_728 = tpu.vector_load %arg7[%get3A_727] {strides = array<i32>} : memref<32768xf32, #tpu.memory_space<vmem>>, vector<16xf32>,
        %add3A_729 = arith.constant 112 : i32
        %add3A_730 = arith.addi %mul3A_637, %add3A_729 : i32
        %add3A_731 = vector.broadcast %add3A_730 : i32 to vector<16xi32>
        %add3A_732 = arith.addi %add3A_731, %iota3A : vector<16xi32>
        %masked_sort3A_733 = arith.constant dense<true> : vector<16xi1>
        %masked_sort3A_734, %masked_sort3A_735, %masked_sort3A_736 = tpu.sort %get3A_728, %add3A_732 masked %masked_sort3A_733 {descending = true} : (vector<16xf32>, vector<16xi32>, vector<16xi1>) -> (vector<16xi1>, vector<16xf32>, vector<16xi32>)
        %add3A_737 = arith.constant 128 : i32
        %add3A_738 = arith.addi %mul3A_637, %add3A_737 : i32
        %get3A_739 = arith.index_cast %add3A_738 : i32 to index
        %get3A_740 = tpu.vector_load %arg7[%get3A_739] {strides = array<i32>} : memref<32768xf32, #tpu.memory_space<vmem>>, vector<16xf32>,
        %add3A_741 = arith.constant 128 : i32
        %add3A_742 = arith.addi %mul3A_637, %add3A_741 : i32
        %add3A_743 = vector.broadcast %add3A_742 : i32 to vector<16xi32>
        %add3A_744 = arith.addi %add3A_743, %iota3A : vector<16xi32>
        %masked_sort3A_745 = arith.constant dense<true> : vector<16xi1>
        %masked_sort3A_746, %masked_sort3A_747, %masked_sort3A_748 = tpu.sort %get3A_740, %add3A_744 masked %masked_sort3A_745 {descending = true} : (vector<16xf32>, vector<16xi32>, vector<16xi1>) -> (vector<16xi1>, vector<16xf32>, vector<16xi32>)
        %add3A_749 = arith.constant 144 : i32
        %add3A_750 = arith.addi %mul3A_637, %add3A_749 : i32
        %get3A_751 = arith.index_cast %add3A_750 : i32 to index
        %get3A_752 = tpu.vector_load %arg7[%get3A_751] {strides = array<i32>} : memref<32768xf32, #tpu.memory_space<vmem>>, vector<16xf32>,
        %add3A_753 = arith.constant 144 : i32
        %add3A_754 = arith.addi %mul3A_637, %add3A_753 : i32
        %add3A_755 = vector.broadcast %add3A_754 : i32 to vector<16xi32>
        %add3A_756 = arith.addi %add3A_755, %iota3A : vector<16xi32>
        %masked_sort3A_757 = arith.constant dense<true> : vector<16xi1>
        %masked_sort3A_758, %masked_sort3A_759, %masked_sort3A_760 = tpu.sort %get3A_752, %add3A_756 masked %masked_sort3A_757 {descending = true} : (vector<16xf32>, vector<16xi32>, vector<16xi1>) -> (vector<16xi1>, vector<16xf32>, vector<16xi32>)
        %add3A_761 = arith.constant 160 : i32
        %add3A_762 = arith.addi %mul3A_637, %add3A_761 : i32
        %get3A_763 = arith.index_cast %add3A_762 : i32 to index
        %get3A_764 = tpu.vector_load %arg7[%get3A_763] {strides = array<i32>} : memref<32768xf32, #tpu.memory_space<vmem>>, vector<16xf32>,
        %add3A_765 = arith.constant 160 : i32
        %add3A_766 = arith.addi %mul3A_637, %add3A_765 : i32
        %add3A_767 = vector.broadcast %add3A_766 : i32 to vector<16xi32>
        %add3A_768 = arith.addi %add3A_767, %iota3A : vector<16xi32>
        %masked_sort3A_769 = arith.constant dense<true> : vector<16xi1>
        %masked_sort3A_770, %masked_sort3A_771, %masked_sort3A_772 = tpu.sort %get3A_764, %add3A_768 masked %masked_sort3A_769 {descending = true} : (vector<16xf32>, vector<16xi32>, vector<16xi1>) -> (vector<16xi1>, vector<16xf32>, vector<16xi32>)
        %add3A_773 = arith.constant 176 : i32
        %add3A_774 = arith.addi %mul3A_637, %add3A_773 : i32
        %get3A_775 = arith.index_cast %add3A_774 : i32 to index
        %get3A_776 = tpu.vector_load %arg7[%get3A_775] {strides = array<i32>} : memref<32768xf32, #tpu.memory_space<vmem>>, vector<16xf32>,
        %add3A_777 = arith.constant 176 : i32
        %add3A_778 = arith.addi %mul3A_637, %add3A_777 : i32
        %add3A_779 = vector.broadcast %add3A_778 : i32 to vector<16xi32>
        %add3A_780 = arith.addi %add3A_779, %iota3A : vector<16xi32>
        %masked_sort3A_781 = arith.constant dense<true> : vector<16xi1>
        %masked_sort3A_782, %masked_sort3A_783, %masked_sort3A_784 = tpu.sort %get3A_776, %add3A_780 masked %masked_sort3A_781 {descending = true} : (vector<16xf32>, vector<16xi32>, vector<16xi1>) -> (vector<16xi1>, vector<16xf32>, vector<16xi32>)
        %add3A_785 = arith.constant 192 : i32
        %add3A_786 = arith.addi %mul3A_637, %add3A_785 : i32
        %get3A_787 = arith.index_cast %add3A_786 : i32 to index
        %get3A_788 = tpu.vector_load %arg7[%get3A_787] {strides = array<i32>} : memref<32768xf32, #tpu.memory_space<vmem>>, vector<16xf32>,
        %add3A_789 = arith.constant 192 : i32
        %add3A_790 = arith.addi %mul3A_637, %add3A_789 : i32
        %add3A_791 = vector.broadcast %add3A_790 : i32 to vector<16xi32>
        %add3A_792 = arith.addi %add3A_791, %iota3A : vector<16xi32>
        %masked_sort3A_793 = arith.constant dense<true> : vector<16xi1>
        %masked_sort3A_794, %masked_sort3A_795, %masked_sort3A_796 = tpu.sort %get3A_788, %add3A_792 masked %masked_sort3A_793 {descending = true} : (vector<16xf32>, vector<16xi32>, vector<16xi1>) -> (vector<16xi1>, vector<16xf32>, vector<16xi32>)
        %add3A_797 = arith.constant 208 : i32
        %add3A_798 = arith.addi %mul3A_637, %add3A_797 : i32
        %get3A_799 = arith.index_cast %add3A_798 : i32 to index
        %get3A_800 = tpu.vector_load %arg7[%get3A_799] {strides = array<i32>} : memref<32768xf32, #tpu.memory_space<vmem>>, vector<16xf32>,
        %add3A_801 = arith.constant 208 : i32
        %add3A_802 = arith.addi %mul3A_637, %add3A_801 : i32
        %add3A_803 = vector.broadcast %add3A_802 : i32 to vector<16xi32>
        %add3A_804 = arith.addi %add3A_803, %iota3A : vector<16xi32>
        %masked_sort3A_805 = arith.constant dense<true> : vector<16xi1>
        %masked_sort3A_806, %masked_sort3A_807, %masked_sort3A_808 = tpu.sort %get3A_800, %add3A_804 masked %masked_sort3A_805 {descending = true} : (vector<16xf32>, vector<16xi32>, vector<16xi1>) -> (vector<16xi1>, vector<16xf32>, vector<16xi32>)
        %add3A_809 = arith.constant 224 : i32
        %add3A_810 = arith.addi %mul3A_637, %add3A_809 : i32
        %get3A_811 = arith.index_cast %add3A_810 : i32 to index
        %get3A_812 = tpu.vector_load %arg7[%get3A_811] {strides = array<i32>} : memref<32768xf32, #tpu.memory_space<vmem>>, vector<16xf32>,
        %add3A_813 = arith.constant 224 : i32
        %add3A_814 = arith.addi %mul3A_637, %add3A_813 : i32
        %add3A_815 = vector.broadcast %add3A_814 : i32 to vector<16xi32>
        %add3A_816 = arith.addi %add3A_815, %iota3A : vector<16xi32>
        %masked_sort3A_817 = arith.constant dense<true> : vector<16xi1>
        %masked_sort3A_818, %masked_sort3A_819, %masked_sort3A_820 = tpu.sort %get3A_812, %add3A_816 masked %masked_sort3A_817 {descending = true} : (vector<16xf32>, vector<16xi32>, vector<16xi1>) -> (vector<16xi1>, vector<16xf32>, vector<16xi32>)
        %add3A_821 = arith.constant 240 : i32
        %add3A_822 = arith.addi %mul3A_637, %add3A_821 : i32
        %get3A_823 = arith.index_cast %add3A_822 : i32 to index
        %get3A_824 = tpu.vector_load %arg7[%get3A_823] {strides = array<i32>} : memref<32768xf32, #tpu.memory_space<vmem>>, vector<16xf32>,
        %add3A_825 = arith.constant 240 : i32
        %add3A_826 = arith.addi %mul3A_637, %add3A_825 : i32
        %add3A_827 = vector.broadcast %add3A_826 : i32 to vector<16xi32>
        %add3A_828 = arith.addi %add3A_827, %iota3A : vector<16xi32>
        %masked_sort3A_829 = arith.constant dense<true> : vector<16xi1>
        %masked_sort3A_830, %masked_sort3A_831, %masked_sort3A_832 = tpu.sort %get3A_824, %add3A_828 masked %masked_sort3A_829 {descending = true} : (vector<16xf32>, vector<16xi32>, vector<16xi1>) -> (vector<16xi1>, vector<16xf32>, vector<16xi32>)
        %rev3A = arith.constant 15 : i32
        %rev3A_833 = vector.broadcast %rev3A : i32 to vector<16xi32>
        %rev3A_834 = tpu.iota {dimensions = array<i32: 0>} : vector<16xi32>
        %rev3A_835 = arith.subi %rev3A_833, %rev3A_834 : vector<16xi32>
        %rev3A_836 = tpu.dynamic_gather %masked_sort3A_663[%rev3A_835] in [0] : vector<16xf32>, vector<16xi32> -> vector<16xf32>
        %rev3A_837 = arith.constant 15 : i32
        %rev3A_838 = vector.broadcast %rev3A_837 : i32 to vector<16xi32>
        %rev3A_839 = tpu.iota {dimensions = array<i32: 0>} : vector<16xi32>
        %rev3A_840 = arith.subi %rev3A_838, %rev3A_839 : vector<16xi32>
        %rev3A_841 = tpu.dynamic_gather %masked_sort3A_664[%rev3A_840] in [0] : vector<16xi32>, vector<16xi32> -> vector<16xi32>
        %ge3A_842 = arith.cmpf oge, %masked_sort3A_651, %rev3A_836 : vector<16xf32>
        %select_n3A_843 = arith.select %ge3A_842, %masked_sort3A_651, %rev3A_836 : vector<16xi1>, vector<16xf32>
        %select_n3A_844 = arith.select %ge3A_842, %masked_sort3A_652, %rev3A_841 : vector<16xi1>, vector<16xi32>
        %masked_sort3A_845 = arith.constant dense<true> : vector<16xi1>
        %masked_sort3A_846, %masked_sort3A_847, %masked_sort3A_848 = tpu.sort %select_n3A_843, %select_n3A_844 masked %masked_sort3A_845 {descending = true} : (vector<16xf32>, vector<16xi32>, vector<16xi1>) -> (vector<16xi1>, vector<16xf32>, vector<16xi32>)
        %rev3A_849 = arith.constant 15 : i32
        %rev3A_850 = vector.broadcast %rev3A_849 : i32 to vector<16xi32>
        %rev3A_851 = tpu.iota {dimensions = array<i32: 0>} : vector<16xi32>
        %rev3A_852 = arith.subi %rev3A_850, %rev3A_851 : vector<16xi32>
        %rev3A_853 = tpu.dynamic_gather %masked_sort3A_687[%rev3A_852] in [0] : vector<16xf32>, vector<16xi32> -> vector<16xf32>
        %rev3A_854 = arith.constant 15 : i32
        %rev3A_855 = vector.broadcast %rev3A_854 : i32 to vector<16xi32>
        %rev3A_856 = tpu.iota {dimensions = array<i32: 0>} : vector<16xi32>
        %rev3A_857 = arith.subi %rev3A_855, %rev3A_856 : vector<16xi32>
        %rev3A_858 = tpu.dynamic_gather %masked_sort3A_688[%rev3A_857] in [0] : vector<16xi32>, vector<16xi32> -> vector<16xi32>
        %ge3A_859 = arith.cmpf oge, %masked_sort3A_675, %rev3A_853 : vector<16xf32>
        %select_n3A_860 = arith.select %ge3A_859, %masked_sort3A_675, %rev3A_853 : vector<16xi1>, vector<16xf32>
        %select_n3A_861 = arith.select %ge3A_859, %masked_sort3A_676, %rev3A_858 : vector<16xi1>, vector<16xi32>
        %masked_sort3A_862 = arith.constant dense<true> : vector<16xi1>
        %masked_sort3A_863, %masked_sort3A_864, %masked_sort3A_865 = tpu.sort %select_n3A_860, %select_n3A_861 masked %masked_sort3A_862 {descending = true} : (vector<16xf32>, vector<16xi32>, vector<16xi1>) -> (vector<16xi1>, vector<16xf32>, vector<16xi32>)
        %rev3A_866 = arith.constant 15 : i32
        %rev3A_867 = vector.broadcast %rev3A_866 : i32 to vector<16xi32>
        %rev3A_868 = tpu.iota {dimensions = array<i32: 0>} : vector<16xi32>
        %rev3A_869 = arith.subi %rev3A_867, %rev3A_868 : vector<16xi32>
        %rev3A_870 = tpu.dynamic_gather %masked_sort3A_711[%rev3A_869] in [0] : vector<16xf32>, vector<16xi32> -> vector<16xf32>
        %rev3A_871 = arith.constant 15 : i32
        %rev3A_872 = vector.broadcast %rev3A_871 : i32 to vector<16xi32>
        %rev3A_873 = tpu.iota {dimensions = array<i32: 0>} : vector<16xi32>
        %rev3A_874 = arith.subi %rev3A_872, %rev3A_873 : vector<16xi32>
        %rev3A_875 = tpu.dynamic_gather %masked_sort3A_712[%rev3A_874] in [0] : vector<16xi32>, vector<16xi32> -> vector<16xi32>
        %ge3A_876 = arith.cmpf oge, %masked_sort3A_699, %rev3A_870 : vector<16xf32>
        %select_n3A_877 = arith.select %ge3A_876, %masked_sort3A_699, %rev3A_870 : vector<16xi1>, vector<16xf32>
        %select_n3A_878 = arith.select %ge3A_876, %masked_sort3A_700, %rev3A_875 : vector<16xi1>, vector<16xi32>
        %masked_sort3A_879 = arith.constant dense<true> : vector<16xi1>
        %masked_sort3A_880, %masked_sort3A_881, %masked_sort3A_882 = tpu.sort %select_n3A_877, %select_n3A_878 masked %masked_sort3A_879 {descending = true} : (vector<16xf32>, vector<16xi32>, vector<16xi1>) -> (vector<16xi1>, vector<16xf32>, vector<16xi32>)
        %rev3A_883 = arith.constant 15 : i32
        %rev3A_884 = vector.broadcast %rev3A_883 : i32 to vector<16xi32>
        %rev3A_885 = tpu.iota {dimensions = array<i32: 0>} : vector<16xi32>
        %rev3A_886 = arith.subi %rev3A_884, %rev3A_885 : vector<16xi32>
        %rev3A_887 = tpu.dynamic_gather %masked_sort3A_735[%rev3A_886] in [0] : vector<16xf32>, vector<16xi32> -> vector<16xf32>
        %rev3A_888 = arith.constant 15 : i32
        %rev3A_889 = vector.broadcast %rev3A_888 : i32 to vector<16xi32>
        %rev3A_890 = tpu.iota {dimensions = array<i32: 0>} : vector<16xi32>
        %rev3A_891 = arith.subi %rev3A_889, %rev3A_890 : vector<16xi32>
        %rev3A_892 = tpu.dynamic_gather %masked_sort3A_736[%rev3A_891] in [0] : vector<16xi32>, vector<16xi32> -> vector<16xi32>
        %ge3A_893 = arith.cmpf oge, %masked_sort3A_723, %rev3A_887 : vector<16xf32>
        %select_n3A_894 = arith.select %ge3A_893, %masked_sort3A_723, %rev3A_887 : vector<16xi1>, vector<16xf32>
        %select_n3A_895 = arith.select %ge3A_893, %masked_sort3A_724, %rev3A_892 : vector<16xi1>, vector<16xi32>
        %masked_sort3A_896 = arith.constant dense<true> : vector<16xi1>
        %masked_sort3A_897, %masked_sort3A_898, %masked_sort3A_899 = tpu.sort %select_n3A_894, %select_n3A_895 masked %masked_sort3A_896 {descending = true} : (vector<16xf32>, vector<16xi32>, vector<16xi1>) -> (vector<16xi1>, vector<16xf32>, vector<16xi32>)
        %rev3A_900 = arith.constant 15 : i32
        %rev3A_901 = vector.broadcast %rev3A_900 : i32 to vector<16xi32>
        %rev3A_902 = tpu.iota {dimensions = array<i32: 0>} : vector<16xi32>
        %rev3A_903 = arith.subi %rev3A_901, %rev3A_902 : vector<16xi32>
        %rev3A_904 = tpu.dynamic_gather %masked_sort3A_759[%rev3A_903] in [0] : vector<16xf32>, vector<16xi32> -> vector<16xf32>
        %rev3A_905 = arith.constant 15 : i32
        %rev3A_906 = vector.broadcast %rev3A_905 : i32 to vector<16xi32>
        %rev3A_907 = tpu.iota {dimensions = array<i32: 0>} : vector<16xi32>
        %rev3A_908 = arith.subi %rev3A_906, %rev3A_907 : vector<16xi32>
        %rev3A_909 = tpu.dynamic_gather %masked_sort3A_760[%rev3A_908] in [0] : vector<16xi32>, vector<16xi32> -> vector<16xi32>
        %ge3A_910 = arith.cmpf oge, %masked_sort3A_747, %rev3A_904 : vector<16xf32>
        %select_n3A_911 = arith.select %ge3A_910, %masked_sort3A_747, %rev3A_904 : vector<16xi1>, vector<16xf32>
        %select_n3A_912 = arith.select %ge3A_910, %masked_sort3A_748, %rev3A_909 : vector<16xi1>, vector<16xi32>
        %masked_sort3A_913 = arith.constant dense<true> : vector<16xi1>
        %masked_sort3A_914, %masked_sort3A_915, %masked_sort3A_916 = tpu.sort %select_n3A_911, %select_n3A_912 masked %masked_sort3A_913 {descending = true} : (vector<16xf32>, vector<16xi32>, vector<16xi1>) -> (vector<16xi1>, vector<16xf32>, vector<16xi32>)
        %rev3A_917 = arith.constant 15 : i32
        %rev3A_918 = vector.broadcast %rev3A_917 : i32 to vector<16xi32>
        %rev3A_919 = tpu.iota {dimensions = array<i32: 0>} : vector<16xi32>
        %rev3A_920 = arith.subi %rev3A_918, %rev3A_919 : vector<16xi32>
        %rev3A_921 = tpu.dynamic_gather %masked_sort3A_783[%rev3A_920] in [0] : vector<16xf32>, vector<16xi32> -> vector<16xf32>
        %rev3A_922 = arith.constant 15 : i32
        %rev3A_923 = vector.broadcast %rev3A_922 : i32 to vector<16xi32>
        %rev3A_924 = tpu.iota {dimensions = array<i32: 0>} : vector<16xi32>
        %rev3A_925 = arith.subi %rev3A_923, %rev3A_924 : vector<16xi32>
        %rev3A_926 = tpu.dynamic_gather %masked_sort3A_784[%rev3A_925] in [0] : vector<16xi32>, vector<16xi32> -> vector<16xi32>
        %ge3A_927 = arith.cmpf oge, %masked_sort3A_771, %rev3A_921 : vector<16xf32>
        %select_n3A_928 = arith.select %ge3A_927, %masked_sort3A_771, %rev3A_921 : vector<16xi1>, vector<16xf32>
        %select_n3A_929 = arith.select %ge3A_927, %masked_sort3A_772, %rev3A_926 : vector<16xi1>, vector<16xi32>
        %masked_sort3A_930 = arith.constant dense<true> : vector<16xi1>
        %masked_sort3A_931, %masked_sort3A_932, %masked_sort3A_933 = tpu.sort %select_n3A_928, %select_n3A_929 masked %masked_sort3A_930 {descending = true} : (vector<16xf32>, vector<16xi32>, vector<16xi1>) -> (vector<16xi1>, vector<16xf32>, vector<16xi32>)
        %rev3A_934 = arith.constant 15 : i32
        %rev3A_935 = vector.broadcast %rev3A_934 : i32 to vector<16xi32>
        %rev3A_936 = tpu.iota {dimensions = array<i32: 0>} : vector<16xi32>
        %rev3A_937 = arith.subi %rev3A_935, %rev3A_936 : vector<16xi32>
        %rev3A_938 = tpu.dynamic_gather %masked_sort3A_807[%rev3A_937] in [0] : vector<16xf32>, vector<16xi32> -> vector<16xf32>
        %rev3A_939 = arith.constant 15 : i32
        %rev3A_940 = vector.broadcast %rev3A_939 : i32 to vector<16xi32>
        %rev3A_941 = tpu.iota {dimensions = array<i32: 0>} : vector<16xi32>
        %rev3A_942 = arith.subi %rev3A_940, %rev3A_941 : vector<16xi32>
        %rev3A_943 = tpu.dynamic_gather %masked_sort3A_808[%rev3A_942] in [0] : vector<16xi32>, vector<16xi32> -> vector<16xi32>
        %ge3A_944 = arith.cmpf oge, %masked_sort3A_795, %rev3A_938 : vector<16xf32>
        %select_n3A_945 = arith.select %ge3A_944, %masked_sort3A_795, %rev3A_938 : vector<16xi1>, vector<16xf32>
        %select_n3A_946 = arith.select %ge3A_944, %masked_sort3A_796, %rev3A_943 : vector<16xi1>, vector<16xi32>
        %masked_sort3A_947 = arith.constant dense<true> : vector<16xi1>
        %masked_sort3A_948, %masked_sort3A_949, %masked_sort3A_950 = tpu.sort %select_n3A_945, %select_n3A_946 masked %masked_sort3A_947 {descending = true} : (vector<16xf32>, vector<16xi32>, vector<16xi1>) -> (vector<16xi1>, vector<16xf32>, vector<16xi32>)
        %rev3A_951 = arith.constant 15 : i32
        %rev3A_952 = vector.broadcast %rev3A_951 : i32 to vector<16xi32>
        %rev3A_953 = tpu.iota {dimensions = array<i32: 0>} : vector<16xi32>
        %rev3A_954 = arith.subi %rev3A_952, %rev3A_953 : vector<16xi32>
        %rev3A_955 = tpu.dynamic_gather %masked_sort3A_831[%rev3A_954] in [0] : vector<16xf32>, vector<16xi32> -> vector<16xf32>
        %rev3A_956 = arith.constant 15 : i32
        %rev3A_957 = vector.broadcast %rev3A_956 : i32 to vector<16xi32>
        %rev3A_958 = tpu.iota {dimensions = array<i32: 0>} : vector<16xi32>
        %rev3A_959 = arith.subi %rev3A_957, %rev3A_958 : vector<16xi32>
        %rev3A_960 = tpu.dynamic_gather %masked_sort3A_832[%rev3A_959] in [0] : vector<16xi32>, vector<16xi32> -> vector<16xi32>
        %ge3A_961 = arith.cmpf oge, %masked_sort3A_819, %rev3A_955 : vector<16xf32>
        %select_n3A_962 = arith.select %ge3A_961, %masked_sort3A_819, %rev3A_955 : vector<16xi1>, vector<16xf32>
        %select_n3A_963 = arith.select %ge3A_961, %masked_sort3A_820, %rev3A_960 : vector<16xi1>, vector<16xi32>
        %masked_sort3A_964 = arith.constant dense<true> : vector<16xi1>
        %masked_sort3A_965, %masked_sort3A_966, %masked_sort3A_967 = tpu.sort %select_n3A_962, %select_n3A_963 masked %masked_sort3A_964 {descending = true} : (vector<16xf32>, vector<16xi32>, vector<16xi1>) -> (vector<16xi1>, vector<16xf32>, vector<16xi32>)
        %rev3A_968 = arith.constant 15 : i32
        %rev3A_969 = vector.broadcast %rev3A_968 : i32 to vector<16xi32>
        %rev3A_970 = tpu.iota {dimensions = array<i32: 0>} : vector<16xi32>
        %rev3A_971 = arith.subi %rev3A_969, %rev3A_970 : vector<16xi32>
        %rev3A_972 = tpu.dynamic_gather %masked_sort3A_864[%rev3A_971] in [0] : vector<16xf32>, vector<16xi32> -> vector<16xf32>
        %rev3A_973 = arith.constant 15 : i32
        %rev3A_974 = vector.broadcast %rev3A_973 : i32 to vector<16xi32>
        %rev3A_975 = tpu.iota {dimensions = array<i32: 0>} : vector<16xi32>
        %rev3A_976 = arith.subi %rev3A_974, %rev3A_975 : vector<16xi32>
        %rev3A_977 = tpu.dynamic_gather %masked_sort3A_865[%rev3A_976] in [0] : vector<16xi32>, vector<16xi32> -> vector<16xi32>
        %ge3A_978 = arith.cmpf oge, %masked_sort3A_847, %rev3A_972 : vector<16xf32>
        %select_n3A_979 = arith.select %ge3A_978, %masked_sort3A_847, %rev3A_972 : vector<16xi1>, vector<16xf32>
        %select_n3A_980 = arith.select %ge3A_978, %masked_sort3A_848, %rev3A_977 : vector<16xi1>, vector<16xi32>
        %masked_sort3A_981 = arith.constant dense<true> : vector<16xi1>
        %masked_sort3A_982, %masked_sort3A_983, %masked_sort3A_984 = tpu.sort %select_n3A_979, %select_n3A_980 masked %masked_sort3A_981 {descending = true} : (vector<16xf32>, vector<16xi32>, vector<16xi1>) -> (vector<16xi1>, vector<16xf32>, vector<16xi32>)
        %rev3A_985 = arith.constant 15 : i32
        %rev3A_986 = vector.broadcast %rev3A_985 : i32 to vector<16xi32>
        %rev3A_987 = tpu.iota {dimensions = array<i32: 0>} : vector<16xi32>
        %rev3A_988 = arith.subi %rev3A_986, %rev3A_987 : vector<16xi32>
        %rev3A_989 = tpu.dynamic_gather %masked_sort3A_898[%rev3A_988] in [0] : vector<16xf32>, vector<16xi32> -> vector<16xf32>
        %rev3A_990 = arith.constant 15 : i32
        %rev3A_991 = vector.broadcast %rev3A_990 : i32 to vector<16xi32>
        %rev3A_992 = tpu.iota {dimensions = array<i32: 0>} : vector<16xi32>
        %rev3A_993 = arith.subi %rev3A_991, %rev3A_992 : vector<16xi32>
        %rev3A_994 = tpu.dynamic_gather %masked_sort3A_899[%rev3A_993] in [0] : vector<16xi32>, vector<16xi32> -> vector<16xi32>
        %ge3A_995 = arith.cmpf oge, %masked_sort3A_881, %rev3A_989 : vector<16xf32>
        %select_n3A_996 = arith.select %ge3A_995, %masked_sort3A_881, %rev3A_989 : vector<16xi1>, vector<16xf32>
        %select_n3A_997 = arith.select %ge3A_995, %masked_sort3A_882, %rev3A_994 : vector<16xi1>, vector<16xi32>
        %masked_sort3A_998 = arith.constant dense<true> : vector<16xi1>
        %masked_sort3A_999, %masked_sort3A_1000, %masked_sort3A_1001 = tpu.sort %select_n3A_996, %select_n3A_997 masked %masked_sort3A_998 {descending = true} : (vector<16xf32>, vector<16xi32>, vector<16xi1>) -> (vector<16xi1>, vector<16xf32>, vector<16xi32>)
        %rev3A_1002 = arith.constant 15 : i32
        %rev3A_1003 = vector.broadcast %rev3A_1002 : i32 to vector<16xi32>
        %rev3A_1004 = tpu.iota {dimensions = array<i32: 0>} : vector<16xi32>
        %rev3A_1005 = arith.subi %rev3A_1003, %rev3A_1004 : vector<16xi32>
        %rev3A_1006 = tpu.dynamic_gather %masked_sort3A_932[%rev3A_1005] in [0] : vector<16xf32>, vector<16xi32> -> vector<16xf32>
        %rev3A_1007 = arith.constant 15 : i32
        %rev3A_1008 = vector.broadcast %rev3A_1007 : i32 to vector<16xi32>
        %rev3A_1009 = tpu.iota {dimensions = array<i32: 0>} : vector<16xi32>
        %rev3A_1010 = arith.subi %rev3A_1008, %rev3A_1009 : vector<16xi32>
        %rev3A_1011 = tpu.dynamic_gather %masked_sort3A_933[%rev3A_1010] in [0] : vector<16xi32>, vector<16xi32> -> vector<16xi32>
        %ge3A_1012 = arith.cmpf oge, %masked_sort3A_915, %rev3A_1006 : vector<16xf32>
        %select_n3A_1013 = arith.select %ge3A_1012, %masked_sort3A_915, %rev3A_1006 : vector<16xi1>, vector<16xf32>
        %select_n3A_1014 = arith.select %ge3A_1012, %masked_sort3A_916, %rev3A_1011 : vector<16xi1>, vector<16xi32>
        %masked_sort3A_1015 = arith.constant dense<true> : vector<16xi1>
        %masked_sort3A_1016, %masked_sort3A_1017, %masked_sort3A_1018 = tpu.sort %select_n3A_1013, %select_n3A_1014 masked %masked_sort3A_1015 {descending = true} : (vector<16xf32>, vector<16xi32>, vector<16xi1>) -> (vector<16xi1>, vector<16xf32>, vector<16xi32>)
        %rev3A_1019 = arith.constant 15 : i32
        %rev3A_1020 = vector.broadcast %rev3A_1019 : i32 to vector<16xi32>
        %rev3A_1021 = tpu.iota {dimensions = array<i32: 0>} : vector<16xi32>
        %rev3A_1022 = arith.subi %rev3A_1020, %rev3A_1021 : vector<16xi32>
        %rev3A_1023 = tpu.dynamic_gather %masked_sort3A_966[%rev3A_1022] in [0] : vector<16xf32>, vector<16xi32> -> vector<16xf32>
        %rev3A_1024 = arith.constant 15 : i32
        %rev3A_1025 = vector.broadcast %rev3A_1024 : i32 to vector<16xi32>
        %rev3A_1026 = tpu.iota {dimensions = array<i32: 0>} : vector<16xi32>
        %rev3A_1027 = arith.subi %rev3A_1025, %rev3A_1026 : vector<16xi32>
        %rev3A_1028 = tpu.dynamic_gather %masked_sort3A_967[%rev3A_1027] in [0] : vector<16xi32>, vector<16xi32> -> vector<16xi32>
        %ge3A_1029 = arith.cmpf oge, %masked_sort3A_949, %rev3A_1023 : vector<16xf32>
        %select_n3A_1030 = arith.select %ge3A_1029, %masked_sort3A_949, %rev3A_1023 : vector<16xi1>, vector<16xf32>
        %select_n3A_1031 = arith.select %ge3A_1029, %masked_sort3A_950, %rev3A_1028 : vector<16xi1>, vector<16xi32>
        %masked_sort3A_1032 = arith.constant dense<true> : vector<16xi1>
        %masked_sort3A_1033, %masked_sort3A_1034, %masked_sort3A_1035 = tpu.sort %select_n3A_1030, %select_n3A_1031 masked %masked_sort3A_1032 {descending = true} : (vector<16xf32>, vector<16xi32>, vector<16xi1>) -> (vector<16xi1>, vector<16xf32>, vector<16xi32>)
        %rev3A_1036 = arith.constant 15 : i32
        %rev3A_1037 = vector.broadcast %rev3A_1036 : i32 to vector<16xi32>
        %rev3A_1038 = tpu.iota {dimensions = array<i32: 0>} : vector<16xi32>
        %rev3A_1039 = arith.subi %rev3A_1037, %rev3A_1038 : vector<16xi32>
        %rev3A_1040 = tpu.dynamic_gather %masked_sort3A_1000[%rev3A_1039] in [0] : vector<16xf32>, vector<16xi32> -> vector<16xf32>
        %rev3A_1041 = arith.constant 15 : i32
        %rev3A_1042 = vector.broadcast %rev3A_1041 : i32 to vector<16xi32>
        %rev3A_1043 = tpu.iota {dimensions = array<i32: 0>} : vector<16xi32>
        %rev3A_1044 = arith.subi %rev3A_1042, %rev3A_1043 : vector<16xi32>
        %rev3A_1045 = tpu.dynamic_gather %masked_sort3A_1001[%rev3A_1044] in [0] : vector<16xi32>, vector<16xi32> -> vector<16xi32>
        %ge3A_1046 = arith.cmpf oge, %masked_sort3A_983, %rev3A_1040 : vector<16xf32>
        %select_n3A_1047 = arith.select %ge3A_1046, %masked_sort3A_983, %rev3A_1040 : vector<16xi1>, vector<16xf32>
        %select_n3A_1048 = arith.select %ge3A_1046, %masked_sort3A_984, %rev3A_1045 : vector<16xi1>, vector<16xi32>
        %masked_sort3A_1049 = arith.constant dense<true> : vector<16xi1>
        %masked_sort3A_1050, %masked_sort3A_1051, %masked_sort3A_1052 = tpu.sort %select_n3A_1047, %select_n3A_1048 masked %masked_sort3A_1049 {descending = true} : (vector<16xf32>, vector<16xi32>, vector<16xi1>) -> (vector<16xi1>, vector<16xf32>, vector<16xi32>)
        %rev3A_1053 = arith.constant 15 : i32
        %rev3A_1054 = vector.broadcast %rev3A_1053 : i32 to vector<16xi32>
        %rev3A_1055 = tpu.iota {dimensions = array<i32: 0>} : vector<16xi32>
        %rev3A_1056 = arith.subi %rev3A_1054, %rev3A_1055 : vector<16xi32>
        %rev3A_1057 = tpu.dynamic_gather %masked_sort3A_1034[%rev3A_1056] in [0] : vector<16xf32>, vector<16xi32> -> vector<16xf32>
        %rev3A_1058 = arith.constant 15 : i32
        %rev3A_1059 = vector.broadcast %rev3A_1058 : i32 to vector<16xi32>
        %rev3A_1060 = tpu.iota {dimensions = array<i32: 0>} : vector<16xi32>
        %rev3A_1061 = arith.subi %rev3A_1059, %rev3A_1060 : vector<16xi32>
        %rev3A_1062 = tpu.dynamic_gather %masked_sort3A_1035[%rev3A_1061] in [0] : vector<16xi32>, vector<16xi32> -> vector<16xi32>
        %ge3A_1063 = arith.cmpf oge, %masked_sort3A_1017, %rev3A_1057 : vector<16xf32>
        %select_n3A_1064 = arith.select %ge3A_1063, %masked_sort3A_1017, %rev3A_1057 : vector<16xi1>, vector<16xf32>
        %select_n3A_1065 = arith.select %ge3A_1063, %masked_sort3A_1018, %rev3A_1062 : vector<16xi1>, vector<16xi32>
        %masked_sort3A_1066 = arith.constant dense<true> : vector<16xi1>
        %masked_sort3A_1067, %masked_sort3A_1068, %masked_sort3A_1069 = tpu.sort %select_n3A_1064, %select_n3A_1065 masked %masked_sort3A_1066 {descending = true} : (vector<16xf32>, vector<16xi32>, vector<16xi1>) -> (vector<16xi1>, vector<16xf32>, vector<16xi32>)
        %rev3A_1070 = arith.constant 15 : i32
        %rev3A_1071 = vector.broadcast %rev3A_1070 : i32 to vector<16xi32>
        %rev3A_1072 = tpu.iota {dimensions = array<i32: 0>} : vector<16xi32>
        %rev3A_1073 = arith.subi %rev3A_1071, %rev3A_1072 : vector<16xi32>
        %rev3A_1074 = tpu.dynamic_gather %masked_sort3A_1068[%rev3A_1073] in [0] : vector<16xf32>, vector<16xi32> -> vector<16xf32>
        %rev3A_1075 = arith.constant 15 : i32
        %rev3A_1076 = vector.broadcast %rev3A_1075 : i32 to vector<16xi32>
        %rev3A_1077 = tpu.iota {dimensions = array<i32: 0>} : vector<16xi32>
        %rev3A_1078 = arith.subi %rev3A_1076, %rev3A_1077 : vector<16xi32>
        %rev3A_1079 = tpu.dynamic_gather %masked_sort3A_1069[%rev3A_1078] in [0] : vector<16xi32>, vector<16xi32> -> vector<16xi32>
        %ge3A_1080 = arith.cmpf oge, %masked_sort3A_1051, %rev3A_1074 : vector<16xf32>
        %select_n3A_1081 = arith.select %ge3A_1080, %masked_sort3A_1051, %rev3A_1074 : vector<16xi1>, vector<16xf32>
        %select_n3A_1082 = arith.select %ge3A_1080, %masked_sort3A_1052, %rev3A_1079 : vector<16xi1>, vector<16xi32>
        %masked_sort3A_1083 = arith.constant dense<true> : vector<16xi1>
        %masked_sort3A_1084, %masked_sort3A_1085, %masked_sort3A_1086 = tpu.sort %select_n3A_1081, %select_n3A_1082 masked %masked_sort3A_1083 {descending = true} : (vector<16xf32>, vector<16xi32>, vector<16xi1>) -> (vector<16xi1>, vector<16xf32>, vector<16xi32>)
        %rev3A_1087 = arith.constant 15 : i32
        %rev3A_1088 = vector.broadcast %rev3A_1087 : i32 to vector<16xi32>
        %rev3A_1089 = tpu.iota {dimensions = array<i32: 0>} : vector<16xi32>
        %rev3A_1090 = arith.subi %rev3A_1088, %rev3A_1089 : vector<16xi32>
        %rev3A_1091 = tpu.dynamic_gather %masked_sort3A_1085[%rev3A_1090] in [0] : vector<16xf32>, vector<16xi32> -> vector<16xf32>
        %rev3A_1092 = arith.constant 15 : i32
        %rev3A_1093 = vector.broadcast %rev3A_1092 : i32 to vector<16xi32>
        %rev3A_1094 = tpu.iota {dimensions = array<i32: 0>} : vector<16xi32>
        %rev3A_1095 = arith.subi %rev3A_1093, %rev3A_1094 : vector<16xi32>
        %rev3A_1096 = tpu.dynamic_gather %masked_sort3A_1086[%rev3A_1095] in [0] : vector<16xi32>, vector<16xi32> -> vector<16xi32>
        %ge3A_1097 = arith.cmpf oge, %scan3A_631, %rev3A_1091 : vector<16xf32>
        %select_n3A_1098 = arith.select %ge3A_1097, %scan3A_631, %rev3A_1091 : vector<16xi1>, vector<16xf32>
        %select_n3A_1099 = arith.select %ge3A_1097, %scan3A_632, %rev3A_1096 : vector<16xi1>, vector<16xi32>
        %masked_sort3A_1100 = arith.constant dense<true> : vector<16xi1>
        %masked_sort3A_1101, %masked_sort3A_1102, %masked_sort3A_1103 = tpu.sort %select_n3A_1098, %select_n3A_1099 masked %masked_sort3A_1100 {descending = true} : (vector<16xf32>, vector<16xi32>, vector<16xi1>) -> (vector<16xi1>, vector<16xf32>, vector<16xi32>)
        %jit3A_1104 = arith.constant 3.400000e+38 : f32
        %broadcast_in_dim3A_1105 = vector.broadcast %jit3A_1104 : f32 to vector<16xf32>
        %select_n3A_1106 = arith.select %lt3A_5, %masked_sort3A_1102, %broadcast_in_dim3A_1105 : vector<16xi1>, vector<16xf32>
        %reduce_min3A_1107 = arith.constant true
        %reduce_min3A_1108 = vector.broadcast %reduce_min3A_1107 : i1 to vector<16xi1>
        %reduce_min3A_1109 = tpu.scan <min>, %select_n3A_1106 masked %reduce_min3A_1108 : vector<16xf32>, vector<16xi1> -> vector<16xf32>
        %reduce_min3A_1110 = vector.extract %reduce_min3A_1109[15] : f32 from vector<16xf32>
        %max3A = arith.maximumf %scan3A_633, %reduce_min3A_1110 : f32
        scf.yield %masked_sort3A_1102, %masked_sort3A_1103, %max3A : vector<16xf32>, vector<16xi32>, f32
      } else {
        scf.yield %scan3A_631, %scan3A_632, %scan3A_633 : vector<16xf32>, vector<16xi32>, f32
      }
      scf.yield %cond3A_640#0, %cond3A_640#1, %cond3A_640#2 : vector<16xf32>, vector<16xi32>, f32
    }
    %scan3A_396 = arith.constant 128 : i32
    %reduce_sum3A_397 = arith.constant true
    %reduce_sum3A_398 = vector.broadcast %reduce_sum3A_397 : i1 to vector<16xi1>
    %reduce_sum3A_399 = tpu.scan <sum>, %parallel_loop3A_375#0 masked %reduce_sum3A_398 : vector<16xf32>, vector<16xi1> -> vector<16xf32>
    %reduce_sum3A_400 = vector.extract %reduce_sum3A_399[15] : f32 from vector<16xf32>
    %broadcast_in_dim3A_401 = arith.constant 0.000000e+00 : f32
    %broadcast_in_dim3A_402 = vector.broadcast %broadcast_in_dim3A_401 : f32 to vector<16xf32>
    %add3A_403 = vector.broadcast %reduce_sum3A_400 : f32 to vector<16xf32>
    %add3A_404 = arith.addf %broadcast_in_dim3A_402, %add3A_403 : vector<16xf32>
    %bitcast_convert_type3A_405 = tpu.bitcast %add3A_404 : vector<16xf32> -> vector<16xi32>
    %convert_element_type3A_406 = arith.sitofp %bitcast_convert_type3A_405 : vector<16xi32> to vector<16xf32>
    %mul3A_407 = arith.constant 1.1920929E-7 : f32
    %mul3A_408 = vector.broadcast %mul3A_407 : f32 to vector<16xf32>
    %mul3A_409 = arith.mulf %convert_element_type3A_406, %mul3A_408 : vector<16xf32>
    %sub3A_410 = arith.constant 126.942696 : f32
    %sub3A_411 = vector.broadcast %sub3A_410 : f32 to vector<16xf32>
    %sub3A_412 = arith.subf %mul3A_409, %sub3A_411 : vector<16xf32>
    %mul3A_413 = arith.constant 0.693147182 : f32
    %mul3A_414 = vector.broadcast %mul3A_413 : f32 to vector<16xf32>
    %mul3A_415 = arith.mulf %sub3A_412, %mul3A_414 : vector<16xf32>
    %neg3A_416 = arith.constant 0.000000e+00 : f32
    %neg3A_417 = vector.broadcast %neg3A_416 : f32 to vector<16xf32>
    %neg3A_418 = arith.subf %neg3A_417, %mul3A_415 : vector<16xf32>
    %exp3A_419 = math.exp %neg3A_418 : vector<16xf32>
    %mul3A_420 = arith.mulf %add3A_404, %exp3A_419 : vector<16xf32>
    %add3A_421 = arith.addf %mul3A_415, %mul3A_420 : vector<16xf32>
    %sub3A_422 = arith.constant 1.000000e+00 : f32
    %sub3A_423 = vector.broadcast %sub3A_422 : f32 to vector<16xf32>
    %sub3A_424 = arith.subf %add3A_421, %sub3A_423 : vector<16xf32>
    %neg3A_425 = arith.constant 0.000000e+00 : f32
    %neg3A_426 = vector.broadcast %neg3A_425 : f32 to vector<16xf32>
    %neg3A_427 = arith.subf %neg3A_426, %sub3A_424 : vector<16xf32>
    %exp3A_428 = math.exp %neg3A_427 : vector<16xf32>
    %mul3A_429 = arith.mulf %add3A_404, %exp3A_428 : vector<16xf32>
    %add3A_430 = arith.addf %sub3A_424, %mul3A_429 : vector<16xf32>
    %sub3A_431 = arith.constant 1.000000e+00 : f32
    %sub3A_432 = vector.broadcast %sub3A_431 : f32 to vector<16xf32>
    %sub3A_433 = arith.subf %add3A_430, %sub3A_432 : vector<16xf32>
    %neg3A_434 = arith.constant 0.000000e+00 : f32
    %neg3A_435 = vector.broadcast %neg3A_434 : f32 to vector<16xf32>
    %neg3A_436 = arith.subf %neg3A_435, %sub3A_433 : vector<16xf32>
    %exp3A_437 = math.exp %neg3A_436 : vector<16xf32>
    %mul3A_438 = arith.mulf %add3A_404, %exp3A_437 : vector<16xf32>
    %add3A_439 = arith.addf %sub3A_433, %mul3A_438 : vector<16xf32>
    %sub3A_440 = arith.constant 1.000000e+00 : f32
    %sub3A_441 = vector.broadcast %sub3A_440 : f32 to vector<16xf32>
    %sub3A_442 = arith.subf %add3A_439, %sub3A_441 : vector<16xf32>
    %add3A_443 = vector.broadcast %reduce_max3A_367 : f32 to vector<16xf32>
    %add3A_444 = arith.addf %add3A_443, %scan3A_395#0 : vector<16xf32>
    %sub3A_445 = arith.subf %add3A_444, %sub3A_442 : vector<16xf32>
    %swap3A_446 = arith.constant 16 : index
    %swap3A_447 = tpu.vector_load %arg11[%swap3A_446] masked %lt3A_5 {strides = array<i32>} : memref<48xf32, #tpu.memory_space<vmem>>, vector<16xf32>, vector<16xi1>
    tpu.vector_store %arg11[%swap3A_446], %sub3A_445 masked %lt3A_5 {strides = array<i32>} : memref<48xf32, #tpu.memory_space<vmem>>, vector<16xf32>, vector<16xi1>
    %swap3A_448 = arith.constant 16 : index
    %swap3A_449 = tpu.vector_load %arg12[%swap3A_448] masked %lt3A_5 {strides = array<i32>} : memref<48xi32, #tpu.memory_space<vmem>>, vector<16xi32>, vector<16xi1>
    tpu.vector_store %arg12[%swap3A_448], %scan3A_395#1 masked %lt3A_5 {strides = array<i32>} : memref<48xi32, #tpu.memory_space<vmem>>, vector<16xi32>, vector<16xi1>
    %dma_wait3A_450 = arith.constant 0 : i32
    %dma_wait3A_451 = tpu.memref_slice %arg4[%add3A_182, %dma_wait3A_450] : memref<128x32768xf32, #tpu.memory_space<hbm>> -> memref<1x32768xf32, #tpu.memory_space<hbm>>
    %dma_wait3A_452 = tpu.memref_squeeze %dma_wait3A_451 : memref<1x32768xf32, #tpu.memory_space<hbm>> -> memref<32768xf32, #tpu.memory_space<hbm>>
    %dma_wait3A_453 = arith.constant 0 : i32
    %dma_wait3A_454 = tpu.memref_slice %arg4[%add3A_182, %dma_wait3A_453] : memref<128x32768xf32, #tpu.memory_space<hbm>> -> memref<1x32768xf32, #tpu.memory_space<hbm>>
    %dma_wait3A_455 = tpu.memref_squeeze %dma_wait3A_454 : memref<1x32768xf32, #tpu.memory_space<hbm>> -> memref<32768xf32, #tpu.memory_space<hbm>>
    tpu.wait_dma2 semaphore(%arg15 : memref<!tpu.dma_semaphore, #tpu.memory_space<semaphore_mem>>) src(%arg9 : memref<32768xf32, #tpu.memory_space<vmem>>) dst(%dma_wait3A_455 : memref<32768xf32, #tpu.memory_space<hbm>>)
    tpu.vector_store_idx %arg9[%scan3A_248#1], %broadcast_in_dim3A_3 masked %lt3A_5 : memref<32768xf32, #tpu.memory_space<vmem>>[vector<16xi32>], vector<16xf32>, vector<16xi1>
    tpu.vector_store_idx %arg9[%scan3A_395#1], %sub3A_445 masked %lt3A_5 : memref<32768xf32, #tpu.memory_space<vmem>>[vector<16xi32>], vector<16xf32>, vector<16xi1>
    %dma_start3A_456 = arith.constant 0 : i32
    %dma_start3A_457 = tpu.memref_slice %arg4[%add3A_329, %dma_start3A_456] : memref<128x32768xf32, #tpu.memory_space<hbm>> -> memref<1x32768xf32, #tpu.memory_space<hbm>>
    %dma_start3A_458 = tpu.memref_squeeze %dma_start3A_457 : memref<1x32768xf32, #tpu.memory_space<hbm>> -> memref<32768xf32, #tpu.memory_space<hbm>>
    %dma_start3A_459 = arith.constant 0 : i32
    %dma_start3A_460 = tpu.memref_slice %arg4[%add3A_329, %dma_start3A_459] : memref<128x32768xf32, #tpu.memory_space<hbm>> -> memref<1x32768xf32, #tpu.memory_space<hbm>>
    %dma_start3A_461 = tpu.memref_squeeze %dma_start3A_460 : memref<1x32768xf32, #tpu.memory_space<hbm>> -> memref<32768xf32, #tpu.memory_space<hbm>>
    tpu.enqueue_dma source(%arg9 : memref<32768xf32, #tpu.memory_space<vmem>>) target(%dma_start3A_461 : memref<32768xf32, #tpu.memory_space<hbm>>) target_semaphore(%arg15 : memref<!tpu.dma_semaphore, #tpu.memory_space<semaphore_mem>>)
    %add3A_462 = arith.constant 3 : i32
    %add3A_463 = arith.addi %mul3A_2, %add3A_462 : i32
    %dma_wait3A_464 = arith.constant 1 : i32
    %dma_wait3A_465 = arith.constant 0 : i32
    %dma_wait3A_466 = tpu.memref_slice %arg2[%add3A_253, %dma_wait3A_465] : memref<128x32768xf32, #tpu.memory_space<hbm>> -> memref<1x32768xf32, #tpu.memory_space<hbm>>
    %dma_wait3A_467 = tpu.memref_squeeze %dma_wait3A_466 : memref<1x32768xf32, #tpu.memory_space<hbm>> -> memref<32768xf32, #tpu.memory_space<hbm>>
    %dma_wait3A_468 = tpu.memref_slice %arg14[%dma_wait3A_464] : memref<2x!tpu.dma_semaphore, #tpu.memory_space<semaphore_mem>> -> memref<1x!tpu.dma_semaphore, #tpu.memory_space<semaphore_mem>>
    %dma_wait3A_469 = tpu.memref_squeeze %dma_wait3A_468 : memref<1x!tpu.dma_semaphore, #tpu.memory_space<semaphore_mem>> -> memref<!tpu.dma_semaphore, #tpu.memory_space<semaphore_mem>>
    %dma_wait3A_470 = arith.constant 0 : i32
    %dma_wait3A_471 = tpu.memref_slice %arg2[%add3A_253, %dma_wait3A_470] : memref<128x32768xf32, #tpu.memory_space<hbm>> -> memref<1x32768xf32, #tpu.memory_space<hbm>>
    %dma_wait3A_472 = tpu.memref_squeeze %dma_wait3A_471 : memref<1x32768xf32, #tpu.memory_space<hbm>> -> memref<32768xf32, #tpu.memory_space<hbm>>
    tpu.wait_dma2 semaphore(%dma_wait3A_469 : memref<!tpu.dma_semaphore, #tpu.memory_space<semaphore_mem>>) src(%dma_wait3A_472 : memref<32768xf32, #tpu.memory_space<hbm>>) dst(%arg8 : memref<32768xf32, #tpu.memory_space<vmem>>)
    %jit3A_473 = arith.constant 4 : i32
    %eq3A_474 = arith.constant 0 : i32
    %eq3A_475 = arith.cmpi eq, %jit3A_473, %eq3A_474 : i32
    %jit3A_476 = arith.constant 1 : i32
    %select_n3A_477 = arith.select %eq3A_475, %jit3A_476, %jit3A_473 : i32
    %rem3A_478 = arith.remsi %add3A, %select_n3A_477 : i32
    %ne3A_479 = arith.constant 0 : i32
    %ne3A_480 = arith.cmpi ne, %rem3A_478, %ne3A_479 : i32
    %lt3A_481 = arith.constant 0 : i32
    %lt3A_482 = arith.cmpi slt, %rem3A_478, %lt3A_481 : i32
    %lt3A_483 = arith.constant 0 : i32
    %lt3A_484 = arith.cmpi slt, %select_n3A_477, %lt3A_483 : i32
    %ne3A_485 = arith.xori %lt3A_482, %lt3A_484 : i1
    %and3A_486 = arith.andi %ne3A_485, %ne3A_480 : i1
    %add3A_487 = arith.addi %rem3A_478, %select_n3A_477 : i32
    %select_n3A_488 = arith.select %and3A_486, %add3A_487, %rem3A_478 : i32
    %mul3A_489 = arith.constant 4 : i32
    %mul3A_490 = arith.muli %select_n3A_488, %mul3A_489 : i32
    %add3A_491 = arith.constant 3 : i32
    %add3A_492 = arith.addi %mul3A_490, %add3A_491 : i32
    %eq3A_493 = vector.broadcast %add3A_492 : i32 to vector<16xi32>
    %eq3A_494 = arith.cmpi eq, %iota3A, %eq3A_493 : vector<16xi32>
    %jit3A_495 = arith.constant -3.400000e+38 : f32
    %broadcast_in_dim3A_496 = vector.broadcast %jit3A_495 : f32 to vector<16xf32>
    %select_n3A_497 = arith.select %eq3A_494, %get3A_45, %broadcast_in_dim3A_496 : vector<16xi1>, vector<16xf32>
    %reduce_max3A_498 = arith.constant true
    %reduce_max3A_499 = vector.broadcast %reduce_max3A_498 : i1 to vector<16xi1>
    %reduce_max3A_500 = tpu.scan <max>, %select_n3A_497 masked %reduce_max3A_499 : vector<16xf32>, vector<16xi1> -> vector<16xf32>
    %reduce_max3A_501 = vector.extract %reduce_max3A_500[15] : f32 from vector<16xf32>
    %broadcast_in_dim3A_502 = arith.constant 0.000000e+00 : f32
    %broadcast_in_dim3A_503 = vector.broadcast %broadcast_in_dim3A_502 : f32 to vector<16xf32>
    %broadcast_in_dim3A_504 = arith.constant -3.400000e+38 : f32
    %broadcast_in_dim3A_505 = vector.broadcast %broadcast_in_dim3A_504 : f32 to vector<16xf32>
    %parallel_loop3A_506 = arith.constant 0 : i32
    %parallel_loop3A_507 = arith.constant 128 : i32
    %parallel_loop3A_508 = arith.constant 1 : i32
    %parallel_loop3A_509:2 = scf.for %parallel_loop3A_630 = %parallel_loop3A_506 to %parallel_loop3A_507 step %parallel_loop3A_508 iter_args(%parallel_loop3A_631 = %broadcast_in_dim3A_503, %parallel_loop3A_632 = %broadcast_in_dim3A_505) -> (vector<16xf32>, vector<16xf32>)  : i32 {
      %parallel_loop3A_633 = arith.constant 256 : i32
      %parallel_loop3A_634 = arith.muli %parallel_loop3A_630, %parallel_loop3A_633 : i32
      %parallel_loop3A_635 = arith.constant 0 : i32
      %parallel_loop3A_636 = arith.addi %parallel_loop3A_634, %parallel_loop3A_635 : i32
      %parallel_loop3A_637 = arith.index_cast %parallel_loop3A_636 : i32 to index
      %parallel_loop3A_638 = tpu.vector_load %arg8[%parallel_loop3A_637] {strides = array<i32>} : memref<32768xf32, #tpu.memory_space<vmem>>, vector<16xf32>,
      %parallel_loop3A_639 = arith.constant 16 : i32
      %parallel_loop3A_640 = arith.addi %parallel_loop3A_634, %parallel_loop3A_639 : i32
      %parallel_loop3A_641 = arith.index_cast %parallel_loop3A_640 : i32 to index
      %parallel_loop3A_642 = tpu.vector_load %arg8[%parallel_loop3A_641] {strides = array<i32>} : memref<32768xf32, #tpu.memory_space<vmem>>, vector<16xf32>,
      %parallel_loop3A_643 = arith.constant 32 : i32
      %parallel_loop3A_644 = arith.addi %parallel_loop3A_634, %parallel_loop3A_643 : i32
      %parallel_loop3A_645 = arith.index_cast %parallel_loop3A_644 : i32 to index
      %parallel_loop3A_646 = tpu.vector_load %arg8[%parallel_loop3A_645] {strides = array<i32>} : memref<32768xf32, #tpu.memory_space<vmem>>, vector<16xf32>,
      %parallel_loop3A_647 = arith.constant 48 : i32
      %parallel_loop3A_648 = arith.addi %parallel_loop3A_634, %parallel_loop3A_647 : i32
      %parallel_loop3A_649 = arith.index_cast %parallel_loop3A_648 : i32 to index
      %parallel_loop3A_650 = tpu.vector_load %arg8[%parallel_loop3A_649] {strides = array<i32>} : memref<32768xf32, #tpu.memory_space<vmem>>, vector<16xf32>,
      %parallel_loop3A_651 = arith.constant 64 : i32
      %parallel_loop3A_652 = arith.addi %parallel_loop3A_634, %parallel_loop3A_651 : i32
      %parallel_loop3A_653 = arith.index_cast %parallel_loop3A_652 : i32 to index
      %parallel_loop3A_654 = tpu.vector_load %arg8[%parallel_loop3A_653] {strides = array<i32>} : memref<32768xf32, #tpu.memory_space<vmem>>, vector<16xf32>,
      %parallel_loop3A_655 = arith.constant 80 : i32
      %parallel_loop3A_656 = arith.addi %parallel_loop3A_634, %parallel_loop3A_655 : i32
      %parallel_loop3A_657 = arith.index_cast %parallel_loop3A_656 : i32 to index
      %parallel_loop3A_658 = tpu.vector_load %arg8[%parallel_loop3A_657] {strides = array<i32>} : memref<32768xf32, #tpu.memory_space<vmem>>, vector<16xf32>,
      %parallel_loop3A_659 = arith.constant 96 : i32
      %parallel_loop3A_660 = arith.addi %parallel_loop3A_634, %parallel_loop3A_659 : i32
      %parallel_loop3A_661 = arith.index_cast %parallel_loop3A_660 : i32 to index
      %parallel_loop3A_662 = tpu.vector_load %arg8[%parallel_loop3A_661] {strides = array<i32>} : memref<32768xf32, #tpu.memory_space<vmem>>, vector<16xf32>,
      %parallel_loop3A_663 = arith.constant 112 : i32
      %parallel_loop3A_664 = arith.addi %parallel_loop3A_634, %parallel_loop3A_663 : i32
      %parallel_loop3A_665 = arith.index_cast %parallel_loop3A_664 : i32 to index
      %parallel_loop3A_666 = tpu.vector_load %arg8[%parallel_loop3A_665] {strides = array<i32>} : memref<32768xf32, #tpu.memory_space<vmem>>, vector<16xf32>,
      %parallel_loop3A_667 = arith.constant 128 : i32
      %parallel_loop3A_668 = arith.addi %parallel_loop3A_634, %parallel_loop3A_667 : i32
      %parallel_loop3A_669 = arith.index_cast %parallel_loop3A_668 : i32 to index
      %parallel_loop3A_670 = tpu.vector_load %arg8[%parallel_loop3A_669] {strides = array<i32>} : memref<32768xf32, #tpu.memory_space<vmem>>, vector<16xf32>,
      %parallel_loop3A_671 = arith.constant 144 : i32
      %parallel_loop3A_672 = arith.addi %parallel_loop3A_634, %parallel_loop3A_671 : i32
      %parallel_loop3A_673 = arith.index_cast %parallel_loop3A_672 : i32 to index
      %parallel_loop3A_674 = tpu.vector_load %arg8[%parallel_loop3A_673] {strides = array<i32>} : memref<32768xf32, #tpu.memory_space<vmem>>, vector<16xf32>,
      %parallel_loop3A_675 = arith.constant 160 : i32
      %parallel_loop3A_676 = arith.addi %parallel_loop3A_634, %parallel_loop3A_675 : i32
      %parallel_loop3A_677 = arith.index_cast %parallel_loop3A_676 : i32 to index
      %parallel_loop3A_678 = tpu.vector_load %arg8[%parallel_loop3A_677] {strides = array<i32>} : memref<32768xf32, #tpu.memory_space<vmem>>, vector<16xf32>,
      %parallel_loop3A_679 = arith.constant 176 : i32
      %parallel_loop3A_680 = arith.addi %parallel_loop3A_634, %parallel_loop3A_679 : i32
      %parallel_loop3A_681 = arith.index_cast %parallel_loop3A_680 : i32 to index
      %parallel_loop3A_682 = tpu.vector_load %arg8[%parallel_loop3A_681] {strides = array<i32>} : memref<32768xf32, #tpu.memory_space<vmem>>, vector<16xf32>,
      %parallel_loop3A_683 = arith.constant 192 : i32
      %parallel_loop3A_684 = arith.addi %parallel_loop3A_634, %parallel_loop3A_683 : i32
      %parallel_loop3A_685 = arith.index_cast %parallel_loop3A_684 : i32 to index
      %parallel_loop3A_686 = tpu.vector_load %arg8[%parallel_loop3A_685] {strides = array<i32>} : memref<32768xf32, #tpu.memory_space<vmem>>, vector<16xf32>,
      %parallel_loop3A_687 = arith.constant 208 : i32
      %parallel_loop3A_688 = arith.addi %parallel_loop3A_634, %parallel_loop3A_687 : i32
      %parallel_loop3A_689 = arith.index_cast %parallel_loop3A_688 : i32 to index
      %parallel_loop3A_690 = tpu.vector_load %arg8[%parallel_loop3A_689] {strides = array<i32>} : memref<32768xf32, #tpu.memory_space<vmem>>, vector<16xf32>,
      %parallel_loop3A_691 = arith.constant 224 : i32
      %parallel_loop3A_692 = arith.addi %parallel_loop3A_634, %parallel_loop3A_691 : i32
      %parallel_loop3A_693 = arith.index_cast %parallel_loop3A_692 : i32 to index
      %parallel_loop3A_694 = tpu.vector_load %arg8[%parallel_loop3A_693] {strides = array<i32>} : memref<32768xf32, #tpu.memory_space<vmem>>, vector<16xf32>,
      %parallel_loop3A_695 = arith.constant 240 : i32
      %parallel_loop3A_696 = arith.addi %parallel_loop3A_634, %parallel_loop3A_695 : i32
      %parallel_loop3A_697 = arith.index_cast %parallel_loop3A_696 : i32 to index
      %parallel_loop3A_698 = tpu.vector_load %arg8[%parallel_loop3A_697] {strides = array<i32>} : memref<32768xf32, #tpu.memory_space<vmem>>, vector<16xf32>,
      %parallel_loop3A_699 = math.exp %parallel_loop3A_638 : vector<16xf32>
      %parallel_loop3A_700 = math.exp %parallel_loop3A_642 : vector<16xf32>
      %parallel_loop3A_701 = math.exp %parallel_loop3A_646 : vector<16xf32>
      %parallel_loop3A_702 = math.exp %parallel_loop3A_650 : vector<16xf32>
      %parallel_loop3A_703 = math.exp %parallel_loop3A_654 : vector<16xf32>
      %parallel_loop3A_704 = math.exp %parallel_loop3A_658 : vector<16xf32>
      %parallel_loop3A_705 = math.exp %parallel_loop3A_662 : vector<16xf32>
      %parallel_loop3A_706 = math.exp %parallel_loop3A_666 : vector<16xf32>
      %parallel_loop3A_707 = math.exp %parallel_loop3A_670 : vector<16xf32>
      %parallel_loop3A_708 = math.exp %parallel_loop3A_674 : vector<16xf32>
      %parallel_loop3A_709 = math.exp %parallel_loop3A_678 : vector<16xf32>
      %parallel_loop3A_710 = math.exp %parallel_loop3A_682 : vector<16xf32>
      %parallel_loop3A_711 = math.exp %parallel_loop3A_686 : vector<16xf32>
      %parallel_loop3A_712 = math.exp %parallel_loop3A_690 : vector<16xf32>
      %parallel_loop3A_713 = math.exp %parallel_loop3A_694 : vector<16xf32>
      %parallel_loop3A_714 = math.exp %parallel_loop3A_698 : vector<16xf32>
      %parallel_loop3A_715 = arith.addf %parallel_loop3A_699, %parallel_loop3A_700 : vector<16xf32>
      %parallel_loop3A_716 = arith.addf %parallel_loop3A_701, %parallel_loop3A_702 : vector<16xf32>
      %parallel_loop3A_717 = arith.addf %parallel_loop3A_703, %parallel_loop3A_704 : vector<16xf32>
      %parallel_loop3A_718 = arith.addf %parallel_loop3A_705, %parallel_loop3A_706 : vector<16xf32>
      %parallel_loop3A_719 = arith.addf %parallel_loop3A_707, %parallel_loop3A_708 : vector<16xf32>
      %parallel_loop3A_720 = arith.addf %parallel_loop3A_709, %parallel_loop3A_710 : vector<16xf32>
      %parallel_loop3A_721 = arith.addf %parallel_loop3A_711, %parallel_loop3A_712 : vector<16xf32>
      %parallel_loop3A_722 = arith.addf %parallel_loop3A_713, %parallel_loop3A_714 : vector<16xf32>
      %parallel_loop3A_723 = arith.addf %parallel_loop3A_715, %parallel_loop3A_716 : vector<16xf32>
      %parallel_loop3A_724 = arith.addf %parallel_loop3A_717, %parallel_loop3A_718 : vector<16xf32>
      %parallel_loop3A_725 = arith.addf %parallel_loop3A_719, %parallel_loop3A_720 : vector<16xf32>
      %parallel_loop3A_726 = arith.addf %parallel_loop3A_721, %parallel_loop3A_722 : vector<16xf32>
      %parallel_loop3A_727 = arith.addf %parallel_loop3A_723, %parallel_loop3A_724 : vector<16xf32>
      %parallel_loop3A_728 = arith.addf %parallel_loop3A_725, %parallel_loop3A_726 : vector<16xf32>
      %parallel_loop3A_729 = arith.addf %parallel_loop3A_727, %parallel_loop3A_728 : vector<16xf32>
      %parallel_loop3A_730 = arith.addf %parallel_loop3A_631, %parallel_loop3A_729 : vector<16xf32>
      %parallel_loop3A_731 = arith.maximumf %parallel_loop3A_638, %parallel_loop3A_642 : vector<16xf32>
      %parallel_loop3A_732 = arith.maximumf %parallel_loop3A_646, %parallel_loop3A_650 : vector<16xf32>
      %parallel_loop3A_733 = arith.maximumf %parallel_loop3A_654, %parallel_loop3A_658 : vector<16xf32>
      %parallel_loop3A_734 = arith.maximumf %parallel_loop3A_662, %parallel_loop3A_666 : vector<16xf32>
      %parallel_loop3A_735 = arith.maximumf %parallel_loop3A_670, %parallel_loop3A_674 : vector<16xf32>
      %parallel_loop3A_736 = arith.maximumf %parallel_loop3A_678, %parallel_loop3A_682 : vector<16xf32>
      %parallel_loop3A_737 = arith.maximumf %parallel_loop3A_686, %parallel_loop3A_690 : vector<16xf32>
      %parallel_loop3A_738 = arith.maximumf %parallel_loop3A_694, %parallel_loop3A_698 : vector<16xf32>
      %parallel_loop3A_739 = arith.maximumf %parallel_loop3A_731, %parallel_loop3A_732 : vector<16xf32>
      %parallel_loop3A_740 = arith.maximumf %parallel_loop3A_733, %parallel_loop3A_734 : vector<16xf32>
      %parallel_loop3A_741 = arith.maximumf %parallel_loop3A_735, %parallel_loop3A_736 : vector<16xf32>
      %parallel_loop3A_742 = arith.maximumf %parallel_loop3A_737, %parallel_loop3A_738 : vector<16xf32>
      %parallel_loop3A_743 = arith.maximumf %parallel_loop3A_739, %parallel_loop3A_740 : vector<16xf32>
      %parallel_loop3A_744 = arith.maximumf %parallel_loop3A_741, %parallel_loop3A_742 : vector<16xf32>
      %parallel_loop3A_745 = arith.maximumf %parallel_loop3A_743, %parallel_loop3A_744 : vector<16xf32>
      %parallel_loop3A_746 = arith.maximumf %parallel_loop3A_632, %parallel_loop3A_745 : vector<16xf32>
      %parallel_loop3A_747 = arith.constant true
      %parallel_loop3A_748 = vector.broadcast %parallel_loop3A_747 : i1 to vector<16xi1>
      %parallel_loop3A_749 = tpu.scan <max>, %parallel_loop3A_745 masked %parallel_loop3A_748 : vector<16xf32>, vector<16xi1> -> vector<16xf32>
      %parallel_loop3A_750 = vector.extract %parallel_loop3A_749[15] : f32 from vector<16xf32>
      %parallel_loop3A_751 = arith.index_cast %parallel_loop3A_630 : i32 to index
      %parallel_loop3A_752 = memref.load %arg13[%parallel_loop3A_751] : memref<128xf32, #tpu.memory_space<smem>>
      memref.store %parallel_loop3A_750, %arg13[%parallel_loop3A_751] : memref<128xf32, #tpu.memory_space<smem>>
      scf.yield %parallel_loop3A_730, %parallel_loop3A_746 : vector<16xf32>, vector<16xf32>
    } {sc.loop_unroll_factor = 1 : i64, sc.parallel_access}
    %masked_sort3A_510 = arith.constant dense<true> : vector<16xi1>
    %masked_sort3A_511, %masked_sort3A_512, %masked_sort3A_513 = tpu.sort %parallel_loop3A_509#1, %iota3A masked %masked_sort3A_510 {descending = true} : (vector<16xf32>, vector<16xi32>, vector<16xi1>) -> (vector<16xi1>, vector<16xf32>, vector<16xi32>)
    %jit3A_514 = arith.constant 3.400000e+38 : f32
    %broadcast_in_dim3A_515 = vector.broadcast %jit3A_514 : f32 to vector<16xf32>
    %select_n3A_516 = arith.select %lt3A_5, %masked_sort3A_512, %broadcast_in_dim3A_515 : vector<16xi1>, vector<16xf32>
    %reduce_min3A_517 = arith.constant true
    %reduce_min3A_518 = vector.broadcast %reduce_min3A_517 : i1 to vector<16xi1>
    %reduce_min3A_519 = tpu.scan <min>, %select_n3A_516 masked %reduce_min3A_518 : vector<16xf32>, vector<16xi1> -> vector<16xf32>
    %reduce_min3A_520 = vector.extract %reduce_min3A_519[15] : f32 from vector<16xf32>
    %broadcast_in_dim3A_521 = arith.constant -3.400000e+38 : f32
    %broadcast_in_dim3A_522 = vector.broadcast %broadcast_in_dim3A_521 : f32 to vector<16xf32>
    %broadcast_in_dim3A_523 = arith.constant 0 : i32
    %broadcast_in_dim3A_524 = vector.broadcast %broadcast_in_dim3A_523 : i32 to vector<16xi32>
    %scan3A_525 = arith.constant 0 : i32
    %scan3A_526 = arith.constant 128 : i32
    %scan3A_527 = arith.addi %scan3A_525, %scan3A_526 : i32
    %scan3A_528 = arith.constant 1 : i32
    %scan3A_529:3 = scf.for %scan3A_630 = %scan3A_525 to %scan3A_527 step %scan3A_528 iter_args(%scan3A_631 = %broadcast_in_dim3A_522, %scan3A_632 = %broadcast_in_dim3A_524, %scan3A_633 = %reduce_min3A_520) -> (vector<16xf32>, vector<16xi32>, f32)  : i32 {
      %get3A_634 = arith.index_cast %scan3A_630 : i32 to index
      %get3A_635 = memref.load %arg13[%get3A_634] : memref<128xf32, #tpu.memory_space<smem>>
      %ge3A = arith.cmpf oge, %get3A_635, %scan3A_633 : f32
      %mul3A_636 = arith.constant 256 : i32
      %mul3A_637 = arith.muli %scan3A_630, %mul3A_636 : i32
      %convert_element_type3A_638 = arith.extui %ge3A : i1 to i32
      %cond3A = arith.constant 0 : i32
      %cond3A_639 = arith.cmpi ne, %convert_element_type3A_638, %cond3A : i32
      %cond3A_640:3 = scf.if %cond3A_639 -> (vector<16xf32>, vector<16xi32>, f32) {
        %add3A_641 = arith.constant 0 : i32
        %add3A_642 = arith.addi %mul3A_637, %add3A_641 : i32
        %get3A_643 = arith.index_cast %add3A_642 : i32 to index
        %get3A_644 = tpu.vector_load %arg8[%get3A_643] {strides = array<i32>} : memref<32768xf32, #tpu.memory_space<vmem>>, vector<16xf32>,
        %add3A_645 = arith.constant 0 : i32
        %add3A_646 = arith.addi %mul3A_637, %add3A_645 : i32
        %add3A_647 = vector.broadcast %add3A_646 : i32 to vector<16xi32>
        %add3A_648 = arith.addi %add3A_647, %iota3A : vector<16xi32>
        %masked_sort3A_649 = arith.constant dense<true> : vector<16xi1>
        %masked_sort3A_650, %masked_sort3A_651, %masked_sort3A_652 = tpu.sort %get3A_644, %add3A_648 masked %masked_sort3A_649 {descending = true} : (vector<16xf32>, vector<16xi32>, vector<16xi1>) -> (vector<16xi1>, vector<16xf32>, vector<16xi32>)
        %add3A_653 = arith.constant 16 : i32
        %add3A_654 = arith.addi %mul3A_637, %add3A_653 : i32
        %get3A_655 = arith.index_cast %add3A_654 : i32 to index
        %get3A_656 = tpu.vector_load %arg8[%get3A_655] {strides = array<i32>} : memref<32768xf32, #tpu.memory_space<vmem>>, vector<16xf32>,
        %add3A_657 = arith.constant 16 : i32
        %add3A_658 = arith.addi %mul3A_637, %add3A_657 : i32
        %add3A_659 = vector.broadcast %add3A_658 : i32 to vector<16xi32>
        %add3A_660 = arith.addi %add3A_659, %iota3A : vector<16xi32>
        %masked_sort3A_661 = arith.constant dense<true> : vector<16xi1>
        %masked_sort3A_662, %masked_sort3A_663, %masked_sort3A_664 = tpu.sort %get3A_656, %add3A_660 masked %masked_sort3A_661 {descending = true} : (vector<16xf32>, vector<16xi32>, vector<16xi1>) -> (vector<16xi1>, vector<16xf32>, vector<16xi32>)
        %add3A_665 = arith.constant 32 : i32
        %add3A_666 = arith.addi %mul3A_637, %add3A_665 : i32
        %get3A_667 = arith.index_cast %add3A_666 : i32 to index
        %get3A_668 = tpu.vector_load %arg8[%get3A_667] {strides = array<i32>} : memref<32768xf32, #tpu.memory_space<vmem>>, vector<16xf32>,
        %add3A_669 = arith.constant 32 : i32
        %add3A_670 = arith.addi %mul3A_637, %add3A_669 : i32
        %add3A_671 = vector.broadcast %add3A_670 : i32 to vector<16xi32>
        %add3A_672 = arith.addi %add3A_671, %iota3A : vector<16xi32>
        %masked_sort3A_673 = arith.constant dense<true> : vector<16xi1>
        %masked_sort3A_674, %masked_sort3A_675, %masked_sort3A_676 = tpu.sort %get3A_668, %add3A_672 masked %masked_sort3A_673 {descending = true} : (vector<16xf32>, vector<16xi32>, vector<16xi1>) -> (vector<16xi1>, vector<16xf32>, vector<16xi32>)
        %add3A_677 = arith.constant 48 : i32
        %add3A_678 = arith.addi %mul3A_637, %add3A_677 : i32
        %get3A_679 = arith.index_cast %add3A_678 : i32 to index
        %get3A_680 = tpu.vector_load %arg8[%get3A_679] {strides = array<i32>} : memref<32768xf32, #tpu.memory_space<vmem>>, vector<16xf32>,
        %add3A_681 = arith.constant 48 : i32
        %add3A_682 = arith.addi %mul3A_637, %add3A_681 : i32
        %add3A_683 = vector.broadcast %add3A_682 : i32 to vector<16xi32>
        %add3A_684 = arith.addi %add3A_683, %iota3A : vector<16xi32>
        %masked_sort3A_685 = arith.constant dense<true> : vector<16xi1>
        %masked_sort3A_686, %masked_sort3A_687, %masked_sort3A_688 = tpu.sort %get3A_680, %add3A_684 masked %masked_sort3A_685 {descending = true} : (vector<16xf32>, vector<16xi32>, vector<16xi1>) -> (vector<16xi1>, vector<16xf32>, vector<16xi32>)
        %add3A_689 = arith.constant 64 : i32
        %add3A_690 = arith.addi %mul3A_637, %add3A_689 : i32
        %get3A_691 = arith.index_cast %add3A_690 : i32 to index
        %get3A_692 = tpu.vector_load %arg8[%get3A_691] {strides = array<i32>} : memref<32768xf32, #tpu.memory_space<vmem>>, vector<16xf32>,
        %add3A_693 = arith.constant 64 : i32
        %add3A_694 = arith.addi %mul3A_637, %add3A_693 : i32
        %add3A_695 = vector.broadcast %add3A_694 : i32 to vector<16xi32>
        %add3A_696 = arith.addi %add3A_695, %iota3A : vector<16xi32>
        %masked_sort3A_697 = arith.constant dense<true> : vector<16xi1>
        %masked_sort3A_698, %masked_sort3A_699, %masked_sort3A_700 = tpu.sort %get3A_692, %add3A_696 masked %masked_sort3A_697 {descending = true} : (vector<16xf32>, vector<16xi32>, vector<16xi1>) -> (vector<16xi1>, vector<16xf32>, vector<16xi32>)
        %add3A_701 = arith.constant 80 : i32
        %add3A_702 = arith.addi %mul3A_637, %add3A_701 : i32
        %get3A_703 = arith.index_cast %add3A_702 : i32 to index
        %get3A_704 = tpu.vector_load %arg8[%get3A_703] {strides = array<i32>} : memref<32768xf32, #tpu.memory_space<vmem>>, vector<16xf32>,
        %add3A_705 = arith.constant 80 : i32
        %add3A_706 = arith.addi %mul3A_637, %add3A_705 : i32
        %add3A_707 = vector.broadcast %add3A_706 : i32 to vector<16xi32>
        %add3A_708 = arith.addi %add3A_707, %iota3A : vector<16xi32>
        %masked_sort3A_709 = arith.constant dense<true> : vector<16xi1>
        %masked_sort3A_710, %masked_sort3A_711, %masked_sort3A_712 = tpu.sort %get3A_704, %add3A_708 masked %masked_sort3A_709 {descending = true} : (vector<16xf32>, vector<16xi32>, vector<16xi1>) -> (vector<16xi1>, vector<16xf32>, vector<16xi32>)
        %add3A_713 = arith.constant 96 : i32
        %add3A_714 = arith.addi %mul3A_637, %add3A_713 : i32
        %get3A_715 = arith.index_cast %add3A_714 : i32 to index
        %get3A_716 = tpu.vector_load %arg8[%get3A_715] {strides = array<i32>} : memref<32768xf32, #tpu.memory_space<vmem>>, vector<16xf32>,
        %add3A_717 = arith.constant 96 : i32
        %add3A_718 = arith.addi %mul3A_637, %add3A_717 : i32
        %add3A_719 = vector.broadcast %add3A_718 : i32 to vector<16xi32>
        %add3A_720 = arith.addi %add3A_719, %iota3A : vector<16xi32>
        %masked_sort3A_721 = arith.constant dense<true> : vector<16xi1>
        %masked_sort3A_722, %masked_sort3A_723, %masked_sort3A_724 = tpu.sort %get3A_716, %add3A_720 masked %masked_sort3A_721 {descending = true} : (vector<16xf32>, vector<16xi32>, vector<16xi1>) -> (vector<16xi1>, vector<16xf32>, vector<16xi32>)
        %add3A_725 = arith.constant 112 : i32
        %add3A_726 = arith.addi %mul3A_637, %add3A_725 : i32
        %get3A_727 = arith.index_cast %add3A_726 : i32 to index
        %get3A_728 = tpu.vector_load %arg8[%get3A_727] {strides = array<i32>} : memref<32768xf32, #tpu.memory_space<vmem>>, vector<16xf32>,
        %add3A_729 = arith.constant 112 : i32
        %add3A_730 = arith.addi %mul3A_637, %add3A_729 : i32
        %add3A_731 = vector.broadcast %add3A_730 : i32 to vector<16xi32>
        %add3A_732 = arith.addi %add3A_731, %iota3A : vector<16xi32>
        %masked_sort3A_733 = arith.constant dense<true> : vector<16xi1>
        %masked_sort3A_734, %masked_sort3A_735, %masked_sort3A_736 = tpu.sort %get3A_728, %add3A_732 masked %masked_sort3A_733 {descending = true} : (vector<16xf32>, vector<16xi32>, vector<16xi1>) -> (vector<16xi1>, vector<16xf32>, vector<16xi32>)
        %add3A_737 = arith.constant 128 : i32
        %add3A_738 = arith.addi %mul3A_637, %add3A_737 : i32
        %get3A_739 = arith.index_cast %add3A_738 : i32 to index
        %get3A_740 = tpu.vector_load %arg8[%get3A_739] {strides = array<i32>} : memref<32768xf32, #tpu.memory_space<vmem>>, vector<16xf32>,
        %add3A_741 = arith.constant 128 : i32
        %add3A_742 = arith.addi %mul3A_637, %add3A_741 : i32
        %add3A_743 = vector.broadcast %add3A_742 : i32 to vector<16xi32>
        %add3A_744 = arith.addi %add3A_743, %iota3A : vector<16xi32>
        %masked_sort3A_745 = arith.constant dense<true> : vector<16xi1>
        %masked_sort3A_746, %masked_sort3A_747, %masked_sort3A_748 = tpu.sort %get3A_740, %add3A_744 masked %masked_sort3A_745 {descending = true} : (vector<16xf32>, vector<16xi32>, vector<16xi1>) -> (vector<16xi1>, vector<16xf32>, vector<16xi32>)
        %add3A_749 = arith.constant 144 : i32
        %add3A_750 = arith.addi %mul3A_637, %add3A_749 : i32
        %get3A_751 = arith.index_cast %add3A_750 : i32 to index
        %get3A_752 = tpu.vector_load %arg8[%get3A_751] {strides = array<i32>} : memref<32768xf32, #tpu.memory_space<vmem>>, vector<16xf32>,
        %add3A_753 = arith.constant 144 : i32
        %add3A_754 = arith.addi %mul3A_637, %add3A_753 : i32
        %add3A_755 = vector.broadcast %add3A_754 : i32 to vector<16xi32>
        %add3A_756 = arith.addi %add3A_755, %iota3A : vector<16xi32>
        %masked_sort3A_757 = arith.constant dense<true> : vector<16xi1>
        %masked_sort3A_758, %masked_sort3A_759, %masked_sort3A_760 = tpu.sort %get3A_752, %add3A_756 masked %masked_sort3A_757 {descending = true} : (vector<16xf32>, vector<16xi32>, vector<16xi1>) -> (vector<16xi1>, vector<16xf32>, vector<16xi32>)
        %add3A_761 = arith.constant 160 : i32
        %add3A_762 = arith.addi %mul3A_637, %add3A_761 : i32
        %get3A_763 = arith.index_cast %add3A_762 : i32 to index
        %get3A_764 = tpu.vector_load %arg8[%get3A_763] {strides = array<i32>} : memref<32768xf32, #tpu.memory_space<vmem>>, vector<16xf32>,
        %add3A_765 = arith.constant 160 : i32
        %add3A_766 = arith.addi %mul3A_637, %add3A_765 : i32
        %add3A_767 = vector.broadcast %add3A_766 : i32 to vector<16xi32>
        %add3A_768 = arith.addi %add3A_767, %iota3A : vector<16xi32>
        %masked_sort3A_769 = arith.constant dense<true> : vector<16xi1>
        %masked_sort3A_770, %masked_sort3A_771, %masked_sort3A_772 = tpu.sort %get3A_764, %add3A_768 masked %masked_sort3A_769 {descending = true} : (vector<16xf32>, vector<16xi32>, vector<16xi1>) -> (vector<16xi1>, vector<16xf32>, vector<16xi32>)
        %add3A_773 = arith.constant 176 : i32
        %add3A_774 = arith.addi %mul3A_637, %add3A_773 : i32
        %get3A_775 = arith.index_cast %add3A_774 : i32 to index
        %get3A_776 = tpu.vector_load %arg8[%get3A_775] {strides = array<i32>} : memref<32768xf32, #tpu.memory_space<vmem>>, vector<16xf32>,
        %add3A_777 = arith.constant 176 : i32
        %add3A_778 = arith.addi %mul3A_637, %add3A_777 : i32
        %add3A_779 = vector.broadcast %add3A_778 : i32 to vector<16xi32>
        %add3A_780 = arith.addi %add3A_779, %iota3A : vector<16xi32>
        %masked_sort3A_781 = arith.constant dense<true> : vector<16xi1>
        %masked_sort3A_782, %masked_sort3A_783, %masked_sort3A_784 = tpu.sort %get3A_776, %add3A_780 masked %masked_sort3A_781 {descending = true} : (vector<16xf32>, vector<16xi32>, vector<16xi1>) -> (vector<16xi1>, vector<16xf32>, vector<16xi32>)
        %add3A_785 = arith.constant 192 : i32
        %add3A_786 = arith.addi %mul3A_637, %add3A_785 : i32
        %get3A_787 = arith.index_cast %add3A_786 : i32 to index
        %get3A_788 = tpu.vector_load %arg8[%get3A_787] {strides = array<i32>} : memref<32768xf32, #tpu.memory_space<vmem>>, vector<16xf32>,
        %add3A_789 = arith.constant 192 : i32
        %add3A_790 = arith.addi %mul3A_637, %add3A_789 : i32
        %add3A_791 = vector.broadcast %add3A_790 : i32 to vector<16xi32>
        %add3A_792 = arith.addi %add3A_791, %iota3A : vector<16xi32>
        %masked_sort3A_793 = arith.constant dense<true> : vector<16xi1>
        %masked_sort3A_794, %masked_sort3A_795, %masked_sort3A_796 = tpu.sort %get3A_788, %add3A_792 masked %masked_sort3A_793 {descending = true} : (vector<16xf32>, vector<16xi32>, vector<16xi1>) -> (vector<16xi1>, vector<16xf32>, vector<16xi32>)
        %add3A_797 = arith.constant 208 : i32
        %add3A_798 = arith.addi %mul3A_637, %add3A_797 : i32
        %get3A_799 = arith.index_cast %add3A_798 : i32 to index
        %get3A_800 = tpu.vector_load %arg8[%get3A_799] {strides = array<i32>} : memref<32768xf32, #tpu.memory_space<vmem>>, vector<16xf32>,
        %add3A_801 = arith.constant 208 : i32
        %add3A_802 = arith.addi %mul3A_637, %add3A_801 : i32
        %add3A_803 = vector.broadcast %add3A_802 : i32 to vector<16xi32>
        %add3A_804 = arith.addi %add3A_803, %iota3A : vector<16xi32>
        %masked_sort3A_805 = arith.constant dense<true> : vector<16xi1>
        %masked_sort3A_806, %masked_sort3A_807, %masked_sort3A_808 = tpu.sort %get3A_800, %add3A_804 masked %masked_sort3A_805 {descending = true} : (vector<16xf32>, vector<16xi32>, vector<16xi1>) -> (vector<16xi1>, vector<16xf32>, vector<16xi32>)
        %add3A_809 = arith.constant 224 : i32
        %add3A_810 = arith.addi %mul3A_637, %add3A_809 : i32
        %get3A_811 = arith.index_cast %add3A_810 : i32 to index
        %get3A_812 = tpu.vector_load %arg8[%get3A_811] {strides = array<i32>} : memref<32768xf32, #tpu.memory_space<vmem>>, vector<16xf32>,
        %add3A_813 = arith.constant 224 : i32
        %add3A_814 = arith.addi %mul3A_637, %add3A_813 : i32
        %add3A_815 = vector.broadcast %add3A_814 : i32 to vector<16xi32>
        %add3A_816 = arith.addi %add3A_815, %iota3A : vector<16xi32>
        %masked_sort3A_817 = arith.constant dense<true> : vector<16xi1>
        %masked_sort3A_818, %masked_sort3A_819, %masked_sort3A_820 = tpu.sort %get3A_812, %add3A_816 masked %masked_sort3A_817 {descending = true} : (vector<16xf32>, vector<16xi32>, vector<16xi1>) -> (vector<16xi1>, vector<16xf32>, vector<16xi32>)
        %add3A_821 = arith.constant 240 : i32
        %add3A_822 = arith.addi %mul3A_637, %add3A_821 : i32
        %get3A_823 = arith.index_cast %add3A_822 : i32 to index
        %get3A_824 = tpu.vector_load %arg8[%get3A_823] {strides = array<i32>} : memref<32768xf32, #tpu.memory_space<vmem>>, vector<16xf32>,
        %add3A_825 = arith.constant 240 : i32
        %add3A_826 = arith.addi %mul3A_637, %add3A_825 : i32
        %add3A_827 = vector.broadcast %add3A_826 : i32 to vector<16xi32>
        %add3A_828 = arith.addi %add3A_827, %iota3A : vector<16xi32>
        %masked_sort3A_829 = arith.constant dense<true> : vector<16xi1>
        %masked_sort3A_830, %masked_sort3A_831, %masked_sort3A_832 = tpu.sort %get3A_824, %add3A_828 masked %masked_sort3A_829 {descending = true} : (vector<16xf32>, vector<16xi32>, vector<16xi1>) -> (vector<16xi1>, vector<16xf32>, vector<16xi32>)
        %rev3A = arith.constant 15 : i32
        %rev3A_833 = vector.broadcast %rev3A : i32 to vector<16xi32>
        %rev3A_834 = tpu.iota {dimensions = array<i32: 0>} : vector<16xi32>
        %rev3A_835 = arith.subi %rev3A_833, %rev3A_834 : vector<16xi32>
        %rev3A_836 = tpu.dynamic_gather %masked_sort3A_663[%rev3A_835] in [0] : vector<16xf32>, vector<16xi32> -> vector<16xf32>
        %rev3A_837 = arith.constant 15 : i32
        %rev3A_838 = vector.broadcast %rev3A_837 : i32 to vector<16xi32>
        %rev3A_839 = tpu.iota {dimensions = array<i32: 0>} : vector<16xi32>
        %rev3A_840 = arith.subi %rev3A_838, %rev3A_839 : vector<16xi32>
        %rev3A_841 = tpu.dynamic_gather %masked_sort3A_664[%rev3A_840] in [0] : vector<16xi32>, vector<16xi32> -> vector<16xi32>
        %ge3A_842 = arith.cmpf oge, %masked_sort3A_651, %rev3A_836 : vector<16xf32>
        %select_n3A_843 = arith.select %ge3A_842, %masked_sort3A_651, %rev3A_836 : vector<16xi1>, vector<16xf32>
        %select_n3A_844 = arith.select %ge3A_842, %masked_sort3A_652, %rev3A_841 : vector<16xi1>, vector<16xi32>
        %masked_sort3A_845 = arith.constant dense<true> : vector<16xi1>
        %masked_sort3A_846, %masked_sort3A_847, %masked_sort3A_848 = tpu.sort %select_n3A_843, %select_n3A_844 masked %masked_sort3A_845 {descending = true} : (vector<16xf32>, vector<16xi32>, vector<16xi1>) -> (vector<16xi1>, vector<16xf32>, vector<16xi32>)
        %rev3A_849 = arith.constant 15 : i32
        %rev3A_850 = vector.broadcast %rev3A_849 : i32 to vector<16xi32>
        %rev3A_851 = tpu.iota {dimensions = array<i32: 0>} : vector<16xi32>
        %rev3A_852 = arith.subi %rev3A_850, %rev3A_851 : vector<16xi32>
        %rev3A_853 = tpu.dynamic_gather %masked_sort3A_687[%rev3A_852] in [0] : vector<16xf32>, vector<16xi32> -> vector<16xf32>
        %rev3A_854 = arith.constant 15 : i32
        %rev3A_855 = vector.broadcast %rev3A_854 : i32 to vector<16xi32>
        %rev3A_856 = tpu.iota {dimensions = array<i32: 0>} : vector<16xi32>
        %rev3A_857 = arith.subi %rev3A_855, %rev3A_856 : vector<16xi32>
        %rev3A_858 = tpu.dynamic_gather %masked_sort3A_688[%rev3A_857] in [0] : vector<16xi32>, vector<16xi32> -> vector<16xi32>
        %ge3A_859 = arith.cmpf oge, %masked_sort3A_675, %rev3A_853 : vector<16xf32>
        %select_n3A_860 = arith.select %ge3A_859, %masked_sort3A_675, %rev3A_853 : vector<16xi1>, vector<16xf32>
        %select_n3A_861 = arith.select %ge3A_859, %masked_sort3A_676, %rev3A_858 : vector<16xi1>, vector<16xi32>
        %masked_sort3A_862 = arith.constant dense<true> : vector<16xi1>
        %masked_sort3A_863, %masked_sort3A_864, %masked_sort3A_865 = tpu.sort %select_n3A_860, %select_n3A_861 masked %masked_sort3A_862 {descending = true} : (vector<16xf32>, vector<16xi32>, vector<16xi1>) -> (vector<16xi1>, vector<16xf32>, vector<16xi32>)
        %rev3A_866 = arith.constant 15 : i32
        %rev3A_867 = vector.broadcast %rev3A_866 : i32 to vector<16xi32>
        %rev3A_868 = tpu.iota {dimensions = array<i32: 0>} : vector<16xi32>
        %rev3A_869 = arith.subi %rev3A_867, %rev3A_868 : vector<16xi32>
        %rev3A_870 = tpu.dynamic_gather %masked_sort3A_711[%rev3A_869] in [0] : vector<16xf32>, vector<16xi32> -> vector<16xf32>
        %rev3A_871 = arith.constant 15 : i32
        %rev3A_872 = vector.broadcast %rev3A_871 : i32 to vector<16xi32>
        %rev3A_873 = tpu.iota {dimensions = array<i32: 0>} : vector<16xi32>
        %rev3A_874 = arith.subi %rev3A_872, %rev3A_873 : vector<16xi32>
        %rev3A_875 = tpu.dynamic_gather %masked_sort3A_712[%rev3A_874] in [0] : vector<16xi32>, vector<16xi32> -> vector<16xi32>
        %ge3A_876 = arith.cmpf oge, %masked_sort3A_699, %rev3A_870 : vector<16xf32>
        %select_n3A_877 = arith.select %ge3A_876, %masked_sort3A_699, %rev3A_870 : vector<16xi1>, vector<16xf32>
        %select_n3A_878 = arith.select %ge3A_876, %masked_sort3A_700, %rev3A_875 : vector<16xi1>, vector<16xi32>
        %masked_sort3A_879 = arith.constant dense<true> : vector<16xi1>
        %masked_sort3A_880, %masked_sort3A_881, %masked_sort3A_882 = tpu.sort %select_n3A_877, %select_n3A_878 masked %masked_sort3A_879 {descending = true} : (vector<16xf32>, vector<16xi32>, vector<16xi1>) -> (vector<16xi1>, vector<16xf32>, vector<16xi32>)
        %rev3A_883 = arith.constant 15 : i32
        %rev3A_884 = vector.broadcast %rev3A_883 : i32 to vector<16xi32>
        %rev3A_885 = tpu.iota {dimensions = array<i32: 0>} : vector<16xi32>
        %rev3A_886 = arith.subi %rev3A_884, %rev3A_885 : vector<16xi32>
        %rev3A_887 = tpu.dynamic_gather %masked_sort3A_735[%rev3A_886] in [0] : vector<16xf32>, vector<16xi32> -> vector<16xf32>
        %rev3A_888 = arith.constant 15 : i32
        %rev3A_889 = vector.broadcast %rev3A_888 : i32 to vector<16xi32>
        %rev3A_890 = tpu.iota {dimensions = array<i32: 0>} : vector<16xi32>
        %rev3A_891 = arith.subi %rev3A_889, %rev3A_890 : vector<16xi32>
        %rev3A_892 = tpu.dynamic_gather %masked_sort3A_736[%rev3A_891] in [0] : vector<16xi32>, vector<16xi32> -> vector<16xi32>
        %ge3A_893 = arith.cmpf oge, %masked_sort3A_723, %rev3A_887 : vector<16xf32>
        %select_n3A_894 = arith.select %ge3A_893, %masked_sort3A_723, %rev3A_887 : vector<16xi1>, vector<16xf32>
        %select_n3A_895 = arith.select %ge3A_893, %masked_sort3A_724, %rev3A_892 : vector<16xi1>, vector<16xi32>
        %masked_sort3A_896 = arith.constant dense<true> : vector<16xi1>
        %masked_sort3A_897, %masked_sort3A_898, %masked_sort3A_899 = tpu.sort %select_n3A_894, %select_n3A_895 masked %masked_sort3A_896 {descending = true} : (vector<16xf32>, vector<16xi32>, vector<16xi1>) -> (vector<16xi1>, vector<16xf32>, vector<16xi32>)
        %rev3A_900 = arith.constant 15 : i32
        %rev3A_901 = vector.broadcast %rev3A_900 : i32 to vector<16xi32>
        %rev3A_902 = tpu.iota {dimensions = array<i32: 0>} : vector<16xi32>
        %rev3A_903 = arith.subi %rev3A_901, %rev3A_902 : vector<16xi32>
        %rev3A_904 = tpu.dynamic_gather %masked_sort3A_759[%rev3A_903] in [0] : vector<16xf32>, vector<16xi32> -> vector<16xf32>
        %rev3A_905 = arith.constant 15 : i32
        %rev3A_906 = vector.broadcast %rev3A_905 : i32 to vector<16xi32>
        %rev3A_907 = tpu.iota {dimensions = array<i32: 0>} : vector<16xi32>
        %rev3A_908 = arith.subi %rev3A_906, %rev3A_907 : vector<16xi32>
        %rev3A_909 = tpu.dynamic_gather %masked_sort3A_760[%rev3A_908] in [0] : vector<16xi32>, vector<16xi32> -> vector<16xi32>
        %ge3A_910 = arith.cmpf oge, %masked_sort3A_747, %rev3A_904 : vector<16xf32>
        %select_n3A_911 = arith.select %ge3A_910, %masked_sort3A_747, %rev3A_904 : vector<16xi1>, vector<16xf32>
        %select_n3A_912 = arith.select %ge3A_910, %masked_sort3A_748, %rev3A_909 : vector<16xi1>, vector<16xi32>
        %masked_sort3A_913 = arith.constant dense<true> : vector<16xi1>
        %masked_sort3A_914, %masked_sort3A_915, %masked_sort3A_916 = tpu.sort %select_n3A_911, %select_n3A_912 masked %masked_sort3A_913 {descending = true} : (vector<16xf32>, vector<16xi32>, vector<16xi1>) -> (vector<16xi1>, vector<16xf32>, vector<16xi32>)
        %rev3A_917 = arith.constant 15 : i32
        %rev3A_918 = vector.broadcast %rev3A_917 : i32 to vector<16xi32>
        %rev3A_919 = tpu.iota {dimensions = array<i32: 0>} : vector<16xi32>
        %rev3A_920 = arith.subi %rev3A_918, %rev3A_919 : vector<16xi32>
        %rev3A_921 = tpu.dynamic_gather %masked_sort3A_783[%rev3A_920] in [0] : vector<16xf32>, vector<16xi32> -> vector<16xf32>
        %rev3A_922 = arith.constant 15 : i32
        %rev3A_923 = vector.broadcast %rev3A_922 : i32 to vector<16xi32>
        %rev3A_924 = tpu.iota {dimensions = array<i32: 0>} : vector<16xi32>
        %rev3A_925 = arith.subi %rev3A_923, %rev3A_924 : vector<16xi32>
        %rev3A_926 = tpu.dynamic_gather %masked_sort3A_784[%rev3A_925] in [0] : vector<16xi32>, vector<16xi32> -> vector<16xi32>
        %ge3A_927 = arith.cmpf oge, %masked_sort3A_771, %rev3A_921 : vector<16xf32>
        %select_n3A_928 = arith.select %ge3A_927, %masked_sort3A_771, %rev3A_921 : vector<16xi1>, vector<16xf32>
        %select_n3A_929 = arith.select %ge3A_927, %masked_sort3A_772, %rev3A_926 : vector<16xi1>, vector<16xi32>
        %masked_sort3A_930 = arith.constant dense<true> : vector<16xi1>
        %masked_sort3A_931, %masked_sort3A_932, %masked_sort3A_933 = tpu.sort %select_n3A_928, %select_n3A_929 masked %masked_sort3A_930 {descending = true} : (vector<16xf32>, vector<16xi32>, vector<16xi1>) -> (vector<16xi1>, vector<16xf32>, vector<16xi32>)
        %rev3A_934 = arith.constant 15 : i32
        %rev3A_935 = vector.broadcast %rev3A_934 : i32 to vector<16xi32>
        %rev3A_936 = tpu.iota {dimensions = array<i32: 0>} : vector<16xi32>
        %rev3A_937 = arith.subi %rev3A_935, %rev3A_936 : vector<16xi32>
        %rev3A_938 = tpu.dynamic_gather %masked_sort3A_807[%rev3A_937] in [0] : vector<16xf32>, vector<16xi32> -> vector<16xf32>
        %rev3A_939 = arith.constant 15 : i32
        %rev3A_940 = vector.broadcast %rev3A_939 : i32 to vector<16xi32>
        %rev3A_941 = tpu.iota {dimensions = array<i32: 0>} : vector<16xi32>
        %rev3A_942 = arith.subi %rev3A_940, %rev3A_941 : vector<16xi32>
        %rev3A_943 = tpu.dynamic_gather %masked_sort3A_808[%rev3A_942] in [0] : vector<16xi32>, vector<16xi32> -> vector<16xi32>
        %ge3A_944 = arith.cmpf oge, %masked_sort3A_795, %rev3A_938 : vector<16xf32>
        %select_n3A_945 = arith.select %ge3A_944, %masked_sort3A_795, %rev3A_938 : vector<16xi1>, vector<16xf32>
        %select_n3A_946 = arith.select %ge3A_944, %masked_sort3A_796, %rev3A_943 : vector<16xi1>, vector<16xi32>
        %masked_sort3A_947 = arith.constant dense<true> : vector<16xi1>
        %masked_sort3A_948, %masked_sort3A_949, %masked_sort3A_950 = tpu.sort %select_n3A_945, %select_n3A_946 masked %masked_sort3A_947 {descending = true} : (vector<16xf32>, vector<16xi32>, vector<16xi1>) -> (vector<16xi1>, vector<16xf32>, vector<16xi32>)
        %rev3A_951 = arith.constant 15 : i32
        %rev3A_952 = vector.broadcast %rev3A_951 : i32 to vector<16xi32>
        %rev3A_953 = tpu.iota {dimensions = array<i32: 0>} : vector<16xi32>
        %rev3A_954 = arith.subi %rev3A_952, %rev3A_953 : vector<16xi32>
        %rev3A_955 = tpu.dynamic_gather %masked_sort3A_831[%rev3A_954] in [0] : vector<16xf32>, vector<16xi32> -> vector<16xf32>
        %rev3A_956 = arith.constant 15 : i32
        %rev3A_957 = vector.broadcast %rev3A_956 : i32 to vector<16xi32>
        %rev3A_958 = tpu.iota {dimensions = array<i32: 0>} : vector<16xi32>
        %rev3A_959 = arith.subi %rev3A_957, %rev3A_958 : vector<16xi32>
        %rev3A_960 = tpu.dynamic_gather %masked_sort3A_832[%rev3A_959] in [0] : vector<16xi32>, vector<16xi32> -> vector<16xi32>
        %ge3A_961 = arith.cmpf oge, %masked_sort3A_819, %rev3A_955 : vector<16xf32>
        %select_n3A_962 = arith.select %ge3A_961, %masked_sort3A_819, %rev3A_955 : vector<16xi1>, vector<16xf32>
        %select_n3A_963 = arith.select %ge3A_961, %masked_sort3A_820, %rev3A_960 : vector<16xi1>, vector<16xi32>
        %masked_sort3A_964 = arith.constant dense<true> : vector<16xi1>
        %masked_sort3A_965, %masked_sort3A_966, %masked_sort3A_967 = tpu.sort %select_n3A_962, %select_n3A_963 masked %masked_sort3A_964 {descending = true} : (vector<16xf32>, vector<16xi32>, vector<16xi1>) -> (vector<16xi1>, vector<16xf32>, vector<16xi32>)
        %rev3A_968 = arith.constant 15 : i32
        %rev3A_969 = vector.broadcast %rev3A_968 : i32 to vector<16xi32>
        %rev3A_970 = tpu.iota {dimensions = array<i32: 0>} : vector<16xi32>
        %rev3A_971 = arith.subi %rev3A_969, %rev3A_970 : vector<16xi32>
        %rev3A_972 = tpu.dynamic_gather %masked_sort3A_864[%rev3A_971] in [0] : vector<16xf32>, vector<16xi32> -> vector<16xf32>
        %rev3A_973 = arith.constant 15 : i32
        %rev3A_974 = vector.broadcast %rev3A_973 : i32 to vector<16xi32>
        %rev3A_975 = tpu.iota {dimensions = array<i32: 0>} : vector<16xi32>
        %rev3A_976 = arith.subi %rev3A_974, %rev3A_975 : vector<16xi32>
        %rev3A_977 = tpu.dynamic_gather %masked_sort3A_865[%rev3A_976] in [0] : vector<16xi32>, vector<16xi32> -> vector<16xi32>
        %ge3A_978 = arith.cmpf oge, %masked_sort3A_847, %rev3A_972 : vector<16xf32>
        %select_n3A_979 = arith.select %ge3A_978, %masked_sort3A_847, %rev3A_972 : vector<16xi1>, vector<16xf32>
        %select_n3A_980 = arith.select %ge3A_978, %masked_sort3A_848, %rev3A_977 : vector<16xi1>, vector<16xi32>
        %masked_sort3A_981 = arith.constant dense<true> : vector<16xi1>
        %masked_sort3A_982, %masked_sort3A_983, %masked_sort3A_984 = tpu.sort %select_n3A_979, %select_n3A_980 masked %masked_sort3A_981 {descending = true} : (vector<16xf32>, vector<16xi32>, vector<16xi1>) -> (vector<16xi1>, vector<16xf32>, vector<16xi32>)
        %rev3A_985 = arith.constant 15 : i32
        %rev3A_986 = vector.broadcast %rev3A_985 : i32 to vector<16xi32>
        %rev3A_987 = tpu.iota {dimensions = array<i32: 0>} : vector<16xi32>
        %rev3A_988 = arith.subi %rev3A_986, %rev3A_987 : vector<16xi32>
        %rev3A_989 = tpu.dynamic_gather %masked_sort3A_898[%rev3A_988] in [0] : vector<16xf32>, vector<16xi32> -> vector<16xf32>
        %rev3A_990 = arith.constant 15 : i32
        %rev3A_991 = vector.broadcast %rev3A_990 : i32 to vector<16xi32>
        %rev3A_992 = tpu.iota {dimensions = array<i32: 0>} : vector<16xi32>
        %rev3A_993 = arith.subi %rev3A_991, %rev3A_992 : vector<16xi32>
        %rev3A_994 = tpu.dynamic_gather %masked_sort3A_899[%rev3A_993] in [0] : vector<16xi32>, vector<16xi32> -> vector<16xi32>
        %ge3A_995 = arith.cmpf oge, %masked_sort3A_881, %rev3A_989 : vector<16xf32>
        %select_n3A_996 = arith.select %ge3A_995, %masked_sort3A_881, %rev3A_989 : vector<16xi1>, vector<16xf32>
        %select_n3A_997 = arith.select %ge3A_995, %masked_sort3A_882, %rev3A_994 : vector<16xi1>, vector<16xi32>
        %masked_sort3A_998 = arith.constant dense<true> : vector<16xi1>
        %masked_sort3A_999, %masked_sort3A_1000, %masked_sort3A_1001 = tpu.sort %select_n3A_996, %select_n3A_997 masked %masked_sort3A_998 {descending = true} : (vector<16xf32>, vector<16xi32>, vector<16xi1>) -> (vector<16xi1>, vector<16xf32>, vector<16xi32>)
        %rev3A_1002 = arith.constant 15 : i32
        %rev3A_1003 = vector.broadcast %rev3A_1002 : i32 to vector<16xi32>
        %rev3A_1004 = tpu.iota {dimensions = array<i32: 0>} : vector<16xi32>
        %rev3A_1005 = arith.subi %rev3A_1003, %rev3A_1004 : vector<16xi32>
        %rev3A_1006 = tpu.dynamic_gather %masked_sort3A_932[%rev3A_1005] in [0] : vector<16xf32>, vector<16xi32> -> vector<16xf32>
        %rev3A_1007 = arith.constant 15 : i32
        %rev3A_1008 = vector.broadcast %rev3A_1007 : i32 to vector<16xi32>
        %rev3A_1009 = tpu.iota {dimensions = array<i32: 0>} : vector<16xi32>
        %rev3A_1010 = arith.subi %rev3A_1008, %rev3A_1009 : vector<16xi32>
        %rev3A_1011 = tpu.dynamic_gather %masked_sort3A_933[%rev3A_1010] in [0] : vector<16xi32>, vector<16xi32> -> vector<16xi32>
        %ge3A_1012 = arith.cmpf oge, %masked_sort3A_915, %rev3A_1006 : vector<16xf32>
        %select_n3A_1013 = arith.select %ge3A_1012, %masked_sort3A_915, %rev3A_1006 : vector<16xi1>, vector<16xf32>
        %select_n3A_1014 = arith.select %ge3A_1012, %masked_sort3A_916, %rev3A_1011 : vector<16xi1>, vector<16xi32>
        %masked_sort3A_1015 = arith.constant dense<true> : vector<16xi1>
        %masked_sort3A_1016, %masked_sort3A_1017, %masked_sort3A_1018 = tpu.sort %select_n3A_1013, %select_n3A_1014 masked %masked_sort3A_1015 {descending = true} : (vector<16xf32>, vector<16xi32>, vector<16xi1>) -> (vector<16xi1>, vector<16xf32>, vector<16xi32>)
        %rev3A_1019 = arith.constant 15 : i32
        %rev3A_1020 = vector.broadcast %rev3A_1019 : i32 to vector<16xi32>
        %rev3A_1021 = tpu.iota {dimensions = array<i32: 0>} : vector<16xi32>
        %rev3A_1022 = arith.subi %rev3A_1020, %rev3A_1021 : vector<16xi32>
        %rev3A_1023 = tpu.dynamic_gather %masked_sort3A_966[%rev3A_1022] in [0] : vector<16xf32>, vector<16xi32> -> vector<16xf32>
        %rev3A_1024 = arith.constant 15 : i32
        %rev3A_1025 = vector.broadcast %rev3A_1024 : i32 to vector<16xi32>
        %rev3A_1026 = tpu.iota {dimensions = array<i32: 0>} : vector<16xi32>
        %rev3A_1027 = arith.subi %rev3A_1025, %rev3A_1026 : vector<16xi32>
        %rev3A_1028 = tpu.dynamic_gather %masked_sort3A_967[%rev3A_1027] in [0] : vector<16xi32>, vector<16xi32> -> vector<16xi32>
        %ge3A_1029 = arith.cmpf oge, %masked_sort3A_949, %rev3A_1023 : vector<16xf32>
        %select_n3A_1030 = arith.select %ge3A_1029, %masked_sort3A_949, %rev3A_1023 : vector<16xi1>, vector<16xf32>
        %select_n3A_1031 = arith.select %ge3A_1029, %masked_sort3A_950, %rev3A_1028 : vector<16xi1>, vector<16xi32>
        %masked_sort3A_1032 = arith.constant dense<true> : vector<16xi1>
        %masked_sort3A_1033, %masked_sort3A_1034, %masked_sort3A_1035 = tpu.sort %select_n3A_1030, %select_n3A_1031 masked %masked_sort3A_1032 {descending = true} : (vector<16xf32>, vector<16xi32>, vector<16xi1>) -> (vector<16xi1>, vector<16xf32>, vector<16xi32>)
        %rev3A_1036 = arith.constant 15 : i32
        %rev3A_1037 = vector.broadcast %rev3A_1036 : i32 to vector<16xi32>
        %rev3A_1038 = tpu.iota {dimensions = array<i32: 0>} : vector<16xi32>
        %rev3A_1039 = arith.subi %rev3A_1037, %rev3A_1038 : vector<16xi32>
        %rev3A_1040 = tpu.dynamic_gather %masked_sort3A_1000[%rev3A_1039] in [0] : vector<16xf32>, vector<16xi32> -> vector<16xf32>
        %rev3A_1041 = arith.constant 15 : i32
        %rev3A_1042 = vector.broadcast %rev3A_1041 : i32 to vector<16xi32>
        %rev3A_1043 = tpu.iota {dimensions = array<i32: 0>} : vector<16xi32>
        %rev3A_1044 = arith.subi %rev3A_1042, %rev3A_1043 : vector<16xi32>
        %rev3A_1045 = tpu.dynamic_gather %masked_sort3A_1001[%rev3A_1044] in [0] : vector<16xi32>, vector<16xi32> -> vector<16xi32>
        %ge3A_1046 = arith.cmpf oge, %masked_sort3A_983, %rev3A_1040 : vector<16xf32>
        %select_n3A_1047 = arith.select %ge3A_1046, %masked_sort3A_983, %rev3A_1040 : vector<16xi1>, vector<16xf32>
        %select_n3A_1048 = arith.select %ge3A_1046, %masked_sort3A_984, %rev3A_1045 : vector<16xi1>, vector<16xi32>
        %masked_sort3A_1049 = arith.constant dense<true> : vector<16xi1>
        %masked_sort3A_1050, %masked_sort3A_1051, %masked_sort3A_1052 = tpu.sort %select_n3A_1047, %select_n3A_1048 masked %masked_sort3A_1049 {descending = true} : (vector<16xf32>, vector<16xi32>, vector<16xi1>) -> (vector<16xi1>, vector<16xf32>, vector<16xi32>)
        %rev3A_1053 = arith.constant 15 : i32
        %rev3A_1054 = vector.broadcast %rev3A_1053 : i32 to vector<16xi32>
        %rev3A_1055 = tpu.iota {dimensions = array<i32: 0>} : vector<16xi32>
        %rev3A_1056 = arith.subi %rev3A_1054, %rev3A_1055 : vector<16xi32>
        %rev3A_1057 = tpu.dynamic_gather %masked_sort3A_1034[%rev3A_1056] in [0] : vector<16xf32>, vector<16xi32> -> vector<16xf32>
        %rev3A_1058 = arith.constant 15 : i32
        %rev3A_1059 = vector.broadcast %rev3A_1058 : i32 to vector<16xi32>
        %rev3A_1060 = tpu.iota {dimensions = array<i32: 0>} : vector<16xi32>
        %rev3A_1061 = arith.subi %rev3A_1059, %rev3A_1060 : vector<16xi32>
        %rev3A_1062 = tpu.dynamic_gather %masked_sort3A_1035[%rev3A_1061] in [0] : vector<16xi32>, vector<16xi32> -> vector<16xi32>
        %ge3A_1063 = arith.cmpf oge, %masked_sort3A_1017, %rev3A_1057 : vector<16xf32>
        %select_n3A_1064 = arith.select %ge3A_1063, %masked_sort3A_1017, %rev3A_1057 : vector<16xi1>, vector<16xf32>
        %select_n3A_1065 = arith.select %ge3A_1063, %masked_sort3A_1018, %rev3A_1062 : vector<16xi1>, vector<16xi32>
        %masked_sort3A_1066 = arith.constant dense<true> : vector<16xi1>
        %masked_sort3A_1067, %masked_sort3A_1068, %masked_sort3A_1069 = tpu.sort %select_n3A_1064, %select_n3A_1065 masked %masked_sort3A_1066 {descending = true} : (vector<16xf32>, vector<16xi32>, vector<16xi1>) -> (vector<16xi1>, vector<16xf32>, vector<16xi32>)
        %rev3A_1070 = arith.constant 15 : i32
        %rev3A_1071 = vector.broadcast %rev3A_1070 : i32 to vector<16xi32>
        %rev3A_1072 = tpu.iota {dimensions = array<i32: 0>} : vector<16xi32>
        %rev3A_1073 = arith.subi %rev3A_1071, %rev3A_1072 : vector<16xi32>
        %rev3A_1074 = tpu.dynamic_gather %masked_sort3A_1068[%rev3A_1073] in [0] : vector<16xf32>, vector<16xi32> -> vector<16xf32>
        %rev3A_1075 = arith.constant 15 : i32
        %rev3A_1076 = vector.broadcast %rev3A_1075 : i32 to vector<16xi32>
        %rev3A_1077 = tpu.iota {dimensions = array<i32: 0>} : vector<16xi32>
        %rev3A_1078 = arith.subi %rev3A_1076, %rev3A_1077 : vector<16xi32>
        %rev3A_1079 = tpu.dynamic_gather %masked_sort3A_1069[%rev3A_1078] in [0] : vector<16xi32>, vector<16xi32> -> vector<16xi32>
        %ge3A_1080 = arith.cmpf oge, %masked_sort3A_1051, %rev3A_1074 : vector<16xf32>
        %select_n3A_1081 = arith.select %ge3A_1080, %masked_sort3A_1051, %rev3A_1074 : vector<16xi1>, vector<16xf32>
        %select_n3A_1082 = arith.select %ge3A_1080, %masked_sort3A_1052, %rev3A_1079 : vector<16xi1>, vector<16xi32>
        %masked_sort3A_1083 = arith.constant dense<true> : vector<16xi1>
        %masked_sort3A_1084, %masked_sort3A_1085, %masked_sort3A_1086 = tpu.sort %select_n3A_1081, %select_n3A_1082 masked %masked_sort3A_1083 {descending = true} : (vector<16xf32>, vector<16xi32>, vector<16xi1>) -> (vector<16xi1>, vector<16xf32>, vector<16xi32>)
        %rev3A_1087 = arith.constant 15 : i32
        %rev3A_1088 = vector.broadcast %rev3A_1087 : i32 to vector<16xi32>
        %rev3A_1089 = tpu.iota {dimensions = array<i32: 0>} : vector<16xi32>
        %rev3A_1090 = arith.subi %rev3A_1088, %rev3A_1089 : vector<16xi32>
        %rev3A_1091 = tpu.dynamic_gather %masked_sort3A_1085[%rev3A_1090] in [0] : vector<16xf32>, vector<16xi32> -> vector<16xf32>
        %rev3A_1092 = arith.constant 15 : i32
        %rev3A_1093 = vector.broadcast %rev3A_1092 : i32 to vector<16xi32>
        %rev3A_1094 = tpu.iota {dimensions = array<i32: 0>} : vector<16xi32>
        %rev3A_1095 = arith.subi %rev3A_1093, %rev3A_1094 : vector<16xi32>
        %rev3A_1096 = tpu.dynamic_gather %masked_sort3A_1086[%rev3A_1095] in [0] : vector<16xi32>, vector<16xi32> -> vector<16xi32>
        %ge3A_1097 = arith.cmpf oge, %scan3A_631, %rev3A_1091 : vector<16xf32>
        %select_n3A_1098 = arith.select %ge3A_1097, %scan3A_631, %rev3A_1091 : vector<16xi1>, vector<16xf32>
        %select_n3A_1099 = arith.select %ge3A_1097, %scan3A_632, %rev3A_1096 : vector<16xi1>, vector<16xi32>
        %masked_sort3A_1100 = arith.constant dense<true> : vector<16xi1>
        %masked_sort3A_1101, %masked_sort3A_1102, %masked_sort3A_1103 = tpu.sort %select_n3A_1098, %select_n3A_1099 masked %masked_sort3A_1100 {descending = true} : (vector<16xf32>, vector<16xi32>, vector<16xi1>) -> (vector<16xi1>, vector<16xf32>, vector<16xi32>)
        %jit3A_1104 = arith.constant 3.400000e+38 : f32
        %broadcast_in_dim3A_1105 = vector.broadcast %jit3A_1104 : f32 to vector<16xf32>
        %select_n3A_1106 = arith.select %lt3A_5, %masked_sort3A_1102, %broadcast_in_dim3A_1105 : vector<16xi1>, vector<16xf32>
        %reduce_min3A_1107 = arith.constant true
        %reduce_min3A_1108 = vector.broadcast %reduce_min3A_1107 : i1 to vector<16xi1>
        %reduce_min3A_1109 = tpu.scan <min>, %select_n3A_1106 masked %reduce_min3A_1108 : vector<16xf32>, vector<16xi1> -> vector<16xf32>
        %reduce_min3A_1110 = vector.extract %reduce_min3A_1109[15] : f32 from vector<16xf32>
        %max3A = arith.maximumf %scan3A_633, %reduce_min3A_1110 : f32
        scf.yield %masked_sort3A_1102, %masked_sort3A_1103, %max3A : vector<16xf32>, vector<16xi32>, f32
      } else {
        scf.yield %scan3A_631, %scan3A_632, %scan3A_633 : vector<16xf32>, vector<16xi32>, f32
      }
      scf.yield %cond3A_640#0, %cond3A_640#1, %cond3A_640#2 : vector<16xf32>, vector<16xi32>, f32
    }
    %scan3A_530 = arith.constant 128 : i32
    %reduce_sum3A_531 = arith.constant true
    %reduce_sum3A_532 = vector.broadcast %reduce_sum3A_531 : i1 to vector<16xi1>
    %reduce_sum3A_533 = tpu.scan <sum>, %parallel_loop3A_509#0 masked %reduce_sum3A_532 : vector<16xf32>, vector<16xi1> -> vector<16xf32>
    %reduce_sum3A_534 = vector.extract %reduce_sum3A_533[15] : f32 from vector<16xf32>
    %broadcast_in_dim3A_535 = arith.constant 0.000000e+00 : f32
    %broadcast_in_dim3A_536 = vector.broadcast %broadcast_in_dim3A_535 : f32 to vector<16xf32>
    %add3A_537 = vector.broadcast %reduce_sum3A_534 : f32 to vector<16xf32>
    %add3A_538 = arith.addf %broadcast_in_dim3A_536, %add3A_537 : vector<16xf32>
    %bitcast_convert_type3A_539 = tpu.bitcast %add3A_538 : vector<16xf32> -> vector<16xi32>
    %convert_element_type3A_540 = arith.sitofp %bitcast_convert_type3A_539 : vector<16xi32> to vector<16xf32>
    %mul3A_541 = arith.constant 1.1920929E-7 : f32
    %mul3A_542 = vector.broadcast %mul3A_541 : f32 to vector<16xf32>
    %mul3A_543 = arith.mulf %convert_element_type3A_540, %mul3A_542 : vector<16xf32>
    %sub3A_544 = arith.constant 126.942696 : f32
    %sub3A_545 = vector.broadcast %sub3A_544 : f32 to vector<16xf32>
    %sub3A_546 = arith.subf %mul3A_543, %sub3A_545 : vector<16xf32>
    %mul3A_547 = arith.constant 0.693147182 : f32
    %mul3A_548 = vector.broadcast %mul3A_547 : f32 to vector<16xf32>
    %mul3A_549 = arith.mulf %sub3A_546, %mul3A_548 : vector<16xf32>
    %neg3A_550 = arith.constant 0.000000e+00 : f32
    %neg3A_551 = vector.broadcast %neg3A_550 : f32 to vector<16xf32>
    %neg3A_552 = arith.subf %neg3A_551, %mul3A_549 : vector<16xf32>
    %exp3A_553 = math.exp %neg3A_552 : vector<16xf32>
    %mul3A_554 = arith.mulf %add3A_538, %exp3A_553 : vector<16xf32>
    %add3A_555 = arith.addf %mul3A_549, %mul3A_554 : vector<16xf32>
    %sub3A_556 = arith.constant 1.000000e+00 : f32
    %sub3A_557 = vector.broadcast %sub3A_556 : f32 to vector<16xf32>
    %sub3A_558 = arith.subf %add3A_555, %sub3A_557 : vector<16xf32>
    %neg3A_559 = arith.constant 0.000000e+00 : f32
    %neg3A_560 = vector.broadcast %neg3A_559 : f32 to vector<16xf32>
    %neg3A_561 = arith.subf %neg3A_560, %sub3A_558 : vector<16xf32>
    %exp3A_562 = math.exp %neg3A_561 : vector<16xf32>
    %mul3A_563 = arith.mulf %add3A_538, %exp3A_562 : vector<16xf32>
    %add3A_564 = arith.addf %sub3A_558, %mul3A_563 : vector<16xf32>
    %sub3A_565 = arith.constant 1.000000e+00 : f32
    %sub3A_566 = vector.broadcast %sub3A_565 : f32 to vector<16xf32>
    %sub3A_567 = arith.subf %add3A_564, %sub3A_566 : vector<16xf32>
    %neg3A_568 = arith.constant 0.000000e+00 : f32
    %neg3A_569 = vector.broadcast %neg3A_568 : f32 to vector<16xf32>
    %neg3A_570 = arith.subf %neg3A_569, %sub3A_567 : vector<16xf32>
    %exp3A_571 = math.exp %neg3A_570 : vector<16xf32>
    %mul3A_572 = arith.mulf %add3A_538, %exp3A_571 : vector<16xf32>
    %add3A_573 = arith.addf %sub3A_567, %mul3A_572 : vector<16xf32>
    %sub3A_574 = arith.constant 1.000000e+00 : f32
    %sub3A_575 = vector.broadcast %sub3A_574 : f32 to vector<16xf32>
    %sub3A_576 = arith.subf %add3A_573, %sub3A_575 : vector<16xf32>
    %add3A_577 = vector.broadcast %reduce_max3A_501 : f32 to vector<16xf32>
    %add3A_578 = arith.addf %add3A_577, %scan3A_529#0 : vector<16xf32>
    %sub3A_579 = arith.subf %add3A_578, %sub3A_576 : vector<16xf32>
    %swap3A_580 = arith.constant 24 : index
    %swap3A_581 = tpu.vector_load %arg11[%swap3A_580] masked %lt3A_5 {strides = array<i32>} : memref<48xf32, #tpu.memory_space<vmem>>, vector<16xf32>, vector<16xi1>
    tpu.vector_store %arg11[%swap3A_580], %sub3A_579 masked %lt3A_5 {strides = array<i32>} : memref<48xf32, #tpu.memory_space<vmem>>, vector<16xf32>, vector<16xi1>
    %swap3A_582 = arith.constant 24 : index
    %swap3A_583 = tpu.vector_load %arg12[%swap3A_582] masked %lt3A_5 {strides = array<i32>} : memref<48xi32, #tpu.memory_space<vmem>>, vector<16xi32>, vector<16xi1>
    tpu.vector_store %arg12[%swap3A_582], %scan3A_529#1 masked %lt3A_5 {strides = array<i32>} : memref<48xi32, #tpu.memory_space<vmem>>, vector<16xi32>, vector<16xi1>
    %dma_wait3A_584 = arith.constant 0 : i32
    %dma_wait3A_585 = tpu.memref_slice %arg4[%add3A_329, %dma_wait3A_584] : memref<128x32768xf32, #tpu.memory_space<hbm>> -> memref<1x32768xf32, #tpu.memory_space<hbm>>
    %dma_wait3A_586 = tpu.memref_squeeze %dma_wait3A_585 : memref<1x32768xf32, #tpu.memory_space<hbm>> -> memref<32768xf32, #tpu.memory_space<hbm>>
    %dma_wait3A_587 = arith.constant 0 : i32
    %dma_wait3A_588 = tpu.memref_slice %arg4[%add3A_329, %dma_wait3A_587] : memref<128x32768xf32, #tpu.memory_space<hbm>> -> memref<1x32768xf32, #tpu.memory_space<hbm>>
    %dma_wait3A_589 = tpu.memref_squeeze %dma_wait3A_588 : memref<1x32768xf32, #tpu.memory_space<hbm>> -> memref<32768xf32, #tpu.memory_space<hbm>>
    tpu.wait_dma2 semaphore(%arg15 : memref<!tpu.dma_semaphore, #tpu.memory_space<semaphore_mem>>) src(%arg9 : memref<32768xf32, #tpu.memory_space<vmem>>) dst(%dma_wait3A_589 : memref<32768xf32, #tpu.memory_space<hbm>>)
    tpu.vector_store_idx %arg9[%scan3A_395#1], %broadcast_in_dim3A_3 masked %lt3A_5 : memref<32768xf32, #tpu.memory_space<vmem>>[vector<16xi32>], vector<16xf32>, vector<16xi1>
    tpu.vector_store_idx %arg9[%scan3A_529#1], %sub3A_579 masked %lt3A_5 : memref<32768xf32, #tpu.memory_space<vmem>>[vector<16xi32>], vector<16xf32>, vector<16xi1>
    %dma_start3A_590 = arith.constant 0 : i32
    %dma_start3A_591 = tpu.memref_slice %arg4[%add3A_463, %dma_start3A_590] : memref<128x32768xf32, #tpu.memory_space<hbm>> -> memref<1x32768xf32, #tpu.memory_space<hbm>>
    %dma_start3A_592 = tpu.memref_squeeze %dma_start3A_591 : memref<1x32768xf32, #tpu.memory_space<hbm>> -> memref<32768xf32, #tpu.memory_space<hbm>>
    %dma_start3A_593 = arith.constant 0 : i32
    %dma_start3A_594 = tpu.memref_slice %arg4[%add3A_463, %dma_start3A_593] : memref<128x32768xf32, #tpu.memory_space<hbm>> -> memref<1x32768xf32, #tpu.memory_space<hbm>>
    %dma_start3A_595 = tpu.memref_squeeze %dma_start3A_594 : memref<1x32768xf32, #tpu.memory_space<hbm>> -> memref<32768xf32, #tpu.memory_space<hbm>>
    tpu.enqueue_dma source(%arg9 : memref<32768xf32, #tpu.memory_space<vmem>>) target(%dma_start3A_595 : memref<32768xf32, #tpu.memory_space<hbm>>) target_semaphore(%arg15 : memref<!tpu.dma_semaphore, #tpu.memory_space<semaphore_mem>>)
    %mul3A_596 = arith.constant 8 : i32
    %mul3A_597 = arith.muli %mul3A_2, %mul3A_596 : i32
    %dma_start3A_598 = arith.constant 0 : i32
    %dma_start3A_599 = tpu.memref_slice %arg11[%dma_start3A_598] : memref<48xf32, #tpu.memory_space<vmem>> -> memref<32xf32, #tpu.memory_space<vmem>>
    %dma_start3A_600 = tpu.memref_slice %arg5[%mul3A_597] : memref<1024xf32, #tpu.memory_space<hbm>> -> memref<32xf32, #tpu.memory_space<hbm>>
    %dma_start3A_601 = tpu.memref_slice %arg5[%mul3A_597] : memref<1024xf32, #tpu.memory_space<hbm>> -> memref<32xf32, #tpu.memory_space<hbm>>
    %dma_start3A_602 = arith.constant 0 : i32
    %dma_start3A_603 = tpu.memref_slice %arg11[%dma_start3A_602] : memref<48xf32, #tpu.memory_space<vmem>> -> memref<32xf32, #tpu.memory_space<vmem>>
    tpu.enqueue_dma source(%dma_start3A_603 : memref<32xf32, #tpu.memory_space<vmem>>) target(%dma_start3A_601 : memref<32xf32, #tpu.memory_space<hbm>>) target_semaphore(%arg16 : memref<!tpu.dma_semaphore, #tpu.memory_space<semaphore_mem>>)
    %mul3A_604 = arith.constant 8 : i32
    %mul3A_605 = arith.muli %mul3A_2, %mul3A_604 : i32
    %dma_start3A_606 = arith.constant 0 : i32
    %dma_start3A_607 = tpu.memref_slice %arg12[%dma_start3A_606] : memref<48xi32, #tpu.memory_space<vmem>> -> memref<32xi32, #tpu.memory_space<vmem>>
    %dma_start3A_608 = tpu.memref_slice %arg6[%mul3A_605] : memref<1024xi32, #tpu.memory_space<hbm>> -> memref<32xi32, #tpu.memory_space<hbm>>
    %dma_start3A_609 = tpu.memref_slice %arg6[%mul3A_605] : memref<1024xi32, #tpu.memory_space<hbm>> -> memref<32xi32, #tpu.memory_space<hbm>>
    %dma_start3A_610 = arith.constant 0 : i32
    %dma_start3A_611 = tpu.memref_slice %arg12[%dma_start3A_610] : memref<48xi32, #tpu.memory_space<vmem>> -> memref<32xi32, #tpu.memory_space<vmem>>
    tpu.enqueue_dma source(%dma_start3A_611 : memref<32xi32, #tpu.memory_space<vmem>>) target(%dma_start3A_609 : memref<32xi32, #tpu.memory_space<hbm>>) target_semaphore(%arg16 : memref<!tpu.dma_semaphore, #tpu.memory_space<semaphore_mem>>)
    %dma_wait3A_612 = arith.constant 0 : i32
    %dma_wait3A_613 = tpu.memref_slice %arg11[%dma_wait3A_612] : memref<48xf32, #tpu.memory_space<vmem>> -> memref<32xf32, #tpu.memory_space<vmem>>
    %dma_wait3A_614 = tpu.memref_slice %arg5[%mul3A_597] : memref<1024xf32, #tpu.memory_space<hbm>> -> memref<32xf32, #tpu.memory_space<hbm>>
    %dma_wait3A_615 = tpu.memref_slice %arg5[%mul3A_597] : memref<1024xf32, #tpu.memory_space<hbm>> -> memref<32xf32, #tpu.memory_space<hbm>>
    %dma_wait3A_616 = arith.constant 0 : i32
    %dma_wait3A_617 = tpu.memref_slice %arg11[%dma_wait3A_616] : memref<48xf32, #tpu.memory_space<vmem>> -> memref<32xf32, #tpu.memory_space<vmem>>
    tpu.wait_dma2 semaphore(%arg16 : memref<!tpu.dma_semaphore, #tpu.memory_space<semaphore_mem>>) src(%dma_wait3A_617 : memref<32xf32, #tpu.memory_space<vmem>>) dst(%dma_wait3A_615 : memref<32xf32, #tpu.memory_space<hbm>>)
    %dma_wait3A_618 = arith.constant 0 : i32
    %dma_wait3A_619 = tpu.memref_slice %arg12[%dma_wait3A_618] : memref<48xi32, #tpu.memory_space<vmem>> -> memref<32xi32, #tpu.memory_space<vmem>>
    %dma_wait3A_620 = tpu.memref_slice %arg6[%mul3A_605] : memref<1024xi32, #tpu.memory_space<hbm>> -> memref<32xi32, #tpu.memory_space<hbm>>
    %dma_wait3A_621 = tpu.memref_slice %arg6[%mul3A_605] : memref<1024xi32, #tpu.memory_space<hbm>> -> memref<32xi32, #tpu.memory_space<hbm>>
    %dma_wait3A_622 = arith.constant 0 : i32
    %dma_wait3A_623 = tpu.memref_slice %arg12[%dma_wait3A_622] : memref<48xi32, #tpu.memory_space<vmem>> -> memref<32xi32, #tpu.memory_space<vmem>>
    tpu.wait_dma2 semaphore(%arg16 : memref<!tpu.dma_semaphore, #tpu.memory_space<semaphore_mem>>) src(%dma_wait3A_623 : memref<32xi32, #tpu.memory_space<vmem>>) dst(%dma_wait3A_621 : memref<32xi32, #tpu.memory_space<hbm>>)
    %dma_wait3A_624 = arith.constant 0 : i32
    %dma_wait3A_625 = tpu.memref_slice %arg4[%add3A_463, %dma_wait3A_624] : memref<128x32768xf32, #tpu.memory_space<hbm>> -> memref<1x32768xf32, #tpu.memory_space<hbm>>
    %dma_wait3A_626 = tpu.memref_squeeze %dma_wait3A_625 : memref<1x32768xf32, #tpu.memory_space<hbm>> -> memref<32768xf32, #tpu.memory_space<hbm>>
    %dma_wait3A_627 = arith.constant 0 : i32
    %dma_wait3A_628 = tpu.memref_slice %arg4[%add3A_463, %dma_wait3A_627] : memref<128x32768xf32, #tpu.memory_space<hbm>> -> memref<1x32768xf32, #tpu.memory_space<hbm>>
    %dma_wait3A_629 = tpu.memref_squeeze %dma_wait3A_628 : memref<1x32768xf32, #tpu.memory_space<hbm>> -> memref<32768xf32, #tpu.memory_space<hbm>>
    tpu.wait_dma2 semaphore(%arg15 : memref<!tpu.dma_semaphore, #tpu.memory_space<semaphore_mem>>) src(%arg9 : memref<32768xf32, #tpu.memory_space<vmem>>) dst(%dma_wait3A_629 : memref<32768xf32, #tpu.memory_space<hbm>>)
    return
  }
}

</mosaic_0001>

<sc_bundles>
// kernel: _sc_call.3.cloned.1.call-start
scs
__scs_entry_jumppad:
0x0: {  	(pc) =	sbr.rel $0x88, $3  }
0x1: {  	(tag) =	ssettag $0x0;
	lr =	simm.s32 $0x1  }
0x2: {  	[smem:$0x3F9F] =	sst lr;
	_ =	strace $0xD0000000  }
0x3: {  	_ = 	snop  }
0x4: {  	_ = 	snop  }
0x5: {  	_ = 	snop  }
0x6: {  	_ = 	snop  }
0x7: {  	_ = 	snop  }
__scs_overlays_trampoline_lowered:
0x8: {  	[smem:$0x3FAE] =	sst s0  }
0x9: {  	[smem:$0x3FAF] =	sst s1  }
0xa: {  	[smem:$0x3FB0] =	sst s2  }
0xb: {  	[smem:$0x3FB1] =	sst s3  }
0xc: {  	[smem:$0x3FB2] =	sst s4  }
0xd: {  	[smem:$0x3FB3] =	sst s5  }
0xe: {  	[smem:$0x3FB4] =	sst s6  }
0xf: {  	[smem:$0x3FB5] =	sst s7  }
0x10: {  	[smem:$0x3FB6] =	sst s8  }
0x11: {  	[smem:$0x3FB7] =	sst s9;
	s0 =	simm.s32 @!p0 $0x0  }
0x12: {  	s1 =	sld [smem:$0x3F9D];
	s0 =	simm.s32 @p0 $0x1  }
0x13: {  	[smem:$0x3FB8] =	sst s0;
	s0 =	simm.s32 @!p1 $0x0  }
0x14: {  	s2 =	sld [smem:$0x3F9C];
	s0 =	simm.s32 @p1 $0x1  }
0x15: {  	[smem:$0x3FB9] =	sst s0;
	s0 =	simm.s32 @!p2 $0x0  }
0x16: {  	s3 =	sld [smem:$0x3FDB];
	s0 =	simm.s32 @p2 $0x1  }
0x17: {  	s4 =	simm.s32 $0x1BF5;
	[smem:$0x3FBB] =	sst s0  }
0x18: {  	s0 =	sld [smem:$0x3F9E];
	_ =	swait.ge [sflag:s4], $0x0  }
0x19: {  	s7 =	sld [smem:$0x3F9F]  }
0x1a: {  	s8 =	sadd.s32 $0xFFFFE003, lr  }
0x1b: {  	s9 =	sadd.s32 $0xFFFFFEF7, lr;
	s5 =	simm.s32 $0xFFFFFFFF;
	p2 =	slt.u32 s8, $0xFFFFF086  }
0x1c: {  	p1 =	slt.u32 s9, $0xF7A;
	s5 =	simm.s32 @!p2 $0x0  }
0x1d: {  	s5 =	simm.s32 @p1 $0x1;
	p0 =	seq.s32 s7, s2  }
0x1e: {  	s7 =	smul.u32 @!p0 $0xF7A, s2;
	p2 =	seq.s32 @!p0 s5, $0x0  }
0x1f: {  	s9 =	smul.u32 $0xF7A, s1;
	s8 =	simm.s32 @!p0 $0x1BF5;
	p2 =	por !p2, p0  }
0x20: {  	[sflag:s8] =	ssyncset.s32 @!p0 $0xFFFFF086;
	s6 =	sadd.s32 @!p0 s3, s7;
	s7 =	simm.s32 @!p0 $0x108  }
0x21: {  	s3 =	sadd.s32 s3, s9;
	s6 =	sadd.s32 @!p0 $0x88, s6;
	s7 =	simm.s32 @p2 $0x1082  }
0x22: {  	[simem:s7], [sflag:s8] =	dma.local @!p0 [hbm:s6], $0xF7A  }
0x23: {  	s9 =	sor.u32 $0xD0000000, s2;
	s6 =	simm.s32 $0x108;
	_ =	swait.ge @!p0 [sflag:s8], $0x0  }
0x24: {  	s3 =	sadd.s32 $0x88, s3;
	s6 =	simm.s32 @!p1 $0x1082;
	[sflag:s4] =	ssyncset.s32 $0xFFFFF086  }
0x25: {  	[simem:s6], [sflag:s4] =	dma.local [hbm:s3], $0xF7A  }
0x26: {  	[smem:$0x3F9F] =	sst s1;
	(tag) =	ssettag s2;
	_ =	strace s9  }
0x27: {  	s1 =	sld [smem:$0x3FAF]  }
0x28: {  	s2 =	sld [smem:$0x3FB0]  }
0x29: {  	s4 =	sld [smem:$0x3FB2]  }
0x2a: {  	p0 =	seq.s32 s5, $0x0;
	s5 =	sld [smem:$0x3FB3]  }
0x2b: {  	s6 =	sld [smem:$0x3FB4]  }
0x2c: {  	s7 =	sld [smem:$0x3FB5]  }
0x2d: {  	s3 =	simm.s32 $0x108;
	s8 =	sld [smem:$0x3FB6]  }
0x2e: {  	s3 =	simm.s32 @!p0 $0x1082;
	s9 =	sld [smem:$0x3FB7]  }
0x2f: {  	lr =	sadd.s32 s0, s3;
	s0 =	sld [smem:$0x3FAE]  }
0x30: {  	s3 =	sld [smem:$0x3FB1]  }
0x31: {  	[smem:$0x3FBA] =	sst s10  }
0x32: {  	s10 =	sld [smem:$0x3FB8];
	_ =	sdelay $0x3  }
0x33: {  	p0 =	seq.s32 s10, $0x1;
	s10 =	sld [smem:$0x3FBA];
	_ =	sdelay $0x3  }
0x34: {  	[smem:$0x3FBA] =	sst s10  }
0x35: {  	s10 =	sld [smem:$0x3FB9];
	_ =	sdelay $0x3  }
0x36: {  	p1 =	seq.s32 s10, $0x1;
	s10 =	sld [smem:$0x3FBA];
	_ =	sdelay $0x3  }
0x37: {  	[smem:$0x3FBA] =	sst s10  }
0x38: {  	s10 =	sld [smem:$0x3FBB]  }
0x39: {  	_ = 	snop;
	(pc) =	sbr.ind lr, $3  }
0x3a: {  	_ = 	snop  }
0x3b: {  	_ = 	snop  }
0x3c: {  	p2 =	seq.s32 s10, $0x1;
	s10 =	sld [smem:$0x3FBA]  }
0x3d: {  	_ =	shalt  }
0x3e: {  	_ =	shalt  }
0x3f: {  	_ =	shalt  }
0x40: {  	_ =	shalt  }
0x41: {  	_ =	shalt  }
0x42: {  	_ =	shalt  }
0x43: {  	_ =	shalt  }
0x44: {  	_ =	shalt  }
0x45: {  	_ =	shalt  }
0x46: {  	_ =	shalt  }
0x47: {  	_ =	shalt  }
0x48: {  	_ =	shalt  }
0x49: {  	_ =	shalt  }
0x4a: {  	_ =	shalt  }
0x4b: {  	_ =	shalt  }
0x4c: {  	_ =	shalt  }
0x4d: {  	_ =	shalt  }
0x4e: {  	_ =	shalt  }
0x4f: {  	_ =	shalt  }
0x50: {  	_ =	shalt  }
0x51: {  	_ =	shalt  }
0x52: {  	_ =	shalt  }
0x53: {  	_ =	shalt  }
0x54: {  	_ =	shalt  }
0x55: {  	_ =	shalt  }
0x56: {  	_ =	shalt  }
0x57: {  	_ =	shalt  }
0x58: {  	_ =	shalt  }
0x59: {  	_ =	shalt  }
0x5a: {  	_ =	shalt  }
0x5b: {  	_ =	shalt  }
0x5c: {  	_ =	shalt  }
0x5d: {  	_ =	shalt  }
0x5e: {  	_ =	shalt  }
0x5f: {  	_ =	shalt  }
0x60: {  	_ =	shalt  }
0x61: {  	_ =	shalt  }
0x62: {  	_ =	shalt  }
0x63: {  	_ =	shalt  }
0x64: {  	_ =	shalt  }
0x65: {  	_ =	shalt  }
0x66: {  	_ =	shalt  }
0x67: {  	_ =	shalt  }
0x68: {  	_ =	shalt  }
0x69: {  	_ =	shalt  }
0x6a: {  	_ =	shalt  }
0x6b: {  	_ =	shalt  }
0x6c: {  	_ =	shalt  }
0x6d: {  	_ =	shalt  }
0x6e: {  	_ =	shalt  }
0x6f: {  	_ =	shalt  }
0x70: {  	_ =	shalt  }
0x71: {  	_ =	shalt  }
0x72: {  	_ =	shalt  }
0x73: {  	_ =	shalt  }
0x74: {  	_ =	shalt  }
0x75: {  	_ =	shalt  }
0x76: {  	_ =	shalt  }
0x77: {  	_ =	shalt  }
0x78: {  	_ =	shalt  }
0x79: {  	_ =	shalt  }
0x7a: {  	_ =	shalt  }
0x7b: {  	_ =	shalt  }
0x7c: {  	_ =	shalt  }
0x7d: {  	_ =	shalt  }
0x7e: {  	_ =	shalt  }
0x7f: {  	_ =	shalt  }
0x80: {  	_ =	shalt  }
0x81: {  	_ =	shalt  }
0x82: {  	_ =	shalt  }
0x83: {  	_ =	shalt  }
0x84: {  	_ =	shalt  }
0x85: {  	_ =	shalt  }
0x86: {  	_ =	shalt  }
0x87: {  	_ =	shalt  }
.Lfunc_end0:
.L_simem_size_0:
called_computation_lowered:
.L_overlay_start_0:
0x88: {  	s2 =	sld [smem:$0x3FD9]  }
0x89: {  	s3 =	sld [smem:$0x3FFE];
	_ =	sdelay $0x1  }
0x8a: {  	s1 =	srdreg.scid  }
0x8b: {  	s0 =	sand.u32 $0x1, s1  }
0x8c: {  	s15 =	sshll.u32 s0, $0xA;
	s2 =	sadd.s32 s3, s2  }
0x8d: {  	s2 =	sadd.s32 s2, s15  }
0x8e: {  	[smem:$0x3FC6] =	sst s2  }
0x8f: {  	_ = 	snop  }
0x90: {  	s2 =	sld [smem:$0x3FD0];
	_ =	sdelay $0x1  }
0x91: {  	s16 =	sld [smem:$0x3FC9]  }
0x92: {  	s5 =	simm.s32 $0xA;
	s6 =	simm.s32 $0x10;
	s4 =	sld [smem:$0x3FC8]  }
0x93: {  	[smem:s6], [sflag:s5] =	dma.local [hbm:s2], $0x1  }
0x94: {  	_ =	swait.eq [sflag:s5], $0x1  }
0x95: {  	s17 =	sld [smem:$0x10];
	[sflag:s5] =	ssyncset.done $0x0  }
0x96: {  	s18 =	sld [smem:$0x11];
	[sflag:s5] =	ssyncadd.s32 $0xFFFFFFFF  }
0x97: {  	s19 =	sld [smem:$0x12];
	(tm) =	ssettm $0x1  }
0x98: {  	s7 =	sld [smem:$0x3FFB];
	_ =	sdelay $0x3  }
0x99: {  	_ =	strace s7  }
0x9a: {  	s7 =	sld [smem:$0x3FFC];
	_ =	sdelay $0x3  }
0x9b: {  	_ =	strace s7  }
0x9c: {  	s7 =	sld [smem:$0x3FFD];
	_ =	sdelay $0x3  }
0x9d: {  	_ =	strace s7  }
0x9e: {  	_ =	strace $0x8FFFFFFF  }
0x9f: {  	s20 =	sld [smem:$0x3FDB];
	_ =	sdelay $0x1  }
0xa0: {  	s8 =	simm.s32 $_scs_section_size  }
0xa1: {  	s9 =	simm.s32 $_size__tile_overlayer_lowered;
	s10 =	simm.s32 $_tile_overlayer_lowered  }
0xa2: {  	s23 =	simm.s32 $0x1BFF;
	s22 =	sshll.u32 s10, $0x1;
	s7 =	sadd.s32 s8, s20  }
0xa3: {  	s11 =	simm.s32 $0x0;
	s21 =	sshll.u32 s9, $0x1;
	s9 =	sadd.s32 s22, s7  }
0xa4: {  	[timem:s11], [sflag:s23] =	dma.local [hbm:s9], s21  }
0xa5: {  	_ =	swait.ge [sflag:s23], s21  }
0xa6: {  	s8 =	ssub.s32 $0x0, s21;
	[sflag:s23] =	ssyncset.done $0x0  }
0xa7: {  	[sflag:s23] =	ssyncadd.s32 s8;
	_ =	sdelay $0x1  }
0xa8: {  	s24 =	simm.s32 $0x1B8B  }
0xa9: {  	_ =	swait.ge [sflag:s24], $0x1  }
0xaa: {  	[sflag:s24] =	ssyncset.done $0x0  }
0xab: {  	s25 =	simm.s32 $0x1B8E;
	[sflag:s24] =	ssyncadd.s32 $0xFFFFFFFF  }
0xac: {  	s26 =	simm.s32 $execute0_lowered;
	[smem:$0x3FD2] =	sst s25  }
0xad: {  	s8 =	sshll.u32 s26, $0x1;
	_ =	strace $0x80000046;
	[dreg:$0x1] =	wrdreg $0xFFFFFFFF  }
0xae: {  	s28 =	simm.s32 $_size_execute0_lowered;
	s7 =	sadd.s32 s7, s8;
	[dreg:$0x0] =	wrdreg $0x0  }
0xaf: {  	s8 =	sshll.u32 s28, $0x1;
	[dreg:$0x2] =	wrdreg s7  }
0xb0: {  	[dreg:$0x3] =	wrdreg s8  }
0xb1: {  	[dreg:$0x4] =	wrdreg $0xC0  }
0xb2: {  	_ =	task [dreg:s11], $0x5FFFF  }
0xb3: {  	[dreg:$0x1] =	wrdreg $0xFFFFFFFF  }
0xb4: {  	[dreg:$0x0] =	wrdreg $0x60  }
0xb5: {  	[dreg:$0x2] =	wrdreg s16  }
0xb6: {  	[dreg:$0x3] =	wrdreg s4  }
0xb7: {  	[dreg:$0x4] =	wrdreg s17  }
0xb8: {  	[dreg:$0x5] =	wrdreg s18  }
0xb9: {  	[dreg:$0x6] =	wrdreg s19  }
0xba: {  	[dreg:$0x7] =	wrdreg $0x9  }
0xbb: {  	_ =	task.clear_ibuf [dreg:s11], $0x8FFFF;
	_ =	strace $0x90000046  }
0xbc: {  	s29 =	simm.s32 $0x9;
	_ =	strace $0x80000048  }
0xbd: {  	_ =	swait.ge [sflag:s29], $0x1  }
0xbe: {  	[sflag:s29] =	ssyncadd.s32 $0xFFFFFFFF  }
0xbf: {  	_ =	strace $0x90000048  }
0xc0: {  	_ =	sfence  }
0xc1: {  	s30 =	sld [smem:$0x0];
	_ =	sdelay $0x2  }
0xc2: {  	s31 =	sshll.u32 s1, $0xD;
	s1 =	sshrl.u32 s1, $0x2  }
0xc3: {  	s3 =	sand.u32 $0x4000, s31;
	s1 =	sadd.s32 s1, s30  }
0xc4: {  	s0 =	sor.u32 s3, s0;
	s1 =	sshll.u32 s1, $0x11  }
0xc5: {  	s0 =	sor.u32 s1, s0  }
0xc6: {  	s0 =	sadd.s32 $0x8F2B, s0  }
0xc7: {  	[sflag:s0] =	ssyncadd.remote.s32 $0x1  }
0xc8: {  	_ =	sfence.sel $0xFFFF  }
0xc9: {  	[dreg:$0x0] =	wrdreg $0xFFFFFFFF;
	(pc) =	sbr.abs _section_cstart, $3  }
0xca: {  	[dreg:$0x1] =	wrdreg $0xFFFFFFFF  }
0xcb: {  	_ =	task.clear_ibuf [dreg:s11], $0x2FFFF;
	_ =	strace $0x9FFFFFFF  }
0xcc: {  	(tm) =	ssettm $0x7FFFFFFF  }
0xcd: {  	_ =	shalt  }
tec
execute0_lowered:
.L_overlay_start_1:
0x0: {  	(tag) =	ssettag $0x1  }
0x1: {  	s0 =	rddreg [dreg:$0x0]  }
0x2: {  	s1 =	rddreg [dreg:$0x1]  }
0x3: {  	s11 =	rddreg [dreg:$0x2]  }
0x4: {  	s12 =	rddreg [dreg:$0x3]  }
0x5: {  	s13 =	rddreg [dreg:$0x4]  }
0x6: {  	s2 =	srdreg.scid;
	s8 =	stileid.u32;
	s16 =	simm.s32 $0x400  }
0x7: {  	s17 =	simm.s32 $0x8000;
	s19 =	simm.s32 $0x5;
	s20 =	simm.s32 $0x1  }
0x8: {  	s21 =	simm.s32 $0x18080;
	s23 =	simm.s32 $0x10000;
	s24 =	simm.s32 $0x2  }
0x9: {  	s28 =	simm.s32 $0x3;
	s5 =	sand.u32 $0x1, s2;
	s2 =	simm.s32 $0x0  }
0xa: {  	s4 =	sshll.u32 s8, $0xF;
	s26 =	sand.u32 $0xE, s8;
	s8 =	sshll.u32 s8, $0x3  }
0xb: {  	s3 =	sshll.u32 s5, $0x6;
	[smem:$0x7FF] =	sst s2;
	s6 =	ssub.s32 $0x2, s5  }
0xc: {  	s10 =	sshll.u32 s5, $0x2;
	s5 =	sadd.s32 s1, s26;
	s1 =	simm.s32 $0x4  }
0xd: {  	s7 =	sor.u32 s3, s4;
	_ =	strace $0x80000047;
	s25 =	sshrl.u32 s6, $0x1  }
0xe: {  	s29 =	sor.u32 s10, s8;
	s9 =	sor.u32 $0x10, s7;
	s14 =	ssub.s32 s6, s25  }
0xf: {  	s3 =	sadd.s32 s0, s7;
	s30 =	sor.u32 $0x20, s7;
	s18 =	sand.u32 $0xC, s29  }
0x10: {  	s15 =	sor.u32 $0x30, s7;
	s7 =	sadd.s32 s11, s7;
	s12 =	sadd.s32 s12, s29  }
.Ltmp0:
0x11: {  	s13 =	sadd.s32 s13, s29;
	s4 =	sadd.s32 s0, s9;
	(pc) =	sbr.rel .LBB2_1-.Ltmp0, $4  }
0x12: {  	v0 =	vlaneseq.u32;
	v1 =	vimm.f32 $-1.000000020e+30;
	s6 =	sadd.s32 s0, s30;
	s22 =	sor.u32 $0x1, s18;
	s8 =	sadd.s32 s0, s15  }
0x13: {  	vm0 =	vmmov $0xff;
	s9 =	sadd.s32 s11, s9;
	s31 =	sor.u32 $0x2, s18;
	s25 =	sor.u32 $0x3, s18;
	v2 =	vmov s18;
	v3 =	vmov s22  }
0x14: {  	s10 =	sadd.s32 s11, s30;
	s11 =	sadd.s32 s11, s15;
	s14 =	smax.u32 s14, $0x1;
	v4 =	vmov s31;
	v5 =	vmov s25;
	vm1 =	veq.s32 v2, v0  }
0x15: {  	s15 =	simm.s32 $0x80;
	s18 =	simm.s32 $0x0;
	s22 =	simm.s32 $0x18100;
	vm2 =	veq.s32 v3, v0;
	vm3 =	veq.s32 v4, v0;
	vm4 =	veq.s32 v5, v0  }
.LBB2_27:
0x16: {  	(xrf2) =	vadd.scan.msk.f32 $0xffff, v6;
	_ =	sdelay $0x9  }
0x17: {  	v6, _, _ =	vpop (xrf2)  }
0x18: {  	v6 =	vadd.f32 $0.0e+00, v6;
	_ =	sdelay $0x1  }
0x19: {  	v6 =	vbroadcast v6, $0xF;
	_ =	sdelay $0x1  }
0x1a: {  	v7 =	vcvt.s32.f32 v6;
	_ =	sdelay $0x1  }
0x1b: {  	v7 =	vmul.f32 $1.192092900e-07, v7;
	_ =	sdelay $0x1  }
0x1c: {  	v7 =	vadd.f32 $-1.269426960e+02, v7;
	_ =	sdelay $0x1  }
0x1d: {  	v7 =	vmul.f32 $6.931471820e-01, v7;
	_ =	sdelay $0x1  }
0x1e: {  	v8 =	vsub.f32 $0.0e+00, v7;
	_ =	sdelay $0x1  }
0x1f: {  	v8 =	vmul.f32 $1.442695020e+00, v8;
	_ =	sdelay $0x1  }
0x20: {  	(erf) = vpow2.f32 v8;
	_ =	sdelay $0x8  }
0x21: {  	v8 =	vpop (erf)  }
0x22: {  	v8 =	vmul.f32 v8, v6;
	_ =	sdelay $0x1  }
0x23: {  	v7 =	vadd.f32 v8, v7;
	_ =	sdelay $0x1  }
0x24: {  	v7 =	vadd.f32 $-1.000000000e+00, v7;
	_ =	sdelay $0x1  }
0x25: {  	v61 =	vsub.f32 $0.0e+00, v7;
	_ =	sdelay $0x1  }
0x26: {  	v8 =	vmul.f32 $1.442695020e+00, v61;
	_ =	sdelay $0x1  }
0x27: {  	(erf) = vpow2.f32 v8;
	_ =	sdelay $0x8  }
0x28: {  	v8 =	vpop (erf)  }
0x29: {  	v8 =	vmul.f32 v8, v6;
	_ =	sdelay $0x1  }
0x2a: {  	v7 =	vadd.f32 v8, v7;
	_ =	sdelay $0x1  }
0x2b: {  	v7 =	vadd.f32 $-1.000000000e+00, v7;
	_ =	sdelay $0x1  }
0x2c: {  	v62 =	vsub.f32 $0.0e+00, v7;
	_ =	sdelay $0x1  }
0x2d: {  	v8 =	vmul.f32 $1.442695020e+00, v62;
	_ =	sdelay $0x1  }
0x2e: {  	(erf) = vpow2.f32 v8;
	_ =	sdelay $0x3  }
0x2f: {  	v2 =	vnsel vm4, $0xFF7FC99E, v2  }
0x30: {  	(xrf0) =	vmax.scan.msk.f32 $0xffff, v2;
	_ =	sdelay $0x3  }
0x31: {  	v2 =	vpop (erf)  }
0x32: {  	v2 =	vmul.f32 v2, v6  }
0x33: {  	v63, _, _ =	vpop (xrf0)  }
0x34: {  	v6 =	vbroadcast v63, $0xF;
	v2 =	vadd.f32 v2, v7;
	_ =	sdelay $0x1  }
0x35: {  	v5 =	vadd.f32 v5, v6;
	v2 =	vadd.f32 $-1.000000000e+00, v2;
	_ =	sdelay $0x1  }
0x36: {  	v2 =	vsub.f32 v5, v2  }
0x37: {  	s0 =	simm.s32 $0x18098  }
0x38: {  	s31 =	simm.s32 $0x18118;
	[tilespmem:s0+$0x0] =	vst.msk $0xff, v2  }
0x39: {  	[tilespmem:s31+$0x0] =	vst.msk $0xff, v3  }
0x3a: {  	_ =	swait.ge [sflag:s28], $0x8000  }
0x3b: {  	[sflag:s28] =	ssyncset.done $0x0  }
0x3c: {  	[sflag:s28] =	ssyncadd.s32 $0xFFFF8000  }
0x3d: {  	[tilespmem:v4+s23+$0x0] =	vst.idx.msk $0xff, v1  }
0x3e: {  	[tilespmem:v3+s23+$0x0] =	vst.idx.msk $0xff, v2  }
0x3f: {  	[hbm4b:s11+s15] =	stream.strided.scatter [tilespmem:s23], [sflag:$0x3], $0x8000, s16, s15, $0x38;
	[tilespmem:$0x18180] =	vst v63  }
0x40: {  	_ = 	snop  }
0x41: {  	[hbm4b:s12+s2] =	stream.linear.scatter [tilespmem:s21], [sflag:$0x4], $0x20, $0x38;
	[tilespmem:$0x18180] =	vst v63  }
0x42: {  	_ = 	snop  }
0x43: {  	[hbm4b:s13+s2] =	stream.linear.scatter [tilespmem:s22], [sflag:$0x4], $0x20, $0x38;
	[tilespmem:$0x18180] =	vst v63  }
0x44: {  	_ =	swait.ge [sflag:s1], $0x20  }
0x45: {  	[sflag:s1] =	ssyncset.done $0x0  }
0x46: {  	s18 =	sadd.s32 $0x1, s18;
	[sflag:s1] =	ssyncadd.s32 $0xFFFFFFE0  }
0x47: {  	p0 =	sne.s32 s18, s14;
	_ =	swait.ge [sflag:s1], $0x20  }
.Ltmp1:
0x48: {  	[sflag:s1] =	ssyncset.done $0x0;
	(pc) =	sbr.rel @!p0 .LBB2_28-.Ltmp1, $4  }
0x49: {  	[sflag:s1] =	ssyncadd.s32 $0xFFFFFFE0  }
0x4a: {  	_ =	swait.ge [sflag:s28], $0x8000  }
0x4b: {  	[sflag:s28] =	ssyncset.done $0x0  }
0x4c: {  	[sflag:s28] =	ssyncadd.s32 $0xFFFF8000  }
.LBB2_1:
0x4d: {  	[tilespmem:s2], [sflag:$0x1] =	stream.strided.gather [hbm4b:s3+s15], $0x8000, s16, s15, $0x38;
	[tilespmem:$0x18180] =	vst v63  }
0x4e: {  	_ = 	snop  }
0x4f: {  	[tilespmem:s17], [sflag:$0x2] =	stream.strided.gather [hbm4b:s4+s15], $0x8000, s16, s15, $0x38;
	[tilespmem:$0x18180] =	vst v63  }
0x50: {  	s0 =	simm.s32 $0x18000  }
0x51: {  	[tilespmem:s0], [sflag:$0x5] =	stream.linear.gather [hbm4b:s5+s2], $0x10, $0x38;
	[tilespmem:$0x18180] =	vst v63  }
0x52: {  	_ =	swait.ge [sflag:s19], $0x10  }
0x53: {  	[sflag:s19] =	ssyncset.done $0x0  }
0x54: {  	[sflag:s19] =	ssyncadd.s32 $0xFFFFFFF0  }
0x55: {  	s26 =	simm.s32 $0x100;
	s25 =	simm.s32 $0x0;
	v2 =	vld [tilespmem:$0x18000]  }
.LBB2_2:
0x56: {  	p0 =	sne.s32 s26, $0x1FF00;
	[tilespmem:s25+$0x10030] =	vst v1;
	s29 =	smov.u32 s26;
	s26 =	sadd.s32 $0x100, s26  }
.Ltmp2:
0x57: {  	[tilespmem:s25+$0x10020] =	vst v1;
	(pc) =	sbr.rel @p0 .LBB2_2-.Ltmp2, $3  }
0x58: {  	[tilespmem:s25+$0x10000] =	vst v1  }
0x59: {  	[tilespmem:s25+$0x10010] =	vst v1;
	_ =	sdelay $0x1  }
0x5a: {  	s25 =	sshra.s32 s29, $0x2  }
0x5b: {  	[tilespmem:s25+$0x10030] =	vst v1  }
0x5c: {  	[tilespmem:s25+$0x10020] =	vst v1  }
0x5d: {  	[tilespmem:s25+$0x10000] =	vst v1  }
0x5e: {  	[tilespmem:s25+$0x10010] =	vst v1  }
0x5f: {  	_ =	swait.ge [sflag:s20], $0x8000  }
0x60: {  	[sflag:s20] =	ssyncset.done $0x0  }
0x61: {  	s31 =	simm.s32 $0x80;
	[sflag:s20] =	ssyncadd.s32 $0xFFFF8000  }
0x62: {  	v4 =	vld [tilespmem:s31+$0xFFFFFF80]  }
0x63: {  	v5 =	vld [tilespmem:s31+$0xFFFFFF90]  }
0x64: {  	v6 =	vld [tilespmem:s31+$0xFFFFFFA0]  }
0x65: {  	v7 =	vld [tilespmem:s31+$0xFFFFFFB0]  }
0x66: {  	v8 =	vld [tilespmem:s31+$0xFFFFFFC0]  }
0x67: {  	v9 =	vld [tilespmem:s31+$0xFFFFFFD0];
	v3 =	vmul.f32 $1.442695020e+00, v4  }
0x68: {  	v12 =	vld [tilespmem:s31+$0xFFFFFFF0];
	v11 =	vmul.f32 $1.442695020e+00, v5  }
0x69: {  	v10 =	vld [tilespmem:s31+$0xFFFFFFE0];
	v13 =	vmul.f32 $1.442695020e+00, v6;
	(erf) = vpow2.f32 v3  }
0x6a: {  	v14 =	vld [tilespmem:s31+$0x0];
	(erf) = vpow2.f32 v11  }
0x6b: {  	v3 =	vmul.f32 $1.442695020e+00, v7;
	(erf) = vpow2.f32 v13;
	v13 =	vld [tilespmem:s31+$0x20]  }
0x6c: {  	v15 =	vmul.f32 $1.442695020e+00, v8;
	v16 =	vmul.f32 $1.442695020e+00, v9;
	v11 =	vld [tilespmem:s31+$0x10]  }
0x6d: {  	v17 =	vld [tilespmem:s31+$0x30];
	v18 =	vmul.f32 $1.442695020e+00, v12;
	(erf) = vpow2.f32 v3  }
0x6e: {  	v20 =	vld [tilespmem:s31+$0x60];
	v3 =	vmul.f32 $1.442695020e+00, v10;
	(erf) = vpow2.f32 v15  }
0x6f: {  	v19 =	vmul.f32 $1.442695020e+00, v14;
	v15 =	vld [tilespmem:s31+$0x40];
	(erf) = vpow2.f32 v16  }
0x70: {  	v4 =	vmax.f32 v4, v5;
	v16 =	vld [tilespmem:s31+$0x50];
	(erf) = vpow2.f32 v3;
	v22 =	vmul.f32 $1.442695020e+00, v13  }
0x71: {  	v5 =	vmax.f32 v6, v7;
	v21 =	vmul.f32 $1.442695020e+00, v11;
	(erf) = vpow2.f32 v18;
	v18 =	vld [tilespmem:s31+$0x70]  }
0x72: {  	v6 =	vmax.f32 v8, v9;
	v7 =	vmax.f32 v10, v12;
	(erf) = vpow2.f32 v19  }
0x73: {  	v4 =	vmax.f32 v4, v5;
	v6 =	vmax.f32 v6, v7;
	(erf) = vpow2.f32 v21  }
0x74: {  	s25 =	simm.s32 $0x180;
	v8 =	vmax.f32 v14, v11;
	v10 =	vmax.f32 v13, v17;
	(erf) = vpow2.f32 v22;
	v22 =	vpop (erf)  }
0x75: {  	v5 =	vld [tilespmem:s25+$0xFFFFFF80];
	v4 =	vmax.f32 v4, v6;
	v19 =	vmul.f32 $1.442695020e+00, v17;
	v7 =	vmax.f32 v8, v10;
	v9 =	vpop (erf)  }
0x76: {  	v21 =	vmul.f32 $1.442695020e+00, v15;
	v11 =	vmax.f32 v15, v16;
	v12 =	vmax.f32 v20, v18;
	v13 =	vpop (erf)  }
0x77: {  	v6 =	vld [tilespmem:s25+$0xFFFFFF90];
	v15 =	vmul.f32 $1.442695020e+00, v20;
	v10 =	vmax.f32 v11, v12;
	v11 =	vmul.f32 $1.442695020e+00, v16;
	v8 =	vpop (erf)  }
0x78: {  	v17 =	vmul.f32 $1.442695020e+00, v18;
	(erf) = vpow2.f32 v19;
	v10 =	vmax.f32 v7, v10;
	v7 =	vld [tilespmem:s25+$0xFFFFFFA0];
	v14 =	vpop (erf)  }
0x79: {  	v9 =	vadd.f32 v9, v22;
	(erf) = vpow2.f32 v21;
	v18 =	vmax.f32 v4, v10;
	v10 =	vld [tilespmem:s25+$0xFFFFFFB0];
	v16 =	vpop (erf)  }
0x7a: {  	v12 =	vld [tilespmem:s25+$0xFFFFFFC0];
	v19 =	vmul.f32 $1.442695020e+00, v5;
	v8 =	vadd.f32 v8, v13;
	(erf) = vpow2.f32 v11;
	(xrf0) =	vmax.scan.msk.f32 $0xffff, v18;
	v4 =	vpop (erf)  }
0x7b: {  	v13 =	vld [tilespmem:s25+$0xFFFFFFD0];
	(erf) = vpow2.f32 v15;
	v16 =	vadd.f32 v16, v14;
	v11 =	vpop (erf)  }
0x7c: {  	(erf) = vpow2.f32 v17;
	v8 =	vadd.f32 v8, v9;
	v4 =	vadd.f32 v11, v4  }
0x7d: {  	v14 =	vld [tilespmem:s25+$0xFFFFFFE0];
	v11 =	vmul.f32 $1.442695020e+00, v6;
	v17 =	vpop (erf);
	v9 =	vmul.f32 $1.442695020e+00, v7  }
0x7e: {  	v22 =	vld [tilespmem:s25+$0x20];
	(erf) = vpow2.f32 v19;
	v19 =	vpop (erf);
	v20 =	vmul.f32 $1.442695020e+00, v10;
	v4 =	vadd.f32 v4, v16  }
0x7f: {  	v15 =	vld [tilespmem:s25+$0xFFFFFFF0];
	(erf) = vpow2.f32 v11;
	v25 =	vadd.f32 v19, v17;
	v19 =	vmul.f32 $1.442695020e+00, v12  }
0x80: {  	v16 =	vld [tilespmem:s25+$0x0];
	(erf) = vpow2.f32 v9;
	v9 =	vmul.f32 $1.442695020e+00, v13;
	v4 =	vadd.f32 v4, v8;
	v8, _, _ =	vpop (xrf0)  }
0x81: {  	v17 =	vld [tilespmem:s25+$0x10];
	(v2sf) =	vpush v8, $0xF  }
0x82: {  	v24 =	vmul.f32 $1.442695020e+00, v14;
	v11 =	vpop (erf);
	(erf) = vpow2.f32 v20  }
0x83: {  	v23 =	vimm.f32 $-3.399999950e+38;
	v27 =	vmul.f32 $1.442695020e+00, v22;
	v20 =	vld [tilespmem:s25+$0x30];
	(erf) = vpow2.f32 v19;
	v19 =	vpop (erf)  }
0x84: {  	v21 =	vld [tilespmem:s25+$0x40];
	v8 =	vmax.f32 v23, v18;
	v23 =	vmul.f32 $1.442695020e+00, v15;
	(erf) = vpow2.f32 v9;
	v9 =	vpop (erf)  }
0x85: {  	v18 =	vld [tilespmem:s25+$0x50];
	v28 =	vadd.f32 v19, v11;
	v29 =	vmul.f32 $1.442695020e+00, v16;
	(erf) = vpow2.f32 v24;
	v11 =	vpop (erf)  }
0x86: {  	v3 =	vimm.f32 $0.0e+00;
	v19 =	vld [tilespmem:s25+$0x60];
	v26 =	vmul.f32 $1.442695020e+00, v17;
	(erf) = vpow2.f32 v23;
	v24 =	vpop (erf)  }
0x87: {  	s26 =	simm.s32 $0x0;
	s29 =	simm.s32 $0x4;
	s30 =	simm.s32 $0x8;
	v23 =	vld [tilespmem:s25+$0x70];
	v11 =	vadd.f32 v11, v9;
	(erf) = vpow2.f32 v29;
	v9 =	vadd.f32 v28, v25;
	v25 =	vpop (erf)  }
.LBB2_4:
0x88: {  	p0 =	sne.s32 s30, $0x1FC;
	v28 =	vmul.f32 $1.442695020e+00, v20;
	v29 =	vpop (erf);
	(erf) = vpow2.f32 v26;
	v24 =	vadd.f32 v25, v24  }
0x89: {  	v25 =	vmul.f32 $1.442695020e+00, v21;
	v26 =	vpop (erf);
	(erf) = vpow2.f32 v27  }
0x8a: {  	v5 =	vmax.f32 v5, v6;
	v6 =	vmax.f32 v7, v10;
	v7 =	vmax.f32 v12, v13;
	v10 =	vpop (erf)  }
0x8b: {  	v12 =	vmax.f32 v14, v15;
	v13 =	vmax.f32 v16, v17;
	v22 =	vmax.f32 v22, v20;
	v15 =	vpop (erf)  }
0x8c: {  	v6 =	vmax.f32 v5, v6;
	v16 =	vmax.f32 v21, v18;
	v17 =	vmax.f32 v19, v23;
	v20 =	vpop (erf)  }
0x8d: {  	s25 =	sadd.s32 $0x100, s25;
	v7 =	vmax.f32 v7, v12;
	v22 =	vmax.f32 v13, v22;
	v17 =	vmax.f32 v16, v17;
	v14 =	vpop (erf)  }
0x8e: {  	v7 =	vmax.f32 v6, v7;
	v16 =	vmul.f32 $1.442695020e+00, v18;
	v5 =	vld [tilespmem:s25+$0xFFFFFF80];
	v21 =	vmax.f32 v22, v17;
	v13 =	vpop (erf)  }
0x8f: {  	v18 =	vmul.f32 $1.442695020e+00, v23;
	v17 =	vmul.f32 $1.442695020e+00, v19;
	v6 =	vld [tilespmem:s25+$0xFFFFFF90];
	v19 =	vmax.f32 v7, v21;
	v12 =	vpop (erf)  }
0x90: {  	s31 =	sshra.s32 s26, $0x2;
	s26 =	smov.u32 s29;
	v15 =	vadd.f32 v15, v10;
	v21 =	vadd.f32 v26, v29;
	v7 =	vld [tilespmem:s25+$0xFFFFFFA0];
	v22 =	vpop (erf);
	(erf) = vpow2.f32 v28;
	(xrf0) =	vmax.scan.msk.f32 $0xffff, v19;
	s0 =	spop (v2sf)  }
0x91: {  	s29 =	smov.u32 s30;
	v14 =	vadd.f32 v14, v20;
	v20 =	vadd.f32 v12, v13;
	v10 =	vld [tilespmem:s25+$0xFFFFFFB0];
	v13 =	vpop (erf);
	(erf) = vpow2.f32 v25;
	[smem:s31] =	sst s0  }
0x92: {  	v21 =	vadd.f32 v15, v21;
	v12 =	vld [tilespmem:s25+$0xFFFFFFC0];
	v25 =	vadd.f32 v13, v22;
	v23 =	vpop (erf);
	(erf) = vpow2.f32 v16  }
0x93: {  	v20 =	vadd.f32 v20, v14;
	v13 =	vld [tilespmem:s25+$0xFFFFFFD0];
	v16 =	vmul.f32 $1.442695020e+00, v5;
	(erf) = vpow2.f32 v17  }
0x94: {  	v11 =	vadd.f32 v24, v11;
	v14 =	vld [tilespmem:s25+$0xFFFFFFE0];
	v17 =	vmul.f32 $1.442695020e+00, v6;
	(erf) = vpow2.f32 v18  }
0x95: {  	v20 =	vadd.f32 v20, v21;
	v15 =	vld [tilespmem:s25+$0xFFFFFFF0];
	v18 =	vmul.f32 $1.442695020e+00, v7;
	(erf) = vpow2.f32 v16  }
0x96: {  	v9 =	vadd.f32 v11, v9;
	v16 =	vld [tilespmem:s25+$0x0];
	v21 =	vmul.f32 $1.442695020e+00, v10;
	(erf) = vpow2.f32 v17;
	v22, _, _ =	vpop (xrf0)  }
0x97: {  	v17 =	vld [tilespmem:s25+$0x10];
	v26 =	vmul.f32 $1.442695020e+00, v12;
	(erf) = vpow2.f32 v18;
	(v2sf) =	vpush v22, $0xF  }
0x98: {  	v9 =	vadd.f32 v9, v4;
	v4 =	vmovc v20;
	v22 =	vld [tilespmem:s25+$0x20];
	v18 =	vmul.f32 $1.442695020e+00, v13;
	(erf) = vpow2.f32 v21  }
.Ltmp3:
0x99: {  	v8 =	vmax.f32 v8, v19;
	v20 =	vld [tilespmem:s25+$0x30];
	v30 =	vmul.f32 $1.442695020e+00, v14;
	(erf) = vpow2.f32 v26;
	v11 =	vpop (erf);
	(pc) =	sbr.rel @p0 .LBB2_4-.Ltmp3, $4  }
0x9a: {  	v21 =	vld [tilespmem:s25+$0x40];
	v27 =	vmul.f32 $1.442695020e+00, v15;
	(erf) = vpow2.f32 v18;
	v28 =	vadd.f32 v11, v23;
	v11 =	vpop (erf)  }
0x9b: {  	v3 =	vadd.f32 v9, v3;
	v18 =	vld [tilespmem:s25+$0x50];
	v29 =	vmul.f32 $1.442695020e+00, v16;
	(erf) = vpow2.f32 v30;
	v23 =	vpop (erf)  }
0x9c: {  	v19 =	vld [tilespmem:s25+$0x60];
	v26 =	vmul.f32 $1.442695020e+00, v17;
	(erf) = vpow2.f32 v27;
	v11 =	vadd.f32 v23, v11;
	v24 =	vpop (erf)  }
0x9d: {  	s30 =	sadd.s32 $0x4, s30;
	v9 =	vadd.f32 v28, v25;
	v23 =	vld [tilespmem:s25+$0x70];
	v27 =	vmul.f32 $1.442695020e+00, v22;
	(erf) = vpow2.f32 v29;
	v25 =	vpop (erf)  }
0x9e: {  	_ =	sdelay $0x1  }
0x9f: {  	v5 =	vmax.f32 v5, v6;
	v6 =	vmax.f32 v7, v10;
	v7 =	vmax.f32 v12, v13  }
0xa0: {  	v36 =	vmax.f32 v14, v15;
	v37 =	vmax.f32 v16, v17;
	v38 =	vmax.f32 v22, v20  }
0xa1: {  	v5 =	vmax.f32 v5, v6;
	v39 =	vmax.f32 v21, v18;
	v40 =	vmax.f32 v19, v23  }
0xa2: {  	v6 =	vmax.f32 v7, v36;
	v7 =	vmax.f32 v37, v38;
	v41 =	vmax.f32 v39, v40  }
0xa3: {  	v5 =	vmax.f32 v5, v6;
	v6 =	vmax.f32 v7, v41  }
0xa4: {  	v5 =	vmax.f32 v5, v6  }
0xa5: {  	v6 =	vmax.f32 v8, v5  }
0xa6: {  	(xrf1) =	vsort.dscd.msk.f32 $0xffff, v6, v0;
	_ =	sdelay $0xa  }
0xa7: {  	(xrf0) =	vmax.scan.msk.f32 $0xffff, v5;
	_ =	sdelay $0x1  }
0xa8: {  	v5 =	vpop (erf)  }
0xa9: {  	v7, _, _ =	vpop (xrf1)  }
0xaa: {  	v6 =	vpop (erf);
	v7 =	vnsel vm0, $0x7F7FC99E, v7  }
0xab: {  	v42 =	vmul.f32 $1.442695020e+00, v20;
	(erf) = vpow2.f32 v26;
	v43 =	vpop (erf)  }
0xac: {  	v44 =	vmul.f32 $1.442695020e+00, v21;
	(erf) = vpow2.f32 v27;
	v45, _, _ =	vpop (xrf0);
	(xrf0) =	vmin.scan.msk.f32 $0xffff, v7  }
0xad: {  	v46 =	vmul.f32 $1.442695020e+00, v18;
	v7 =	vpop (erf);
	(erf) = vpow2.f32 v42  }
0xae: {  	v48 =	vmul.f32 $1.442695020e+00, v19;
	v47 =	vpop (erf);
	(erf) = vpow2.f32 v44  }
0xaf: {  	v50 =	vmul.f32 $1.442695020e+00, v23;
	v49 =	vpop (erf);
	(erf) = vpow2.f32 v46  }
0xb0: {  	v51 =	vpop (erf);
	(erf) = vpow2.f32 v48  }
0xb1: {  	v52 =	vpop (erf);
	(erf) = vpow2.f32 v50  }
0xb2: {  	v53, _, _ =	vpop (xrf0)  }
0xb3: {  	(v2sf) =	vpush v45, $0xF;
	v54 =	vpop (erf)  }
0xb4: {  	(v2sf) =	vpush v53, $0xF;
	v55 =	vpop (erf)  }
0xb5: {  	v5 =	vadd.f32 v6, v5;
	v6 =	vadd.f32 v7, v43;
	v56 =	vpop (erf)  }
0xb6: {  	v57 =	vadd.f32 v25, v24;
	v58 =	vpop (erf)  }
0xb7: {  	v7 =	vpop (erf)  }
0xb8: {  	v11 =	vadd.f32 v57, v11;
	v8 =	vadd.f32 v49, v47;
	v60 =	vpop (erf)  }
0xb9: {  	v5 =	vadd.f32 v6, v5;
	v59 =	vadd.f32 v52, v51;
	v6 =	vpop (erf)  }
0xba: {  	v13 =	vadd.f32 v55, v54;
	v61 =	vadd.f32 v58, v56;
	v62 =	vpop (erf)  }
0xbb: {  	v7 =	vadd.f32 v60, v7;
	v6 =	vadd.f32 v62, v6  }
0xbc: {  	v9 =	vadd.f32 v11, v9;
	v8 =	vadd.f32 v59, v8  }
0xbd: {  	v63 =	vadd.f32 v61, v13;
	v6 =	vadd.f32 v6, v7  }
0xbe: {  	v4 =	vadd.f32 v9, v4  }
.Ltmp4:
0xbf: {  	v5 =	vadd.f32 v8, v5;
	v6 =	vadd.f32 v6, v63;
	(pc) =	sbr.rel .LBB2_6-.Ltmp4, $4  }
0xc0: {  	s25 =	sshra.s32 s26, $0x2  }
0xc1: {  	s31 =	sshra.s32 s29, $0x2;
	s29 =	simm.s32 $0x0;
	s0 =	spop (v2sf);
	v3 =	vadd.f32 v4, v3;
	v4 =	vadd.f32 v6, v5  }
0xc2: {  	s30 =	simm.s32 $0x80;
	[smem:s25] =	sst s0;
	s26 =	spop (v2sf)  }
0xc3: {  	[smem:s31] =	sst s26;
	s26 =	simm.s32 $0xF0;
	s25 =	spop (v2sf);
	v5 =	vadd.f32 v4, v3;
	v3 =	vimm.f32 $-3.399999950e+38;
	v4 =	vimm.s32 $0x0  }
.LBB2_8:
0xc4: {  	s26 =	sadd.s32 $0x100, s26  }
0xc5: {  	p0 =	sne.s32 s26, $0x80F0  }
.Ltmp5:
0xc6: {  	_ = 	snop;
	(pc) =	sbr.rel @!p0 .LBB2_9-.Ltmp5, $2  }
0xc7: {  	_ =	sdelay $0x2  }
0xc8: {  	s29 =	sadd.s32 $0x1, s29;
	s30 =	sadd.s32 $0x100, s30  }
.LBB2_6:
0xc9: {  	s0 =	sld [smem:s29+$0x0];
	_ =	sdelay $0x2  }
0xca: {  	p0 =	sge.f32 s0, s25  }
.Ltmp6:
0xcb: {  	_ = 	snop;
	(pc) =	sbr.rel @!p0 .LBB2_8-.Ltmp6, $1  }
0xcc: {  	_ =	sdelay $0x3  }
0xcd: {  	v6 =	vld [tilespmem:s30+$0xFFFFFF80]  }
0xce: {  	v7 =	vld [tilespmem:s30+$0xFFFFFF90]  }
0xcf: {  	v8 =	vld [tilespmem:s30+$0xFFFFFFA0]  }
0xd0: {  	s0 =	sadd.s32 $0xFFFFFF10, s26;
	v9 =	vld [tilespmem:s30+$0xFFFFFFB0]  }
0xd1: {  	s31 =	sadd.s32 $0xFFFFFF20, s26;
	v11 =	vld [tilespmem:s30+$0xFFFFFFC0];
	v10 =	vor.u32 s0, v0  }
0xd2: {  	v35 =	vld [tilespmem:s30+$0xFFFFFFD0];
	(xrf1) =	vsort.dscd.msk.f32 $0xffff, v6, v10;
	v6 =	vor.u32 s31, v0;
	s31 =	sadd.s32 $0xFFFFFF30, s26  }
0xd3: {  	(xrf1) =	vsort.dscd.msk.f32 $0xffff, v7, v6;
	v6 =	vor.u32 s31, v0;
	s31 =	sadd.s32 $0xFFFFFF40, s26;
	v7 =	vld [tilespmem:s30+$0xFFFFFFE0]  }
0xd4: {  	v36 =	vld [tilespmem:s30+$0xFFFFFFF0];
	(xrf1) =	vsort.dscd.msk.f32 $0xffff, v8, v6;
	v6 =	vor.u32 s31, v0;
	s31 =	sadd.s32 $0xFFFFFF50, s26  }
0xd5: {  	v37 =	vld [tilespmem:s30+$0x0];
	(xrf1) =	vsort.dscd.msk.f32 $0xffff, v9, v6;
	v6 =	vor.u32 s31, v0;
	s31 =	sadd.s32 $0xFFFFFF60, s26  }
0xd6: {  	v38 =	vld [tilespmem:s30+$0x10];
	(xrf1) =	vsort.dscd.msk.f32 $0xffff, v11, v6;
	v6 =	vor.u32 s31, v0;
	s31 =	sadd.s32 $0xFFFFFF70, s26  }
0xd7: {  	v39 =	vld [tilespmem:s30+$0x20];
	(xrf1) =	vsort.dscd.msk.f32 $0xffff, v35, v6;
	v6 =	vor.u32 s31, v0;
	s31 =	sadd.s32 $0xFFFFFF80, s26  }
0xd8: {  	(xrf1) =	vsort.dscd.msk.f32 $0xffff, v7, v6;
	v6 =	vor.u32 s31, v0;
	s31 =	sadd.s32 $0xFFFFFF90, s26;
	v7 =	vld [tilespmem:s30+$0x30]  }
0xd9: {  	v40 =	vld [tilespmem:s30+$0x40];
	(xrf1) =	vsort.dscd.msk.f32 $0xffff, v36, v6;
	v6 =	vor.u32 s31, v0;
	s31 =	sadd.s32 $0xFFFFFFA0, s26  }
0xda: {  	v41 =	vld [tilespmem:s30+$0x50];
	(xrf1) =	vsort.dscd.msk.f32 $0xffff, v37, v6;
	v6 =	vor.u32 s31, v0;
	s31 =	sadd.s32 $0xFFFFFFB0, s26  }
0xdb: {  	v42 =	vld [tilespmem:s30+$0x60];
	(xrf1) =	vsort.dscd.msk.f32 $0xffff, v38, v6;
	v6 =	vor.u32 s31, v0;
	s31 =	sadd.s32 $0xFFFFFFC0, s26  }
0xdc: {  	v43 =	vld [tilespmem:s30+$0x70];
	(xrf1) =	vsort.dscd.msk.f32 $0xffff, v39, v6;
	v6 =	vor.u32 s31, v0;
	s31 =	sadd.s32 $0xFFFFFFD0, s26  }
0xdd: {  	(xrf1) =	vsort.dscd.msk.f32 $0xffff, v7, v6;
	v6 =	vor.u32 s31, v0;
	s31 =	sadd.s32 $0xFFFFFFE0, s26  }
0xde: {  	v7 =	vmul.u32 $0xFFFFFFFF, v0;
	(xrf1) =	vsort.dscd.msk.f32 $0xffff, v40, v6;
	v6 =	vor.u32 s31, v0;
	s31 =	sadd.s32 $0xFFFFFFF0, s26  }
0xdf: {  	(xrf1) =	vsort.dscd.msk.f32 $0xffff, v41, v6;
	v6 =	vor.u32 s31, v0  }
0xe0: {  	v44, v45, _ =	vpop (xrf1);
	(xrf1) =	vsort.dscd.msk.f32 $0xffff, v42, v6;
	v6 =	vor.u32 s26, v0  }
0xe1: {  	v46, v12, _ =	vpop (xrf1);
	(xrf1) =	vsort.dscd.msk.f32 $0xffff, v43, v6  }
0xe2: {  	v6 =	vadd.s32 $0xF, v7;
	v7, v47, _ =	vpop (xrf1)  }
0xe3: {  	v11 =	vperm.xlane v46, v6;
	v13, v14, _ =	vpop (xrf1)  }
0xe4: {  	v12 =	vperm.xlane v12, v6;
	v15, v16, _ =	vpop (xrf1);
	v13 =	vperm.xlane v13, v6  }
0xe5: {  	vm5 =	vge.f32 v44, v11;
	v48 =	vperm.xlane v14, v6;
	v17, v18, _ =	vpop (xrf1)  }
0xe6: {  	v8 =	vsel vm5, v44, v11;
	v9 =	vsel vm5, v45, v12;
	v49, v19, _ =	vpop (xrf1);
	vm5 =	vge.f32 v7, v13  }
0xe7: {  	v50 =	vperm.xlane v17, v6;
	(xrf1) =	vsort.dscd.msk.f32 $0xffff, v8, v9;
	v55 =	vperm.xlane v18, v6;
	v51, v20, _ =	vpop (xrf1)  }
0xe8: {  	v7 =	vsel vm5, v7, v13;
	v52 =	vsel vm5, v47, v48;
	v53, v54, _ =	vpop (xrf1);
	v56 =	vperm.xlane v51, v6  }
0xe9: {  	vm5 =	vge.f32 v15, v50;
	(xrf1) =	vsort.dscd.msk.f32 $0xffff, v7, v52;
	v59 =	vperm.xlane v20, v6;
	v58, v57, _ =	vpop (xrf1)  }
0xea: {  	v7 =	vsel vm5, v15, v50;
	v11 =	vsel vm5, v16, v55;
	v12, v15, _ =	vpop (xrf1);
	vm5 =	vge.f32 v49, v56  }
0xeb: {  	v60 =	vperm.xlane v58, v6;
	(xrf1) =	vsort.dscd.msk.f32 $0xffff, v7, v11;
	v25 =	vperm.xlane v57, v6;
	v62, v61, _ =	vpop (xrf1)  }
0xec: {  	v7 =	vsel vm5, v49, v56;
	v8 =	vsel vm5, v19, v59;
	v63, v24, _ =	vpop (xrf1);
	v17 =	vperm.xlane v62, v6  }
0xed: {  	vm5 =	vge.f32 v53, v60;
	(xrf1) =	vsort.dscd.msk.f32 $0xffff, v7, v8;
	v30 =	vperm.xlane v61, v6;
	v27, v26, _ =	vpop (xrf1)  }
0xee: {  	v7 =	vsel vm5, v53, v60;
	v10 =	vsel vm5, v54, v25;
	v28, v29, _ =	vpop (xrf1);
	vm5 =	vge.f32 v12, v17  }
0xef: {  	(xrf1) =	vsort.dscd.msk.f32 $0xffff, v7, v10;
	v33 =	vperm.xlane v27, v6;
	v35 =	vperm.xlane v26, v6;
	v31, v32, _ =	vpop (xrf1)  }
0xf0: {  	v7 =	vsel vm5, v12, v17;
	v34 =	vsel vm5, v15, v30;
	v36 =	vperm.xlane v31, v6  }
0xf1: {  	(xrf1) =	vsort.dscd.msk.f32 $0xffff, v7, v34;
	vm5 =	vge.f32 v63, v33;
	v7 =	vperm.xlane v32, v6  }
0xf2: {  	v10 =	vsel vm5, v63, v33;
	v37 =	vsel vm5, v24, v35;
	vm5 =	vge.f32 v28, v36  }
0xf3: {  	(xrf1) =	vsort.dscd.msk.f32 $0xffff, v10, v37;
	v8 =	vsel vm5, v28, v36;
	v7 =	vsel vm5, v29, v7  }
0xf4: {  	(xrf1) =	vsort.dscd.msk.f32 $0xffff, v8, v7;
	_ =	sdelay $0x6  }
0xf5: {  	v7, v8, _ =	vpop (xrf1)  }
0xf6: {  	v39, v38, _ =	vpop (xrf1)  }
0xf7: {  	v41, v40, _ =	vpop (xrf1)  }
0xf8: {  	v9 =	vperm.xlane v39, v6;
	v13, v14, _ =	vpop (xrf1)  }
0xf9: {  	v10 =	vperm.xlane v38, v6;
	v13 =	vperm.xlane v13, v6;
	v42, v16, _ =	vpop (xrf1)  }
0xfa: {  	vm5 =	vge.f32 v7, v9;
	v47 =	vperm.xlane v14, v6;
	v43, v44, _ =	vpop (xrf1)  }
0xfb: {  	v7 =	vsel vm5, v7, v9;
	v8 =	vsel vm5, v8, v10;
	vm5 =	vge.f32 v41, v13;
	v46, v45, _ =	vpop (xrf1)  }
0xfc: {  	(xrf1) =	vsort.dscd.msk.f32 $0xffff, v7, v8;
	v7 =	vsel vm5, v41, v13;
	v50 =	vperm.xlane v43, v6;
	v49, v48, _ =	vpop (xrf1)  }
0xfd: {  	v10 =	vsel vm5, v40, v47;
	v51 =	vperm.xlane v44, v6;
	v52 =	vperm.xlane v49, v6  }
0xfe: {  	(xrf1) =	vsort.dscd.msk.f32 $0xffff, v7, v10;
	vm5 =	vge.f32 v42, v50;
	v7 =	vperm.xlane v48, v6  }
0xff: {  	v8 =	vsel vm5, v42, v50;
	v53 =	vsel vm5, v16, v51;
	vm5 =	vge.f32 v46, v52  }
0x100: {  	(xrf1) =	vsort.dscd.msk.f32 $0xffff, v8, v53;
	v54 =	vsel vm5, v46, v52;
	v7 =	vsel vm5, v45, v7  }
0x101: {  	(xrf1) =	vsort.dscd.msk.f32 $0xffff, v54, v7;
	_ =	sdelay $0xa  }
0x102: {  	v7, v8, _ =	vpop (xrf1)  }
0x103: {  	v56, v55, _ =	vpop (xrf1)  }
0x104: {  	v57, v58, _ =	vpop (xrf1)  }
0x105: {  	v9 =	vperm.xlane v56, v6;
	v59, v60, _ =	vpop (xrf1)  }
0x106: {  	v10 =	vperm.xlane v55, v6;
	v13 =	vperm.xlane v59, v6  }
0x107: {  	vm5 =	vge.f32 v7, v9;
	v14 =	vperm.xlane v60, v6  }
0x108: {  	v7 =	vsel vm5, v7, v9;
	v8 =	vsel vm5, v8, v10;
	vm5 =	vge.f32 v57, v13  }
0x109: {  	(xrf1) =	vsort.dscd.msk.f32 $0xffff, v7, v8;
	v7 =	vsel vm5, v57, v13;
	v61 =	vsel vm5, v58, v14  }
0x10a: {  	(xrf1) =	vsort.dscd.msk.f32 $0xffff, v7, v61;
	_ =	sdelay $0xc  }
0x10b: {  	v7, v8, _ =	vpop (xrf1)  }
0x10c: {  	v62, v63, _ =	vpop (xrf1)  }
0x10d: {  	v9 =	vperm.xlane v62, v6  }
0x10e: {  	v10 =	vperm.xlane v63, v6  }
0x10f: {  	vm5 =	vge.f32 v7, v9  }
0x110: {  	v7 =	vsel vm5, v7, v9;
	v8 =	vsel vm5, v8, v10  }
0x111: {  	(xrf1) =	vsort.dscd.msk.f32 $0xffff, v7, v8;
	_ =	sdelay $0xd  }
0x112: {  	v7, v8, _ =	vpop (xrf1)  }
0x113: {  	v7 =	vperm.xlane v7, v6  }
0x114: {  	v6 =	vperm.xlane v8, v6  }
0x115: {  	vm5 =	vge.f32 v3, v7  }
0x116: {  	v3 =	vsel vm5, v3, v7;
	v4 =	vsel vm5, v4, v6  }
0x117: {  	(xrf1) =	vsort.dscd.msk.f32 $0xffff, v3, v4;
	_ =	sdelay $0xd  }
0x118: {  	v3, v4, _ =	vpop (xrf1)  }
0x119: {  	v6 =	vnsel vm0, $0x7F7FC99E, v3  }
0x11a: {  	(xrf0) =	vmin.scan.msk.f32 $0xffff, v6;
	_ =	sdelay $0x5  }
0x11b: {  	v6, _, _ =	vpop (xrf0)  }
0x11c: {  	(v2sf) =	vpush v6, $0xF;
	_ =	sdelay $0xb  }
.Ltmp7:
0x11d: {  	_ = 	snop;
	(pc) =	sbr.rel .LBB2_8-.Ltmp7, $3  }
0x11e: {  	_ =	sdelay $0x1  }
0x11f: {  	s31 =	spop (v2sf)  }
0x120: {  	s25 =	smax.f32 s25, s31  }
.LBB2_9:
0x121: {  	(xrf2) =	vadd.scan.msk.f32 $0xffff, v5;
	_ =	sdelay $0x9  }
0x122: {  	v5, _, _ =	vpop (xrf2)  }
0x123: {  	v5 =	vadd.f32 $0.0e+00, v5;
	_ =	sdelay $0x1  }
0x124: {  	v5 =	vbroadcast v5, $0xF;
	_ =	sdelay $0x1  }
0x125: {  	v6 =	vcvt.s32.f32 v5;
	_ =	sdelay $0x1  }
0x126: {  	v6 =	vmul.f32 $1.192092900e-07, v6;
	_ =	sdelay $0x1  }
0x127: {  	v6 =	vadd.f32 $-1.269426960e+02, v6;
	_ =	sdelay $0x1  }
0x128: {  	v6 =	vmul.f32 $6.931471820e-01, v6;
	_ =	sdelay $0x1  }
0x129: {  	v7 =	vsub.f32 $0.0e+00, v6;
	_ =	sdelay $0x1  }
0x12a: {  	v7 =	vmul.f32 $1.442695020e+00, v7;
	_ =	sdelay $0x1  }
0x12b: {  	(erf) = vpow2.f32 v7;
	_ =	sdelay $0x8  }
0x12c: {  	v7 =	vpop (erf)  }
0x12d: {  	v7 =	vmul.f32 v7, v5;
	_ =	sdelay $0x1  }
0x12e: {  	v6 =	vadd.f32 v7, v6;
	_ =	sdelay $0x1  }
0x12f: {  	v6 =	vadd.f32 $-1.000000000e+00, v6;
	_ =	sdelay $0x1  }
0x130: {  	v7 =	vsub.f32 $0.0e+00, v6;
	_ =	sdelay $0x1  }
0x131: {  	v7 =	vmul.f32 $1.442695020e+00, v7;
	_ =	sdelay $0x1  }
0x132: {  	(erf) = vpow2.f32 v7;
	_ =	sdelay $0x8  }
0x133: {  	v7 =	vpop (erf)  }
0x134: {  	v7 =	vmul.f32 v7, v5;
	_ =	sdelay $0x1  }
0x135: {  	v6 =	vadd.f32 v7, v6;
	_ =	sdelay $0x1  }
0x136: {  	v6 =	vadd.f32 $-1.000000000e+00, v6;
	_ =	sdelay $0x1  }
0x137: {  	v7 =	vsub.f32 $0.0e+00, v6;
	_ =	sdelay $0x1  }
0x138: {  	v7 =	vmul.f32 $1.442695020e+00, v7;
	_ =	sdelay $0x1  }
0x139: {  	(erf) = vpow2.f32 v7;
	_ =	sdelay $0x3  }
0x13a: {  	v7 =	vnsel vm1, $0xFF7FC99E, v2  }
0x13b: {  	(xrf0) =	vmax.scan.msk.f32 $0xffff, v7;
	_ =	sdelay $0x3  }
0x13c: {  	v7 =	vpop (erf)  }
0x13d: {  	v5 =	vmul.f32 v7, v5  }
0x13e: {  	v7, _, _ =	vpop (xrf0)  }
0x13f: {  	v5 =	vadd.f32 v5, v6;
	v6 =	vbroadcast v7, $0xF;
	_ =	sdelay $0x1  }
0x140: {  	v5 =	vadd.f32 $-1.000000000e+00, v5;
	v3 =	vadd.f32 v3, v6;
	_ =	sdelay $0x1  }
0x141: {  	s25 =	simm.s32 $0x0;
	v3 =	vsub.f32 v3, v5  }
0x142: {  	[tilespmem:s25], [sflag:$0x1] =	stream.strided.gather [hbm4b:s6+s15], $0x8000, s16, s15, $0x38;
	[tilespmem:$0x18180] =	vst v63  }
0x143: {  	[tilespmem:s21+$0x0] =	vst.msk $0xff, v3  }
0x144: {  	[tilespmem:s22+$0x0] =	vst.msk $0xff, v4  }
0x145: {  	[tilespmem:v4+s23+$0x0] =	vst.idx.msk $0xff, v3  }
0x146: {  	[hbm4b:s7+s15] =	stream.strided.scatter [tilespmem:s23], [sflag:$0x3], $0x8000, s16, s15, $0x38;
	[tilespmem:$0x18180] =	vst v63  }
0x147: {  	_ =	swait.ge [sflag:s24], $0x8000  }
0x148: {  	[sflag:s24] =	ssyncset.done $0x0  }
0x149: {  	s0 =	simm.s32 $0x8080;
	[sflag:s24] =	ssyncadd.s32 $0xFFFF8000  }
0x14a: {  	v5 =	vld [tilespmem:s0+$0xFFFFFF80]  }
0x14b: {  	v6 =	vld [tilespmem:s0+$0xFFFFFF90]  }
0x14c: {  	v7 =	vld [tilespmem:s0+$0xFFFFFFA0]  }
0x14d: {  	v8 =	vld [tilespmem:s0+$0xFFFFFFB0]  }
0x14e: {  	v9 =	vld [tilespmem:s0+$0xFFFFFFC0]  }
0x14f: {  	v10 =	vld [tilespmem:s0+$0xFFFFFFD0];
	v3 =	vmul.f32 $1.442695020e+00, v5  }
0x150: {  	v13 =	vld [tilespmem:s0+$0xFFFFFFF0];
	v12 =	vmul.f32 $1.442695020e+00, v6  }
0x151: {  	v11 =	vld [tilespmem:s0+$0xFFFFFFE0];
	v14 =	vmul.f32 $1.442695020e+00, v7;
	(erf) = vpow2.f32 v3  }
0x152: {  	v15 =	vld [tilespmem:s0+$0x0];
	(erf) = vpow2.f32 v12  }
0x153: {  	v3 =	vmul.f32 $1.442695020e+00, v8;
	(erf) = vpow2.f32 v14;
	v14 =	vld [tilespmem:s0+$0x20]  }
0x154: {  	v16 =	vmul.f32 $1.442695020e+00, v9;
	v17 =	vmul.f32 $1.442695020e+00, v10;
	v12 =	vld [tilespmem:s0+$0x10]  }
0x155: {  	v18 =	vld [tilespmem:s0+$0x30];
	v19 =	vmul.f32 $1.442695020e+00, v13;
	(erf) = vpow2.f32 v3  }
0x156: {  	v21 =	vld [tilespmem:s0+$0x60];
	v3 =	vmul.f32 $1.442695020e+00, v11;
	(erf) = vpow2.f32 v16  }
0x157: {  	v20 =	vmul.f32 $1.442695020e+00, v15;
	v16 =	vld [tilespmem:s0+$0x40];
	(erf) = vpow2.f32 v17  }
0x158: {  	v5 =	vmax.f32 v5, v6;
	v17 =	vld [tilespmem:s0+$0x50];
	(erf) = vpow2.f32 v3;
	v23 =	vmul.f32 $1.442695020e+00, v14  }
0x159: {  	v6 =	vmax.f32 v7, v8;
	v22 =	vmul.f32 $1.442695020e+00, v12;
	(erf) = vpow2.f32 v19;
	v19 =	vld [tilespmem:s0+$0x70]  }
0x15a: {  	v7 =	vmax.f32 v9, v10;
	v8 =	vmax.f32 v11, v13;
	(erf) = vpow2.f32 v20  }
0x15b: {  	v5 =	vmax.f32 v5, v6;
	v7 =	vmax.f32 v7, v8;
	(erf) = vpow2.f32 v22  }
0x15c: {  	s26 =	simm.s32 $0x8180;
	v9 =	vmax.f32 v15, v12;
	v11 =	vmax.f32 v14, v18;
	(erf) = vpow2.f32 v23;
	v23 =	vpop (erf)  }
0x15d: {  	v6 =	vld [tilespmem:s26+$0xFFFFFF80];
	v5 =	vmax.f32 v5, v7;
	v20 =	vmul.f32 $1.442695020e+00, v18;
	v8 =	vmax.f32 v9, v11;
	v10 =	vpop (erf)  }
0x15e: {  	v22 =	vmul.f32 $1.442695020e+00, v16;
	v12 =	vmax.f32 v16, v17;
	v13 =	vmax.f32 v21, v19;
	v14 =	vpop (erf)  }
0x15f: {  	v7 =	vld [tilespmem:s26+$0xFFFFFF90];
	v16 =	vmul.f32 $1.442695020e+00, v21;
	v11 =	vmax.f32 v12, v13;
	v12 =	vmul.f32 $1.442695020e+00, v17;
	v9 =	vpop (erf)  }
0x160: {  	v18 =	vmul.f32 $1.442695020e+00, v19;
	(erf) = vpow2.f32 v20;
	v11 =	vmax.f32 v8, v11;
	v8 =	vld [tilespmem:s26+$0xFFFFFFA0];
	v15 =	vpop (erf)  }
0x161: {  	v10 =	vadd.f32 v10, v23;
	(erf) = vpow2.f32 v22;
	v19 =	vmax.f32 v5, v11;
	v11 =	vld [tilespmem:s26+$0xFFFFFFB0];
	v17 =	vpop (erf)  }
0x162: {  	v13 =	vld [tilespmem:s26+$0xFFFFFFC0];
	v20 =	vmul.f32 $1.442695020e+00, v6;
	v9 =	vadd.f32 v9, v14;
	(erf) = vpow2.f32 v12;
	(xrf0) =	vmax.scan.msk.f32 $0xffff, v19;
	v5 =	vpop (erf)  }
0x163: {  	v14 =	vld [tilespmem:s26+$0xFFFFFFD0];
	(erf) = vpow2.f32 v16;
	v17 =	vadd.f32 v17, v15;
	v12 =	vpop (erf)  }
0x164: {  	(erf) = vpow2.f32 v18;
	v9 =	vadd.f32 v9, v10;
	v5 =	vadd.f32 v12, v5  }
0x165: {  	v15 =	vld [tilespmem:s26+$0xFFFFFFE0];
	v12 =	vmul.f32 $1.442695020e+00, v7;
	v18 =	vpop (erf);
	v10 =	vmul.f32 $1.442695020e+00, v8  }
0x166: {  	v23 =	vld [tilespmem:s26+$0x20];
	(erf) = vpow2.f32 v20;
	v20 =	vpop (erf);
	v21 =	vmul.f32 $1.442695020e+00, v11;
	v5 =	vadd.f32 v5, v17  }
0x167: {  	v16 =	vld [tilespmem:s26+$0xFFFFFFF0];
	(erf) = vpow2.f32 v12;
	v26 =	vadd.f32 v20, v18;
	v20 =	vmul.f32 $1.442695020e+00, v13  }
0x168: {  	v17 =	vld [tilespmem:s26+$0x0];
	(erf) = vpow2.f32 v10;
	v10 =	vmul.f32 $1.442695020e+00, v14;
	v5 =	vadd.f32 v5, v9;
	v9, _, _ =	vpop (xrf0)  }
0x169: {  	v18 =	vld [tilespmem:s26+$0x10];
	(v2sf) =	vpush v9, $0xF  }
0x16a: {  	v25 =	vmul.f32 $1.442695020e+00, v15;
	v12 =	vpop (erf);
	(erf) = vpow2.f32 v21  }
0x16b: {  	v24 =	vimm.f32 $-3.399999950e+38;
	v28 =	vmul.f32 $1.442695020e+00, v23;
	v21 =	vld [tilespmem:s26+$0x30];
	(erf) = vpow2.f32 v20;
	v20 =	vpop (erf)  }
0x16c: {  	v22 =	vld [tilespmem:s26+$0x40];
	v9 =	vmax.f32 v24, v19;
	v24 =	vmul.f32 $1.442695020e+00, v16;
	(erf) = vpow2.f32 v10;
	v10 =	vpop (erf)  }
0x16d: {  	v19 =	vld [tilespmem:s26+$0x50];
	v29 =	vadd.f32 v20, v12;
	v30 =	vmul.f32 $1.442695020e+00, v17;
	(erf) = vpow2.f32 v25;
	v12 =	vpop (erf)  }
0x16e: {  	v3 =	vimm.f32 $0.0e+00;
	v20 =	vld [tilespmem:s26+$0x60];
	v27 =	vmul.f32 $1.442695020e+00, v18;
	(erf) = vpow2.f32 v24;
	v25 =	vpop (erf)  }
0x16f: {  	s29 =	simm.s32 $0x4;
	s30 =	simm.s32 $0x8;
	v24 =	vld [tilespmem:s26+$0x70];
	v12 =	vadd.f32 v12, v10;
	(erf) = vpow2.f32 v30;
	v10 =	vadd.f32 v29, v26;
	v26 =	vpop (erf)  }
.LBB2_10:
0x170: {  	p0 =	sne.s32 s30, $0x1FC;
	v29 =	vmul.f32 $1.442695020e+00, v21;
	v30 =	vpop (erf);
	(erf) = vpow2.f32 v27;
	v25 =	vadd.f32 v26, v25  }
0x171: {  	v26 =	vmul.f32 $1.442695020e+00, v22;
	v27 =	vpop (erf);
	(erf) = vpow2.f32 v28  }
0x172: {  	v6 =	vmax.f32 v6, v7;
	v7 =	vmax.f32 v8, v11;
	v8 =	vmax.f32 v13, v14;
	v11 =	vpop (erf)  }
0x173: {  	v13 =	vmax.f32 v15, v16;
	v14 =	vmax.f32 v17, v18;
	v23 =	vmax.f32 v23, v21;
	v16 =	vpop (erf)  }
0x174: {  	v7 =	vmax.f32 v6, v7;
	v17 =	vmax.f32 v22, v19;
	v18 =	vmax.f32 v20, v24;
	v21 =	vpop (erf)  }
0x175: {  	s26 =	sadd.s32 $0x100, s26;
	v8 =	vmax.f32 v8, v13;
	v23 =	vmax.f32 v14, v23;
	v18 =	vmax.f32 v17, v18;
	v15 =	vpop (erf)  }
0x176: {  	v8 =	vmax.f32 v7, v8;
	v17 =	vmul.f32 $1.442695020e+00, v19;
	v6 =	vld [tilespmem:s26+$0xFFFFFF80];
	v22 =	vmax.f32 v23, v18;
	v14 =	vpop (erf)  }
0x177: {  	v19 =	vmul.f32 $1.442695020e+00, v24;
	v18 =	vmul.f32 $1.442695020e+00, v20;
	v7 =	vld [tilespmem:s26+$0xFFFFFF90];
	v20 =	vmax.f32 v8, v22;
	v13 =	vpop (erf)  }
0x178: {  	s0 =	sshra.s32 s25, $0x2;
	s25 =	smov.u32 s29;
	v16 =	vadd.f32 v16, v11;
	v22 =	vadd.f32 v27, v30;
	v8 =	vld [tilespmem:s26+$0xFFFFFFA0];
	v23 =	vpop (erf);
	(erf) = vpow2.f32 v29;
	(xrf0) =	vmax.scan.msk.f32 $0xffff, v20;
	s31 =	spop (v2sf)  }
0x179: {  	s29 =	smov.u32 s30;
	v15 =	vadd.f32 v15, v21;
	v21 =	vadd.f32 v13, v14;
	v11 =	vld [tilespmem:s26+$0xFFFFFFB0];
	v14 =	vpop (erf);
	(erf) = vpow2.f32 v26;
	[smem:s0] =	sst s31  }
0x17a: {  	v22 =	vadd.f32 v16, v22;
	v13 =	vld [tilespmem:s26+$0xFFFFFFC0];
	v26 =	vadd.f32 v14, v23;
	v24 =	vpop (erf);
	(erf) = vpow2.f32 v17  }
0x17b: {  	v21 =	vadd.f32 v21, v15;
	v14 =	vld [tilespmem:s26+$0xFFFFFFD0];
	v17 =	vmul.f32 $1.442695020e+00, v6;
	(erf) = vpow2.f32 v18  }
0x17c: {  	v12 =	vadd.f32 v25, v12;
	v15 =	vld [tilespmem:s26+$0xFFFFFFE0];
	v18 =	vmul.f32 $1.442695020e+00, v7;
	(erf) = vpow2.f32 v19  }
0x17d: {  	v21 =	vadd.f32 v21, v22;
	v16 =	vld [tilespmem:s26+$0xFFFFFFF0];
	v19 =	vmul.f32 $1.442695020e+00, v8;
	(erf) = vpow2.f32 v17  }
0x17e: {  	v10 =	vadd.f32 v12, v10;
	v17 =	vld [tilespmem:s26+$0x0];
	v22 =	vmul.f32 $1.442695020e+00, v11;
	(erf) = vpow2.f32 v18;
	v23, _, _ =	vpop (xrf0)  }
0x17f: {  	v18 =	vld [tilespmem:s26+$0x10];
	v27 =	vmul.f32 $1.442695020e+00, v13;
	(erf) = vpow2.f32 v19;
	(v2sf) =	vpush v23, $0xF  }
0x180: {  	v10 =	vadd.f32 v10, v5;
	v5 =	vmovc v21;
	v23 =	vld [tilespmem:s26+$0x20];
	v19 =	vmul.f32 $1.442695020e+00, v14;
	(erf) = vpow2.f32 v22  }
.Ltmp8:
0x181: {  	v9 =	vmax.f32 v9, v20;
	v21 =	vld [tilespmem:s26+$0x30];
	v31 =	vmul.f32 $1.442695020e+00, v15;
	(erf) = vpow2.f32 v27;
	v12 =	vpop (erf);
	(pc) =	sbr.rel @p0 .LBB2_10-.Ltmp8, $4  }
0x182: {  	v22 =	vld [tilespmem:s26+$0x40];
	v28 =	vmul.f32 $1.442695020e+00, v16;
	(erf) = vpow2.f32 v19;
	v29 =	vadd.f32 v12, v24;
	v12 =	vpop (erf)  }
0x183: {  	v3 =	vadd.f32 v10, v3;
	v19 =	vld [tilespmem:s26+$0x50];
	v30 =	vmul.f32 $1.442695020e+00, v17;
	(erf) = vpow2.f32 v31;
	v24 =	vpop (erf)  }
0x184: {  	v20 =	vld [tilespmem:s26+$0x60];
	v27 =	vmul.f32 $1.442695020e+00, v18;
	(erf) = vpow2.f32 v28;
	v12 =	vadd.f32 v24, v12;
	v25 =	vpop (erf)  }
0x185: {  	s30 =	sadd.s32 $0x4, s30;
	v10 =	vadd.f32 v29, v26;
	v24 =	vld [tilespmem:s26+$0x70];
	v28 =	vmul.f32 $1.442695020e+00, v23;
	(erf) = vpow2.f32 v30;
	v26 =	vpop (erf)  }
0x186: {  	_ =	sdelay $0x1  }
0x187: {  	v6 =	vmax.f32 v6, v7;
	v7 =	vmax.f32 v8, v11;
	v8 =	vmax.f32 v13, v14  }
0x188: {  	v36 =	vmax.f32 v15, v16;
	v37 =	vmax.f32 v17, v18;
	v38 =	vmax.f32 v23, v21  }
0x189: {  	v6 =	vmax.f32 v6, v7;
	v39 =	vmax.f32 v22, v19;
	v40 =	vmax.f32 v20, v24  }
0x18a: {  	v7 =	vmax.f32 v8, v36;
	v8 =	vmax.f32 v37, v38;
	v41 =	vmax.f32 v39, v40  }
0x18b: {  	v6 =	vmax.f32 v6, v7;
	v7 =	vmax.f32 v8, v41  }
0x18c: {  	v6 =	vmax.f32 v6, v7  }
0x18d: {  	v7 =	vmax.f32 v9, v6  }
0x18e: {  	(xrf1) =	vsort.dscd.msk.f32 $0xffff, v7, v0;
	_ =	sdelay $0xa  }
0x18f: {  	(xrf0) =	vmax.scan.msk.f32 $0xffff, v6;
	_ =	sdelay $0x1  }
0x190: {  	v6 =	vpop (erf)  }
0x191: {  	v8, _, _ =	vpop (xrf1)  }
0x192: {  	v7 =	vpop (erf);
	v8 =	vnsel vm0, $0x7F7FC99E, v8  }
0x193: {  	v42 =	vmul.f32 $1.442695020e+00, v21;
	(erf) = vpow2.f32 v27;
	v43 =	vpop (erf)  }
0x194: {  	v44 =	vmul.f32 $1.442695020e+00, v22;
	(erf) = vpow2.f32 v28;
	v45, _, _ =	vpop (xrf0);
	(xrf0) =	vmin.scan.msk.f32 $0xffff, v8  }
0x195: {  	v46 =	vmul.f32 $1.442695020e+00, v19;
	v8 =	vpop (erf);
	(erf) = vpow2.f32 v42  }
0x196: {  	v48 =	vmul.f32 $1.442695020e+00, v20;
	v47 =	vpop (erf);
	(erf) = vpow2.f32 v44  }
0x197: {  	v50 =	vmul.f32 $1.442695020e+00, v24;
	v49 =	vpop (erf);
	(erf) = vpow2.f32 v46  }
0x198: {  	v51 =	vpop (erf);
	(erf) = vpow2.f32 v48  }
0x199: {  	v52 =	vpop (erf);
	(erf) = vpow2.f32 v50  }
0x19a: {  	v53, _, _ =	vpop (xrf0)  }
0x19b: {  	(v2sf) =	vpush v45, $0xF;
	v54 =	vpop (erf)  }
0x19c: {  	(v2sf) =	vpush v53, $0xF;
	v55 =	vpop (erf)  }
0x19d: {  	v6 =	vadd.f32 v7, v6;
	v7 =	vadd.f32 v8, v43;
	v56 =	vpop (erf)  }
0x19e: {  	v57 =	vadd.f32 v26, v25;
	v58 =	vpop (erf)  }
0x19f: {  	v8 =	vpop (erf)  }
0x1a0: {  	v12 =	vadd.f32 v57, v12;
	v9 =	vadd.f32 v49, v47;
	v60 =	vpop (erf)  }
0x1a1: {  	v6 =	vadd.f32 v7, v6;
	v59 =	vadd.f32 v52, v51;
	v7 =	vpop (erf)  }
0x1a2: {  	v14 =	vadd.f32 v55, v54;
	v61 =	vadd.f32 v58, v56;
	v62 =	vpop (erf)  }
0x1a3: {  	v8 =	vadd.f32 v60, v8;
	v7 =	vadd.f32 v62, v7  }
0x1a4: {  	v10 =	vadd.f32 v12, v10;
	v9 =	vadd.f32 v59, v9  }
0x1a5: {  	v63 =	vadd.f32 v61, v14;
	v7 =	vadd.f32 v7, v8  }
0x1a6: {  	v5 =	vadd.f32 v10, v5  }
.Ltmp9:
0x1a7: {  	v6 =	vadd.f32 v9, v6;
	v7 =	vadd.f32 v7, v63;
	(pc) =	sbr.rel .LBB2_12-.Ltmp9, $4  }
0x1a8: {  	s25 =	sshra.s32 s25, $0x2  }
0x1a9: {  	s31 =	sshra.s32 s29, $0x2;
	s29 =	simm.s32 $0x0;
	s0 =	spop (v2sf);
	v3 =	vadd.f32 v5, v3;
	v5 =	vadd.f32 v7, v6  }
0x1aa: {  	s30 =	simm.s32 $0x8080;
	[smem:s25] =	sst s0;
	s26 =	spop (v2sf)  }
0x1ab: {  	[smem:s31] =	sst s26;
	s26 =	simm.s32 $0xF0;
	s25 =	spop (v2sf);
	v6 =	vadd.f32 v5, v3;
	v5 =	vimm.f32 $-3.399999950e+38;
	v3 =	vimm.s32 $0x0  }
.LBB2_14:
0x1ac: {  	s26 =	sadd.s32 $0x100, s26  }
0x1ad: {  	p0 =	sne.s32 s26, $0x80F0  }
.Ltmp10:
0x1ae: {  	_ = 	snop;
	(pc) =	sbr.rel @!p0 .LBB2_15-.Ltmp10, $2  }
0x1af: {  	_ =	sdelay $0x2  }
0x1b0: {  	s29 =	sadd.s32 $0x1, s29;
	s30 =	sadd.s32 $0x100, s30  }
.LBB2_12:
0x1b1: {  	s0 =	sld [smem:s29+$0x0];
	_ =	sdelay $0x2  }
0x1b2: {  	p0 =	sge.f32 s0, s25  }
.Ltmp11:
0x1b3: {  	_ = 	snop;
	(pc) =	sbr.rel @!p0 .LBB2_14-.Ltmp11, $1  }
0x1b4: {  	_ =	sdelay $0x3  }
0x1b5: {  	v7 =	vld [tilespmem:s30+$0xFFFFFF80]  }
0x1b6: {  	v8 =	vld [tilespmem:s30+$0xFFFFFF90]  }
0x1b7: {  	v9 =	vld [tilespmem:s30+$0xFFFFFFA0]  }
0x1b8: {  	s0 =	sadd.s32 $0xFFFFFF10, s26;
	v10 =	vld [tilespmem:s30+$0xFFFFFFB0]  }
0x1b9: {  	s31 =	sadd.s32 $0xFFFFFF20, s26;
	v12 =	vld [tilespmem:s30+$0xFFFFFFC0];
	v11 =	vor.u32 s0, v0  }
0x1ba: {  	v35 =	vld [tilespmem:s30+$0xFFFFFFD0];
	(xrf1) =	vsort.dscd.msk.f32 $0xffff, v7, v11;
	v7 =	vor.u32 s31, v0;
	s31 =	sadd.s32 $0xFFFFFF30, s26  }
0x1bb: {  	(xrf1) =	vsort.dscd.msk.f32 $0xffff, v8, v7;
	v7 =	vor.u32 s31, v0;
	s31 =	sadd.s32 $0xFFFFFF40, s26;
	v8 =	vld [tilespmem:s30+$0xFFFFFFE0]  }
0x1bc: {  	v36 =	vld [tilespmem:s30+$0xFFFFFFF0];
	(xrf1) =	vsort.dscd.msk.f32 $0xffff, v9, v7;
	v7 =	vor.u32 s31, v0;
	s31 =	sadd.s32 $0xFFFFFF50, s26  }
0x1bd: {  	v37 =	vld [tilespmem:s30+$0x0];
	(xrf1) =	vsort.dscd.msk.f32 $0xffff, v10, v7;
	v7 =	vor.u32 s31, v0;
	s31 =	sadd.s32 $0xFFFFFF60, s26  }
0x1be: {  	v38 =	vld [tilespmem:s30+$0x10];
	(xrf1) =	vsort.dscd.msk.f32 $0xffff, v12, v7;
	v7 =	vor.u32 s31, v0;
	s31 =	sadd.s32 $0xFFFFFF70, s26  }
0x1bf: {  	v39 =	vld [tilespmem:s30+$0x20];
	(xrf1) =	vsort.dscd.msk.f32 $0xffff, v35, v7;
	v7 =	vor.u32 s31, v0;
	s31 =	sadd.s32 $0xFFFFFF80, s26  }
0x1c0: {  	(xrf1) =	vsort.dscd.msk.f32 $0xffff, v8, v7;
	v7 =	vor.u32 s31, v0;
	s31 =	sadd.s32 $0xFFFFFF90, s26;
	v8 =	vld [tilespmem:s30+$0x30]  }
0x1c1: {  	v40 =	vld [tilespmem:s30+$0x40];
	(xrf1) =	vsort.dscd.msk.f32 $0xffff, v36, v7;
	v7 =	vor.u32 s31, v0;
	s31 =	sadd.s32 $0xFFFFFFA0, s26  }
0x1c2: {  	v41 =	vld [tilespmem:s30+$0x50];
	(xrf1) =	vsort.dscd.msk.f32 $0xffff, v37, v7;
	v7 =	vor.u32 s31, v0;
	s31 =	sadd.s32 $0xFFFFFFB0, s26  }
0x1c3: {  	v42 =	vld [tilespmem:s30+$0x60];
	(xrf1) =	vsort.dscd.msk.f32 $0xffff, v38, v7;
	v7 =	vor.u32 s31, v0;
	s31 =	sadd.s32 $0xFFFFFFC0, s26  }
0x1c4: {  	v43 =	vld [tilespmem:s30+$0x70];
	(xrf1) =	vsort.dscd.msk.f32 $0xffff, v39, v7;
	v7 =	vor.u32 s31, v0;
	s31 =	sadd.s32 $0xFFFFFFD0, s26  }
0x1c5: {  	(xrf1) =	vsort.dscd.msk.f32 $0xffff, v8, v7;
	v7 =	vor.u32 s31, v0;
	s31 =	sadd.s32 $0xFFFFFFE0, s26  }
0x1c6: {  	v8 =	vmul.u32 $0xFFFFFFFF, v0;
	(xrf1) =	vsort.dscd.msk.f32 $0xffff, v40, v7;
	v7 =	vor.u32 s31, v0;
	s31 =	sadd.s32 $0xFFFFFFF0, s26  }
0x1c7: {  	(xrf1) =	vsort.dscd.msk.f32 $0xffff, v41, v7;
	v7 =	vor.u32 s31, v0  }
0x1c8: {  	v44, v45, _ =	vpop (xrf1);
	(xrf1) =	vsort.dscd.msk.f32 $0xffff, v42, v7;
	v7 =	vor.u32 s26, v0  }
0x1c9: {  	v46, v13, _ =	vpop (xrf1);
	(xrf1) =	vsort.dscd.msk.f32 $0xffff, v43, v7  }
0x1ca: {  	v7 =	vadd.s32 $0xF, v8;
	v8, v47, _ =	vpop (xrf1)  }
0x1cb: {  	v12 =	vperm.xlane v46, v7;
	v14, v15, _ =	vpop (xrf1)  }
0x1cc: {  	v13 =	vperm.xlane v13, v7;
	v16, v17, _ =	vpop (xrf1);
	v14 =	vperm.xlane v14, v7  }
0x1cd: {  	vm5 =	vge.f32 v44, v12;
	v48 =	vperm.xlane v15, v7;
	v18, v19, _ =	vpop (xrf1)  }
0x1ce: {  	v9 =	vsel vm5, v44, v12;
	v10 =	vsel vm5, v45, v13;
	v49, v20, _ =	vpop (xrf1);
	vm5 =	vge.f32 v8, v14  }
0x1cf: {  	v50 =	vperm.xlane v18, v7;
	(xrf1) =	vsort.dscd.msk.f32 $0xffff, v9, v10;
	v55 =	vperm.xlane v19, v7;
	v51, v21, _ =	vpop (xrf1)  }
0x1d0: {  	v8 =	vsel vm5, v8, v14;
	v52 =	vsel vm5, v47, v48;
	v53, v54, _ =	vpop (xrf1);
	v56 =	vperm.xlane v51, v7  }
0x1d1: {  	vm5 =	vge.f32 v16, v50;
	(xrf1) =	vsort.dscd.msk.f32 $0xffff, v8, v52;
	v59 =	vperm.xlane v21, v7;
	v58, v57, _ =	vpop (xrf1)  }
0x1d2: {  	v8 =	vsel vm5, v16, v50;
	v12 =	vsel vm5, v17, v55;
	v13, v16, _ =	vpop (xrf1);
	vm5 =	vge.f32 v49, v56  }
0x1d3: {  	v60 =	vperm.xlane v58, v7;
	(xrf1) =	vsort.dscd.msk.f32 $0xffff, v8, v12;
	v25 =	vperm.xlane v57, v7;
	v62, v61, _ =	vpop (xrf1)  }
0x1d4: {  	v8 =	vsel vm5, v49, v56;
	v9 =	vsel vm5, v20, v59;
	v63, v24, _ =	vpop (xrf1);
	v18 =	vperm.xlane v62, v7  }
0x1d5: {  	vm5 =	vge.f32 v53, v60;
	(xrf1) =	vsort.dscd.msk.f32 $0xffff, v8, v9;
	v30 =	vperm.xlane v61, v7;
	v27, v26, _ =	vpop (xrf1)  }
0x1d6: {  	v8 =	vsel vm5, v53, v60;
	v11 =	vsel vm5, v54, v25;
	v28, v29, _ =	vpop (xrf1);
	vm5 =	vge.f32 v13, v18  }
0x1d7: {  	(xrf1) =	vsort.dscd.msk.f32 $0xffff, v8, v11;
	v33 =	vperm.xlane v27, v7;
	v35 =	vperm.xlane v26, v7;
	v31, v32, _ =	vpop (xrf1)  }
0x1d8: {  	v8 =	vsel vm5, v13, v18;
	v34 =	vsel vm5, v16, v30;
	v36 =	vperm.xlane v31, v7  }
0x1d9: {  	(xrf1) =	vsort.dscd.msk.f32 $0xffff, v8, v34;
	vm5 =	vge.f32 v63, v33;
	v8 =	vperm.xlane v32, v7  }
0x1da: {  	v11 =	vsel vm5, v63, v33;
	v37 =	vsel vm5, v24, v35;
	vm5 =	vge.f32 v28, v36  }
0x1db: {  	(xrf1) =	vsort.dscd.msk.f32 $0xffff, v11, v37;
	v9 =	vsel vm5, v28, v36;
	v8 =	vsel vm5, v29, v8  }
0x1dc: {  	(xrf1) =	vsort.dscd.msk.f32 $0xffff, v9, v8;
	_ =	sdelay $0x6  }
0x1dd: {  	v8, v9, _ =	vpop (xrf1)  }
0x1de: {  	v39, v38, _ =	vpop (xrf1)  }
0x1df: {  	v41, v40, _ =	vpop (xrf1)  }
0x1e0: {  	v10 =	vperm.xlane v39, v7;
	v14, v15, _ =	vpop (xrf1)  }
0x1e1: {  	v11 =	vperm.xlane v38, v7;
	v14 =	vperm.xlane v14, v7;
	v42, v17, _ =	vpop (xrf1)  }
0x1e2: {  	vm5 =	vge.f32 v8, v10;
	v47 =	vperm.xlane v15, v7;
	v43, v44, _ =	vpop (xrf1)  }
0x1e3: {  	v8 =	vsel vm5, v8, v10;
	v9 =	vsel vm5, v9, v11;
	vm5 =	vge.f32 v41, v14;
	v46, v45, _ =	vpop (xrf1)  }
0x1e4: {  	(xrf1) =	vsort.dscd.msk.f32 $0xffff, v8, v9;
	v8 =	vsel vm5, v41, v14;
	v50 =	vperm.xlane v43, v7;
	v49, v48, _ =	vpop (xrf1)  }
0x1e5: {  	v11 =	vsel vm5, v40, v47;
	v51 =	vperm.xlane v44, v7;
	v52 =	vperm.xlane v49, v7  }
0x1e6: {  	(xrf1) =	vsort.dscd.msk.f32 $0xffff, v8, v11;
	vm5 =	vge.f32 v42, v50;
	v8 =	vperm.xlane v48, v7  }
0x1e7: {  	v9 =	vsel vm5, v42, v50;
	v53 =	vsel vm5, v17, v51;
	vm5 =	vge.f32 v46, v52  }
0x1e8: {  	(xrf1) =	vsort.dscd.msk.f32 $0xffff, v9, v53;
	v54 =	vsel vm5, v46, v52;
	v8 =	vsel vm5, v45, v8  }
0x1e9: {  	(xrf1) =	vsort.dscd.msk.f32 $0xffff, v54, v8;
	_ =	sdelay $0xa  }
0x1ea: {  	v8, v9, _ =	vpop (xrf1)  }
0x1eb: {  	v56, v55, _ =	vpop (xrf1)  }
0x1ec: {  	v57, v58, _ =	vpop (xrf1)  }
0x1ed: {  	v10 =	vperm.xlane v56, v7;
	v59, v60, _ =	vpop (xrf1)  }
0x1ee: {  	v11 =	vperm.xlane v55, v7;
	v14 =	vperm.xlane v59, v7  }
0x1ef: {  	vm5 =	vge.f32 v8, v10;
	v15 =	vperm.xlane v60, v7  }
0x1f0: {  	v8 =	vsel vm5, v8, v10;
	v9 =	vsel vm5, v9, v11;
	vm5 =	vge.f32 v57, v14  }
0x1f1: {  	(xrf1) =	vsort.dscd.msk.f32 $0xffff, v8, v9;
	v8 =	vsel vm5, v57, v14;
	v61 =	vsel vm5, v58, v15  }
0x1f2: {  	(xrf1) =	vsort.dscd.msk.f32 $0xffff, v8, v61;
	_ =	sdelay $0xc  }
0x1f3: {  	v8, v9, _ =	vpop (xrf1)  }
0x1f4: {  	v62, v63, _ =	vpop (xrf1)  }
0x1f5: {  	v10 =	vperm.xlane v62, v7  }
0x1f6: {  	v11 =	vperm.xlane v63, v7  }
0x1f7: {  	vm5 =	vge.f32 v8, v10  }
0x1f8: {  	v8 =	vsel vm5, v8, v10;
	v9 =	vsel vm5, v9, v11  }
0x1f9: {  	(xrf1) =	vsort.dscd.msk.f32 $0xffff, v8, v9;
	_ =	sdelay $0xd  }
0x1fa: {  	v8, v9, _ =	vpop (xrf1)  }
0x1fb: {  	v8 =	vperm.xlane v8, v7  }
0x1fc: {  	v7 =	vperm.xlane v9, v7  }
0x1fd: {  	vm5 =	vge.f32 v5, v8  }
0x1fe: {  	v5 =	vsel vm5, v5, v8;
	v3 =	vsel vm5, v3, v7  }
0x1ff: {  	(xrf1) =	vsort.dscd.msk.f32 $0xffff, v5, v3;
	_ =	sdelay $0xd  }
0x200: {  	v5, v3, _ =	vpop (xrf1)  }
0x201: {  	v7 =	vnsel vm0, $0x7F7FC99E, v5  }
0x202: {  	(xrf0) =	vmin.scan.msk.f32 $0xffff, v7;
	_ =	sdelay $0x5  }
0x203: {  	v7, _, _ =	vpop (xrf0)  }
0x204: {  	(v2sf) =	vpush v7, $0xF;
	_ =	sdelay $0xb  }
.Ltmp12:
0x205: {  	_ = 	snop;
	(pc) =	sbr.rel .LBB2_14-.Ltmp12, $3  }
0x206: {  	_ =	sdelay $0x1  }
0x207: {  	s31 =	spop (v2sf)  }
0x208: {  	s25 =	smax.f32 s25, s31  }
.LBB2_15:
0x209: {  	(xrf2) =	vadd.scan.msk.f32 $0xffff, v6;
	_ =	sdelay $0x9  }
0x20a: {  	v6, _, _ =	vpop (xrf2)  }
0x20b: {  	v6 =	vadd.f32 $0.0e+00, v6;
	_ =	sdelay $0x1  }
0x20c: {  	v6 =	vbroadcast v6, $0xF;
	_ =	sdelay $0x1  }
0x20d: {  	v7 =	vcvt.s32.f32 v6;
	_ =	sdelay $0x1  }
0x20e: {  	v7 =	vmul.f32 $1.192092900e-07, v7;
	_ =	sdelay $0x1  }
0x20f: {  	v7 =	vadd.f32 $-1.269426960e+02, v7;
	_ =	sdelay $0x1  }
0x210: {  	v7 =	vmul.f32 $6.931471820e-01, v7;
	_ =	sdelay $0x1  }
0x211: {  	v8 =	vsub.f32 $0.0e+00, v7;
	_ =	sdelay $0x1  }
0x212: {  	v8 =	vmul.f32 $1.442695020e+00, v8;
	_ =	sdelay $0x1  }
0x213: {  	(erf) = vpow2.f32 v8;
	_ =	sdelay $0x8  }
0x214: {  	v8 =	vpop (erf)  }
0x215: {  	v8 =	vmul.f32 v8, v6;
	_ =	sdelay $0x1  }
0x216: {  	v7 =	vadd.f32 v8, v7;
	_ =	sdelay $0x1  }
0x217: {  	v7 =	vadd.f32 $-1.000000000e+00, v7;
	_ =	sdelay $0x1  }
0x218: {  	v8 =	vsub.f32 $0.0e+00, v7;
	_ =	sdelay $0x1  }
0x219: {  	v8 =	vmul.f32 $1.442695020e+00, v8;
	_ =	sdelay $0x1  }
0x21a: {  	(erf) = vpow2.f32 v8;
	_ =	sdelay $0x8  }
0x21b: {  	v8 =	vpop (erf)  }
0x21c: {  	v8 =	vmul.f32 v8, v6;
	_ =	sdelay $0x1  }
0x21d: {  	v7 =	vadd.f32 v8, v7;
	_ =	sdelay $0x1  }
0x21e: {  	v7 =	vadd.f32 $-1.000000000e+00, v7;
	_ =	sdelay $0x1  }
0x21f: {  	v8 =	vsub.f32 $0.0e+00, v7;
	_ =	sdelay $0x1  }
0x220: {  	v8 =	vmul.f32 $1.442695020e+00, v8;
	_ =	sdelay $0x1  }
0x221: {  	(erf) = vpow2.f32 v8;
	_ =	sdelay $0x3  }
0x222: {  	v8 =	vnsel vm2, $0xFF7FC99E, v2  }
0x223: {  	(xrf0) =	vmax.scan.msk.f32 $0xffff, v8;
	_ =	sdelay $0x3  }
0x224: {  	v8 =	vpop (erf)  }
0x225: {  	v6 =	vmul.f32 v8, v6  }
0x226: {  	v8, _, _ =	vpop (xrf0)  }
0x227: {  	v6 =	vadd.f32 v6, v7;
	v7 =	vbroadcast v8, $0xF;
	_ =	sdelay $0x1  }
0x228: {  	v6 =	vadd.f32 $-1.000000000e+00, v6;
	v5 =	vadd.f32 v5, v7;
	_ =	sdelay $0x1  }
0x229: {  	s0 =	simm.s32 $0x80;
	s25 =	simm.s32 $0x18088;
	v5 =	vsub.f32 v5, v6  }
0x22a: {  	[tilespmem:s17], [sflag:$0x2] =	stream.strided.gather [hbm4b:s8+s0], $0x8000, s16, s0, $0x38;
	[tilespmem:$0x18180] =	vst v63  }
0x22b: {  	s31 =	simm.s32 $0x18108;
	[tilespmem:s25+$0x0] =	vst.msk $0xff, v5  }
0x22c: {  	[tilespmem:s31+$0x0] =	vst.msk $0xff, v3  }
0x22d: {  	_ =	swait.ge [sflag:s28], $0x8000  }
0x22e: {  	[sflag:s28] =	ssyncset.done $0x0  }
0x22f: {  	[sflag:s28] =	ssyncadd.s32 $0xFFFF8000  }
0x230: {  	[tilespmem:v4+s23+$0x0] =	vst.idx.msk $0xff, v1  }
0x231: {  	[tilespmem:v3+s23+$0x0] =	vst.idx.msk $0xff, v5  }
0x232: {  	[hbm4b:s9+s0] =	stream.strided.scatter [tilespmem:s23], [sflag:$0x3], $0x8000, s16, s0, $0x38;
	[tilespmem:$0x18180] =	vst v63  }
0x233: {  	_ =	swait.ge [sflag:s20], $0x8000  }
0x234: {  	[sflag:s20] =	ssyncset.done $0x0  }
0x235: {  	[sflag:s20] =	ssyncadd.s32 $0xFFFF8000  }
0x236: {  	v5 =	vld [tilespmem:s0+$0xFFFFFF80]  }
0x237: {  	v6 =	vld [tilespmem:s0+$0xFFFFFF90]  }
0x238: {  	v7 =	vld [tilespmem:s0+$0xFFFFFFA0]  }
0x239: {  	v8 =	vld [tilespmem:s0+$0xFFFFFFB0]  }
0x23a: {  	v9 =	vld [tilespmem:s0+$0xFFFFFFC0]  }
0x23b: {  	v10 =	vld [tilespmem:s0+$0xFFFFFFD0];
	v4 =	vmul.f32 $1.442695020e+00, v5  }
0x23c: {  	v13 =	vld [tilespmem:s0+$0xFFFFFFF0];
	v12 =	vmul.f32 $1.442695020e+00, v6  }
0x23d: {  	v11 =	vld [tilespmem:s0+$0xFFFFFFE0];
	v14 =	vmul.f32 $1.442695020e+00, v7;
	(erf) = vpow2.f32 v4  }
0x23e: {  	v15 =	vld [tilespmem:s0+$0x0];
	(erf) = vpow2.f32 v12  }
0x23f: {  	v4 =	vmul.f32 $1.442695020e+00, v8;
	(erf) = vpow2.f32 v14;
	v14 =	vld [tilespmem:s0+$0x20]  }
0x240: {  	v16 =	vmul.f32 $1.442695020e+00, v9;
	v17 =	vmul.f32 $1.442695020e+00, v10;
	v12 =	vld [tilespmem:s0+$0x10]  }
0x241: {  	v18 =	vld [tilespmem:s0+$0x30];
	v19 =	vmul.f32 $1.442695020e+00, v13;
	(erf) = vpow2.f32 v4  }
0x242: {  	v21 =	vld [tilespmem:s0+$0x60];
	v4 =	vmul.f32 $1.442695020e+00, v11;
	(erf) = vpow2.f32 v16  }
0x243: {  	v20 =	vmul.f32 $1.442695020e+00, v15;
	v16 =	vld [tilespmem:s0+$0x40];
	(erf) = vpow2.f32 v17  }
0x244: {  	v5 =	vmax.f32 v5, v6;
	v17 =	vld [tilespmem:s0+$0x50];
	(erf) = vpow2.f32 v4;
	v23 =	vmul.f32 $1.442695020e+00, v14  }
0x245: {  	v6 =	vmax.f32 v7, v8;
	v22 =	vmul.f32 $1.442695020e+00, v12;
	(erf) = vpow2.f32 v19;
	v19 =	vld [tilespmem:s0+$0x70]  }
0x246: {  	v7 =	vmax.f32 v9, v10;
	v8 =	vmax.f32 v11, v13;
	(erf) = vpow2.f32 v20  }
0x247: {  	v5 =	vmax.f32 v5, v6;
	v7 =	vmax.f32 v7, v8;
	(erf) = vpow2.f32 v22  }
0x248: {  	s25 =	simm.s32 $0x180;
	v9 =	vmax.f32 v15, v12;
	v11 =	vmax.f32 v14, v18;
	(erf) = vpow2.f32 v23;
	v23 =	vpop (erf)  }
0x249: {  	v6 =	vld [tilespmem:s25+$0xFFFFFF80];
	v5 =	vmax.f32 v5, v7;
	v20 =	vmul.f32 $1.442695020e+00, v18;
	v8 =	vmax.f32 v9, v11;
	v10 =	vpop (erf)  }
0x24a: {  	v22 =	vmul.f32 $1.442695020e+00, v16;
	v12 =	vmax.f32 v16, v17;
	v13 =	vmax.f32 v21, v19;
	v14 =	vpop (erf)  }
0x24b: {  	v7 =	vld [tilespmem:s25+$0xFFFFFF90];
	v16 =	vmul.f32 $1.442695020e+00, v21;
	v11 =	vmax.f32 v12, v13;
	v12 =	vmul.f32 $1.442695020e+00, v17;
	v9 =	vpop (erf)  }
0x24c: {  	v18 =	vmul.f32 $1.442695020e+00, v19;
	(erf) = vpow2.f32 v20;
	v11 =	vmax.f32 v8, v11;
	v8 =	vld [tilespmem:s25+$0xFFFFFFA0];
	v15 =	vpop (erf)  }
0x24d: {  	v10 =	vadd.f32 v10, v23;
	(erf) = vpow2.f32 v22;
	v19 =	vmax.f32 v5, v11;
	v11 =	vld [tilespmem:s25+$0xFFFFFFB0];
	v17 =	vpop (erf)  }
0x24e: {  	v13 =	vld [tilespmem:s25+$0xFFFFFFC0];
	v20 =	vmul.f32 $1.442695020e+00, v6;
	v9 =	vadd.f32 v9, v14;
	(erf) = vpow2.f32 v12;
	(xrf0) =	vmax.scan.msk.f32 $0xffff, v19;
	v5 =	vpop (erf)  }
0x24f: {  	v14 =	vld [tilespmem:s25+$0xFFFFFFD0];
	(erf) = vpow2.f32 v16;
	v17 =	vadd.f32 v17, v15;
	v12 =	vpop (erf)  }
0x250: {  	(erf) = vpow2.f32 v18;
	v9 =	vadd.f32 v9, v10;
	v5 =	vadd.f32 v12, v5  }
0x251: {  	v15 =	vld [tilespmem:s25+$0xFFFFFFE0];
	v12 =	vmul.f32 $1.442695020e+00, v7;
	v18 =	vpop (erf);
	v10 =	vmul.f32 $1.442695020e+00, v8  }
0x252: {  	v23 =	vld [tilespmem:s25+$0x20];
	(erf) = vpow2.f32 v20;
	v20 =	vpop (erf);
	v21 =	vmul.f32 $1.442695020e+00, v11;
	v5 =	vadd.f32 v5, v17  }
0x253: {  	v16 =	vld [tilespmem:s25+$0xFFFFFFF0];
	(erf) = vpow2.f32 v12;
	v26 =	vadd.f32 v20, v18;
	v20 =	vmul.f32 $1.442695020e+00, v13  }
0x254: {  	v17 =	vld [tilespmem:s25+$0x0];
	(erf) = vpow2.f32 v10;
	v10 =	vmul.f32 $1.442695020e+00, v14;
	v5 =	vadd.f32 v5, v9;
	v9, _, _ =	vpop (xrf0)  }
0x255: {  	v18 =	vld [tilespmem:s25+$0x10];
	(v2sf) =	vpush v9, $0xF  }
0x256: {  	v25 =	vmul.f32 $1.442695020e+00, v15;
	v12 =	vpop (erf);
	(erf) = vpow2.f32 v21  }
0x257: {  	v24 =	vimm.f32 $-3.399999950e+38;
	v28 =	vmul.f32 $1.442695020e+00, v23;
	v21 =	vld [tilespmem:s25+$0x30];
	(erf) = vpow2.f32 v20;
	v20 =	vpop (erf)  }
0x258: {  	v22 =	vld [tilespmem:s25+$0x40];
	v9 =	vmax.f32 v24, v19;
	v24 =	vmul.f32 $1.442695020e+00, v16;
	(erf) = vpow2.f32 v10;
	v10 =	vpop (erf)  }
0x259: {  	v19 =	vld [tilespmem:s25+$0x50];
	v29 =	vadd.f32 v20, v12;
	v30 =	vmul.f32 $1.442695020e+00, v17;
	(erf) = vpow2.f32 v25;
	v12 =	vpop (erf)  }
0x25a: {  	v4 =	vimm.f32 $0.0e+00;
	v20 =	vld [tilespmem:s25+$0x60];
	v27 =	vmul.f32 $1.442695020e+00, v18;
	(erf) = vpow2.f32 v24;
	v25 =	vpop (erf)  }
0x25b: {  	s26 =	simm.s32 $0x0;
	s29 =	simm.s32 $0x4;
	s30 =	simm.s32 $0x8;
	v24 =	vld [tilespmem:s25+$0x70];
	v12 =	vadd.f32 v12, v10;
	(erf) = vpow2.f32 v30;
	v10 =	vadd.f32 v29, v26;
	v26 =	vpop (erf)  }
.LBB2_16:
0x25c: {  	p0 =	sne.s32 s30, $0x1FC;
	v29 =	vmul.f32 $1.442695020e+00, v21;
	v30 =	vpop (erf);
	(erf) = vpow2.f32 v27;
	v25 =	vadd.f32 v26, v25  }
0x25d: {  	v26 =	vmul.f32 $1.442695020e+00, v22;
	v27 =	vpop (erf);
	(erf) = vpow2.f32 v28  }
0x25e: {  	v6 =	vmax.f32 v6, v7;
	v7 =	vmax.f32 v8, v11;
	v8 =	vmax.f32 v13, v14;
	v11 =	vpop (erf)  }
0x25f: {  	v13 =	vmax.f32 v15, v16;
	v14 =	vmax.f32 v17, v18;
	v23 =	vmax.f32 v23, v21;
	v16 =	vpop (erf)  }
0x260: {  	v7 =	vmax.f32 v6, v7;
	v17 =	vmax.f32 v22, v19;
	v18 =	vmax.f32 v20, v24;
	v21 =	vpop (erf)  }
0x261: {  	s25 =	sadd.s32 $0x100, s25;
	v8 =	vmax.f32 v8, v13;
	v23 =	vmax.f32 v14, v23;
	v18 =	vmax.f32 v17, v18;
	v15 =	vpop (erf)  }
0x262: {  	v8 =	vmax.f32 v7, v8;
	v17 =	vmul.f32 $1.442695020e+00, v19;
	v6 =	vld [tilespmem:s25+$0xFFFFFF80];
	v22 =	vmax.f32 v23, v18;
	v14 =	vpop (erf)  }
0x263: {  	v19 =	vmul.f32 $1.442695020e+00, v24;
	v18 =	vmul.f32 $1.442695020e+00, v20;
	v7 =	vld [tilespmem:s25+$0xFFFFFF90];
	v20 =	vmax.f32 v8, v22;
	v13 =	vpop (erf)  }
0x264: {  	s0 =	sshra.s32 s26, $0x2;
	s26 =	smov.u32 s29;
	v16 =	vadd.f32 v16, v11;
	v22 =	vadd.f32 v27, v30;
	v8 =	vld [tilespmem:s25+$0xFFFFFFA0];
	v23 =	vpop (erf);
	(erf) = vpow2.f32 v29;
	(xrf0) =	vmax.scan.msk.f32 $0xffff, v20;
	s31 =	spop (v2sf)  }
0x265: {  	s29 =	smov.u32 s30;
	v15 =	vadd.f32 v15, v21;
	v21 =	vadd.f32 v13, v14;
	v11 =	vld [tilespmem:s25+$0xFFFFFFB0];
	v14 =	vpop (erf);
	(erf) = vpow2.f32 v26;
	[smem:s0] =	sst s31  }
0x266: {  	v22 =	vadd.f32 v16, v22;
	v13 =	vld [tilespmem:s25+$0xFFFFFFC0];
	v26 =	vadd.f32 v14, v23;
	v24 =	vpop (erf);
	(erf) = vpow2.f32 v17  }
0x267: {  	v21 =	vadd.f32 v21, v15;
	v14 =	vld [tilespmem:s25+$0xFFFFFFD0];
	v17 =	vmul.f32 $1.442695020e+00, v6;
	(erf) = vpow2.f32 v18  }
0x268: {  	v12 =	vadd.f32 v25, v12;
	v15 =	vld [tilespmem:s25+$0xFFFFFFE0];
	v18 =	vmul.f32 $1.442695020e+00, v7;
	(erf) = vpow2.f32 v19  }
0x269: {  	v21 =	vadd.f32 v21, v22;
	v16 =	vld [tilespmem:s25+$0xFFFFFFF0];
	v19 =	vmul.f32 $1.442695020e+00, v8;
	(erf) = vpow2.f32 v17  }
0x26a: {  	v10 =	vadd.f32 v12, v10;
	v17 =	vld [tilespmem:s25+$0x0];
	v22 =	vmul.f32 $1.442695020e+00, v11;
	(erf) = vpow2.f32 v18;
	v23, _, _ =	vpop (xrf0)  }
0x26b: {  	v18 =	vld [tilespmem:s25+$0x10];
	v27 =	vmul.f32 $1.442695020e+00, v13;
	(erf) = vpow2.f32 v19;
	(v2sf) =	vpush v23, $0xF  }
0x26c: {  	v10 =	vadd.f32 v10, v5;
	v5 =	vmovc v21;
	v23 =	vld [tilespmem:s25+$0x20];
	v19 =	vmul.f32 $1.442695020e+00, v14;
	(erf) = vpow2.f32 v22  }
.Ltmp13:
0x26d: {  	v9 =	vmax.f32 v9, v20;
	v21 =	vld [tilespmem:s25+$0x30];
	v31 =	vmul.f32 $1.442695020e+00, v15;
	(erf) = vpow2.f32 v27;
	v12 =	vpop (erf);
	(pc) =	sbr.rel @p0 .LBB2_16-.Ltmp13, $4  }
0x26e: {  	v22 =	vld [tilespmem:s25+$0x40];
	v28 =	vmul.f32 $1.442695020e+00, v16;
	(erf) = vpow2.f32 v19;
	v29 =	vadd.f32 v12, v24;
	v12 =	vpop (erf)  }
0x26f: {  	v4 =	vadd.f32 v10, v4;
	v19 =	vld [tilespmem:s25+$0x50];
	v30 =	vmul.f32 $1.442695020e+00, v17;
	(erf) = vpow2.f32 v31;
	v24 =	vpop (erf)  }
0x270: {  	v20 =	vld [tilespmem:s25+$0x60];
	v27 =	vmul.f32 $1.442695020e+00, v18;
	(erf) = vpow2.f32 v28;
	v12 =	vadd.f32 v24, v12;
	v25 =	vpop (erf)  }
0x271: {  	s30 =	sadd.s32 $0x4, s30;
	v10 =	vadd.f32 v29, v26;
	v24 =	vld [tilespmem:s25+$0x70];
	v28 =	vmul.f32 $1.442695020e+00, v23;
	(erf) = vpow2.f32 v30;
	v26 =	vpop (erf)  }
0x272: {  	_ =	sdelay $0x1  }
0x273: {  	v6 =	vmax.f32 v6, v7;
	v7 =	vmax.f32 v8, v11;
	v8 =	vmax.f32 v13, v14  }
0x274: {  	v36 =	vmax.f32 v15, v16;
	v37 =	vmax.f32 v17, v18;
	v38 =	vmax.f32 v23, v21  }
0x275: {  	v6 =	vmax.f32 v6, v7;
	v39 =	vmax.f32 v22, v19;
	v40 =	vmax.f32 v20, v24  }
0x276: {  	v7 =	vmax.f32 v8, v36;
	v8 =	vmax.f32 v37, v38;
	v41 =	vmax.f32 v39, v40  }
0x277: {  	v6 =	vmax.f32 v6, v7;
	v7 =	vmax.f32 v8, v41  }
0x278: {  	v6 =	vmax.f32 v6, v7  }
0x279: {  	v7 =	vmax.f32 v9, v6  }
0x27a: {  	(xrf1) =	vsort.dscd.msk.f32 $0xffff, v7, v0;
	_ =	sdelay $0xa  }
0x27b: {  	(xrf0) =	vmax.scan.msk.f32 $0xffff, v6;
	_ =	sdelay $0x1  }
0x27c: {  	v6 =	vpop (erf)  }
0x27d: {  	v8, _, _ =	vpop (xrf1)  }
0x27e: {  	v7 =	vpop (erf);
	v8 =	vnsel vm0, $0x7F7FC99E, v8  }
0x27f: {  	v42 =	vmul.f32 $1.442695020e+00, v21;
	(erf) = vpow2.f32 v27;
	v43 =	vpop (erf)  }
0x280: {  	v44 =	vmul.f32 $1.442695020e+00, v22;
	(erf) = vpow2.f32 v28;
	v45, _, _ =	vpop (xrf0);
	(xrf0) =	vmin.scan.msk.f32 $0xffff, v8  }
0x281: {  	v46 =	vmul.f32 $1.442695020e+00, v19;
	v8 =	vpop (erf);
	(erf) = vpow2.f32 v42  }
0x282: {  	v48 =	vmul.f32 $1.442695020e+00, v20;
	v47 =	vpop (erf);
	(erf) = vpow2.f32 v44  }
0x283: {  	v50 =	vmul.f32 $1.442695020e+00, v24;
	v49 =	vpop (erf);
	(erf) = vpow2.f32 v46  }
0x284: {  	v51 =	vpop (erf);
	(erf) = vpow2.f32 v48  }
0x285: {  	v52 =	vpop (erf);
	(erf) = vpow2.f32 v50  }
0x286: {  	v53, _, _ =	vpop (xrf0)  }
0x287: {  	(v2sf) =	vpush v45, $0xF;
	v54 =	vpop (erf)  }
0x288: {  	(v2sf) =	vpush v53, $0xF;
	v55 =	vpop (erf)  }
0x289: {  	v6 =	vadd.f32 v7, v6;
	v7 =	vadd.f32 v8, v43;
	v56 =	vpop (erf)  }
0x28a: {  	v57 =	vadd.f32 v26, v25;
	v58 =	vpop (erf)  }
0x28b: {  	v8 =	vpop (erf)  }
0x28c: {  	v12 =	vadd.f32 v57, v12;
	v9 =	vadd.f32 v49, v47;
	v60 =	vpop (erf)  }
0x28d: {  	v6 =	vadd.f32 v7, v6;
	v59 =	vadd.f32 v52, v51;
	v7 =	vpop (erf)  }
0x28e: {  	v14 =	vadd.f32 v55, v54;
	v61 =	vadd.f32 v58, v56;
	v62 =	vpop (erf)  }
0x28f: {  	v8 =	vadd.f32 v60, v8;
	v7 =	vadd.f32 v62, v7  }
0x290: {  	v10 =	vadd.f32 v12, v10;
	v9 =	vadd.f32 v59, v9  }
0x291: {  	v63 =	vadd.f32 v61, v14;
	v7 =	vadd.f32 v7, v8  }
0x292: {  	v5 =	vadd.f32 v10, v5  }
.Ltmp14:
0x293: {  	v6 =	vadd.f32 v9, v6;
	v7 =	vadd.f32 v7, v63;
	(pc) =	sbr.rel .LBB2_18-.Ltmp14, $4  }
0x294: {  	s25 =	sshra.s32 s26, $0x2  }
0x295: {  	s31 =	sshra.s32 s29, $0x2;
	s29 =	simm.s32 $0x0;
	s0 =	spop (v2sf);
	v4 =	vadd.f32 v5, v4;
	v5 =	vadd.f32 v7, v6  }
0x296: {  	s30 =	simm.s32 $0x80;
	[smem:s25] =	sst s0;
	s26 =	spop (v2sf)  }
0x297: {  	[smem:s31] =	sst s26;
	s26 =	simm.s32 $0xF0;
	s25 =	spop (v2sf);
	v6 =	vadd.f32 v5, v4;
	v5 =	vimm.f32 $-3.399999950e+38;
	v4 =	vimm.s32 $0x0  }
.LBB2_20:
0x298: {  	s26 =	sadd.s32 $0x100, s26  }
0x299: {  	p0 =	sne.s32 s26, $0x80F0  }
.Ltmp15:
0x29a: {  	_ = 	snop;
	(pc) =	sbr.rel @!p0 .LBB2_21-.Ltmp15, $2  }
0x29b: {  	_ =	sdelay $0x2  }
0x29c: {  	s29 =	sadd.s32 $0x1, s29;
	s30 =	sadd.s32 $0x100, s30  }
.LBB2_18:
0x29d: {  	s0 =	sld [smem:s29+$0x0];
	_ =	sdelay $0x2  }
0x29e: {  	p0 =	sge.f32 s0, s25  }
.Ltmp16:
0x29f: {  	_ = 	snop;
	(pc) =	sbr.rel @!p0 .LBB2_20-.Ltmp16, $1  }
0x2a0: {  	_ =	sdelay $0x3  }
0x2a1: {  	v7 =	vld [tilespmem:s30+$0xFFFFFF80]  }
0x2a2: {  	v8 =	vld [tilespmem:s30+$0xFFFFFF90]  }
0x2a3: {  	v9 =	vld [tilespmem:s30+$0xFFFFFFA0]  }
0x2a4: {  	s0 =	sadd.s32 $0xFFFFFF10, s26;
	v10 =	vld [tilespmem:s30+$0xFFFFFFB0]  }
0x2a5: {  	s31 =	sadd.s32 $0xFFFFFF20, s26;
	v12 =	vld [tilespmem:s30+$0xFFFFFFC0];
	v11 =	vor.u32 s0, v0  }
0x2a6: {  	v35 =	vld [tilespmem:s30+$0xFFFFFFD0];
	(xrf1) =	vsort.dscd.msk.f32 $0xffff, v7, v11;
	v7 =	vor.u32 s31, v0;
	s31 =	sadd.s32 $0xFFFFFF30, s26  }
0x2a7: {  	(xrf1) =	vsort.dscd.msk.f32 $0xffff, v8, v7;
	v7 =	vor.u32 s31, v0;
	s31 =	sadd.s32 $0xFFFFFF40, s26;
	v8 =	vld [tilespmem:s30+$0xFFFFFFE0]  }
0x2a8: {  	v36 =	vld [tilespmem:s30+$0xFFFFFFF0];
	(xrf1) =	vsort.dscd.msk.f32 $0xffff, v9, v7;
	v7 =	vor.u32 s31, v0;
	s31 =	sadd.s32 $0xFFFFFF50, s26  }
0x2a9: {  	v37 =	vld [tilespmem:s30+$0x0];
	(xrf1) =	vsort.dscd.msk.f32 $0xffff, v10, v7;
	v7 =	vor.u32 s31, v0;
	s31 =	sadd.s32 $0xFFFFFF60, s26  }
0x2aa: {  	v38 =	vld [tilespmem:s30+$0x10];
	(xrf1) =	vsort.dscd.msk.f32 $0xffff, v12, v7;
	v7 =	vor.u32 s31, v0;
	s31 =	sadd.s32 $0xFFFFFF70, s26  }
0x2ab: {  	v39 =	vld [tilespmem:s30+$0x20];
	(xrf1) =	vsort.dscd.msk.f32 $0xffff, v35, v7;
	v7 =	vor.u32 s31, v0;
	s31 =	sadd.s32 $0xFFFFFF80, s26  }
0x2ac: {  	(xrf1) =	vsort.dscd.msk.f32 $0xffff, v8, v7;
	v7 =	vor.u32 s31, v0;
	s31 =	sadd.s32 $0xFFFFFF90, s26;
	v8 =	vld [tilespmem:s30+$0x30]  }
0x2ad: {  	v40 =	vld [tilespmem:s30+$0x40];
	(xrf1) =	vsort.dscd.msk.f32 $0xffff, v36, v7;
	v7 =	vor.u32 s31, v0;
	s31 =	sadd.s32 $0xFFFFFFA0, s26  }
0x2ae: {  	v41 =	vld [tilespmem:s30+$0x50];
	(xrf1) =	vsort.dscd.msk.f32 $0xffff, v37, v7;
	v7 =	vor.u32 s31, v0;
	s31 =	sadd.s32 $0xFFFFFFB0, s26  }
0x2af: {  	v42 =	vld [tilespmem:s30+$0x60];
	(xrf1) =	vsort.dscd.msk.f32 $0xffff, v38, v7;
	v7 =	vor.u32 s31, v0;
	s31 =	sadd.s32 $0xFFFFFFC0, s26  }
0x2b0: {  	v43 =	vld [tilespmem:s30+$0x70];
	(xrf1) =	vsort.dscd.msk.f32 $0xffff, v39, v7;
	v7 =	vor.u32 s31, v0;
	s31 =	sadd.s32 $0xFFFFFFD0, s26  }
0x2b1: {  	(xrf1) =	vsort.dscd.msk.f32 $0xffff, v8, v7;
	v7 =	vor.u32 s31, v0;
	s31 =	sadd.s32 $0xFFFFFFE0, s26  }
0x2b2: {  	v8 =	vmul.u32 $0xFFFFFFFF, v0;
	(xrf1) =	vsort.dscd.msk.f32 $0xffff, v40, v7;
	v7 =	vor.u32 s31, v0;
	s31 =	sadd.s32 $0xFFFFFFF0, s26  }
0x2b3: {  	(xrf1) =	vsort.dscd.msk.f32 $0xffff, v41, v7;
	v7 =	vor.u32 s31, v0  }
0x2b4: {  	v44, v45, _ =	vpop (xrf1);
	(xrf1) =	vsort.dscd.msk.f32 $0xffff, v42, v7;
	v7 =	vor.u32 s26, v0  }
0x2b5: {  	v46, v13, _ =	vpop (xrf1);
	(xrf1) =	vsort.dscd.msk.f32 $0xffff, v43, v7  }
0x2b6: {  	v7 =	vadd.s32 $0xF, v8;
	v8, v47, _ =	vpop (xrf1)  }
0x2b7: {  	v12 =	vperm.xlane v46, v7;
	v14, v15, _ =	vpop (xrf1)  }
0x2b8: {  	v13 =	vperm.xlane v13, v7;
	v16, v17, _ =	vpop (xrf1);
	v14 =	vperm.xlane v14, v7  }
0x2b9: {  	vm5 =	vge.f32 v44, v12;
	v48 =	vperm.xlane v15, v7;
	v18, v19, _ =	vpop (xrf1)  }
0x2ba: {  	v9 =	vsel vm5, v44, v12;
	v10 =	vsel vm5, v45, v13;
	v49, v20, _ =	vpop (xrf1);
	vm5 =	vge.f32 v8, v14  }
0x2bb: {  	v50 =	vperm.xlane v18, v7;
	(xrf1) =	vsort.dscd.msk.f32 $0xffff, v9, v10;
	v55 =	vperm.xlane v19, v7;
	v51, v21, _ =	vpop (xrf1)  }
0x2bc: {  	v8 =	vsel vm5, v8, v14;
	v52 =	vsel vm5, v47, v48;
	v53, v54, _ =	vpop (xrf1);
	v56 =	vperm.xlane v51, v7  }
0x2bd: {  	vm5 =	vge.f32 v16, v50;
	(xrf1) =	vsort.dscd.msk.f32 $0xffff, v8, v52;
	v59 =	vperm.xlane v21, v7;
	v58, v57, _ =	vpop (xrf1)  }
0x2be: {  	v8 =	vsel vm5, v16, v50;
	v12 =	vsel vm5, v17, v55;
	v13, v16, _ =	vpop (xrf1);
	vm5 =	vge.f32 v49, v56  }
0x2bf: {  	v60 =	vperm.xlane v58, v7;
	(xrf1) =	vsort.dscd.msk.f32 $0xffff, v8, v12;
	v25 =	vperm.xlane v57, v7;
	v62, v61, _ =	vpop (xrf1)  }
0x2c0: {  	v8 =	vsel vm5, v49, v56;
	v9 =	vsel vm5, v20, v59;
	v63, v24, _ =	vpop (xrf1);
	v18 =	vperm.xlane v62, v7  }
0x2c1: {  	vm5 =	vge.f32 v53, v60;
	(xrf1) =	vsort.dscd.msk.f32 $0xffff, v8, v9;
	v30 =	vperm.xlane v61, v7;
	v27, v26, _ =	vpop (xrf1)  }
0x2c2: {  	v8 =	vsel vm5, v53, v60;
	v11 =	vsel vm5, v54, v25;
	v28, v29, _ =	vpop (xrf1);
	vm5 =	vge.f32 v13, v18  }
0x2c3: {  	(xrf1) =	vsort.dscd.msk.f32 $0xffff, v8, v11;
	v33 =	vperm.xlane v27, v7;
	v35 =	vperm.xlane v26, v7;
	v31, v32, _ =	vpop (xrf1)  }
0x2c4: {  	v8 =	vsel vm5, v13, v18;
	v34 =	vsel vm5, v16, v30;
	v36 =	vperm.xlane v31, v7  }
0x2c5: {  	(xrf1) =	vsort.dscd.msk.f32 $0xffff, v8, v34;
	vm5 =	vge.f32 v63, v33;
	v8 =	vperm.xlane v32, v7  }
0x2c6: {  	v11 =	vsel vm5, v63, v33;
	v37 =	vsel vm5, v24, v35;
	vm5 =	vge.f32 v28, v36  }
0x2c7: {  	(xrf1) =	vsort.dscd.msk.f32 $0xffff, v11, v37;
	v9 =	vsel vm5, v28, v36;
	v8 =	vsel vm5, v29, v8  }
0x2c8: {  	(xrf1) =	vsort.dscd.msk.f32 $0xffff, v9, v8;
	_ =	sdelay $0x6  }
0x2c9: {  	v8, v9, _ =	vpop (xrf1)  }
0x2ca: {  	v39, v38, _ =	vpop (xrf1)  }
0x2cb: {  	v41, v40, _ =	vpop (xrf1)  }
0x2cc: {  	v10 =	vperm.xlane v39, v7;
	v14, v15, _ =	vpop (xrf1)  }
0x2cd: {  	v11 =	vperm.xlane v38, v7;
	v14 =	vperm.xlane v14, v7;
	v42, v17, _ =	vpop (xrf1)  }
0x2ce: {  	vm5 =	vge.f32 v8, v10;
	v47 =	vperm.xlane v15, v7;
	v43, v44, _ =	vpop (xrf1)  }
0x2cf: {  	v8 =	vsel vm5, v8, v10;
	v9 =	vsel vm5, v9, v11;
	vm5 =	vge.f32 v41, v14;
	v46, v45, _ =	vpop (xrf1)  }
0x2d0: {  	(xrf1) =	vsort.dscd.msk.f32 $0xffff, v8, v9;
	v8 =	vsel vm5, v41, v14;
	v50 =	vperm.xlane v43, v7;
	v49, v48, _ =	vpop (xrf1)  }
0x2d1: {  	v11 =	vsel vm5, v40, v47;
	v51 =	vperm.xlane v44, v7;
	v52 =	vperm.xlane v49, v7  }
0x2d2: {  	(xrf1) =	vsort.dscd.msk.f32 $0xffff, v8, v11;
	vm5 =	vge.f32 v42, v50;
	v8 =	vperm.xlane v48, v7  }
0x2d3: {  	v9 =	vsel vm5, v42, v50;
	v53 =	vsel vm5, v17, v51;
	vm5 =	vge.f32 v46, v52  }
0x2d4: {  	(xrf1) =	vsort.dscd.msk.f32 $0xffff, v9, v53;
	v54 =	vsel vm5, v46, v52;
	v8 =	vsel vm5, v45, v8  }
0x2d5: {  	(xrf1) =	vsort.dscd.msk.f32 $0xffff, v54, v8;
	_ =	sdelay $0xa  }
0x2d6: {  	v8, v9, _ =	vpop (xrf1)  }
0x2d7: {  	v56, v55, _ =	vpop (xrf1)  }
0x2d8: {  	v57, v58, _ =	vpop (xrf1)  }
0x2d9: {  	v10 =	vperm.xlane v56, v7;
	v59, v60, _ =	vpop (xrf1)  }
0x2da: {  	v11 =	vperm.xlane v55, v7;
	v14 =	vperm.xlane v59, v7  }
0x2db: {  	vm5 =	vge.f32 v8, v10;
	v15 =	vperm.xlane v60, v7  }
0x2dc: {  	v8 =	vsel vm5, v8, v10;
	v9 =	vsel vm5, v9, v11;
	vm5 =	vge.f32 v57, v14  }
0x2dd: {  	(xrf1) =	vsort.dscd.msk.f32 $0xffff, v8, v9;
	v8 =	vsel vm5, v57, v14;
	v61 =	vsel vm5, v58, v15  }
0x2de: {  	(xrf1) =	vsort.dscd.msk.f32 $0xffff, v8, v61;
	_ =	sdelay $0xc  }
0x2df: {  	v8, v9, _ =	vpop (xrf1)  }
0x2e0: {  	v62, v63, _ =	vpop (xrf1)  }
0x2e1: {  	v10 =	vperm.xlane v62, v7  }
0x2e2: {  	v11 =	vperm.xlane v63, v7  }
0x2e3: {  	vm5 =	vge.f32 v8, v10  }
0x2e4: {  	v8 =	vsel vm5, v8, v10;
	v9 =	vsel vm5, v9, v11  }
0x2e5: {  	(xrf1) =	vsort.dscd.msk.f32 $0xffff, v8, v9;
	_ =	sdelay $0xd  }
0x2e6: {  	v8, v9, _ =	vpop (xrf1)  }
0x2e7: {  	v8 =	vperm.xlane v8, v7  }
0x2e8: {  	v7 =	vperm.xlane v9, v7  }
0x2e9: {  	vm5 =	vge.f32 v5, v8  }
0x2ea: {  	v5 =	vsel vm5, v5, v8;
	v4 =	vsel vm5, v4, v7  }
0x2eb: {  	(xrf1) =	vsort.dscd.msk.f32 $0xffff, v5, v4;
	_ =	sdelay $0xd  }
0x2ec: {  	v5, v4, _ =	vpop (xrf1)  }
0x2ed: {  	v7 =	vnsel vm0, $0x7F7FC99E, v5  }
0x2ee: {  	(xrf0) =	vmin.scan.msk.f32 $0xffff, v7;
	_ =	sdelay $0x5  }
0x2ef: {  	v7, _, _ =	vpop (xrf0)  }
0x2f0: {  	(v2sf) =	vpush v7, $0xF;
	_ =	sdelay $0xb  }
.Ltmp17:
0x2f1: {  	_ = 	snop;
	(pc) =	sbr.rel .LBB2_20-.Ltmp17, $3  }
0x2f2: {  	_ =	sdelay $0x1  }
0x2f3: {  	s31 =	spop (v2sf)  }
0x2f4: {  	s25 =	smax.f32 s25, s31  }
.LBB2_21:
0x2f5: {  	(xrf2) =	vadd.scan.msk.f32 $0xffff, v6;
	_ =	sdelay $0x9  }
0x2f6: {  	v6, _, _ =	vpop (xrf2)  }
0x2f7: {  	v6 =	vadd.f32 $0.0e+00, v6;
	_ =	sdelay $0x1  }
0x2f8: {  	v6 =	vbroadcast v6, $0xF;
	_ =	sdelay $0x1  }
0x2f9: {  	v7 =	vcvt.s32.f32 v6;
	_ =	sdelay $0x1  }
0x2fa: {  	v7 =	vmul.f32 $1.192092900e-07, v7;
	_ =	sdelay $0x1  }
0x2fb: {  	v7 =	vadd.f32 $-1.269426960e+02, v7;
	_ =	sdelay $0x1  }
0x2fc: {  	v7 =	vmul.f32 $6.931471820e-01, v7;
	_ =	sdelay $0x1  }
0x2fd: {  	v8 =	vsub.f32 $0.0e+00, v7;
	_ =	sdelay $0x1  }
0x2fe: {  	v8 =	vmul.f32 $1.442695020e+00, v8;
	_ =	sdelay $0x1  }
0x2ff: {  	(erf) = vpow2.f32 v8;
	_ =	sdelay $0x8  }
0x300: {  	v8 =	vpop (erf)  }
0x301: {  	v8 =	vmul.f32 v8, v6;
	_ =	sdelay $0x1  }
0x302: {  	v7 =	vadd.f32 v8, v7;
	_ =	sdelay $0x1  }
0x303: {  	v7 =	vadd.f32 $-1.000000000e+00, v7;
	_ =	sdelay $0x1  }
0x304: {  	v8 =	vsub.f32 $0.0e+00, v7;
	_ =	sdelay $0x1  }
0x305: {  	v8 =	vmul.f32 $1.442695020e+00, v8;
	_ =	sdelay $0x1  }
0x306: {  	(erf) = vpow2.f32 v8;
	_ =	sdelay $0x8  }
0x307: {  	v8 =	vpop (erf)  }
0x308: {  	v8 =	vmul.f32 v8, v6;
	_ =	sdelay $0x1  }
0x309: {  	v7 =	vadd.f32 v8, v7;
	_ =	sdelay $0x1  }
0x30a: {  	v7 =	vadd.f32 $-1.000000000e+00, v7;
	_ =	sdelay $0x1  }
0x30b: {  	v8 =	vsub.f32 $0.0e+00, v7;
	_ =	sdelay $0x1  }
0x30c: {  	v8 =	vmul.f32 $1.442695020e+00, v8;
	_ =	sdelay $0x1  }
0x30d: {  	(erf) = vpow2.f32 v8;
	_ =	sdelay $0x3  }
0x30e: {  	v8 =	vnsel vm3, $0xFF7FC99E, v2  }
0x30f: {  	(xrf0) =	vmax.scan.msk.f32 $0xffff, v8;
	_ =	sdelay $0x3  }
0x310: {  	v8 =	vpop (erf)  }
0x311: {  	v6 =	vmul.f32 v8, v6  }
0x312: {  	v8, _, _ =	vpop (xrf0)  }
0x313: {  	v6 =	vadd.f32 v6, v7;
	v7 =	vbroadcast v8, $0xF;
	_ =	sdelay $0x1  }
0x314: {  	v6 =	vadd.f32 $-1.000000000e+00, v6;
	v5 =	vadd.f32 v5, v7;
	_ =	sdelay $0x1  }
0x315: {  	v5 =	vsub.f32 v5, v6  }
0x316: {  	s0 =	simm.s32 $0x18090  }
0x317: {  	s26 =	simm.s32 $0x18110;
	[tilespmem:s0+$0x0] =	vst.msk $0xff, v5  }
0x318: {  	[tilespmem:s26+$0x0] =	vst.msk $0xff, v4  }
0x319: {  	_ =	swait.ge [sflag:s28], $0x8000  }
0x31a: {  	[sflag:s28] =	ssyncset.done $0x0  }
0x31b: {  	[sflag:s28] =	ssyncadd.s32 $0xFFFF8000  }
0x31c: {  	[tilespmem:v3+s23+$0x0] =	vst.idx.msk $0xff, v1  }
0x31d: {  	[tilespmem:v4+s23+$0x0] =	vst.idx.msk $0xff, v5  }
0x31e: {  	[hbm4b:s10+s15] =	stream.strided.scatter [tilespmem:s23], [sflag:$0x3], $0x8000, s16, s15, $0x38;
	[tilespmem:$0x18180] =	vst v63  }
0x31f: {  	_ =	swait.ge [sflag:s24], $0x8000  }
0x320: {  	[sflag:s24] =	ssyncset.done $0x0  }
0x321: {  	s31 =	simm.s32 $0x8080;
	[sflag:s24] =	ssyncadd.s32 $0xFFFF8000  }
0x322: {  	v5 =	vld [tilespmem:s31+$0xFFFFFF80]  }
0x323: {  	v6 =	vld [tilespmem:s31+$0xFFFFFF90]  }
0x324: {  	v7 =	vld [tilespmem:s31+$0xFFFFFFA0]  }
0x325: {  	v8 =	vld [tilespmem:s31+$0xFFFFFFB0]  }
0x326: {  	v9 =	vld [tilespmem:s31+$0xFFFFFFC0]  }
0x327: {  	v10 =	vld [tilespmem:s31+$0xFFFFFFD0];
	v3 =	vmul.f32 $1.442695020e+00, v5  }
0x328: {  	v13 =	vld [tilespmem:s31+$0xFFFFFFF0];
	v12 =	vmul.f32 $1.442695020e+00, v6  }
0x329: {  	v11 =	vld [tilespmem:s31+$0xFFFFFFE0];
	v14 =	vmul.f32 $1.442695020e+00, v7;
	(erf) = vpow2.f32 v3  }
0x32a: {  	v15 =	vld [tilespmem:s31+$0x0];
	(erf) = vpow2.f32 v12  }
0x32b: {  	v3 =	vmul.f32 $1.442695020e+00, v8;
	(erf) = vpow2.f32 v14;
	v14 =	vld [tilespmem:s31+$0x20]  }
0x32c: {  	v16 =	vmul.f32 $1.442695020e+00, v9;
	v17 =	vmul.f32 $1.442695020e+00, v10;
	v12 =	vld [tilespmem:s31+$0x10]  }
0x32d: {  	v18 =	vld [tilespmem:s31+$0x30];
	v19 =	vmul.f32 $1.442695020e+00, v13;
	(erf) = vpow2.f32 v3  }
0x32e: {  	v21 =	vld [tilespmem:s31+$0x60];
	v3 =	vmul.f32 $1.442695020e+00, v11;
	(erf) = vpow2.f32 v16  }
0x32f: {  	v20 =	vmul.f32 $1.442695020e+00, v15;
	v16 =	vld [tilespmem:s31+$0x40];
	(erf) = vpow2.f32 v17  }
0x330: {  	v5 =	vmax.f32 v5, v6;
	v17 =	vld [tilespmem:s31+$0x50];
	(erf) = vpow2.f32 v3;
	v23 =	vmul.f32 $1.442695020e+00, v14  }
0x331: {  	v6 =	vmax.f32 v7, v8;
	v22 =	vmul.f32 $1.442695020e+00, v12;
	(erf) = vpow2.f32 v19;
	v19 =	vld [tilespmem:s31+$0x70]  }
0x332: {  	v7 =	vmax.f32 v9, v10;
	v8 =	vmax.f32 v11, v13;
	(erf) = vpow2.f32 v20  }
0x333: {  	v5 =	vmax.f32 v5, v6;
	v7 =	vmax.f32 v7, v8;
	(erf) = vpow2.f32 v22  }
0x334: {  	s25 =	simm.s32 $0x8180;
	v9 =	vmax.f32 v15, v12;
	v11 =	vmax.f32 v14, v18;
	(erf) = vpow2.f32 v23;
	v23 =	vpop (erf)  }
0x335: {  	v6 =	vld [tilespmem:s25+$0xFFFFFF80];
	v5 =	vmax.f32 v5, v7;
	v20 =	vmul.f32 $1.442695020e+00, v18;
	v8 =	vmax.f32 v9, v11;
	v10 =	vpop (erf)  }
0x336: {  	v22 =	vmul.f32 $1.442695020e+00, v16;
	v12 =	vmax.f32 v16, v17;
	v13 =	vmax.f32 v21, v19;
	v14 =	vpop (erf)  }
0x337: {  	v7 =	vld [tilespmem:s25+$0xFFFFFF90];
	v16 =	vmul.f32 $1.442695020e+00, v21;
	v11 =	vmax.f32 v12, v13;
	v12 =	vmul.f32 $1.442695020e+00, v17;
	v9 =	vpop (erf)  }
0x338: {  	v18 =	vmul.f32 $1.442695020e+00, v19;
	(erf) = vpow2.f32 v20;
	v11 =	vmax.f32 v8, v11;
	v8 =	vld [tilespmem:s25+$0xFFFFFFA0];
	v15 =	vpop (erf)  }
0x339: {  	v10 =	vadd.f32 v10, v23;
	(erf) = vpow2.f32 v22;
	v19 =	vmax.f32 v5, v11;
	v11 =	vld [tilespmem:s25+$0xFFFFFFB0];
	v17 =	vpop (erf)  }
0x33a: {  	v13 =	vld [tilespmem:s25+$0xFFFFFFC0];
	v20 =	vmul.f32 $1.442695020e+00, v6;
	v9 =	vadd.f32 v9, v14;
	(erf) = vpow2.f32 v12;
	(xrf0) =	vmax.scan.msk.f32 $0xffff, v19;
	v5 =	vpop (erf)  }
0x33b: {  	v14 =	vld [tilespmem:s25+$0xFFFFFFD0];
	(erf) = vpow2.f32 v16;
	v17 =	vadd.f32 v17, v15;
	v12 =	vpop (erf)  }
0x33c: {  	(erf) = vpow2.f32 v18;
	v9 =	vadd.f32 v9, v10;
	v5 =	vadd.f32 v12, v5  }
0x33d: {  	v15 =	vld [tilespmem:s25+$0xFFFFFFE0];
	v12 =	vmul.f32 $1.442695020e+00, v7;
	v18 =	vpop (erf);
	v10 =	vmul.f32 $1.442695020e+00, v8  }
0x33e: {  	v23 =	vld [tilespmem:s25+$0x20];
	(erf) = vpow2.f32 v20;
	v20 =	vpop (erf);
	v21 =	vmul.f32 $1.442695020e+00, v11;
	v5 =	vadd.f32 v5, v17  }
0x33f: {  	v16 =	vld [tilespmem:s25+$0xFFFFFFF0];
	(erf) = vpow2.f32 v12;
	v26 =	vadd.f32 v20, v18;
	v20 =	vmul.f32 $1.442695020e+00, v13  }
0x340: {  	v17 =	vld [tilespmem:s25+$0x0];
	(erf) = vpow2.f32 v10;
	v10 =	vmul.f32 $1.442695020e+00, v14;
	v5 =	vadd.f32 v5, v9;
	v9, _, _ =	vpop (xrf0)  }
0x341: {  	v18 =	vld [tilespmem:s25+$0x10];
	(v2sf) =	vpush v9, $0xF  }
0x342: {  	v25 =	vmul.f32 $1.442695020e+00, v15;
	v12 =	vpop (erf);
	(erf) = vpow2.f32 v21  }
0x343: {  	v24 =	vimm.f32 $-3.399999950e+38;
	v28 =	vmul.f32 $1.442695020e+00, v23;
	v21 =	vld [tilespmem:s25+$0x30];
	(erf) = vpow2.f32 v20;
	v20 =	vpop (erf)  }
0x344: {  	v22 =	vld [tilespmem:s25+$0x40];
	v9 =	vmax.f32 v24, v19;
	v24 =	vmul.f32 $1.442695020e+00, v16;
	(erf) = vpow2.f32 v10;
	v10 =	vpop (erf)  }
0x345: {  	v19 =	vld [tilespmem:s25+$0x50];
	v29 =	vadd.f32 v20, v12;
	v30 =	vmul.f32 $1.442695020e+00, v17;
	(erf) = vpow2.f32 v25;
	v12 =	vpop (erf)  }
0x346: {  	v3 =	vimm.f32 $0.0e+00;
	v20 =	vld [tilespmem:s25+$0x60];
	v27 =	vmul.f32 $1.442695020e+00, v18;
	(erf) = vpow2.f32 v24;
	v25 =	vpop (erf)  }
0x347: {  	s29 =	simm.s32 $0x4;
	s30 =	simm.s32 $0x8;
	s26 =	simm.s32 $0x0;
	v24 =	vld [tilespmem:s25+$0x70];
	v12 =	vadd.f32 v12, v10;
	(erf) = vpow2.f32 v30;
	v10 =	vadd.f32 v29, v26;
	v26 =	vpop (erf)  }
.LBB2_22:
0x348: {  	p0 =	sne.s32 s30, $0x1FC;
	v29 =	vmul.f32 $1.442695020e+00, v21;
	v30 =	vpop (erf);
	(erf) = vpow2.f32 v27;
	v25 =	vadd.f32 v26, v25  }
0x349: {  	v26 =	vmul.f32 $1.442695020e+00, v22;
	v27 =	vpop (erf);
	(erf) = vpow2.f32 v28  }
0x34a: {  	v6 =	vmax.f32 v6, v7;
	v7 =	vmax.f32 v8, v11;
	v8 =	vmax.f32 v13, v14;
	v11 =	vpop (erf)  }
0x34b: {  	v13 =	vmax.f32 v15, v16;
	v14 =	vmax.f32 v17, v18;
	v23 =	vmax.f32 v23, v21;
	v16 =	vpop (erf)  }
0x34c: {  	v7 =	vmax.f32 v6, v7;
	v17 =	vmax.f32 v22, v19;
	v18 =	vmax.f32 v20, v24;
	v21 =	vpop (erf)  }
0x34d: {  	s25 =	sadd.s32 $0x100, s25;
	v8 =	vmax.f32 v8, v13;
	v23 =	vmax.f32 v14, v23;
	v18 =	vmax.f32 v17, v18;
	v15 =	vpop (erf)  }
0x34e: {  	v8 =	vmax.f32 v7, v8;
	v17 =	vmul.f32 $1.442695020e+00, v19;
	v6 =	vld [tilespmem:s25+$0xFFFFFF80];
	v22 =	vmax.f32 v23, v18;
	v14 =	vpop (erf)  }
0x34f: {  	v19 =	vmul.f32 $1.442695020e+00, v24;
	v18 =	vmul.f32 $1.442695020e+00, v20;
	v7 =	vld [tilespmem:s25+$0xFFFFFF90];
	v20 =	vmax.f32 v8, v22;
	v13 =	vpop (erf)  }
0x350: {  	s0 =	sshra.s32 s26, $0x2;
	s26 =	smov.u32 s29;
	v16 =	vadd.f32 v16, v11;
	v22 =	vadd.f32 v27, v30;
	v8 =	vld [tilespmem:s25+$0xFFFFFFA0];
	v23 =	vpop (erf);
	(erf) = vpow2.f32 v29;
	(xrf0) =	vmax.scan.msk.f32 $0xffff, v20;
	s31 =	spop (v2sf)  }
0x351: {  	s29 =	smov.u32 s30;
	v15 =	vadd.f32 v15, v21;
	v21 =	vadd.f32 v13, v14;
	v11 =	vld [tilespmem:s25+$0xFFFFFFB0];
	v14 =	vpop (erf);
	(erf) = vpow2.f32 v26;
	[smem:s0] =	sst s31  }
0x352: {  	v22 =	vadd.f32 v16, v22;
	v13 =	vld [tilespmem:s25+$0xFFFFFFC0];
	v26 =	vadd.f32 v14, v23;
	v24 =	vpop (erf);
	(erf) = vpow2.f32 v17  }
0x353: {  	v21 =	vadd.f32 v21, v15;
	v14 =	vld [tilespmem:s25+$0xFFFFFFD0];
	v17 =	vmul.f32 $1.442695020e+00, v6;
	(erf) = vpow2.f32 v18  }
0x354: {  	v12 =	vadd.f32 v25, v12;
	v15 =	vld [tilespmem:s25+$0xFFFFFFE0];
	v18 =	vmul.f32 $1.442695020e+00, v7;
	(erf) = vpow2.f32 v19  }
0x355: {  	v21 =	vadd.f32 v21, v22;
	v16 =	vld [tilespmem:s25+$0xFFFFFFF0];
	v19 =	vmul.f32 $1.442695020e+00, v8;
	(erf) = vpow2.f32 v17  }
0x356: {  	v10 =	vadd.f32 v12, v10;
	v17 =	vld [tilespmem:s25+$0x0];
	v22 =	vmul.f32 $1.442695020e+00, v11;
	(erf) = vpow2.f32 v18;
	v23, _, _ =	vpop (xrf0)  }
0x357: {  	v18 =	vld [tilespmem:s25+$0x10];
	v27 =	vmul.f32 $1.442695020e+00, v13;
	(erf) = vpow2.f32 v19;
	(v2sf) =	vpush v23, $0xF  }
0x358: {  	v10 =	vadd.f32 v10, v5;
	v5 =	vmovc v21;
	v23 =	vld [tilespmem:s25+$0x20];
	v19 =	vmul.f32 $1.442695020e+00, v14;
	(erf) = vpow2.f32 v22  }
.Ltmp18:
0x359: {  	v9 =	vmax.f32 v9, v20;
	v21 =	vld [tilespmem:s25+$0x30];
	v31 =	vmul.f32 $1.442695020e+00, v15;
	(erf) = vpow2.f32 v27;
	v12 =	vpop (erf);
	(pc) =	sbr.rel @p0 .LBB2_22-.Ltmp18, $4  }
0x35a: {  	v22 =	vld [tilespmem:s25+$0x40];
	v28 =	vmul.f32 $1.442695020e+00, v16;
	(erf) = vpow2.f32 v19;
	v29 =	vadd.f32 v12, v24;
	v12 =	vpop (erf)  }
0x35b: {  	v3 =	vadd.f32 v10, v3;
	v19 =	vld [tilespmem:s25+$0x50];
	v30 =	vmul.f32 $1.442695020e+00, v17;
	(erf) = vpow2.f32 v31;
	v24 =	vpop (erf)  }
0x35c: {  	v20 =	vld [tilespmem:s25+$0x60];
	v27 =	vmul.f32 $1.442695020e+00, v18;
	(erf) = vpow2.f32 v28;
	v12 =	vadd.f32 v24, v12;
	v25 =	vpop (erf)  }
0x35d: {  	s30 =	sadd.s32 $0x4, s30;
	v10 =	vadd.f32 v29, v26;
	v24 =	vld [tilespmem:s25+$0x70];
	v28 =	vmul.f32 $1.442695020e+00, v23;
	(erf) = vpow2.f32 v30;
	v26 =	vpop (erf)  }
0x35e: {  	_ =	sdelay $0x1  }
0x35f: {  	v6 =	vmax.f32 v6, v7;
	v7 =	vmax.f32 v8, v11;
	v8 =	vmax.f32 v13, v14  }
0x360: {  	v36 =	vmax.f32 v15, v16;
	v37 =	vmax.f32 v17, v18;
	v38 =	vmax.f32 v23, v21  }
0x361: {  	v6 =	vmax.f32 v6, v7;
	v39 =	vmax.f32 v22, v19;
	v40 =	vmax.f32 v20, v24  }
0x362: {  	v7 =	vmax.f32 v8, v36;
	v8 =	vmax.f32 v37, v38;
	v41 =	vmax.f32 v39, v40  }
0x363: {  	v6 =	vmax.f32 v6, v7;
	v7 =	vmax.f32 v8, v41  }
0x364: {  	v6 =	vmax.f32 v6, v7  }
0x365: {  	v7 =	vmax.f32 v9, v6  }
0x366: {  	(xrf1) =	vsort.dscd.msk.f32 $0xffff, v7, v0;
	_ =	sdelay $0xa  }
0x367: {  	(xrf0) =	vmax.scan.msk.f32 $0xffff, v6;
	_ =	sdelay $0x1  }
0x368: {  	v6 =	vpop (erf)  }
0x369: {  	v8, _, _ =	vpop (xrf1)  }
0x36a: {  	v7 =	vpop (erf);
	v8 =	vnsel vm0, $0x7F7FC99E, v8  }
0x36b: {  	v42 =	vmul.f32 $1.442695020e+00, v21;
	(erf) = vpow2.f32 v27;
	v43 =	vpop (erf)  }
0x36c: {  	v44 =	vmul.f32 $1.442695020e+00, v22;
	(erf) = vpow2.f32 v28;
	v45, _, _ =	vpop (xrf0);
	(xrf0) =	vmin.scan.msk.f32 $0xffff, v8  }
0x36d: {  	v46 =	vmul.f32 $1.442695020e+00, v19;
	v8 =	vpop (erf);
	(erf) = vpow2.f32 v42  }
0x36e: {  	v48 =	vmul.f32 $1.442695020e+00, v20;
	v47 =	vpop (erf);
	(erf) = vpow2.f32 v44  }
0x36f: {  	v50 =	vmul.f32 $1.442695020e+00, v24;
	v49 =	vpop (erf);
	(erf) = vpow2.f32 v46  }
0x370: {  	v51 =	vpop (erf);
	(erf) = vpow2.f32 v48  }
0x371: {  	v52 =	vpop (erf);
	(erf) = vpow2.f32 v50  }
0x372: {  	v53, _, _ =	vpop (xrf0)  }
0x373: {  	v54 =	vpop (erf)  }
0x374: {  	v6 =	vadd.f32 v7, v6;
	(v2sf) =	vpush v45, $0xF;
	v55 =	vpop (erf)  }
0x375: {  	v7 =	vadd.f32 v8, v43;
	(v2sf) =	vpush v53, $0xF;
	v56 =	vpop (erf)  }
0x376: {  	v57 =	vadd.f32 v26, v25;
	v58 =	vpop (erf)  }
0x377: {  	v8 =	vpop (erf)  }
0x378: {  	v12 =	vadd.f32 v57, v12;
	v9 =	vadd.f32 v49, v47;
	v60 =	vpop (erf)  }
0x379: {  	v6 =	vadd.f32 v7, v6;
	v59 =	vadd.f32 v52, v51;
	v7 =	vpop (erf)  }
0x37a: {  	v14 =	vadd.f32 v55, v54;
	v61 =	vadd.f32 v58, v56;
	v62 =	vpop (erf)  }
0x37b: {  	v8 =	vadd.f32 v60, v8;
	v7 =	vadd.f32 v62, v7  }
0x37c: {  	v10 =	vadd.f32 v12, v10;
	v9 =	vadd.f32 v59, v9  }
0x37d: {  	v63 =	vadd.f32 v61, v14;
	v7 =	vadd.f32 v7, v8  }
0x37e: {  	v5 =	vadd.f32 v10, v5  }
0x37f: {  	v6 =	vadd.f32 v9, v6;
	v7 =	vadd.f32 v7, v63  }
.Ltmp19:
0x380: {  	_ = 	snop;
	(pc) =	sbr.rel .LBB2_24-.Ltmp19, $4  }
0x381: {  	s25 =	sshra.s32 s26, $0x2;
	v3 =	vadd.f32 v5, v3;
	v5 =	vadd.f32 v7, v6  }
0x382: {  	s31 =	sshra.s32 s29, $0x2;
	s29 =	simm.s32 $0x0;
	s0 =	spop (v2sf)  }
0x383: {  	s30 =	simm.s32 $0x8080;
	[smem:s25] =	sst s0;
	s26 =	spop (v2sf);
	v6 =	vadd.f32 v5, v3  }
0x384: {  	[smem:s31] =	sst s26;
	s26 =	simm.s32 $0xF0;
	s25 =	spop (v2sf);
	v5 =	vimm.f32 $-3.399999950e+38;
	v3 =	vimm.s32 $0x0  }
.LBB2_26:
0x385: {  	s26 =	sadd.s32 $0x100, s26  }
0x386: {  	p0 =	sne.s32 s26, $0x80F0  }
.Ltmp20:
0x387: {  	_ = 	snop;
	(pc) =	sbr.rel @!p0 .LBB2_27-.Ltmp20, $2  }
0x388: {  	_ =	sdelay $0x2  }
0x389: {  	s29 =	sadd.s32 $0x1, s29;
	s30 =	sadd.s32 $0x100, s30  }
.LBB2_24:
0x38a: {  	s0 =	sld [smem:s29+$0x0];
	_ =	sdelay $0x2  }
0x38b: {  	p0 =	sge.f32 s0, s25  }
.Ltmp21:
0x38c: {  	_ = 	snop;
	(pc) =	sbr.rel @!p0 .LBB2_26-.Ltmp21, $1  }
0x38d: {  	_ =	sdelay $0x3  }
0x38e: {  	v7 =	vld [tilespmem:s30+$0xFFFFFF80]  }
0x38f: {  	v8 =	vld [tilespmem:s30+$0xFFFFFF90]  }
0x390: {  	v9 =	vld [tilespmem:s30+$0xFFFFFFA0]  }
0x391: {  	s0 =	sadd.s32 $0xFFFFFF10, s26;
	v10 =	vld [tilespmem:s30+$0xFFFFFFB0]  }
0x392: {  	s31 =	sadd.s32 $0xFFFFFF20, s26;
	v12 =	vld [tilespmem:s30+$0xFFFFFFC0];
	v11 =	vor.u32 s0, v0  }
0x393: {  	v35 =	vld [tilespmem:s30+$0xFFFFFFD0];
	(xrf1) =	vsort.dscd.msk.f32 $0xffff, v7, v11;
	v7 =	vor.u32 s31, v0;
	s31 =	sadd.s32 $0xFFFFFF30, s26  }
0x394: {  	(xrf1) =	vsort.dscd.msk.f32 $0xffff, v8, v7;
	v7 =	vor.u32 s31, v0;
	s31 =	sadd.s32 $0xFFFFFF40, s26;
	v8 =	vld [tilespmem:s30+$0xFFFFFFE0]  }
0x395: {  	v36 =	vld [tilespmem:s30+$0xFFFFFFF0];
	(xrf1) =	vsort.dscd.msk.f32 $0xffff, v9, v7;
	v7 =	vor.u32 s31, v0;
	s31 =	sadd.s32 $0xFFFFFF50, s26  }
0x396: {  	v37 =	vld [tilespmem:s30+$0x0];
	(xrf1) =	vsort.dscd.msk.f32 $0xffff, v10, v7;
	v7 =	vor.u32 s31, v0;
	s31 =	sadd.s32 $0xFFFFFF60, s26  }
0x397: {  	v38 =	vld [tilespmem:s30+$0x10];
	(xrf1) =	vsort.dscd.msk.f32 $0xffff, v12, v7;
	v7 =	vor.u32 s31, v0;
	s31 =	sadd.s32 $0xFFFFFF70, s26  }
0x398: {  	v39 =	vld [tilespmem:s30+$0x20];
	(xrf1) =	vsort.dscd.msk.f32 $0xffff, v35, v7;
	v7 =	vor.u32 s31, v0;
	s31 =	sadd.s32 $0xFFFFFF80, s26  }
0x399: {  	(xrf1) =	vsort.dscd.msk.f32 $0xffff, v8, v7;
	v7 =	vor.u32 s31, v0;
	s31 =	sadd.s32 $0xFFFFFF90, s26;
	v8 =	vld [tilespmem:s30+$0x30]  }
0x39a: {  	v40 =	vld [tilespmem:s30+$0x40];
	(xrf1) =	vsort.dscd.msk.f32 $0xffff, v36, v7;
	v7 =	vor.u32 s31, v0;
	s31 =	sadd.s32 $0xFFFFFFA0, s26  }
0x39b: {  	v41 =	vld [tilespmem:s30+$0x50];
	(xrf1) =	vsort.dscd.msk.f32 $0xffff, v37, v7;
	v7 =	vor.u32 s31, v0;
	s31 =	sadd.s32 $0xFFFFFFB0, s26  }
0x39c: {  	v42 =	vld [tilespmem:s30+$0x60];
	(xrf1) =	vsort.dscd.msk.f32 $0xffff, v38, v7;
	v7 =	vor.u32 s31, v0;
	s31 =	sadd.s32 $0xFFFFFFC0, s26  }
0x39d: {  	v43 =	vld [tilespmem:s30+$0x70];
	(xrf1) =	vsort.dscd.msk.f32 $0xffff, v39, v7;
	v7 =	vor.u32 s31, v0;
	s31 =	sadd.s32 $0xFFFFFFD0, s26  }
0x39e: {  	(xrf1) =	vsort.dscd.msk.f32 $0xffff, v8, v7;
	v7 =	vor.u32 s31, v0;
	s31 =	sadd.s32 $0xFFFFFFE0, s26  }
0x39f: {  	v8 =	vmul.u32 $0xFFFFFFFF, v0;
	(xrf1) =	vsort.dscd.msk.f32 $0xffff, v40, v7;
	v7 =	vor.u32 s31, v0;
	s31 =	sadd.s32 $0xFFFFFFF0, s26  }
0x3a0: {  	(xrf1) =	vsort.dscd.msk.f32 $0xffff, v41, v7;
	v7 =	vor.u32 s31, v0  }
0x3a1: {  	v44, v45, _ =	vpop (xrf1);
	(xrf1) =	vsort.dscd.msk.f32 $0xffff, v42, v7;
	v7 =	vor.u32 s26, v0  }
0x3a2: {  	v46, v13, _ =	vpop (xrf1);
	(xrf1) =	vsort.dscd.msk.f32 $0xffff, v43, v7  }
0x3a3: {  	v7 =	vadd.s32 $0xF, v8;
	v8, v47, _ =	vpop (xrf1)  }
0x3a4: {  	v12 =	vperm.xlane v46, v7;
	v14, v15, _ =	vpop (xrf1)  }
0x3a5: {  	v13 =	vperm.xlane v13, v7;
	v16, v17, _ =	vpop (xrf1);
	v14 =	vperm.xlane v14, v7  }
0x3a6: {  	vm5 =	vge.f32 v44, v12;
	v48 =	vperm.xlane v15, v7;
	v18, v19, _ =	vpop (xrf1)  }
0x3a7: {  	v9 =	vsel vm5, v44, v12;
	v10 =	vsel vm5, v45, v13;
	v49, v20, _ =	vpop (xrf1);
	vm5 =	vge.f32 v8, v14  }
0x3a8: {  	v50 =	vperm.xlane v18, v7;
	(xrf1) =	vsort.dscd.msk.f32 $0xffff, v9, v10;
	v55 =	vperm.xlane v19, v7;
	v51, v21, _ =	vpop (xrf1)  }
0x3a9: {  	v8 =	vsel vm5, v8, v14;
	v52 =	vsel vm5, v47, v48;
	v53, v54, _ =	vpop (xrf1);
	v56 =	vperm.xlane v51, v7  }
0x3aa: {  	vm5 =	vge.f32 v16, v50;
	(xrf1) =	vsort.dscd.msk.f32 $0xffff, v8, v52;
	v59 =	vperm.xlane v21, v7;
	v58, v57, _ =	vpop (xrf1)  }
0x3ab: {  	v8 =	vsel vm5, v16, v50;
	v12 =	vsel vm5, v17, v55;
	v13, v16, _ =	vpop (xrf1);
	vm5 =	vge.f32 v49, v56  }
0x3ac: {  	v60 =	vperm.xlane v58, v7;
	(xrf1) =	vsort.dscd.msk.f32 $0xffff, v8, v12;
	v25 =	vperm.xlane v57, v7;
	v62, v61, _ =	vpop (xrf1)  }
0x3ad: {  	v8 =	vsel vm5, v49, v56;
	v9 =	vsel vm5, v20, v59;
	v63, v24, _ =	vpop (xrf1);
	v18 =	vperm.xlane v62, v7  }
0x3ae: {  	vm5 =	vge.f32 v53, v60;
	(xrf1) =	vsort.dscd.msk.f32 $0xffff, v8, v9;
	v30 =	vperm.xlane v61, v7;
	v27, v26, _ =	vpop (xrf1)  }
0x3af: {  	v8 =	vsel vm5, v53, v60;
	v11 =	vsel vm5, v54, v25;
	v28, v29, _ =	vpop (xrf1);
	vm5 =	vge.f32 v13, v18  }
0x3b0: {  	(xrf1) =	vsort.dscd.msk.f32 $0xffff, v8, v11;
	v33 =	vperm.xlane v27, v7;
	v35 =	vperm.xlane v26, v7;
	v31, v32, _ =	vpop (xrf1)  }
0x3b1: {  	v8 =	vsel vm5, v13, v18;
	v34 =	vsel vm5, v16, v30;
	v36 =	vperm.xlane v31, v7  }
0x3b2: {  	(xrf1) =	vsort.dscd.msk.f32 $0xffff, v8, v34;
	vm5 =	vge.f32 v63, v33;
	v8 =	vperm.xlane v32, v7  }
0x3b3: {  	v11 =	vsel vm5, v63, v33;
	v37 =	vsel vm5, v24, v35;
	vm5 =	vge.f32 v28, v36  }
0x3b4: {  	(xrf1) =	vsort.dscd.msk.f32 $0xffff, v11, v37;
	v9 =	vsel vm5, v28, v36;
	v8 =	vsel vm5, v29, v8  }
0x3b5: {  	(xrf1) =	vsort.dscd.msk.f32 $0xffff, v9, v8;
	_ =	sdelay $0x6  }
0x3b6: {  	v8, v9, _ =	vpop (xrf1)  }
0x3b7: {  	v39, v38, _ =	vpop (xrf1)  }
0x3b8: {  	v41, v40, _ =	vpop (xrf1)  }
0x3b9: {  	v10 =	vperm.xlane v39, v7;
	v14, v15, _ =	vpop (xrf1)  }
0x3ba: {  	v11 =	vperm.xlane v38, v7;
	v14 =	vperm.xlane v14, v7;
	v42, v17, _ =	vpop (xrf1)  }
0x3bb: {  	vm5 =	vge.f32 v8, v10;
	v47 =	vperm.xlane v15, v7;
	v43, v44, _ =	vpop (xrf1)  }
0x3bc: {  	v8 =	vsel vm5, v8, v10;
	v9 =	vsel vm5, v9, v11;
	vm5 =	vge.f32 v41, v14;
	v46, v45, _ =	vpop (xrf1)  }
0x3bd: {  	(xrf1) =	vsort.dscd.msk.f32 $0xffff, v8, v9;
	v8 =	vsel vm5, v41, v14;
	v50 =	vperm.xlane v43, v7;
	v49, v48, _ =	vpop (xrf1)  }
0x3be: {  	v11 =	vsel vm5, v40, v47;
	v51 =	vperm.xlane v44, v7;
	v52 =	vperm.xlane v49, v7  }
0x3bf: {  	(xrf1) =	vsort.dscd.msk.f32 $0xffff, v8, v11;
	vm5 =	vge.f32 v42, v50;
	v8 =	vperm.xlane v48, v7  }
0x3c0: {  	v9 =	vsel vm5, v42, v50;
	v53 =	vsel vm5, v17, v51;
	vm5 =	vge.f32 v46, v52  }
0x3c1: {  	(xrf1) =	vsort.dscd.msk.f32 $0xffff, v9, v53;
	v54 =	vsel vm5, v46, v52;
	v8 =	vsel vm5, v45, v8  }
0x3c2: {  	(xrf1) =	vsort.dscd.msk.f32 $0xffff, v54, v8;
	_ =	sdelay $0xa  }
0x3c3: {  	v8, v9, _ =	vpop (xrf1)  }
0x3c4: {  	v56, v55, _ =	vpop (xrf1)  }
0x3c5: {  	v57, v58, _ =	vpop (xrf1)  }
0x3c6: {  	v10 =	vperm.xlane v56, v7;
	v59, v60, _ =	vpop (xrf1)  }
0x3c7: {  	v11 =	vperm.xlane v55, v7;
	v14 =	vperm.xlane v59, v7  }
0x3c8: {  	vm5 =	vge.f32 v8, v10;
	v15 =	vperm.xlane v60, v7  }
0x3c9: {  	v8 =	vsel vm5, v8, v10;
	v9 =	vsel vm5, v9, v11;
	vm5 =	vge.f32 v57, v14  }
0x3ca: {  	(xrf1) =	vsort.dscd.msk.f32 $0xffff, v8, v9;
	v8 =	vsel vm5, v57, v14;
	v61 =	vsel vm5, v58, v15  }
0x3cb: {  	(xrf1) =	vsort.dscd.msk.f32 $0xffff, v8, v61;
	_ =	sdelay $0xc  }
0x3cc: {  	v8, v9, _ =	vpop (xrf1)  }
0x3cd: {  	v62, v63, _ =	vpop (xrf1)  }
0x3ce: {  	v10 =	vperm.xlane v62, v7  }
0x3cf: {  	v11 =	vperm.xlane v63, v7  }
0x3d0: {  	vm5 =	vge.f32 v8, v10  }
0x3d1: {  	v8 =	vsel vm5, v8, v10;
	v9 =	vsel vm5, v9, v11  }
0x3d2: {  	(xrf1) =	vsort.dscd.msk.f32 $0xffff, v8, v9;
	_ =	sdelay $0xd  }
0x3d3: {  	v8, v9, _ =	vpop (xrf1)  }
0x3d4: {  	v8 =	vperm.xlane v8, v7  }
0x3d5: {  	v7 =	vperm.xlane v9, v7  }
0x3d6: {  	vm5 =	vge.f32 v5, v8  }
0x3d7: {  	v5 =	vsel vm5, v5, v8;
	v3 =	vsel vm5, v3, v7  }
0x3d8: {  	(xrf1) =	vsort.dscd.msk.f32 $0xffff, v5, v3;
	_ =	sdelay $0xd  }
0x3d9: {  	v5, v3, _ =	vpop (xrf1)  }
0x3da: {  	v7 =	vnsel vm0, $0x7F7FC99E, v5  }
0x3db: {  	(xrf0) =	vmin.scan.msk.f32 $0xffff, v7;
	_ =	sdelay $0x5  }
0x3dc: {  	v7, _, _ =	vpop (xrf0)  }
0x3dd: {  	(v2sf) =	vpush v7, $0xF;
	_ =	sdelay $0xb  }
.Ltmp22:
0x3de: {  	_ = 	snop;
	(pc) =	sbr.rel .LBB2_26-.Ltmp22, $3  }
0x3df: {  	_ =	sdelay $0x1  }
0x3e0: {  	s31 =	spop (v2sf)  }
0x3e1: {  	s25 =	smax.f32 s25, s31  }
.LBB2_28:
0x3e2: {  	_ =	sfence.sel $0x180000  }
0x3e3: {  	[bflag:$0x0] =	sbarrier.arrive $0xFFFF  }
0x3e4: {  	_ =	strace $0x90000047  }
0x3e5: {  	s0 =	stileid.u32;
	[bflag:$0x2] =	sbarrier.arrive $0xFFFF  }
0x3e6: {  	p0 =	sne.s32 s0, $0x0;
	s0 =	rddreg [dreg:$0x5]  }
0x3e7: {  	s0 =	sadd.s32 @!p0 $0x100000, s0  }
0x3e8: {  	[sflag:s0] =	ssyncadd.tile.s32 @!p0 $0x1;
	_ =	shalt  }
.Lfunc_end2:
_tile_overlayer_lowered:
.L_overlay_start_2:
0x3e9: {  	(tag) =	ssettag $0x2  }
0x3ea: {  	s0 =	rddreg [dreg:$0x0];
	s2 =	stileid.u32  }
0x3eb: {  	s1 =	rddreg [dreg:$0x1];
	p0 =	sne.s32 s2, $0x0  }
0x3ec: {  	s3 =	rddreg [dreg:$0x2];
	[bflag:$0x3] =	sbarrier.arrive $0xFFFF;
	s2 =	simm.s32 @!p0 $0x1C05  }
0x3ed: {  	[timem:s3], [sflag:s2] =	dma.local @!p0 [hbm:s0], s1  }
0x3ee: {  	s0 =	simm.s32 @!p0 $0x5  }
0x3ef: {  	_ =	swait.ge @!p0 [sflag:s0], s1  }
0x3f0: {  	s1 =	ssub.s32 @!p0 $0x0, s1;
	[sflag:s0] =	ssyncset.done @!p0 $0x0  }
0x3f1: {  	[sflag:s0] =	ssyncadd.s32 @!p0 s1  }
0x3f2: {  	[bflag:$0x3] =	sbarrier.arrive $0xFFFF  }
0x3f3: {  	_ =	shalt  }

</sc_bundles>
